<compile_context>
chip_gen: v7x
topology: tpu7x:2x2x1
jax: 0.10.2.dev20260603
libtpu: 0.0.44.dev20260713+nightly
codegen_flags: <defaults>
</compile_context>

<pallas_src>
import functools

import jax
import jax.numpy as jnp
from jax import lax
from jax.experimental import pallas as pl
from jax.experimental.pallas import tpu as pltpu
from jax.experimental.pallas import tpu_sc as plsc

B, N, C = 4, 4096, 128
S, K = 1024, 64
R2 = 0.2 * 0.2

NC, NS = 2, 16
NW = NC * NS
S_PER_W = (B * S) // NW
C_PER_W = (B * C) // NW
CHUNK = 4096

@functools.lru_cache(maxsize=None)
def _mesh():
    return plsc.VectorSubcoreMesh(core_axis_name="c", subcore_axis_name="s",
                                  num_cores=NC, num_subcores=NS)


def _fps_body(x_ref, y_ref, z_ref, out_ref):
    x = x_ref[...]
    y = y_ref[...]
    z = z_ref[...]
    lin = lax.broadcasted_iota(jnp.int32, (B, N), 1)

    def step(s, carry):
        dist, cx, cy, cz = carry
        row = jnp.concatenate([cx, cy, cz, jnp.zeros_like(cx)], axis=1)
        out_ref[pl.ds(s, 1), :, :] = row[None]
        dx = x - cx
        dy = y - cy
        dz = z - cz
        d = dx * dx + dy * dy + dz * dz
        dist = jnp.minimum(dist, d)
        m = jnp.max(dist, axis=1, keepdims=True)
        idx = jnp.min(jnp.where(dist == m, lin, N), axis=1, keepdims=True)
        sel = lin == idx
        ncx = jnp.sum(jnp.where(sel, x, 0.0), axis=1, keepdims=True)
        ncy = jnp.sum(jnp.where(sel, y, 0.0), axis=1, keepdims=True)
        ncz = jnp.sum(jnp.where(sel, z, 0.0), axis=1, keepdims=True)
        return dist, ncx, ncy, ncz

    init = (jnp.full((B, N), 1e10, jnp.float32), x[:, :1], y[:, :1], z[:, :1])
    lax.fori_loop(0, S, step, init)


_fps_call = pl.pallas_call(
    _fps_body,
    out_shape=jax.ShapeDtypeStruct((S, B, 4), jnp.float32),
)


CSTR = 128
NG = S_PER_W // 16


def _bq_body(x_hbm, y_hbm, z_hbm, cx_hbm, cy_hbm, cz_hbm, idx_hbm, gxyz_hbm,
             xv, yv, zv, cxv, cyv, czv, cbuf, idx_stage, xyz_stage):
    wid = lax.axis_index("s") * NC + lax.axis_index("c")
    wpb = NW // B
    b = wid // wpb
    s0 = (wid % wpb) * S_PER_W
    pltpu.sync_copy(x_hbm.at[b], xv)
    pltpu.sync_copy(y_hbm.at[b], yv)
    pltpu.sync_copy(z_hbm.at[b], zv)
    pltpu.sync_copy(cx_hbm.at[b, pl.ds(s0, S_PER_W)], cxv)
    pltpu.sync_copy(cy_hbm.at[b, pl.ds(s0, S_PER_W)], cyv)
    pltpu.sync_copy(cz_hbm.at[b, pl.ds(s0, S_PER_W)], czv)
    lane = jax.lax.broadcasted_iota(jnp.int32, (16,), 0)
    lane_s = lane * CSTR

    def per_group(g, _):
        cxg = cxv[pl.ds(g * 16, 16)]
        cyg = cyv[pl.ds(g * 16, 16)]
        czg = czv[pl.ds(g * 16, 16)]

        def scan(i, ptrs):
            xvv = xv[pl.ds(i * 16, 16)]
            yvv = yv[pl.ds(i * 16, 16)]
            zvv = zv[pl.ds(i * 16, 16)]
            for j in range(16):
                dx = cxg - xvv[j]
                dy = cyg - yvv[j]
                dz = czg - zvv[j]
                d = dx * dx + dy * dy + dz * dz
                msk = d <= R2
                addr = lane_s + jnp.minimum(ptrs, CSTR - 2)
                plsc.store_scatter(cbuf, [addr],
                                   jnp.full((16,), i * 16 + j, jnp.int32),
                                   mask=msk)
                ptrs = ptrs + msk.astype(jnp.int32)
            return ptrs

        ptrs = lax.fori_loop(0, N // 16, scan, jnp.zeros((16,), jnp.int32))

        for t in range(16):
            count = jnp.minimum(ptrs[t], K)
            first = cbuf[pl.ds(t * CSTR, 16)][0]
            cx = cxg[t]
            cy = cyg[t]
            cz = czg[t]
            sl_pos = g * 16 + t
            for kk in range(4):
                iv = cbuf[pl.ds(t * CSTR + kk * 16, 16)]
                sel = (lane + kk * 16) < count
                iv = jnp.where(sel, iv, first)
                gx = plsc.load_gather(xv, [iv]) - cx
                gy = plsc.load_gather(yv, [iv]) - cy
                gz = plsc.load_gather(zv, [iv]) - cz
                kv = lane + kk * 16
                sv = jnp.full((16,), sl_pos, jnp.int32)
                plsc.store_scatter(idx_stage, [kv, sv], iv)
                zero = jnp.zeros((16,), jnp.int32)
                plsc.store_scatter(xyz_stage, [zero, kv, sv], gx)
                plsc.store_scatter(xyz_stage, [zero + 1, kv, sv], gy)
                plsc.store_scatter(xyz_stage, [zero + 2, kv, sv], gz)
        return 0

    lax.fori_loop(0, NG, per_group, 0)
    pltpu.sync_copy(idx_stage, idx_hbm.at[b, :, pl.ds(s0, S_PER_W)])
    pltpu.sync_copy(xyz_stage, gxyz_hbm.at[b, :, :, pl.ds(s0, S_PER_W)])


@functools.lru_cache(maxsize=None)
def _bq_call():
    return pl.kernel(
        _bq_body,
        out_type=(jax.ShapeDtypeStruct((B, K, S), jnp.int32),
                  jax.ShapeDtypeStruct((B, 3, K, S), jnp.float32)),
        mesh=_mesh(),
        compiler_params=pltpu.CompilerParams(needs_layout_passes=False),
        scratch_types=[
            pltpu.VMEM((N,), jnp.float32),
            pltpu.VMEM((N,), jnp.float32),
            pltpu.VMEM((N,), jnp.float32),
            pltpu.VMEM((S_PER_W,), jnp.float32),
            pltpu.VMEM((S_PER_W,), jnp.float32),
            pltpu.VMEM((S_PER_W,), jnp.float32),
            pltpu.VMEM((16 * CSTR,), jnp.int32),
            pltpu.VMEM((K, S_PER_W), jnp.int32),
            pltpu.VMEM((3, K, S_PER_W), jnp.float32),
        ],
    )


HALF = CHUNK // 2


XB = (S * K) // (NW // B)
ROW = S * K


def _gather_body(feat_hbm, idx_hbm, gxyz_hbm, out_hbm,
                 tab, idxv, ostage, xbuf, osem, isem):
    wid = lax.axis_index("s") * NC + lax.axis_index("c")
    wpb = NW // B
    b = wid // wpb
    cw = wid % wpb
    c0 = cw * C_PER_W
    obase = b * (3 + C) * ROW
    pltpu.sync_copy(feat_hbm.at[b, pl.ds(c0 * N, C_PER_W * N)], tab)

    def _copy_xyz(r, _):
        pltpu.sync_copy(gxyz_hbm.at[b, r, pl.ds(cw * XB, XB)], xbuf)
        pltpu.sync_copy(xbuf, out_hbm.at[pl.ds(obase + r * ROW + cw * XB, XB)])
        return 0

    lax.fori_loop(0, 3, _copy_xyz, 0)

    n_chunks = ROW // CHUNK
    pltpu.sync_copy(idx_hbm.at[b, pl.ds(0, CHUNK)], idxv.at[0])

    def per_chunk(ch, _):
        cbuf = ch % 2

        @pl.when(ch + 1 < n_chunks)
        def _prefetch():
            pltpu.async_copy(idx_hbm.at[b, pl.ds((ch + 1) * CHUNK, CHUNK)],
                             idxv.at[1 - cbuf], isem)

        def per_row(r, _):
            t = ch * C_PER_W + r
            obuf = t % 2

            @pl.when(t >= 2)
            def _drain():
                pltpu.make_async_copy(idx_hbm.at[b, pl.ds(0, CHUNK)],
                                      ostage.at[obuf], osem).wait()

            roff = r * N

            @plsc.parallel_loop(0, CHUNK, step=16, unroll=8)
            def gat(j):
                iv = idxv[cbuf, pl.ds(j, 16)] + roff
                ostage[obuf, pl.ds(j, 16)] = plsc.load_gather(tab, [iv])
            pltpu.async_copy(
                ostage.at[obuf],
                out_hbm.at[pl.ds(obase + (3 + c0 + r) * ROW + ch * CHUNK,
                                 CHUNK)],
                osem)
            return 0

        lax.fori_loop(0, C_PER_W, per_row, 0)

        @pl.when(ch + 1 < n_chunks)
        def _wait_prefetch():
            pltpu.make_async_copy(idx_hbm.at[b, pl.ds(0, CHUNK)],
                                  idxv.at[1 - cbuf], isem).wait()

        return 0

    lax.fori_loop(0, n_chunks, per_chunk, 0)
    pltpu.make_async_copy(idx_hbm.at[b, pl.ds(0, CHUNK)],
                          ostage.at[0], osem).wait()
    pltpu.make_async_copy(idx_hbm.at[b, pl.ds(0, CHUNK)],
                          ostage.at[1], osem).wait()


@functools.lru_cache(maxsize=None)
def _gather_call():
    return pl.kernel(
        _gather_body,
        out_type=jax.ShapeDtypeStruct((B * (3 + C) * ROW,), jnp.float32),
        mesh=_mesh(),
        compiler_params=pltpu.CompilerParams(needs_layout_passes=False),
        scratch_types=[
            pltpu.VMEM((C_PER_W * N,), jnp.float32),
            pltpu.VMEM((2, CHUNK), jnp.int32),
            pltpu.VMEM((2, CHUNK), jnp.float32),
            pltpu.VMEM((XB,), jnp.float32),
            pltpu.SemaphoreType.DMA,
            pltpu.SemaphoreType.DMA,
        ],
    )


def kernel(point_coord, features):
    x = point_coord[..., 0]
    y = point_coord[..., 1]
    z = point_coord[..., 2]
    fps_out = _fps_call(x, y, z)
    cent = jnp.transpose(fps_out, (1, 0, 2))
    idx, gxyz = _bq_call()(x, y, z, cent[..., 0], cent[..., 1], cent[..., 2])
    out = _gather_call()(features.reshape(B, C * N),
                         idx.reshape(B, K * S),
                         gxyz.reshape(B, 3, K * S))
    return jnp.transpose(out.reshape(B, 3 + C, K, S), (0, 1, 3, 2))

# --- scband reference (transcript-rebuilt; emitter-appended) ---
"""Pipeline reference for scband-set-abstraction-layer-36386962932203 (READ-ONLY COPY).

The authoritative reference and input builder live on the scoring server;
editing this copy changes nothing except your own understanding.
"""

import jax, jax.numpy as jnp
import numpy as np

NUM_SAMPLE = 1024
RADIUS = 0.2
MAX_NUM_CLUSTER = 64


def setup_inputs(seed: int = 0) -> dict:
    key = jax.random.key(seed)
    k1, k2 = jax.random.split(key)
    point_coord = jax.random.uniform(k1, (4, 4096, 3), dtype=jnp.float32)
    features = jax.random.normal(k2, (4, 128, 4096), dtype=jnp.float32)
    return {"point_coord": point_coord, "features": features}


def _fps(xyz, npoint):
    # iterative farthest point sampling, returns (B, npoint) int32 indices
    B, N, _ = xyz.shape

    def step(carry, _):
        dist, farthest = carry
        centroid = jnp.take_along_axis(xyz, farthest[:, None, None], axis=1)  # (B,1,3)
        d = jnp.sum((xyz - centroid) ** 2, axis=-1)  # (B,N)
        dist = jnp.minimum(dist, d)
        nxt = jnp.argmax(dist, axis=-1).astype(jnp.int32)
        return (dist, nxt), farthest

    init = (jnp.full((B, N), 1e10, dtype=xyz.dtype), jnp.zeros((B,), dtype=jnp.int32))
    _, idxs = jax.lax.scan(step, init, None, length=npoint)
    return jnp.transpose(idxs)  # (B, npoint)


def _ball_query(xyz, centroids, radius, K):
    # xyz: (B,N,3), centroids: (B,S,3) -> (B,S,K) int32 indices
    B, N, _ = xyz.shape
    sqr = jnp.sum((centroids[:, :, None, :] - xyz[:, None, :, :]) ** 2, axis=-1)  # (B,S,N)
    base = jnp.arange(N, dtype=jnp.int32)[None, None, :]
    idx = jnp.where(sqr <= radius * radius, base, jnp.int32(N))
    idx = jnp.sort(idx, axis=-1)[:, :, :K]
    first = idx[:, :, :1]
    idx = jnp.where(idx == jnp.int32(N), first, idx)  # pad empty slots with first in-ball point
    return idx


def reference(point_coord, features):
    # point_coord: (B,N,3), features: (B,C,N)
    B, N, _ = point_coord.shape
    C = features.shape[1]
    S, K = NUM_SAMPLE, MAX_NUM_CLUSTER
    # Sampling layer: farthest point sampling
    centroid_idx = _fps(point_coord, S)  # (B,S)
    # Gather centroid coordinates
    centroid_coord = jnp.take_along_axis(point_coord, centroid_idx[:, :, None], axis=1)  # (B,S,3)
    # Grouping layer: ball query
    idx = _ball_query(point_coord, centroid_coord, RADIUS, K)  # (B,S,K)
    grouped_xyz = jnp.take_along_axis(point_coord[:, None, :, :], idx[..., None], axis=2)  # (B,S,K,3)
    grouped_xyz = grouped_xyz - centroid_coord[:, :, None, :]  # center on centroid
    grouped_feat = jnp.take_along_axis(features, idx.reshape(B, 1, S * K), axis=2).reshape(B, C, S, K)
    grouped_xyz_t = jnp.transpose(grouped_xyz, (0, 3, 1, 2))  # (B,3,S,K)
    return jnp.concatenate([grouped_xyz_t, grouped_feat], axis=1)  # (B, 3+C, S, K)

if __name__ == "__main__":
    import jax
    _d = setup_inputs()
    print(jax.jit(kernel)(*tuple(_d.values())))

</pallas_src>

<mosaic_0001>
#map = affine_map<(d0, d1) -> (0, 0)>
#map1 = affine_map<(d0, d1) -> (0, 0, 0)>
#map2 = affine_map<(d0, d1) -> (0, 0, 0, 0)>
module attributes {stable_mosaic.version = 14 : i64} {
  func.func @_bq_body(%arg0: i32, %arg1: i32, %arg2: memref<4x4096xf32, #tpu.memory_space<hbm>>, %arg3: memref<4x4096xf32, #tpu.memory_space<hbm>>, %arg4: memref<4x4096xf32, #tpu.memory_space<hbm>>, %arg5: memref<4x1024xf32, #tpu.memory_space<hbm>>, %arg6: memref<4x1024xf32, #tpu.memory_space<hbm>>, %arg7: memref<4x1024xf32, #tpu.memory_space<hbm>>, %arg8: memref<4x64x1024xi32, #tpu.memory_space<hbm>>, %arg9: memref<4x3x64x1024xf32, #tpu.memory_space<hbm>>, %arg10: memref<4096xf32, #tpu.memory_space<vmem>>, %arg11: memref<4096xf32, #tpu.memory_space<vmem>>, %arg12: memref<4096xf32, #tpu.memory_space<vmem>>, %arg13: memref<128xf32, #tpu.memory_space<vmem>>, %arg14: memref<128xf32, #tpu.memory_space<vmem>>, %arg15: memref<128xf32, #tpu.memory_space<vmem>>, %arg16: memref<2048xi32, #tpu.memory_space<vmem>>, %arg17: memref<64x128xi32, #tpu.memory_space<vmem>>, %arg18: memref<3x64x128xf32, #tpu.memory_space<vmem>>) attributes {dimension_semantics = [#tpu.dimension_semantics<core_parallel>, #tpu.dimension_semantics<subcore_parallel>], iteration_bounds = array<i64: 2, 16>, scalar_prefetch = 0 : i64, scratch_operands = 9 : i64, tpu.core_type = #tpu.core_type<sc_vector_subcore>, window_params = [{transform_indices = #map}, {transform_indices = #map}, {transform_indices = #map}, {transform_indices = #map}, {transform_indices = #map}, {transform_indices = #map}, {transform_indices = #map1}, {transform_indices = #map2}]} {
    %mul3A = arith.constant 2 : i32
    %mul3A_0 = arith.muli %arg1, %mul3A : i32
    %add3A = arith.addi %mul3A_0, %arg0 : i32
    %jit3A = arith.constant 8 : i32
    %div3A = arith.divsi %add3A, %jit3A : i32
    %sign3A = arith.constant 0 : i32
    %sign3A_1 = arith.cmpi sgt, %add3A, %sign3A : i32
    %sign3A_2 = arith.extui %sign3A_1 : i1 to i32
    %sign3A_3 = arith.constant 0 : i32
    %sign3A_4 = arith.cmpi slt, %add3A, %sign3A_3 : i32
    %sign3A_5 = arith.extui %sign3A_4 : i1 to i32
    %sign3A_6 = arith.subi %sign3A_2, %sign3A_5 : i32
    %sign3A_7 = arith.constant 0 : i32
    %sign3A_8 = arith.cmpi sgt, %jit3A, %sign3A_7 : i32
    %sign3A_9 = arith.extui %sign3A_8 : i1 to i32
    %sign3A_10 = arith.constant 0 : i32
    %sign3A_11 = arith.cmpi slt, %jit3A, %sign3A_10 : i32
    %sign3A_12 = arith.extui %sign3A_11 : i1 to i32
    %sign3A_13 = arith.subi %sign3A_9, %sign3A_12 : i32
    %ne3A = arith.cmpi ne, %sign3A_6, %sign3A_13 : i32
    %rem3A = arith.remsi %add3A, %jit3A : i32
    %ne3A_14 = arith.constant 0 : i32
    %ne3A_15 = arith.cmpi ne, %rem3A, %ne3A_14 : i32
    %and3A = arith.andi %ne3A, %ne3A_15 : i1
    %sub3A = arith.constant 1 : i32
    %sub3A_16 = arith.subi %div3A, %sub3A : i32
    %select_n3A = arith.select %and3A, %sub3A_16, %div3A : i32
    %jit3A_17 = arith.constant 8 : i32
    %eq3A = arith.constant 0 : i32
    %eq3A_18 = arith.cmpi eq, %jit3A_17, %eq3A : i32
    %jit3A_19 = arith.constant 1 : i32
    %select_n3A_20 = arith.select %eq3A_18, %jit3A_19, %jit3A_17 : i32
    %rem3A_21 = arith.remsi %add3A, %select_n3A_20 : i32
    %ne3A_22 = arith.constant 0 : i32
    %ne3A_23 = arith.cmpi ne, %rem3A_21, %ne3A_22 : i32
    %lt3A = arith.constant 0 : i32
    %lt3A_24 = arith.cmpi slt, %rem3A_21, %lt3A : i32
    %lt3A_25 = arith.constant 0 : i32
    %lt3A_26 = arith.cmpi slt, %select_n3A_20, %lt3A_25 : i32
    %ne3A_27 = arith.xori %lt3A_24, %lt3A_26 : i1
    %and3A_28 = arith.andi %ne3A_27, %ne3A_23 : i1
    %add3A_29 = arith.addi %rem3A_21, %select_n3A_20 : i32
    %select_n3A_30 = arith.select %and3A_28, %add3A_29, %rem3A_21 : i32
    %mul3A_31 = arith.constant 128 : i32
    %mul3A_32 = arith.muli %select_n3A_30, %mul3A_31 : i32
    "tpu.region"() ({
      %run_scoped3A = tpu.sem_alloc : memref<!tpu.dma_semaphore, #tpu.memory_space<semaphore_mem>>
      %dma_start3A = arith.constant 0 : i32
      %dma_start3A_42 = tpu.memref_slice %arg2[%select_n3A, %dma_start3A] : memref<4x4096xf32, #tpu.memory_space<hbm>> -> memref<1x4096xf32, #tpu.memory_space<hbm>>
      %dma_start3A_43 = tpu.memref_squeeze %dma_start3A_42 : memref<1x4096xf32, #tpu.memory_space<hbm>> -> memref<4096xf32, #tpu.memory_space<hbm>>
      %dma_start3A_44 = arith.constant 0 : i32
      %dma_start3A_45 = tpu.memref_slice %arg2[%select_n3A, %dma_start3A_44] : memref<4x4096xf32, #tpu.memory_space<hbm>> -> memref<1x4096xf32, #tpu.memory_space<hbm>>
      %dma_start3A_46 = tpu.memref_squeeze %dma_start3A_45 : memref<1x4096xf32, #tpu.memory_space<hbm>> -> memref<4096xf32, #tpu.memory_space<hbm>>
      tpu.enqueue_dma source(%dma_start3A_46 : memref<4096xf32, #tpu.memory_space<hbm>>) target(%arg10 : memref<4096xf32, #tpu.memory_space<vmem>>) target_semaphore(%run_scoped3A : memref<!tpu.dma_semaphore, #tpu.memory_space<semaphore_mem>>)
      %dma_wait3A = arith.constant 0 : i32
      %dma_wait3A_47 = tpu.memref_slice %arg2[%select_n3A, %dma_wait3A] : memref<4x4096xf32, #tpu.memory_space<hbm>> -> memref<1x4096xf32, #tpu.memory_space<hbm>>
      %dma_wait3A_48 = tpu.memref_squeeze %dma_wait3A_47 : memref<1x4096xf32, #tpu.memory_space<hbm>> -> memref<4096xf32, #tpu.memory_space<hbm>>
      %dma_wait3A_49 = arith.constant 0 : i32
      %dma_wait3A_50 = tpu.memref_slice %arg2[%select_n3A, %dma_wait3A_49] : memref<4x4096xf32, #tpu.memory_space<hbm>> -> memref<1x4096xf32, #tpu.memory_space<hbm>>
      %dma_wait3A_51 = tpu.memref_squeeze %dma_wait3A_50 : memref<1x4096xf32, #tpu.memory_space<hbm>> -> memref<4096xf32, #tpu.memory_space<hbm>>
      tpu.wait_dma2 semaphore(%run_scoped3A : memref<!tpu.dma_semaphore, #tpu.memory_space<semaphore_mem>>) src(%dma_wait3A_51 : memref<4096xf32, #tpu.memory_space<hbm>>) dst(%arg10 : memref<4096xf32, #tpu.memory_space<vmem>>)
      tpu.yield
    }) : () -> ()
    "tpu.region"() ({
      %run_scoped3A = tpu.sem_alloc : memref<!tpu.dma_semaphore, #tpu.memory_space<semaphore_mem>>
      %dma_start3A = arith.constant 0 : i32
      %dma_start3A_42 = tpu.memref_slice %arg3[%select_n3A, %dma_start3A] : memref<4x4096xf32, #tpu.memory_space<hbm>> -> memref<1x4096xf32, #tpu.memory_space<hbm>>
      %dma_start3A_43 = tpu.memref_squeeze %dma_start3A_42 : memref<1x4096xf32, #tpu.memory_space<hbm>> -> memref<4096xf32, #tpu.memory_space<hbm>>
      %dma_start3A_44 = arith.constant 0 : i32
      %dma_start3A_45 = tpu.memref_slice %arg3[%select_n3A, %dma_start3A_44] : memref<4x4096xf32, #tpu.memory_space<hbm>> -> memref<1x4096xf32, #tpu.memory_space<hbm>>
      %dma_start3A_46 = tpu.memref_squeeze %dma_start3A_45 : memref<1x4096xf32, #tpu.memory_space<hbm>> -> memref<4096xf32, #tpu.memory_space<hbm>>
      tpu.enqueue_dma source(%dma_start3A_46 : memref<4096xf32, #tpu.memory_space<hbm>>) target(%arg11 : memref<4096xf32, #tpu.memory_space<vmem>>) target_semaphore(%run_scoped3A : memref<!tpu.dma_semaphore, #tpu.memory_space<semaphore_mem>>)
      %dma_wait3A = arith.constant 0 : i32
      %dma_wait3A_47 = tpu.memref_slice %arg3[%select_n3A, %dma_wait3A] : memref<4x4096xf32, #tpu.memory_space<hbm>> -> memref<1x4096xf32, #tpu.memory_space<hbm>>
      %dma_wait3A_48 = tpu.memref_squeeze %dma_wait3A_47 : memref<1x4096xf32, #tpu.memory_space<hbm>> -> memref<4096xf32, #tpu.memory_space<hbm>>
      %dma_wait3A_49 = arith.constant 0 : i32
      %dma_wait3A_50 = tpu.memref_slice %arg3[%select_n3A, %dma_wait3A_49] : memref<4x4096xf32, #tpu.memory_space<hbm>> -> memref<1x4096xf32, #tpu.memory_space<hbm>>
      %dma_wait3A_51 = tpu.memref_squeeze %dma_wait3A_50 : memref<1x4096xf32, #tpu.memory_space<hbm>> -> memref<4096xf32, #tpu.memory_space<hbm>>
      tpu.wait_dma2 semaphore(%run_scoped3A : memref<!tpu.dma_semaphore, #tpu.memory_space<semaphore_mem>>) src(%dma_wait3A_51 : memref<4096xf32, #tpu.memory_space<hbm>>) dst(%arg11 : memref<4096xf32, #tpu.memory_space<vmem>>)
      tpu.yield
    }) : () -> ()
    "tpu.region"() ({
      %run_scoped3A = tpu.sem_alloc : memref<!tpu.dma_semaphore, #tpu.memory_space<semaphore_mem>>
      %dma_start3A = arith.constant 0 : i32
      %dma_start3A_42 = tpu.memref_slice %arg4[%select_n3A, %dma_start3A] : memref<4x4096xf32, #tpu.memory_space<hbm>> -> memref<1x4096xf32, #tpu.memory_space<hbm>>
      %dma_start3A_43 = tpu.memref_squeeze %dma_start3A_42 : memref<1x4096xf32, #tpu.memory_space<hbm>> -> memref<4096xf32, #tpu.memory_space<hbm>>
      %dma_start3A_44 = arith.constant 0 : i32
      %dma_start3A_45 = tpu.memref_slice %arg4[%select_n3A, %dma_start3A_44] : memref<4x4096xf32, #tpu.memory_space<hbm>> -> memref<1x4096xf32, #tpu.memory_space<hbm>>
      %dma_start3A_46 = tpu.memref_squeeze %dma_start3A_45 : memref<1x4096xf32, #tpu.memory_space<hbm>> -> memref<4096xf32, #tpu.memory_space<hbm>>
      tpu.enqueue_dma source(%dma_start3A_46 : memref<4096xf32, #tpu.memory_space<hbm>>) target(%arg12 : memref<4096xf32, #tpu.memory_space<vmem>>) target_semaphore(%run_scoped3A : memref<!tpu.dma_semaphore, #tpu.memory_space<semaphore_mem>>)
      %dma_wait3A = arith.constant 0 : i32
      %dma_wait3A_47 = tpu.memref_slice %arg4[%select_n3A, %dma_wait3A] : memref<4x4096xf32, #tpu.memory_space<hbm>> -> memref<1x4096xf32, #tpu.memory_space<hbm>>
      %dma_wait3A_48 = tpu.memref_squeeze %dma_wait3A_47 : memref<1x4096xf32, #tpu.memory_space<hbm>> -> memref<4096xf32, #tpu.memory_space<hbm>>
      %dma_wait3A_49 = arith.constant 0 : i32
      %dma_wait3A_50 = tpu.memref_slice %arg4[%select_n3A, %dma_wait3A_49] : memref<4x4096xf32, #tpu.memory_space<hbm>> -> memref<1x4096xf32, #tpu.memory_space<hbm>>
      %dma_wait3A_51 = tpu.memref_squeeze %dma_wait3A_50 : memref<1x4096xf32, #tpu.memory_space<hbm>> -> memref<4096xf32, #tpu.memory_space<hbm>>
      tpu.wait_dma2 semaphore(%run_scoped3A : memref<!tpu.dma_semaphore, #tpu.memory_space<semaphore_mem>>) src(%dma_wait3A_51 : memref<4096xf32, #tpu.memory_space<hbm>>) dst(%arg12 : memref<4096xf32, #tpu.memory_space<vmem>>)
      tpu.yield
    }) : () -> ()
    "tpu.region"() ({
      %run_scoped3A = tpu.sem_alloc : memref<!tpu.dma_semaphore, #tpu.memory_space<semaphore_mem>>
      %dma_start3A = tpu.memref_slice %arg5[%select_n3A, %mul3A_32] : memref<4x1024xf32, #tpu.memory_space<hbm>> -> memref<1x128xf32, #tpu.memory_space<hbm>>
      %dma_start3A_42 = tpu.memref_squeeze %dma_start3A : memref<1x128xf32, #tpu.memory_space<hbm>> -> memref<128xf32, #tpu.memory_space<hbm>>
      %dma_start3A_43 = tpu.memref_slice %arg5[%select_n3A, %mul3A_32] : memref<4x1024xf32, #tpu.memory_space<hbm>> -> memref<1x128xf32, #tpu.memory_space<hbm>>
      %dma_start3A_44 = tpu.memref_squeeze %dma_start3A_43 : memref<1x128xf32, #tpu.memory_space<hbm>> -> memref<128xf32, #tpu.memory_space<hbm>>
      tpu.enqueue_dma source(%dma_start3A_44 : memref<128xf32, #tpu.memory_space<hbm>>) target(%arg13 : memref<128xf32, #tpu.memory_space<vmem>>) target_semaphore(%run_scoped3A : memref<!tpu.dma_semaphore, #tpu.memory_space<semaphore_mem>>)
      %dma_wait3A = tpu.memref_slice %arg5[%select_n3A, %mul3A_32] : memref<4x1024xf32, #tpu.memory_space<hbm>> -> memref<1x128xf32, #tpu.memory_space<hbm>>
      %dma_wait3A_45 = tpu.memref_squeeze %dma_wait3A : memref<1x128xf32, #tpu.memory_space<hbm>> -> memref<128xf32, #tpu.memory_space<hbm>>
      %dma_wait3A_46 = tpu.memref_slice %arg5[%select_n3A, %mul3A_32] : memref<4x1024xf32, #tpu.memory_space<hbm>> -> memref<1x128xf32, #tpu.memory_space<hbm>>
      %dma_wait3A_47 = tpu.memref_squeeze %dma_wait3A_46 : memref<1x128xf32, #tpu.memory_space<hbm>> -> memref<128xf32, #tpu.memory_space<hbm>>
      tpu.wait_dma2 semaphore(%run_scoped3A : memref<!tpu.dma_semaphore, #tpu.memory_space<semaphore_mem>>) src(%dma_wait3A_47 : memref<128xf32, #tpu.memory_space<hbm>>) dst(%arg13 : memref<128xf32, #tpu.memory_space<vmem>>)
      tpu.yield
    }) : () -> ()
    "tpu.region"() ({
      %run_scoped3A = tpu.sem_alloc : memref<!tpu.dma_semaphore, #tpu.memory_space<semaphore_mem>>
      %dma_start3A = tpu.memref_slice %arg6[%select_n3A, %mul3A_32] : memref<4x1024xf32, #tpu.memory_space<hbm>> -> memref<1x128xf32, #tpu.memory_space<hbm>>
      %dma_start3A_42 = tpu.memref_squeeze %dma_start3A : memref<1x128xf32, #tpu.memory_space<hbm>> -> memref<128xf32, #tpu.memory_space<hbm>>
      %dma_start3A_43 = tpu.memref_slice %arg6[%select_n3A, %mul3A_32] : memref<4x1024xf32, #tpu.memory_space<hbm>> -> memref<1x128xf32, #tpu.memory_space<hbm>>
      %dma_start3A_44 = tpu.memref_squeeze %dma_start3A_43 : memref<1x128xf32, #tpu.memory_space<hbm>> -> memref<128xf32, #tpu.memory_space<hbm>>
      tpu.enqueue_dma source(%dma_start3A_44 : memref<128xf32, #tpu.memory_space<hbm>>) target(%arg14 : memref<128xf32, #tpu.memory_space<vmem>>) target_semaphore(%run_scoped3A : memref<!tpu.dma_semaphore, #tpu.memory_space<semaphore_mem>>)
      %dma_wait3A = tpu.memref_slice %arg6[%select_n3A, %mul3A_32] : memref<4x1024xf32, #tpu.memory_space<hbm>> -> memref<1x128xf32, #tpu.memory_space<hbm>>
      %dma_wait3A_45 = tpu.memref_squeeze %dma_wait3A : memref<1x128xf32, #tpu.memory_space<hbm>> -> memref<128xf32, #tpu.memory_space<hbm>>
      %dma_wait3A_46 = tpu.memref_slice %arg6[%select_n3A, %mul3A_32] : memref<4x1024xf32, #tpu.memory_space<hbm>> -> memref<1x128xf32, #tpu.memory_space<hbm>>
      %dma_wait3A_47 = tpu.memref_squeeze %dma_wait3A_46 : memref<1x128xf32, #tpu.memory_space<hbm>> -> memref<128xf32, #tpu.memory_space<hbm>>
      tpu.wait_dma2 semaphore(%run_scoped3A : memref<!tpu.dma_semaphore, #tpu.memory_space<semaphore_mem>>) src(%dma_wait3A_47 : memref<128xf32, #tpu.memory_space<hbm>>) dst(%arg14 : memref<128xf32, #tpu.memory_space<vmem>>)
      tpu.yield
    }) : () -> ()
    "tpu.region"() ({
      %run_scoped3A = tpu.sem_alloc : memref<!tpu.dma_semaphore, #tpu.memory_space<semaphore_mem>>
      %dma_start3A = tpu.memref_slice %arg7[%select_n3A, %mul3A_32] : memref<4x1024xf32, #tpu.memory_space<hbm>> -> memref<1x128xf32, #tpu.memory_space<hbm>>
      %dma_start3A_42 = tpu.memref_squeeze %dma_start3A : memref<1x128xf32, #tpu.memory_space<hbm>> -> memref<128xf32, #tpu.memory_space<hbm>>
      %dma_start3A_43 = tpu.memref_slice %arg7[%select_n3A, %mul3A_32] : memref<4x1024xf32, #tpu.memory_space<hbm>> -> memref<1x128xf32, #tpu.memory_space<hbm>>
      %dma_start3A_44 = tpu.memref_squeeze %dma_start3A_43 : memref<1x128xf32, #tpu.memory_space<hbm>> -> memref<128xf32, #tpu.memory_space<hbm>>
      tpu.enqueue_dma source(%dma_start3A_44 : memref<128xf32, #tpu.memory_space<hbm>>) target(%arg15 : memref<128xf32, #tpu.memory_space<vmem>>) target_semaphore(%run_scoped3A : memref<!tpu.dma_semaphore, #tpu.memory_space<semaphore_mem>>)
      %dma_wait3A = tpu.memref_slice %arg7[%select_n3A, %mul3A_32] : memref<4x1024xf32, #tpu.memory_space<hbm>> -> memref<1x128xf32, #tpu.memory_space<hbm>>
      %dma_wait3A_45 = tpu.memref_squeeze %dma_wait3A : memref<1x128xf32, #tpu.memory_space<hbm>> -> memref<128xf32, #tpu.memory_space<hbm>>
      %dma_wait3A_46 = tpu.memref_slice %arg7[%select_n3A, %mul3A_32] : memref<4x1024xf32, #tpu.memory_space<hbm>> -> memref<1x128xf32, #tpu.memory_space<hbm>>
      %dma_wait3A_47 = tpu.memref_squeeze %dma_wait3A_46 : memref<1x128xf32, #tpu.memory_space<hbm>> -> memref<128xf32, #tpu.memory_space<hbm>>
      tpu.wait_dma2 semaphore(%run_scoped3A : memref<!tpu.dma_semaphore, #tpu.memory_space<semaphore_mem>>) src(%dma_wait3A_47 : memref<128xf32, #tpu.memory_space<hbm>>) dst(%arg15 : memref<128xf32, #tpu.memory_space<vmem>>)
      tpu.yield
    }) : () -> ()
    %iota3A = tpu.iota {dimensions = array<i32: 0>} : vector<16xi32>
    %mul3A_33 = arith.constant 128 : i32
    %mul3A_34 = vector.broadcast %mul3A_33 : i32 to vector<16xi32>
    %mul3A_35 = arith.muli %iota3A, %mul3A_34 : vector<16xi32>
    %scan3A = arith.constant 0 : i32
    %scan3A_36 = arith.constant 0 : i32
    %scan3A_37 = arith.constant 8 : i32
    %scan3A_38 = arith.addi %scan3A_36, %scan3A_37 : i32
    %scan3A_39 = arith.constant 1 : i32
    %scan3A_40 = scf.for %scan3A_42 = %scan3A_36 to %scan3A_38 step %scan3A_39 iter_args(%scan3A_43 = %scan3A) -> (i32)  : i32 {
      %mul3A_44 = arith.constant 16 : i32
      %mul3A_45 = arith.muli %scan3A_42, %mul3A_44 : i32
      %get3A = arith.index_cast %mul3A_45 : i32 to index
      %get3A_46 = tpu.vector_load %arg13[%get3A] {strides = array<i32>} : memref<128xf32, #tpu.memory_space<vmem>>, vector<16xf32>,
      %mul3A_47 = arith.constant 16 : i32
      %mul3A_48 = arith.muli %scan3A_42, %mul3A_47 : i32
      %get3A_49 = arith.index_cast %mul3A_48 : i32 to index
      %get3A_50 = tpu.vector_load %arg14[%get3A_49] {strides = array<i32>} : memref<128xf32, #tpu.memory_space<vmem>>, vector<16xf32>,
      %mul3A_51 = arith.constant 16 : i32
      %mul3A_52 = arith.muli %scan3A_42, %mul3A_51 : i32
      %get3A_53 = arith.index_cast %mul3A_52 : i32 to index
      %get3A_54 = tpu.vector_load %arg15[%get3A_53] {strides = array<i32>} : memref<128xf32, #tpu.memory_space<vmem>>, vector<16xf32>,
      %broadcast_in_dim3A = arith.constant 0 : i32
      %broadcast_in_dim3A_55 = vector.broadcast %broadcast_in_dim3A : i32 to vector<16xi32>
      %scan3A_56 = arith.constant 0 : i32
      %scan3A_57 = arith.constant 256 : i32
      %scan3A_58 = arith.addi %scan3A_56, %scan3A_57 : i32
      %scan3A_59 = arith.constant 1 : i32
      %scan3A_60 = scf.for %scan3A_2267 = %scan3A_56 to %scan3A_58 step %scan3A_59 iter_args(%scan3A_2268 = %broadcast_in_dim3A_55) -> (vector<16xi32>)  : i32 {
        %mul3A_2269 = arith.constant 16 : i32
        %mul3A_2270 = arith.muli %scan3A_2267, %mul3A_2269 : i32
        %get3A_2271 = arith.index_cast %mul3A_2270 : i32 to index
        %get3A_2272 = tpu.vector_load %arg10[%get3A_2271] {strides = array<i32>} : memref<4096xf32, #tpu.memory_space<vmem>>, vector<16xf32>,
        %mul3A_2273 = arith.constant 16 : i32
        %mul3A_2274 = arith.muli %scan3A_2267, %mul3A_2273 : i32
        %get3A_2275 = arith.index_cast %mul3A_2274 : i32 to index
        %get3A_2276 = tpu.vector_load %arg11[%get3A_2275] {strides = array<i32>} : memref<4096xf32, #tpu.memory_space<vmem>>, vector<16xf32>,
        %mul3A_2277 = arith.constant 16 : i32
        %mul3A_2278 = arith.muli %scan3A_2267, %mul3A_2277 : i32
        %get3A_2279 = arith.index_cast %mul3A_2278 : i32 to index
        %get3A_2280 = tpu.vector_load %arg12[%get3A_2279] {strides = array<i32>} : memref<4096xf32, #tpu.memory_space<vmem>>, vector<16xf32>,
        %slice3A_2281 = vector.extract_strided_slice %get3A_2272 {offsets = [0], sizes = [1], strides = [1]} : vector<16xf32> to vector<1xf32>
        %squeeze3A_2282 = vector.extract %slice3A_2281[0] : f32 from vector<1xf32>
        %sub3A_2283 = vector.broadcast %squeeze3A_2282 : f32 to vector<16xf32>
        %sub3A_2284 = arith.subf %get3A_46, %sub3A_2283 : vector<16xf32>
        %slice3A_2285 = vector.extract_strided_slice %get3A_2276 {offsets = [0], sizes = [1], strides = [1]} : vector<16xf32> to vector<1xf32>
        %squeeze3A_2286 = vector.extract %slice3A_2285[0] : f32 from vector<1xf32>
        %sub3A_2287 = vector.broadcast %squeeze3A_2286 : f32 to vector<16xf32>
        %sub3A_2288 = arith.subf %get3A_50, %sub3A_2287 : vector<16xf32>
        %slice3A_2289 = vector.extract_strided_slice %get3A_2280 {offsets = [0], sizes = [1], strides = [1]} : vector<16xf32> to vector<1xf32>
        %squeeze3A_2290 = vector.extract %slice3A_2289[0] : f32 from vector<1xf32>
        %sub3A_2291 = vector.broadcast %squeeze3A_2290 : f32 to vector<16xf32>
        %sub3A_2292 = arith.subf %get3A_54, %sub3A_2291 : vector<16xf32>
        %mul3A_2293 = arith.mulf %sub3A_2284, %sub3A_2284 : vector<16xf32>
        %mul3A_2294 = arith.mulf %sub3A_2288, %sub3A_2288 : vector<16xf32>
        %add3A_2295 = arith.addf %mul3A_2293, %mul3A_2294 : vector<16xf32>
        %mul3A_2296 = arith.mulf %sub3A_2292, %sub3A_2292 : vector<16xf32>
        %add3A_2297 = arith.addf %add3A_2295, %mul3A_2296 : vector<16xf32>
        %le3A = arith.constant 4.000000e-02 : f32
        %le3A_2298 = vector.broadcast %le3A : f32 to vector<16xf32>
        %le3A_2299 = arith.cmpf ole, %add3A_2297, %le3A_2298 : vector<16xf32>
        %min3A_2300 = arith.constant 126 : i32
        %min3A_2301 = vector.broadcast %min3A_2300 : i32 to vector<16xi32>
        %min3A_2302 = arith.minsi %scan3A_2268, %min3A_2301 : vector<16xi32>
        %add3A_2303 = arith.addi %mul3A_35, %min3A_2302 : vector<16xi32>
        %mul3A_2304 = arith.constant 16 : i32
        %mul3A_2305 = arith.muli %scan3A_2267, %mul3A_2304 : i32
        %add3A_2306 = arith.constant 0 : i32
        %add3A_2307 = arith.addi %mul3A_2305, %add3A_2306 : i32
        %broadcast_in_dim3A_2308 = vector.broadcast %add3A_2307 : i32 to vector<16xi32>
        tpu.vector_store_idx %arg16[%add3A_2303], %broadcast_in_dim3A_2308 masked %le3A_2299 : memref<2048xi32, #tpu.memory_space<vmem>>[vector<16xi32>], vector<16xi32>, vector<16xi1>
        %convert_element_type3A = arith.extui %le3A_2299 : vector<16xi1> to vector<16xi32>
        %add3A_2309 = arith.addi %scan3A_2268, %convert_element_type3A : vector<16xi32>
        %slice3A_2310 = vector.extract_strided_slice %get3A_2272 {offsets = [1], sizes = [1], strides = [1]} : vector<16xf32> to vector<1xf32>
        %squeeze3A_2311 = vector.extract %slice3A_2310[0] : f32 from vector<1xf32>
        %sub3A_2312 = vector.broadcast %squeeze3A_2311 : f32 to vector<16xf32>
        %sub3A_2313 = arith.subf %get3A_46, %sub3A_2312 : vector<16xf32>
        %slice3A_2314 = vector.extract_strided_slice %get3A_2276 {offsets = [1], sizes = [1], strides = [1]} : vector<16xf32> to vector<1xf32>
        %squeeze3A_2315 = vector.extract %slice3A_2314[0] : f32 from vector<1xf32>
        %sub3A_2316 = vector.broadcast %squeeze3A_2315 : f32 to vector<16xf32>
        %sub3A_2317 = arith.subf %get3A_50, %sub3A_2316 : vector<16xf32>
        %slice3A_2318 = vector.extract_strided_slice %get3A_2280 {offsets = [1], sizes = [1], strides = [1]} : vector<16xf32> to vector<1xf32>
        %squeeze3A_2319 = vector.extract %slice3A_2318[0] : f32 from vector<1xf32>
        %sub3A_2320 = vector.broadcast %squeeze3A_2319 : f32 to vector<16xf32>
        %sub3A_2321 = arith.subf %get3A_54, %sub3A_2320 : vector<16xf32>
        %mul3A_2322 = arith.mulf %sub3A_2313, %sub3A_2313 : vector<16xf32>
        %mul3A_2323 = arith.mulf %sub3A_2317, %sub3A_2317 : vector<16xf32>
        %add3A_2324 = arith.addf %mul3A_2322, %mul3A_2323 : vector<16xf32>
        %mul3A_2325 = arith.mulf %sub3A_2321, %sub3A_2321 : vector<16xf32>
        %add3A_2326 = arith.addf %add3A_2324, %mul3A_2325 : vector<16xf32>
        %le3A_2327 = arith.constant 4.000000e-02 : f32
        %le3A_2328 = vector.broadcast %le3A_2327 : f32 to vector<16xf32>
        %le3A_2329 = arith.cmpf ole, %add3A_2326, %le3A_2328 : vector<16xf32>
        %min3A_2330 = arith.constant 126 : i32
        %min3A_2331 = vector.broadcast %min3A_2330 : i32 to vector<16xi32>
        %min3A_2332 = arith.minsi %add3A_2309, %min3A_2331 : vector<16xi32>
        %add3A_2333 = arith.addi %mul3A_35, %min3A_2332 : vector<16xi32>
        %mul3A_2334 = arith.constant 16 : i32
        %mul3A_2335 = arith.muli %scan3A_2267, %mul3A_2334 : i32
        %add3A_2336 = arith.constant 1 : i32
        %add3A_2337 = arith.addi %mul3A_2335, %add3A_2336 : i32
        %broadcast_in_dim3A_2338 = vector.broadcast %add3A_2337 : i32 to vector<16xi32>
        tpu.vector_store_idx %arg16[%add3A_2333], %broadcast_in_dim3A_2338 masked %le3A_2329 : memref<2048xi32, #tpu.memory_space<vmem>>[vector<16xi32>], vector<16xi32>, vector<16xi1>
        %convert_element_type3A_2339 = arith.extui %le3A_2329 : vector<16xi1> to vector<16xi32>
        %add3A_2340 = arith.addi %add3A_2309, %convert_element_type3A_2339 : vector<16xi32>
        %slice3A_2341 = vector.extract_strided_slice %get3A_2272 {offsets = [2], sizes = [1], strides = [1]} : vector<16xf32> to vector<1xf32>
        %squeeze3A_2342 = vector.extract %slice3A_2341[0] : f32 from vector<1xf32>
        %sub3A_2343 = vector.broadcast %squeeze3A_2342 : f32 to vector<16xf32>
        %sub3A_2344 = arith.subf %get3A_46, %sub3A_2343 : vector<16xf32>
        %slice3A_2345 = vector.extract_strided_slice %get3A_2276 {offsets = [2], sizes = [1], strides = [1]} : vector<16xf32> to vector<1xf32>
        %squeeze3A_2346 = vector.extract %slice3A_2345[0] : f32 from vector<1xf32>
        %sub3A_2347 = vector.broadcast %squeeze3A_2346 : f32 to vector<16xf32>
        %sub3A_2348 = arith.subf %get3A_50, %sub3A_2347 : vector<16xf32>
        %slice3A_2349 = vector.extract_strided_slice %get3A_2280 {offsets = [2], sizes = [1], strides = [1]} : vector<16xf32> to vector<1xf32>
        %squeeze3A_2350 = vector.extract %slice3A_2349[0] : f32 from vector<1xf32>
        %sub3A_2351 = vector.broadcast %squeeze3A_2350 : f32 to vector<16xf32>
        %sub3A_2352 = arith.subf %get3A_54, %sub3A_2351 : vector<16xf32>
        %mul3A_2353 = arith.mulf %sub3A_2344, %sub3A_2344 : vector<16xf32>
        %mul3A_2354 = arith.mulf %sub3A_2348, %sub3A_2348 : vector<16xf32>
        %add3A_2355 = arith.addf %mul3A_2353, %mul3A_2354 : vector<16xf32>
        %mul3A_2356 = arith.mulf %sub3A_2352, %sub3A_2352 : vector<16xf32>
        %add3A_2357 = arith.addf %add3A_2355, %mul3A_2356 : vector<16xf32>
        %le3A_2358 = arith.constant 4.000000e-02 : f32
        %le3A_2359 = vector.broadcast %le3A_2358 : f32 to vector<16xf32>
        %le3A_2360 = arith.cmpf ole, %add3A_2357, %le3A_2359 : vector<16xf32>
        %min3A_2361 = arith.constant 126 : i32
        %min3A_2362 = vector.broadcast %min3A_2361 : i32 to vector<16xi32>
        %min3A_2363 = arith.minsi %add3A_2340, %min3A_2362 : vector<16xi32>
        %add3A_2364 = arith.addi %mul3A_35, %min3A_2363 : vector<16xi32>
        %mul3A_2365 = arith.constant 16 : i32
        %mul3A_2366 = arith.muli %scan3A_2267, %mul3A_2365 : i32
        %add3A_2367 = arith.constant 2 : i32
        %add3A_2368 = arith.addi %mul3A_2366, %add3A_2367 : i32
        %broadcast_in_dim3A_2369 = vector.broadcast %add3A_2368 : i32 to vector<16xi32>
        tpu.vector_store_idx %arg16[%add3A_2364], %broadcast_in_dim3A_2369 masked %le3A_2360 : memref<2048xi32, #tpu.memory_space<vmem>>[vector<16xi32>], vector<16xi32>, vector<16xi1>
        %convert_element_type3A_2370 = arith.extui %le3A_2360 : vector<16xi1> to vector<16xi32>
        %add3A_2371 = arith.addi %add3A_2340, %convert_element_type3A_2370 : vector<16xi32>
        %slice3A_2372 = vector.extract_strided_slice %get3A_2272 {offsets = [3], sizes = [1], strides = [1]} : vector<16xf32> to vector<1xf32>
        %squeeze3A_2373 = vector.extract %slice3A_2372[0] : f32 from vector<1xf32>
        %sub3A_2374 = vector.broadcast %squeeze3A_2373 : f32 to vector<16xf32>
        %sub3A_2375 = arith.subf %get3A_46, %sub3A_2374 : vector<16xf32>
        %slice3A_2376 = vector.extract_strided_slice %get3A_2276 {offsets = [3], sizes = [1], strides = [1]} : vector<16xf32> to vector<1xf32>
        %squeeze3A_2377 = vector.extract %slice3A_2376[0] : f32 from vector<1xf32>
        %sub3A_2378 = vector.broadcast %squeeze3A_2377 : f32 to vector<16xf32>
        %sub3A_2379 = arith.subf %get3A_50, %sub3A_2378 : vector<16xf32>
        %slice3A_2380 = vector.extract_strided_slice %get3A_2280 {offsets = [3], sizes = [1], strides = [1]} : vector<16xf32> to vector<1xf32>
        %squeeze3A_2381 = vector.extract %slice3A_2380[0] : f32 from vector<1xf32>
        %sub3A_2382 = vector.broadcast %squeeze3A_2381 : f32 to vector<16xf32>
        %sub3A_2383 = arith.subf %get3A_54, %sub3A_2382 : vector<16xf32>
        %mul3A_2384 = arith.mulf %sub3A_2375, %sub3A_2375 : vector<16xf32>
        %mul3A_2385 = arith.mulf %sub3A_2379, %sub3A_2379 : vector<16xf32>
        %add3A_2386 = arith.addf %mul3A_2384, %mul3A_2385 : vector<16xf32>
        %mul3A_2387 = arith.mulf %sub3A_2383, %sub3A_2383 : vector<16xf32>
        %add3A_2388 = arith.addf %add3A_2386, %mul3A_2387 : vector<16xf32>
        %le3A_2389 = arith.constant 4.000000e-02 : f32
        %le3A_2390 = vector.broadcast %le3A_2389 : f32 to vector<16xf32>
        %le3A_2391 = arith.cmpf ole, %add3A_2388, %le3A_2390 : vector<16xf32>
        %min3A_2392 = arith.constant 126 : i32
        %min3A_2393 = vector.broadcast %min3A_2392 : i32 to vector<16xi32>
        %min3A_2394 = arith.minsi %add3A_2371, %min3A_2393 : vector<16xi32>
        %add3A_2395 = arith.addi %mul3A_35, %min3A_2394 : vector<16xi32>
        %mul3A_2396 = arith.constant 16 : i32
        %mul3A_2397 = arith.muli %scan3A_2267, %mul3A_2396 : i32
        %add3A_2398 = arith.constant 3 : i32
        %add3A_2399 = arith.addi %mul3A_2397, %add3A_2398 : i32
        %broadcast_in_dim3A_2400 = vector.broadcast %add3A_2399 : i32 to vector<16xi32>
        tpu.vector_store_idx %arg16[%add3A_2395], %broadcast_in_dim3A_2400 masked %le3A_2391 : memref<2048xi32, #tpu.memory_space<vmem>>[vector<16xi32>], vector<16xi32>, vector<16xi1>
        %convert_element_type3A_2401 = arith.extui %le3A_2391 : vector<16xi1> to vector<16xi32>
        %add3A_2402 = arith.addi %add3A_2371, %convert_element_type3A_2401 : vector<16xi32>
        %slice3A_2403 = vector.extract_strided_slice %get3A_2272 {offsets = [4], sizes = [1], strides = [1]} : vector<16xf32> to vector<1xf32>
        %squeeze3A_2404 = vector.extract %slice3A_2403[0] : f32 from vector<1xf32>
        %sub3A_2405 = vector.broadcast %squeeze3A_2404 : f32 to vector<16xf32>
        %sub3A_2406 = arith.subf %get3A_46, %sub3A_2405 : vector<16xf32>
        %slice3A_2407 = vector.extract_strided_slice %get3A_2276 {offsets = [4], sizes = [1], strides = [1]} : vector<16xf32> to vector<1xf32>
        %squeeze3A_2408 = vector.extract %slice3A_2407[0] : f32 from vector<1xf32>
        %sub3A_2409 = vector.broadcast %squeeze3A_2408 : f32 to vector<16xf32>
        %sub3A_2410 = arith.subf %get3A_50, %sub3A_2409 : vector<16xf32>
        %slice3A_2411 = vector.extract_strided_slice %get3A_2280 {offsets = [4], sizes = [1], strides = [1]} : vector<16xf32> to vector<1xf32>
        %squeeze3A_2412 = vector.extract %slice3A_2411[0] : f32 from vector<1xf32>
        %sub3A_2413 = vector.broadcast %squeeze3A_2412 : f32 to vector<16xf32>
        %sub3A_2414 = arith.subf %get3A_54, %sub3A_2413 : vector<16xf32>
        %mul3A_2415 = arith.mulf %sub3A_2406, %sub3A_2406 : vector<16xf32>
        %mul3A_2416 = arith.mulf %sub3A_2410, %sub3A_2410 : vector<16xf32>
        %add3A_2417 = arith.addf %mul3A_2415, %mul3A_2416 : vector<16xf32>
        %mul3A_2418 = arith.mulf %sub3A_2414, %sub3A_2414 : vector<16xf32>
        %add3A_2419 = arith.addf %add3A_2417, %mul3A_2418 : vector<16xf32>
        %le3A_2420 = arith.constant 4.000000e-02 : f32
        %le3A_2421 = vector.broadcast %le3A_2420 : f32 to vector<16xf32>
        %le3A_2422 = arith.cmpf ole, %add3A_2419, %le3A_2421 : vector<16xf32>
        %min3A_2423 = arith.constant 126 : i32
        %min3A_2424 = vector.broadcast %min3A_2423 : i32 to vector<16xi32>
        %min3A_2425 = arith.minsi %add3A_2402, %min3A_2424 : vector<16xi32>
        %add3A_2426 = arith.addi %mul3A_35, %min3A_2425 : vector<16xi32>
        %mul3A_2427 = arith.constant 16 : i32
        %mul3A_2428 = arith.muli %scan3A_2267, %mul3A_2427 : i32
        %add3A_2429 = arith.constant 4 : i32
        %add3A_2430 = arith.addi %mul3A_2428, %add3A_2429 : i32
        %broadcast_in_dim3A_2431 = vector.broadcast %add3A_2430 : i32 to vector<16xi32>
        tpu.vector_store_idx %arg16[%add3A_2426], %broadcast_in_dim3A_2431 masked %le3A_2422 : memref<2048xi32, #tpu.memory_space<vmem>>[vector<16xi32>], vector<16xi32>, vector<16xi1>
        %convert_element_type3A_2432 = arith.extui %le3A_2422 : vector<16xi1> to vector<16xi32>
        %add3A_2433 = arith.addi %add3A_2402, %convert_element_type3A_2432 : vector<16xi32>
        %slice3A_2434 = vector.extract_strided_slice %get3A_2272 {offsets = [5], sizes = [1], strides = [1]} : vector<16xf32> to vector<1xf32>
        %squeeze3A_2435 = vector.extract %slice3A_2434[0] : f32 from vector<1xf32>
        %sub3A_2436 = vector.broadcast %squeeze3A_2435 : f32 to vector<16xf32>
        %sub3A_2437 = arith.subf %get3A_46, %sub3A_2436 : vector<16xf32>
        %slice3A_2438 = vector.extract_strided_slice %get3A_2276 {offsets = [5], sizes = [1], strides = [1]} : vector<16xf32> to vector<1xf32>
        %squeeze3A_2439 = vector.extract %slice3A_2438[0] : f32 from vector<1xf32>
        %sub3A_2440 = vector.broadcast %squeeze3A_2439 : f32 to vector<16xf32>
        %sub3A_2441 = arith.subf %get3A_50, %sub3A_2440 : vector<16xf32>
        %slice3A_2442 = vector.extract_strided_slice %get3A_2280 {offsets = [5], sizes = [1], strides = [1]} : vector<16xf32> to vector<1xf32>
        %squeeze3A_2443 = vector.extract %slice3A_2442[0] : f32 from vector<1xf32>
        %sub3A_2444 = vector.broadcast %squeeze3A_2443 : f32 to vector<16xf32>
        %sub3A_2445 = arith.subf %get3A_54, %sub3A_2444 : vector<16xf32>
        %mul3A_2446 = arith.mulf %sub3A_2437, %sub3A_2437 : vector<16xf32>
        %mul3A_2447 = arith.mulf %sub3A_2441, %sub3A_2441 : vector<16xf32>
        %add3A_2448 = arith.addf %mul3A_2446, %mul3A_2447 : vector<16xf32>
        %mul3A_2449 = arith.mulf %sub3A_2445, %sub3A_2445 : vector<16xf32>
        %add3A_2450 = arith.addf %add3A_2448, %mul3A_2449 : vector<16xf32>
        %le3A_2451 = arith.constant 4.000000e-02 : f32
        %le3A_2452 = vector.broadcast %le3A_2451 : f32 to vector<16xf32>
        %le3A_2453 = arith.cmpf ole, %add3A_2450, %le3A_2452 : vector<16xf32>
        %min3A_2454 = arith.constant 126 : i32
        %min3A_2455 = vector.broadcast %min3A_2454 : i32 to vector<16xi32>
        %min3A_2456 = arith.minsi %add3A_2433, %min3A_2455 : vector<16xi32>
        %add3A_2457 = arith.addi %mul3A_35, %min3A_2456 : vector<16xi32>
        %mul3A_2458 = arith.constant 16 : i32
        %mul3A_2459 = arith.muli %scan3A_2267, %mul3A_2458 : i32
        %add3A_2460 = arith.constant 5 : i32
        %add3A_2461 = arith.addi %mul3A_2459, %add3A_2460 : i32
        %broadcast_in_dim3A_2462 = vector.broadcast %add3A_2461 : i32 to vector<16xi32>
        tpu.vector_store_idx %arg16[%add3A_2457], %broadcast_in_dim3A_2462 masked %le3A_2453 : memref<2048xi32, #tpu.memory_space<vmem>>[vector<16xi32>], vector<16xi32>, vector<16xi1>
        %convert_element_type3A_2463 = arith.extui %le3A_2453 : vector<16xi1> to vector<16xi32>
        %add3A_2464 = arith.addi %add3A_2433, %convert_element_type3A_2463 : vector<16xi32>
        %slice3A_2465 = vector.extract_strided_slice %get3A_2272 {offsets = [6], sizes = [1], strides = [1]} : vector<16xf32> to vector<1xf32>
        %squeeze3A_2466 = vector.extract %slice3A_2465[0] : f32 from vector<1xf32>
        %sub3A_2467 = vector.broadcast %squeeze3A_2466 : f32 to vector<16xf32>
        %sub3A_2468 = arith.subf %get3A_46, %sub3A_2467 : vector<16xf32>
        %slice3A_2469 = vector.extract_strided_slice %get3A_2276 {offsets = [6], sizes = [1], strides = [1]} : vector<16xf32> to vector<1xf32>
        %squeeze3A_2470 = vector.extract %slice3A_2469[0] : f32 from vector<1xf32>
        %sub3A_2471 = vector.broadcast %squeeze3A_2470 : f32 to vector<16xf32>
        %sub3A_2472 = arith.subf %get3A_50, %sub3A_2471 : vector<16xf32>
        %slice3A_2473 = vector.extract_strided_slice %get3A_2280 {offsets = [6], sizes = [1], strides = [1]} : vector<16xf32> to vector<1xf32>
        %squeeze3A_2474 = vector.extract %slice3A_2473[0] : f32 from vector<1xf32>
        %sub3A_2475 = vector.broadcast %squeeze3A_2474 : f32 to vector<16xf32>
        %sub3A_2476 = arith.subf %get3A_54, %sub3A_2475 : vector<16xf32>
        %mul3A_2477 = arith.mulf %sub3A_2468, %sub3A_2468 : vector<16xf32>
        %mul3A_2478 = arith.mulf %sub3A_2472, %sub3A_2472 : vector<16xf32>
        %add3A_2479 = arith.addf %mul3A_2477, %mul3A_2478 : vector<16xf32>
        %mul3A_2480 = arith.mulf %sub3A_2476, %sub3A_2476 : vector<16xf32>
        %add3A_2481 = arith.addf %add3A_2479, %mul3A_2480 : vector<16xf32>
        %le3A_2482 = arith.constant 4.000000e-02 : f32
        %le3A_2483 = vector.broadcast %le3A_2482 : f32 to vector<16xf32>
        %le3A_2484 = arith.cmpf ole, %add3A_2481, %le3A_2483 : vector<16xf32>
        %min3A_2485 = arith.constant 126 : i32
        %min3A_2486 = vector.broadcast %min3A_2485 : i32 to vector<16xi32>
        %min3A_2487 = arith.minsi %add3A_2464, %min3A_2486 : vector<16xi32>
        %add3A_2488 = arith.addi %mul3A_35, %min3A_2487 : vector<16xi32>
        %mul3A_2489 = arith.constant 16 : i32
        %mul3A_2490 = arith.muli %scan3A_2267, %mul3A_2489 : i32
        %add3A_2491 = arith.constant 6 : i32
        %add3A_2492 = arith.addi %mul3A_2490, %add3A_2491 : i32
        %broadcast_in_dim3A_2493 = vector.broadcast %add3A_2492 : i32 to vector<16xi32>
        tpu.vector_store_idx %arg16[%add3A_2488], %broadcast_in_dim3A_2493 masked %le3A_2484 : memref<2048xi32, #tpu.memory_space<vmem>>[vector<16xi32>], vector<16xi32>, vector<16xi1>
        %convert_element_type3A_2494 = arith.extui %le3A_2484 : vector<16xi1> to vector<16xi32>
        %add3A_2495 = arith.addi %add3A_2464, %convert_element_type3A_2494 : vector<16xi32>
        %slice3A_2496 = vector.extract_strided_slice %get3A_2272 {offsets = [7], sizes = [1], strides = [1]} : vector<16xf32> to vector<1xf32>
        %squeeze3A_2497 = vector.extract %slice3A_2496[0] : f32 from vector<1xf32>
        %sub3A_2498 = vector.broadcast %squeeze3A_2497 : f32 to vector<16xf32>
        %sub3A_2499 = arith.subf %get3A_46, %sub3A_2498 : vector<16xf32>
        %slice3A_2500 = vector.extract_strided_slice %get3A_2276 {offsets = [7], sizes = [1], strides = [1]} : vector<16xf32> to vector<1xf32>
        %squeeze3A_2501 = vector.extract %slice3A_2500[0] : f32 from vector<1xf32>
        %sub3A_2502 = vector.broadcast %squeeze3A_2501 : f32 to vector<16xf32>
        %sub3A_2503 = arith.subf %get3A_50, %sub3A_2502 : vector<16xf32>
        %slice3A_2504 = vector.extract_strided_slice %get3A_2280 {offsets = [7], sizes = [1], strides = [1]} : vector<16xf32> to vector<1xf32>
        %squeeze3A_2505 = vector.extract %slice3A_2504[0] : f32 from vector<1xf32>
        %sub3A_2506 = vector.broadcast %squeeze3A_2505 : f32 to vector<16xf32>
        %sub3A_2507 = arith.subf %get3A_54, %sub3A_2506 : vector<16xf32>
        %mul3A_2508 = arith.mulf %sub3A_2499, %sub3A_2499 : vector<16xf32>
        %mul3A_2509 = arith.mulf %sub3A_2503, %sub3A_2503 : vector<16xf32>
        %add3A_2510 = arith.addf %mul3A_2508, %mul3A_2509 : vector<16xf32>
        %mul3A_2511 = arith.mulf %sub3A_2507, %sub3A_2507 : vector<16xf32>
        %add3A_2512 = arith.addf %add3A_2510, %mul3A_2511 : vector<16xf32>
        %le3A_2513 = arith.constant 4.000000e-02 : f32
        %le3A_2514 = vector.broadcast %le3A_2513 : f32 to vector<16xf32>
        %le3A_2515 = arith.cmpf ole, %add3A_2512, %le3A_2514 : vector<16xf32>
        %min3A_2516 = arith.constant 126 : i32
        %min3A_2517 = vector.broadcast %min3A_2516 : i32 to vector<16xi32>
        %min3A_2518 = arith.minsi %add3A_2495, %min3A_2517 : vector<16xi32>
        %add3A_2519 = arith.addi %mul3A_35, %min3A_2518 : vector<16xi32>
        %mul3A_2520 = arith.constant 16 : i32
        %mul3A_2521 = arith.muli %scan3A_2267, %mul3A_2520 : i32
        %add3A_2522 = arith.constant 7 : i32
        %add3A_2523 = arith.addi %mul3A_2521, %add3A_2522 : i32
        %broadcast_in_dim3A_2524 = vector.broadcast %add3A_2523 : i32 to vector<16xi32>
        tpu.vector_store_idx %arg16[%add3A_2519], %broadcast_in_dim3A_2524 masked %le3A_2515 : memref<2048xi32, #tpu.memory_space<vmem>>[vector<16xi32>], vector<16xi32>, vector<16xi1>
        %convert_element_type3A_2525 = arith.extui %le3A_2515 : vector<16xi1> to vector<16xi32>
        %add3A_2526 = arith.addi %add3A_2495, %convert_element_type3A_2525 : vector<16xi32>
        %slice3A_2527 = vector.extract_strided_slice %get3A_2272 {offsets = [8], sizes = [1], strides = [1]} : vector<16xf32> to vector<1xf32>
        %squeeze3A_2528 = vector.extract %slice3A_2527[0] : f32 from vector<1xf32>
        %sub3A_2529 = vector.broadcast %squeeze3A_2528 : f32 to vector<16xf32>
        %sub3A_2530 = arith.subf %get3A_46, %sub3A_2529 : vector<16xf32>
        %slice3A_2531 = vector.extract_strided_slice %get3A_2276 {offsets = [8], sizes = [1], strides = [1]} : vector<16xf32> to vector<1xf32>
        %squeeze3A_2532 = vector.extract %slice3A_2531[0] : f32 from vector<1xf32>
        %sub3A_2533 = vector.broadcast %squeeze3A_2532 : f32 to vector<16xf32>
        %sub3A_2534 = arith.subf %get3A_50, %sub3A_2533 : vector<16xf32>
        %slice3A_2535 = vector.extract_strided_slice %get3A_2280 {offsets = [8], sizes = [1], strides = [1]} : vector<16xf32> to vector<1xf32>
        %squeeze3A_2536 = vector.extract %slice3A_2535[0] : f32 from vector<1xf32>
        %sub3A_2537 = vector.broadcast %squeeze3A_2536 : f32 to vector<16xf32>
        %sub3A_2538 = arith.subf %get3A_54, %sub3A_2537 : vector<16xf32>
        %mul3A_2539 = arith.mulf %sub3A_2530, %sub3A_2530 : vector<16xf32>
        %mul3A_2540 = arith.mulf %sub3A_2534, %sub3A_2534 : vector<16xf32>
        %add3A_2541 = arith.addf %mul3A_2539, %mul3A_2540 : vector<16xf32>
        %mul3A_2542 = arith.mulf %sub3A_2538, %sub3A_2538 : vector<16xf32>
        %add3A_2543 = arith.addf %add3A_2541, %mul3A_2542 : vector<16xf32>
        %le3A_2544 = arith.constant 4.000000e-02 : f32
        %le3A_2545 = vector.broadcast %le3A_2544 : f32 to vector<16xf32>
        %le3A_2546 = arith.cmpf ole, %add3A_2543, %le3A_2545 : vector<16xf32>
        %min3A_2547 = arith.constant 126 : i32
        %min3A_2548 = vector.broadcast %min3A_2547 : i32 to vector<16xi32>
        %min3A_2549 = arith.minsi %add3A_2526, %min3A_2548 : vector<16xi32>
        %add3A_2550 = arith.addi %mul3A_35, %min3A_2549 : vector<16xi32>
        %mul3A_2551 = arith.constant 16 : i32
        %mul3A_2552 = arith.muli %scan3A_2267, %mul3A_2551 : i32
        %add3A_2553 = arith.constant 8 : i32
        %add3A_2554 = arith.addi %mul3A_2552, %add3A_2553 : i32
        %broadcast_in_dim3A_2555 = vector.broadcast %add3A_2554 : i32 to vector<16xi32>
        tpu.vector_store_idx %arg16[%add3A_2550], %broadcast_in_dim3A_2555 masked %le3A_2546 : memref<2048xi32, #tpu.memory_space<vmem>>[vector<16xi32>], vector<16xi32>, vector<16xi1>
        %convert_element_type3A_2556 = arith.extui %le3A_2546 : vector<16xi1> to vector<16xi32>
        %add3A_2557 = arith.addi %add3A_2526, %convert_element_type3A_2556 : vector<16xi32>
        %slice3A_2558 = vector.extract_strided_slice %get3A_2272 {offsets = [9], sizes = [1], strides = [1]} : vector<16xf32> to vector<1xf32>
        %squeeze3A_2559 = vector.extract %slice3A_2558[0] : f32 from vector<1xf32>
        %sub3A_2560 = vector.broadcast %squeeze3A_2559 : f32 to vector<16xf32>
        %sub3A_2561 = arith.subf %get3A_46, %sub3A_2560 : vector<16xf32>
        %slice3A_2562 = vector.extract_strided_slice %get3A_2276 {offsets = [9], sizes = [1], strides = [1]} : vector<16xf32> to vector<1xf32>
        %squeeze3A_2563 = vector.extract %slice3A_2562[0] : f32 from vector<1xf32>
        %sub3A_2564 = vector.broadcast %squeeze3A_2563 : f32 to vector<16xf32>
        %sub3A_2565 = arith.subf %get3A_50, %sub3A_2564 : vector<16xf32>
        %slice3A_2566 = vector.extract_strided_slice %get3A_2280 {offsets = [9], sizes = [1], strides = [1]} : vector<16xf32> to vector<1xf32>
        %squeeze3A_2567 = vector.extract %slice3A_2566[0] : f32 from vector<1xf32>
        %sub3A_2568 = vector.broadcast %squeeze3A_2567 : f32 to vector<16xf32>
        %sub3A_2569 = arith.subf %get3A_54, %sub3A_2568 : vector<16xf32>
        %mul3A_2570 = arith.mulf %sub3A_2561, %sub3A_2561 : vector<16xf32>
        %mul3A_2571 = arith.mulf %sub3A_2565, %sub3A_2565 : vector<16xf32>
        %add3A_2572 = arith.addf %mul3A_2570, %mul3A_2571 : vector<16xf32>
        %mul3A_2573 = arith.mulf %sub3A_2569, %sub3A_2569 : vector<16xf32>
        %add3A_2574 = arith.addf %add3A_2572, %mul3A_2573 : vector<16xf32>
        %le3A_2575 = arith.constant 4.000000e-02 : f32
        %le3A_2576 = vector.broadcast %le3A_2575 : f32 to vector<16xf32>
        %le3A_2577 = arith.cmpf ole, %add3A_2574, %le3A_2576 : vector<16xf32>
        %min3A_2578 = arith.constant 126 : i32
        %min3A_2579 = vector.broadcast %min3A_2578 : i32 to vector<16xi32>
        %min3A_2580 = arith.minsi %add3A_2557, %min3A_2579 : vector<16xi32>
        %add3A_2581 = arith.addi %mul3A_35, %min3A_2580 : vector<16xi32>
        %mul3A_2582 = arith.constant 16 : i32
        %mul3A_2583 = arith.muli %scan3A_2267, %mul3A_2582 : i32
        %add3A_2584 = arith.constant 9 : i32
        %add3A_2585 = arith.addi %mul3A_2583, %add3A_2584 : i32
        %broadcast_in_dim3A_2586 = vector.broadcast %add3A_2585 : i32 to vector<16xi32>
        tpu.vector_store_idx %arg16[%add3A_2581], %broadcast_in_dim3A_2586 masked %le3A_2577 : memref<2048xi32, #tpu.memory_space<vmem>>[vector<16xi32>], vector<16xi32>, vector<16xi1>
        %convert_element_type3A_2587 = arith.extui %le3A_2577 : vector<16xi1> to vector<16xi32>
        %add3A_2588 = arith.addi %add3A_2557, %convert_element_type3A_2587 : vector<16xi32>
        %slice3A_2589 = vector.extract_strided_slice %get3A_2272 {offsets = [10], sizes = [1], strides = [1]} : vector<16xf32> to vector<1xf32>
        %squeeze3A_2590 = vector.extract %slice3A_2589[0] : f32 from vector<1xf32>
        %sub3A_2591 = vector.broadcast %squeeze3A_2590 : f32 to vector<16xf32>
        %sub3A_2592 = arith.subf %get3A_46, %sub3A_2591 : vector<16xf32>
        %slice3A_2593 = vector.extract_strided_slice %get3A_2276 {offsets = [10], sizes = [1], strides = [1]} : vector<16xf32> to vector<1xf32>
        %squeeze3A_2594 = vector.extract %slice3A_2593[0] : f32 from vector<1xf32>
        %sub3A_2595 = vector.broadcast %squeeze3A_2594 : f32 to vector<16xf32>
        %sub3A_2596 = arith.subf %get3A_50, %sub3A_2595 : vector<16xf32>
        %slice3A_2597 = vector.extract_strided_slice %get3A_2280 {offsets = [10], sizes = [1], strides = [1]} : vector<16xf32> to vector<1xf32>
        %squeeze3A_2598 = vector.extract %slice3A_2597[0] : f32 from vector<1xf32>
        %sub3A_2599 = vector.broadcast %squeeze3A_2598 : f32 to vector<16xf32>
        %sub3A_2600 = arith.subf %get3A_54, %sub3A_2599 : vector<16xf32>
        %mul3A_2601 = arith.mulf %sub3A_2592, %sub3A_2592 : vector<16xf32>
        %mul3A_2602 = arith.mulf %sub3A_2596, %sub3A_2596 : vector<16xf32>
        %add3A_2603 = arith.addf %mul3A_2601, %mul3A_2602 : vector<16xf32>
        %mul3A_2604 = arith.mulf %sub3A_2600, %sub3A_2600 : vector<16xf32>
        %add3A_2605 = arith.addf %add3A_2603, %mul3A_2604 : vector<16xf32>
        %le3A_2606 = arith.constant 4.000000e-02 : f32
        %le3A_2607 = vector.broadcast %le3A_2606 : f32 to vector<16xf32>
        %le3A_2608 = arith.cmpf ole, %add3A_2605, %le3A_2607 : vector<16xf32>
        %min3A_2609 = arith.constant 126 : i32
        %min3A_2610 = vector.broadcast %min3A_2609 : i32 to vector<16xi32>
        %min3A_2611 = arith.minsi %add3A_2588, %min3A_2610 : vector<16xi32>
        %add3A_2612 = arith.addi %mul3A_35, %min3A_2611 : vector<16xi32>
        %mul3A_2613 = arith.constant 16 : i32
        %mul3A_2614 = arith.muli %scan3A_2267, %mul3A_2613 : i32
        %add3A_2615 = arith.constant 10 : i32
        %add3A_2616 = arith.addi %mul3A_2614, %add3A_2615 : i32
        %broadcast_in_dim3A_2617 = vector.broadcast %add3A_2616 : i32 to vector<16xi32>
        tpu.vector_store_idx %arg16[%add3A_2612], %broadcast_in_dim3A_2617 masked %le3A_2608 : memref<2048xi32, #tpu.memory_space<vmem>>[vector<16xi32>], vector<16xi32>, vector<16xi1>
        %convert_element_type3A_2618 = arith.extui %le3A_2608 : vector<16xi1> to vector<16xi32>
        %add3A_2619 = arith.addi %add3A_2588, %convert_element_type3A_2618 : vector<16xi32>
        %slice3A_2620 = vector.extract_strided_slice %get3A_2272 {offsets = [11], sizes = [1], strides = [1]} : vector<16xf32> to vector<1xf32>
        %squeeze3A_2621 = vector.extract %slice3A_2620[0] : f32 from vector<1xf32>
        %sub3A_2622 = vector.broadcast %squeeze3A_2621 : f32 to vector<16xf32>
        %sub3A_2623 = arith.subf %get3A_46, %sub3A_2622 : vector<16xf32>
        %slice3A_2624 = vector.extract_strided_slice %get3A_2276 {offsets = [11], sizes = [1], strides = [1]} : vector<16xf32> to vector<1xf32>
        %squeeze3A_2625 = vector.extract %slice3A_2624[0] : f32 from vector<1xf32>
        %sub3A_2626 = vector.broadcast %squeeze3A_2625 : f32 to vector<16xf32>
        %sub3A_2627 = arith.subf %get3A_50, %sub3A_2626 : vector<16xf32>
        %slice3A_2628 = vector.extract_strided_slice %get3A_2280 {offsets = [11], sizes = [1], strides = [1]} : vector<16xf32> to vector<1xf32>
        %squeeze3A_2629 = vector.extract %slice3A_2628[0] : f32 from vector<1xf32>
        %sub3A_2630 = vector.broadcast %squeeze3A_2629 : f32 to vector<16xf32>
        %sub3A_2631 = arith.subf %get3A_54, %sub3A_2630 : vector<16xf32>
        %mul3A_2632 = arith.mulf %sub3A_2623, %sub3A_2623 : vector<16xf32>
        %mul3A_2633 = arith.mulf %sub3A_2627, %sub3A_2627 : vector<16xf32>
        %add3A_2634 = arith.addf %mul3A_2632, %mul3A_2633 : vector<16xf32>
        %mul3A_2635 = arith.mulf %sub3A_2631, %sub3A_2631 : vector<16xf32>
        %add3A_2636 = arith.addf %add3A_2634, %mul3A_2635 : vector<16xf32>
        %le3A_2637 = arith.constant 4.000000e-02 : f32
        %le3A_2638 = vector.broadcast %le3A_2637 : f32 to vector<16xf32>
        %le3A_2639 = arith.cmpf ole, %add3A_2636, %le3A_2638 : vector<16xf32>
        %min3A_2640 = arith.constant 126 : i32
        %min3A_2641 = vector.broadcast %min3A_2640 : i32 to vector<16xi32>
        %min3A_2642 = arith.minsi %add3A_2619, %min3A_2641 : vector<16xi32>
        %add3A_2643 = arith.addi %mul3A_35, %min3A_2642 : vector<16xi32>
        %mul3A_2644 = arith.constant 16 : i32
        %mul3A_2645 = arith.muli %scan3A_2267, %mul3A_2644 : i32
        %add3A_2646 = arith.constant 11 : i32
        %add3A_2647 = arith.addi %mul3A_2645, %add3A_2646 : i32
        %broadcast_in_dim3A_2648 = vector.broadcast %add3A_2647 : i32 to vector<16xi32>
        tpu.vector_store_idx %arg16[%add3A_2643], %broadcast_in_dim3A_2648 masked %le3A_2639 : memref<2048xi32, #tpu.memory_space<vmem>>[vector<16xi32>], vector<16xi32>, vector<16xi1>
        %convert_element_type3A_2649 = arith.extui %le3A_2639 : vector<16xi1> to vector<16xi32>
        %add3A_2650 = arith.addi %add3A_2619, %convert_element_type3A_2649 : vector<16xi32>
        %slice3A_2651 = vector.extract_strided_slice %get3A_2272 {offsets = [12], sizes = [1], strides = [1]} : vector<16xf32> to vector<1xf32>
        %squeeze3A_2652 = vector.extract %slice3A_2651[0] : f32 from vector<1xf32>
        %sub3A_2653 = vector.broadcast %squeeze3A_2652 : f32 to vector<16xf32>
        %sub3A_2654 = arith.subf %get3A_46, %sub3A_2653 : vector<16xf32>
        %slice3A_2655 = vector.extract_strided_slice %get3A_2276 {offsets = [12], sizes = [1], strides = [1]} : vector<16xf32> to vector<1xf32>
        %squeeze3A_2656 = vector.extract %slice3A_2655[0] : f32 from vector<1xf32>
        %sub3A_2657 = vector.broadcast %squeeze3A_2656 : f32 to vector<16xf32>
        %sub3A_2658 = arith.subf %get3A_50, %sub3A_2657 : vector<16xf32>
        %slice3A_2659 = vector.extract_strided_slice %get3A_2280 {offsets = [12], sizes = [1], strides = [1]} : vector<16xf32> to vector<1xf32>
        %squeeze3A_2660 = vector.extract %slice3A_2659[0] : f32 from vector<1xf32>
        %sub3A_2661 = vector.broadcast %squeeze3A_2660 : f32 to vector<16xf32>
        %sub3A_2662 = arith.subf %get3A_54, %sub3A_2661 : vector<16xf32>
        %mul3A_2663 = arith.mulf %sub3A_2654, %sub3A_2654 : vector<16xf32>
        %mul3A_2664 = arith.mulf %sub3A_2658, %sub3A_2658 : vector<16xf32>
        %add3A_2665 = arith.addf %mul3A_2663, %mul3A_2664 : vector<16xf32>
        %mul3A_2666 = arith.mulf %sub3A_2662, %sub3A_2662 : vector<16xf32>
        %add3A_2667 = arith.addf %add3A_2665, %mul3A_2666 : vector<16xf32>
        %le3A_2668 = arith.constant 4.000000e-02 : f32
        %le3A_2669 = vector.broadcast %le3A_2668 : f32 to vector<16xf32>
        %le3A_2670 = arith.cmpf ole, %add3A_2667, %le3A_2669 : vector<16xf32>
        %min3A_2671 = arith.constant 126 : i32
        %min3A_2672 = vector.broadcast %min3A_2671 : i32 to vector<16xi32>
        %min3A_2673 = arith.minsi %add3A_2650, %min3A_2672 : vector<16xi32>
        %add3A_2674 = arith.addi %mul3A_35, %min3A_2673 : vector<16xi32>
        %mul3A_2675 = arith.constant 16 : i32
        %mul3A_2676 = arith.muli %scan3A_2267, %mul3A_2675 : i32
        %add3A_2677 = arith.constant 12 : i32
        %add3A_2678 = arith.addi %mul3A_2676, %add3A_2677 : i32
        %broadcast_in_dim3A_2679 = vector.broadcast %add3A_2678 : i32 to vector<16xi32>
        tpu.vector_store_idx %arg16[%add3A_2674], %broadcast_in_dim3A_2679 masked %le3A_2670 : memref<2048xi32, #tpu.memory_space<vmem>>[vector<16xi32>], vector<16xi32>, vector<16xi1>
        %convert_element_type3A_2680 = arith.extui %le3A_2670 : vector<16xi1> to vector<16xi32>
        %add3A_2681 = arith.addi %add3A_2650, %convert_element_type3A_2680 : vector<16xi32>
        %slice3A_2682 = vector.extract_strided_slice %get3A_2272 {offsets = [13], sizes = [1], strides = [1]} : vector<16xf32> to vector<1xf32>
        %squeeze3A_2683 = vector.extract %slice3A_2682[0] : f32 from vector<1xf32>
        %sub3A_2684 = vector.broadcast %squeeze3A_2683 : f32 to vector<16xf32>
        %sub3A_2685 = arith.subf %get3A_46, %sub3A_2684 : vector<16xf32>
        %slice3A_2686 = vector.extract_strided_slice %get3A_2276 {offsets = [13], sizes = [1], strides = [1]} : vector<16xf32> to vector<1xf32>
        %squeeze3A_2687 = vector.extract %slice3A_2686[0] : f32 from vector<1xf32>
        %sub3A_2688 = vector.broadcast %squeeze3A_2687 : f32 to vector<16xf32>
        %sub3A_2689 = arith.subf %get3A_50, %sub3A_2688 : vector<16xf32>
        %slice3A_2690 = vector.extract_strided_slice %get3A_2280 {offsets = [13], sizes = [1], strides = [1]} : vector<16xf32> to vector<1xf32>
        %squeeze3A_2691 = vector.extract %slice3A_2690[0] : f32 from vector<1xf32>
        %sub3A_2692 = vector.broadcast %squeeze3A_2691 : f32 to vector<16xf32>
        %sub3A_2693 = arith.subf %get3A_54, %sub3A_2692 : vector<16xf32>
        %mul3A_2694 = arith.mulf %sub3A_2685, %sub3A_2685 : vector<16xf32>
        %mul3A_2695 = arith.mulf %sub3A_2689, %sub3A_2689 : vector<16xf32>
        %add3A_2696 = arith.addf %mul3A_2694, %mul3A_2695 : vector<16xf32>
        %mul3A_2697 = arith.mulf %sub3A_2693, %sub3A_2693 : vector<16xf32>
        %add3A_2698 = arith.addf %add3A_2696, %mul3A_2697 : vector<16xf32>
        %le3A_2699 = arith.constant 4.000000e-02 : f32
        %le3A_2700 = vector.broadcast %le3A_2699 : f32 to vector<16xf32>
        %le3A_2701 = arith.cmpf ole, %add3A_2698, %le3A_2700 : vector<16xf32>
        %min3A_2702 = arith.constant 126 : i32
        %min3A_2703 = vector.broadcast %min3A_2702 : i32 to vector<16xi32>
        %min3A_2704 = arith.minsi %add3A_2681, %min3A_2703 : vector<16xi32>
        %add3A_2705 = arith.addi %mul3A_35, %min3A_2704 : vector<16xi32>
        %mul3A_2706 = arith.constant 16 : i32
        %mul3A_2707 = arith.muli %scan3A_2267, %mul3A_2706 : i32
        %add3A_2708 = arith.constant 13 : i32
        %add3A_2709 = arith.addi %mul3A_2707, %add3A_2708 : i32
        %broadcast_in_dim3A_2710 = vector.broadcast %add3A_2709 : i32 to vector<16xi32>
        tpu.vector_store_idx %arg16[%add3A_2705], %broadcast_in_dim3A_2710 masked %le3A_2701 : memref<2048xi32, #tpu.memory_space<vmem>>[vector<16xi32>], vector<16xi32>, vector<16xi1>
        %convert_element_type3A_2711 = arith.extui %le3A_2701 : vector<16xi1> to vector<16xi32>
        %add3A_2712 = arith.addi %add3A_2681, %convert_element_type3A_2711 : vector<16xi32>
        %slice3A_2713 = vector.extract_strided_slice %get3A_2272 {offsets = [14], sizes = [1], strides = [1]} : vector<16xf32> to vector<1xf32>
        %squeeze3A_2714 = vector.extract %slice3A_2713[0] : f32 from vector<1xf32>
        %sub3A_2715 = vector.broadcast %squeeze3A_2714 : f32 to vector<16xf32>
        %sub3A_2716 = arith.subf %get3A_46, %sub3A_2715 : vector<16xf32>
        %slice3A_2717 = vector.extract_strided_slice %get3A_2276 {offsets = [14], sizes = [1], strides = [1]} : vector<16xf32> to vector<1xf32>
        %squeeze3A_2718 = vector.extract %slice3A_2717[0] : f32 from vector<1xf32>
        %sub3A_2719 = vector.broadcast %squeeze3A_2718 : f32 to vector<16xf32>
        %sub3A_2720 = arith.subf %get3A_50, %sub3A_2719 : vector<16xf32>
        %slice3A_2721 = vector.extract_strided_slice %get3A_2280 {offsets = [14], sizes = [1], strides = [1]} : vector<16xf32> to vector<1xf32>
        %squeeze3A_2722 = vector.extract %slice3A_2721[0] : f32 from vector<1xf32>
        %sub3A_2723 = vector.broadcast %squeeze3A_2722 : f32 to vector<16xf32>
        %sub3A_2724 = arith.subf %get3A_54, %sub3A_2723 : vector<16xf32>
        %mul3A_2725 = arith.mulf %sub3A_2716, %sub3A_2716 : vector<16xf32>
        %mul3A_2726 = arith.mulf %sub3A_2720, %sub3A_2720 : vector<16xf32>
        %add3A_2727 = arith.addf %mul3A_2725, %mul3A_2726 : vector<16xf32>
        %mul3A_2728 = arith.mulf %sub3A_2724, %sub3A_2724 : vector<16xf32>
        %add3A_2729 = arith.addf %add3A_2727, %mul3A_2728 : vector<16xf32>
        %le3A_2730 = arith.constant 4.000000e-02 : f32
        %le3A_2731 = vector.broadcast %le3A_2730 : f32 to vector<16xf32>
        %le3A_2732 = arith.cmpf ole, %add3A_2729, %le3A_2731 : vector<16xf32>
        %min3A_2733 = arith.constant 126 : i32
        %min3A_2734 = vector.broadcast %min3A_2733 : i32 to vector<16xi32>
        %min3A_2735 = arith.minsi %add3A_2712, %min3A_2734 : vector<16xi32>
        %add3A_2736 = arith.addi %mul3A_35, %min3A_2735 : vector<16xi32>
        %mul3A_2737 = arith.constant 16 : i32
        %mul3A_2738 = arith.muli %scan3A_2267, %mul3A_2737 : i32
        %add3A_2739 = arith.constant 14 : i32
        %add3A_2740 = arith.addi %mul3A_2738, %add3A_2739 : i32
        %broadcast_in_dim3A_2741 = vector.broadcast %add3A_2740 : i32 to vector<16xi32>
        tpu.vector_store_idx %arg16[%add3A_2736], %broadcast_in_dim3A_2741 masked %le3A_2732 : memref<2048xi32, #tpu.memory_space<vmem>>[vector<16xi32>], vector<16xi32>, vector<16xi1>
        %convert_element_type3A_2742 = arith.extui %le3A_2732 : vector<16xi1> to vector<16xi32>
        %add3A_2743 = arith.addi %add3A_2712, %convert_element_type3A_2742 : vector<16xi32>
        %slice3A_2744 = vector.extract_strided_slice %get3A_2272 {offsets = [15], sizes = [1], strides = [1]} : vector<16xf32> to vector<1xf32>
        %squeeze3A_2745 = vector.extract %slice3A_2744[0] : f32 from vector<1xf32>
        %sub3A_2746 = vector.broadcast %squeeze3A_2745 : f32 to vector<16xf32>
        %sub3A_2747 = arith.subf %get3A_46, %sub3A_2746 : vector<16xf32>
        %slice3A_2748 = vector.extract_strided_slice %get3A_2276 {offsets = [15], sizes = [1], strides = [1]} : vector<16xf32> to vector<1xf32>
        %squeeze3A_2749 = vector.extract %slice3A_2748[0] : f32 from vector<1xf32>
        %sub3A_2750 = vector.broadcast %squeeze3A_2749 : f32 to vector<16xf32>
        %sub3A_2751 = arith.subf %get3A_50, %sub3A_2750 : vector<16xf32>
        %slice3A_2752 = vector.extract_strided_slice %get3A_2280 {offsets = [15], sizes = [1], strides = [1]} : vector<16xf32> to vector<1xf32>
        %squeeze3A_2753 = vector.extract %slice3A_2752[0] : f32 from vector<1xf32>
        %sub3A_2754 = vector.broadcast %squeeze3A_2753 : f32 to vector<16xf32>
        %sub3A_2755 = arith.subf %get3A_54, %sub3A_2754 : vector<16xf32>
        %mul3A_2756 = arith.mulf %sub3A_2747, %sub3A_2747 : vector<16xf32>
        %mul3A_2757 = arith.mulf %sub3A_2751, %sub3A_2751 : vector<16xf32>
        %add3A_2758 = arith.addf %mul3A_2756, %mul3A_2757 : vector<16xf32>
        %mul3A_2759 = arith.mulf %sub3A_2755, %sub3A_2755 : vector<16xf32>
        %add3A_2760 = arith.addf %add3A_2758, %mul3A_2759 : vector<16xf32>
        %le3A_2761 = arith.constant 4.000000e-02 : f32
        %le3A_2762 = vector.broadcast %le3A_2761 : f32 to vector<16xf32>
        %le3A_2763 = arith.cmpf ole, %add3A_2760, %le3A_2762 : vector<16xf32>
        %min3A_2764 = arith.constant 126 : i32
        %min3A_2765 = vector.broadcast %min3A_2764 : i32 to vector<16xi32>
        %min3A_2766 = arith.minsi %add3A_2743, %min3A_2765 : vector<16xi32>
        %add3A_2767 = arith.addi %mul3A_35, %min3A_2766 : vector<16xi32>
        %mul3A_2768 = arith.constant 16 : i32
        %mul3A_2769 = arith.muli %scan3A_2267, %mul3A_2768 : i32
        %add3A_2770 = arith.constant 15 : i32
        %add3A_2771 = arith.addi %mul3A_2769, %add3A_2770 : i32
        %broadcast_in_dim3A_2772 = vector.broadcast %add3A_2771 : i32 to vector<16xi32>
        tpu.vector_store_idx %arg16[%add3A_2767], %broadcast_in_dim3A_2772 masked %le3A_2763 : memref<2048xi32, #tpu.memory_space<vmem>>[vector<16xi32>], vector<16xi32>, vector<16xi1>
        %convert_element_type3A_2773 = arith.extui %le3A_2763 : vector<16xi1> to vector<16xi32>
        %add3A_2774 = arith.addi %add3A_2743, %convert_element_type3A_2773 : vector<16xi32>
        scf.yield %add3A_2774 : vector<16xi32>
      }
      %scan3A_61 = arith.constant 256 : i32
      %slice3A = vector.extract_strided_slice %scan3A_60 {offsets = [0], sizes = [1], strides = [1]} : vector<16xi32> to vector<1xi32>
      %squeeze3A = vector.extract %slice3A[0] : i32 from vector<1xi32>
      %min3A = arith.constant 64 : i32
      %min3A_62 = arith.minsi %squeeze3A, %min3A : i32
      %get3A_63 = arith.constant 0 : index
      %get3A_64 = tpu.vector_load %arg16[%get3A_63] {strides = array<i32>} : memref<2048xi32, #tpu.memory_space<vmem>>, vector<16xi32>,
      %slice3A_65 = vector.extract_strided_slice %get3A_64 {offsets = [0], sizes = [1], strides = [1]} : vector<16xi32> to vector<1xi32>
      %squeeze3A_66 = vector.extract %slice3A_65[0] : i32 from vector<1xi32>
      %slice3A_67 = vector.extract_strided_slice %get3A_46 {offsets = [0], sizes = [1], strides = [1]} : vector<16xf32> to vector<1xf32>
      %squeeze3A_68 = vector.extract %slice3A_67[0] : f32 from vector<1xf32>
      %slice3A_69 = vector.extract_strided_slice %get3A_50 {offsets = [0], sizes = [1], strides = [1]} : vector<16xf32> to vector<1xf32>
      %squeeze3A_70 = vector.extract %slice3A_69[0] : f32 from vector<1xf32>
      %slice3A_71 = vector.extract_strided_slice %get3A_54 {offsets = [0], sizes = [1], strides = [1]} : vector<16xf32> to vector<1xf32>
      %squeeze3A_72 = vector.extract %slice3A_71[0] : f32 from vector<1xf32>
      %mul3A_73 = arith.constant 16 : i32
      %mul3A_74 = arith.muli %scan3A_42, %mul3A_73 : i32
      %add3A_75 = arith.constant 0 : i32
      %add3A_76 = arith.addi %mul3A_74, %add3A_75 : i32
      %get3A_77 = arith.constant 0 : index
      %get3A_78 = tpu.vector_load %arg16[%get3A_77] {strides = array<i32>} : memref<2048xi32, #tpu.memory_space<vmem>>, vector<16xi32>,
      %add3A_79 = arith.constant 0 : i32
      %add3A_80 = vector.broadcast %add3A_79 : i32 to vector<16xi32>
      %add3A_81 = arith.addi %iota3A, %add3A_80 : vector<16xi32>
      %lt3A_82 = vector.broadcast %min3A_62 : i32 to vector<16xi32>
      %lt3A_83 = arith.cmpi slt, %add3A_81, %lt3A_82 : vector<16xi32>
      %broadcast_in_dim3A_84 = vector.broadcast %squeeze3A_66 : i32 to vector<16xi32>
      %select_n3A_85 = arith.select %lt3A_83, %get3A_78, %broadcast_in_dim3A_84 : vector<16xi1>, vector<16xi32>
      %gather3A = tpu.vector_load_idx %arg10[%select_n3A_85] : memref<4096xf32, #tpu.memory_space<vmem>>[vector<16xi32>], vector<16xf32>,
      %sub3A_86 = vector.broadcast %squeeze3A_68 : f32 to vector<16xf32>
      %sub3A_87 = arith.subf %gather3A, %sub3A_86 : vector<16xf32>
      %gather3A_88 = tpu.vector_load_idx %arg11[%select_n3A_85] : memref<4096xf32, #tpu.memory_space<vmem>>[vector<16xi32>], vector<16xf32>,
      %sub3A_89 = vector.broadcast %squeeze3A_70 : f32 to vector<16xf32>
      %sub3A_90 = arith.subf %gather3A_88, %sub3A_89 : vector<16xf32>
      %gather3A_91 = tpu.vector_load_idx %arg12[%select_n3A_85] : memref<4096xf32, #tpu.memory_space<vmem>>[vector<16xi32>], vector<16xf32>,
      %sub3A_92 = vector.broadcast %squeeze3A_72 : f32 to vector<16xf32>
      %sub3A_93 = arith.subf %gather3A_91, %sub3A_92 : vector<16xf32>
      %add3A_94 = arith.constant 0 : i32
      %add3A_95 = vector.broadcast %add3A_94 : i32 to vector<16xi32>
      %add3A_96 = arith.addi %iota3A, %add3A_95 : vector<16xi32>
      %broadcast_in_dim3A_97 = vector.broadcast %add3A_76 : i32 to vector<16xi32>
      tpu.vector_store_idx %arg17[%add3A_96, %broadcast_in_dim3A_97], %select_n3A_85 : memref<64x128xi32, #tpu.memory_space<vmem>>[vector<16xi32>, vector<16xi32>], vector<16xi32>,
      %broadcast_in_dim3A_98 = arith.constant 0 : i32
      %broadcast_in_dim3A_99 = vector.broadcast %broadcast_in_dim3A_98 : i32 to vector<16xi32>
      tpu.vector_store_idx %arg18[%broadcast_in_dim3A_99, %add3A_96, %broadcast_in_dim3A_97], %sub3A_87 : memref<3x64x128xf32, #tpu.memory_space<vmem>>[vector<16xi32>, vector<16xi32>, vector<16xi32>], vector<16xf32>,
      %add3A_100 = arith.constant 1 : i32
      %add3A_101 = vector.broadcast %add3A_100 : i32 to vector<16xi32>
      %add3A_102 = arith.addi %broadcast_in_dim3A_99, %add3A_101 : vector<16xi32>
      tpu.vector_store_idx %arg18[%add3A_102, %add3A_96, %broadcast_in_dim3A_97], %sub3A_90 : memref<3x64x128xf32, #tpu.memory_space<vmem>>[vector<16xi32>, vector<16xi32>, vector<16xi32>], vector<16xf32>,
      %add3A_103 = arith.constant 2 : i32
      %add3A_104 = vector.broadcast %add3A_103 : i32 to vector<16xi32>
      %add3A_105 = arith.addi %broadcast_in_dim3A_99, %add3A_104 : vector<16xi32>
      tpu.vector_store_idx %arg18[%add3A_105, %add3A_96, %broadcast_in_dim3A_97], %sub3A_93 : memref<3x64x128xf32, #tpu.memory_space<vmem>>[vector<16xi32>, vector<16xi32>, vector<16xi32>], vector<16xf32>,
      %get3A_106 = arith.constant 16 : index
      %get3A_107 = tpu.vector_load %arg16[%get3A_106] {strides = array<i32>} : memref<2048xi32, #tpu.memory_space<vmem>>, vector<16xi32>,
      %add3A_108 = arith.constant 16 : i32
      %add3A_109 = vector.broadcast %add3A_108 : i32 to vector<16xi32>
      %add3A_110 = arith.addi %iota3A, %add3A_109 : vector<16xi32>
      %lt3A_111 = vector.broadcast %min3A_62 : i32 to vector<16xi32>
      %lt3A_112 = arith.cmpi slt, %add3A_110, %lt3A_111 : vector<16xi32>
      %broadcast_in_dim3A_113 = vector.broadcast %squeeze3A_66 : i32 to vector<16xi32>
      %select_n3A_114 = arith.select %lt3A_112, %get3A_107, %broadcast_in_dim3A_113 : vector<16xi1>, vector<16xi32>
      %gather3A_115 = tpu.vector_load_idx %arg10[%select_n3A_114] : memref<4096xf32, #tpu.memory_space<vmem>>[vector<16xi32>], vector<16xf32>,
      %sub3A_116 = vector.broadcast %squeeze3A_68 : f32 to vector<16xf32>
      %sub3A_117 = arith.subf %gather3A_115, %sub3A_116 : vector<16xf32>
      %gather3A_118 = tpu.vector_load_idx %arg11[%select_n3A_114] : memref<4096xf32, #tpu.memory_space<vmem>>[vector<16xi32>], vector<16xf32>,
      %sub3A_119 = vector.broadcast %squeeze3A_70 : f32 to vector<16xf32>
      %sub3A_120 = arith.subf %gather3A_118, %sub3A_119 : vector<16xf32>
      %gather3A_121 = tpu.vector_load_idx %arg12[%select_n3A_114] : memref<4096xf32, #tpu.memory_space<vmem>>[vector<16xi32>], vector<16xf32>,
      %sub3A_122 = vector.broadcast %squeeze3A_72 : f32 to vector<16xf32>
      %sub3A_123 = arith.subf %gather3A_121, %sub3A_122 : vector<16xf32>
      %add3A_124 = arith.constant 16 : i32
      %add3A_125 = vector.broadcast %add3A_124 : i32 to vector<16xi32>
      %add3A_126 = arith.addi %iota3A, %add3A_125 : vector<16xi32>
      %broadcast_in_dim3A_127 = vector.broadcast %add3A_76 : i32 to vector<16xi32>
      tpu.vector_store_idx %arg17[%add3A_126, %broadcast_in_dim3A_127], %select_n3A_114 : memref<64x128xi32, #tpu.memory_space<vmem>>[vector<16xi32>, vector<16xi32>], vector<16xi32>,
      %broadcast_in_dim3A_128 = arith.constant 0 : i32
      %broadcast_in_dim3A_129 = vector.broadcast %broadcast_in_dim3A_128 : i32 to vector<16xi32>
      tpu.vector_store_idx %arg18[%broadcast_in_dim3A_129, %add3A_126, %broadcast_in_dim3A_127], %sub3A_117 : memref<3x64x128xf32, #tpu.memory_space<vmem>>[vector<16xi32>, vector<16xi32>, vector<16xi32>], vector<16xf32>,
      %add3A_130 = arith.constant 1 : i32
      %add3A_131 = vector.broadcast %add3A_130 : i32 to vector<16xi32>
      %add3A_132 = arith.addi %broadcast_in_dim3A_129, %add3A_131 : vector<16xi32>
      tpu.vector_store_idx %arg18[%add3A_132, %add3A_126, %broadcast_in_dim3A_127], %sub3A_120 : memref<3x64x128xf32, #tpu.memory_space<vmem>>[vector<16xi32>, vector<16xi32>, vector<16xi32>], vector<16xf32>,
      %add3A_133 = arith.constant 2 : i32
      %add3A_134 = vector.broadcast %add3A_133 : i32 to vector<16xi32>
      %add3A_135 = arith.addi %broadcast_in_dim3A_129, %add3A_134 : vector<16xi32>
      tpu.vector_store_idx %arg18[%add3A_135, %add3A_126, %broadcast_in_dim3A_127], %sub3A_123 : memref<3x64x128xf32, #tpu.memory_space<vmem>>[vector<16xi32>, vector<16xi32>, vector<16xi32>], vector<16xf32>,
      %get3A_136 = arith.constant 32 : index
      %get3A_137 = tpu.vector_load %arg16[%get3A_136] {strides = array<i32>} : memref<2048xi32, #tpu.memory_space<vmem>>, vector<16xi32>,
      %add3A_138 = arith.constant 32 : i32
      %add3A_139 = vector.broadcast %add3A_138 : i32 to vector<16xi32>
      %add3A_140 = arith.addi %iota3A, %add3A_139 : vector<16xi32>
      %lt3A_141 = vector.broadcast %min3A_62 : i32 to vector<16xi32>
      %lt3A_142 = arith.cmpi slt, %add3A_140, %lt3A_141 : vector<16xi32>
      %broadcast_in_dim3A_143 = vector.broadcast %squeeze3A_66 : i32 to vector<16xi32>
      %select_n3A_144 = arith.select %lt3A_142, %get3A_137, %broadcast_in_dim3A_143 : vector<16xi1>, vector<16xi32>
      %gather3A_145 = tpu.vector_load_idx %arg10[%select_n3A_144] : memref<4096xf32, #tpu.memory_space<vmem>>[vector<16xi32>], vector<16xf32>,
      %sub3A_146 = vector.broadcast %squeeze3A_68 : f32 to vector<16xf32>
      %sub3A_147 = arith.subf %gather3A_145, %sub3A_146 : vector<16xf32>
      %gather3A_148 = tpu.vector_load_idx %arg11[%select_n3A_144] : memref<4096xf32, #tpu.memory_space<vmem>>[vector<16xi32>], vector<16xf32>,
      %sub3A_149 = vector.broadcast %squeeze3A_70 : f32 to vector<16xf32>
      %sub3A_150 = arith.subf %gather3A_148, %sub3A_149 : vector<16xf32>
      %gather3A_151 = tpu.vector_load_idx %arg12[%select_n3A_144] : memref<4096xf32, #tpu.memory_space<vmem>>[vector<16xi32>], vector<16xf32>,
      %sub3A_152 = vector.broadcast %squeeze3A_72 : f32 to vector<16xf32>
      %sub3A_153 = arith.subf %gather3A_151, %sub3A_152 : vector<16xf32>
      %add3A_154 = arith.constant 32 : i32
      %add3A_155 = vector.broadcast %add3A_154 : i32 to vector<16xi32>
      %add3A_156 = arith.addi %iota3A, %add3A_155 : vector<16xi32>
      %broadcast_in_dim3A_157 = vector.broadcast %add3A_76 : i32 to vector<16xi32>
      tpu.vector_store_idx %arg17[%add3A_156, %broadcast_in_dim3A_157], %select_n3A_144 : memref<64x128xi32, #tpu.memory_space<vmem>>[vector<16xi32>, vector<16xi32>], vector<16xi32>,
      %broadcast_in_dim3A_158 = arith.constant 0 : i32
      %broadcast_in_dim3A_159 = vector.broadcast %broadcast_in_dim3A_158 : i32 to vector<16xi32>
      tpu.vector_store_idx %arg18[%broadcast_in_dim3A_159, %add3A_156, %broadcast_in_dim3A_157], %sub3A_147 : memref<3x64x128xf32, #tpu.memory_space<vmem>>[vector<16xi32>, vector<16xi32>, vector<16xi32>], vector<16xf32>,
      %add3A_160 = arith.constant 1 : i32
      %add3A_161 = vector.broadcast %add3A_160 : i32 to vector<16xi32>
      %add3A_162 = arith.addi %broadcast_in_dim3A_159, %add3A_161 : vector<16xi32>
      tpu.vector_store_idx %arg18[%add3A_162, %add3A_156, %broadcast_in_dim3A_157], %sub3A_150 : memref<3x64x128xf32, #tpu.memory_space<vmem>>[vector<16xi32>, vector<16xi32>, vector<16xi32>], vector<16xf32>,
      %add3A_163 = arith.constant 2 : i32
      %add3A_164 = vector.broadcast %add3A_163 : i32 to vector<16xi32>
      %add3A_165 = arith.addi %broadcast_in_dim3A_159, %add3A_164 : vector<16xi32>
      tpu.vector_store_idx %arg18[%add3A_165, %add3A_156, %broadcast_in_dim3A_157], %sub3A_153 : memref<3x64x128xf32, #tpu.memory_space<vmem>>[vector<16xi32>, vector<16xi32>, vector<16xi32>], vector<16xf32>,
      %get3A_166 = arith.constant 48 : index
      %get3A_167 = tpu.vector_load %arg16[%get3A_166] {strides = array<i32>} : memref<2048xi32, #tpu.memory_space<vmem>>, vector<16xi32>,
      %add3A_168 = arith.constant 48 : i32
      %add3A_169 = vector.broadcast %add3A_168 : i32 to vector<16xi32>
      %add3A_170 = arith.addi %iota3A, %add3A_169 : vector<16xi32>
      %lt3A_171 = vector.broadcast %min3A_62 : i32 to vector<16xi32>
      %lt3A_172 = arith.cmpi slt, %add3A_170, %lt3A_171 : vector<16xi32>
      %broadcast_in_dim3A_173 = vector.broadcast %squeeze3A_66 : i32 to vector<16xi32>
      %select_n3A_174 = arith.select %lt3A_172, %get3A_167, %broadcast_in_dim3A_173 : vector<16xi1>, vector<16xi32>
      %gather3A_175 = tpu.vector_load_idx %arg10[%select_n3A_174] : memref<4096xf32, #tpu.memory_space<vmem>>[vector<16xi32>], vector<16xf32>,
      %sub3A_176 = vector.broadcast %squeeze3A_68 : f32 to vector<16xf32>
      %sub3A_177 = arith.subf %gather3A_175, %sub3A_176 : vector<16xf32>
      %gather3A_178 = tpu.vector_load_idx %arg11[%select_n3A_174] : memref<4096xf32, #tpu.memory_space<vmem>>[vector<16xi32>], vector<16xf32>,
      %sub3A_179 = vector.broadcast %squeeze3A_70 : f32 to vector<16xf32>
      %sub3A_180 = arith.subf %gather3A_178, %sub3A_179 : vector<16xf32>
      %gather3A_181 = tpu.vector_load_idx %arg12[%select_n3A_174] : memref<4096xf32, #tpu.memory_space<vmem>>[vector<16xi32>], vector<16xf32>,
      %sub3A_182 = vector.broadcast %squeeze3A_72 : f32 to vector<16xf32>
      %sub3A_183 = arith.subf %gather3A_181, %sub3A_182 : vector<16xf32>
      %add3A_184 = arith.constant 48 : i32
      %add3A_185 = vector.broadcast %add3A_184 : i32 to vector<16xi32>
      %add3A_186 = arith.addi %iota3A, %add3A_185 : vector<16xi32>
      %broadcast_in_dim3A_187 = vector.broadcast %add3A_76 : i32 to vector<16xi32>
      tpu.vector_store_idx %arg17[%add3A_186, %broadcast_in_dim3A_187], %select_n3A_174 : memref<64x128xi32, #tpu.memory_space<vmem>>[vector<16xi32>, vector<16xi32>], vector<16xi32>,
      %broadcast_in_dim3A_188 = arith.constant 0 : i32
      %broadcast_in_dim3A_189 = vector.broadcast %broadcast_in_dim3A_188 : i32 to vector<16xi32>
      tpu.vector_store_idx %arg18[%broadcast_in_dim3A_189, %add3A_186, %broadcast_in_dim3A_187], %sub3A_177 : memref<3x64x128xf32, #tpu.memory_space<vmem>>[vector<16xi32>, vector<16xi32>, vector<16xi32>], vector<16xf32>,
      %add3A_190 = arith.constant 1 : i32
      %add3A_191 = vector.broadcast %add3A_190 : i32 to vector<16xi32>
      %add3A_192 = arith.addi %broadcast_in_dim3A_189, %add3A_191 : vector<16xi32>
      tpu.vector_store_idx %arg18[%add3A_192, %add3A_186, %broadcast_in_dim3A_187], %sub3A_180 : memref<3x64x128xf32, #tpu.memory_space<vmem>>[vector<16xi32>, vector<16xi32>, vector<16xi32>], vector<16xf32>,
      %add3A_193 = arith.constant 2 : i32
      %add3A_194 = vector.broadcast %add3A_193 : i32 to vector<16xi32>
      %add3A_195 = arith.addi %broadcast_in_dim3A_189, %add3A_194 : vector<16xi32>
      tpu.vector_store_idx %arg18[%add3A_195, %add3A_186, %broadcast_in_dim3A_187], %sub3A_183 : memref<3x64x128xf32, #tpu.memory_space<vmem>>[vector<16xi32>, vector<16xi32>, vector<16xi32>], vector<16xf32>,
      %slice3A_196 = vector.extract_strided_slice %scan3A_60 {offsets = [1], sizes = [1], strides = [1]} : vector<16xi32> to vector<1xi32>
      %squeeze3A_197 = vector.extract %slice3A_196[0] : i32 from vector<1xi32>
      %min3A_198 = arith.constant 64 : i32
      %min3A_199 = arith.minsi %squeeze3A_197, %min3A_198 : i32
      %get3A_200 = arith.constant 128 : index
      %get3A_201 = tpu.vector_load %arg16[%get3A_200] {strides = array<i32>} : memref<2048xi32, #tpu.memory_space<vmem>>, vector<16xi32>,
      %slice3A_202 = vector.extract_strided_slice %get3A_201 {offsets = [0], sizes = [1], strides = [1]} : vector<16xi32> to vector<1xi32>
      %squeeze3A_203 = vector.extract %slice3A_202[0] : i32 from vector<1xi32>
      %slice3A_204 = vector.extract_strided_slice %get3A_46 {offsets = [1], sizes = [1], strides = [1]} : vector<16xf32> to vector<1xf32>
      %squeeze3A_205 = vector.extract %slice3A_204[0] : f32 from vector<1xf32>
      %slice3A_206 = vector.extract_strided_slice %get3A_50 {offsets = [1], sizes = [1], strides = [1]} : vector<16xf32> to vector<1xf32>
      %squeeze3A_207 = vector.extract %slice3A_206[0] : f32 from vector<1xf32>
      %slice3A_208 = vector.extract_strided_slice %get3A_54 {offsets = [1], sizes = [1], strides = [1]} : vector<16xf32> to vector<1xf32>
      %squeeze3A_209 = vector.extract %slice3A_208[0] : f32 from vector<1xf32>
      %mul3A_210 = arith.constant 16 : i32
      %mul3A_211 = arith.muli %scan3A_42, %mul3A_210 : i32
      %add3A_212 = arith.constant 1 : i32
      %add3A_213 = arith.addi %mul3A_211, %add3A_212 : i32
      %get3A_214 = arith.constant 128 : index
      %get3A_215 = tpu.vector_load %arg16[%get3A_214] {strides = array<i32>} : memref<2048xi32, #tpu.memory_space<vmem>>, vector<16xi32>,
      %add3A_216 = arith.constant 0 : i32
      %add3A_217 = vector.broadcast %add3A_216 : i32 to vector<16xi32>
      %add3A_218 = arith.addi %iota3A, %add3A_217 : vector<16xi32>
      %lt3A_219 = vector.broadcast %min3A_199 : i32 to vector<16xi32>
      %lt3A_220 = arith.cmpi slt, %add3A_218, %lt3A_219 : vector<16xi32>
      %broadcast_in_dim3A_221 = vector.broadcast %squeeze3A_203 : i32 to vector<16xi32>
      %select_n3A_222 = arith.select %lt3A_220, %get3A_215, %broadcast_in_dim3A_221 : vector<16xi1>, vector<16xi32>
      %gather3A_223 = tpu.vector_load_idx %arg10[%select_n3A_222] : memref<4096xf32, #tpu.memory_space<vmem>>[vector<16xi32>], vector<16xf32>,
      %sub3A_224 = vector.broadcast %squeeze3A_205 : f32 to vector<16xf32>
      %sub3A_225 = arith.subf %gather3A_223, %sub3A_224 : vector<16xf32>
      %gather3A_226 = tpu.vector_load_idx %arg11[%select_n3A_222] : memref<4096xf32, #tpu.memory_space<vmem>>[vector<16xi32>], vector<16xf32>,
      %sub3A_227 = vector.broadcast %squeeze3A_207 : f32 to vector<16xf32>
      %sub3A_228 = arith.subf %gather3A_226, %sub3A_227 : vector<16xf32>
      %gather3A_229 = tpu.vector_load_idx %arg12[%select_n3A_222] : memref<4096xf32, #tpu.memory_space<vmem>>[vector<16xi32>], vector<16xf32>,
      %sub3A_230 = vector.broadcast %squeeze3A_209 : f32 to vector<16xf32>
      %sub3A_231 = arith.subf %gather3A_229, %sub3A_230 : vector<16xf32>
      %add3A_232 = arith.constant 0 : i32
      %add3A_233 = vector.broadcast %add3A_232 : i32 to vector<16xi32>
      %add3A_234 = arith.addi %iota3A, %add3A_233 : vector<16xi32>
      %broadcast_in_dim3A_235 = vector.broadcast %add3A_213 : i32 to vector<16xi32>
      tpu.vector_store_idx %arg17[%add3A_234, %broadcast_in_dim3A_235], %select_n3A_222 : memref<64x128xi32, #tpu.memory_space<vmem>>[vector<16xi32>, vector<16xi32>], vector<16xi32>,
      %broadcast_in_dim3A_236 = arith.constant 0 : i32
      %broadcast_in_dim3A_237 = vector.broadcast %broadcast_in_dim3A_236 : i32 to vector<16xi32>
      tpu.vector_store_idx %arg18[%broadcast_in_dim3A_237, %add3A_234, %broadcast_in_dim3A_235], %sub3A_225 : memref<3x64x128xf32, #tpu.memory_space<vmem>>[vector<16xi32>, vector<16xi32>, vector<16xi32>], vector<16xf32>,
      %add3A_238 = arith.constant 1 : i32
      %add3A_239 = vector.broadcast %add3A_238 : i32 to vector<16xi32>
      %add3A_240 = arith.addi %broadcast_in_dim3A_237, %add3A_239 : vector<16xi32>
      tpu.vector_store_idx %arg18[%add3A_240, %add3A_234, %broadcast_in_dim3A_235], %sub3A_228 : memref<3x64x128xf32, #tpu.memory_space<vmem>>[vector<16xi32>, vector<16xi32>, vector<16xi32>], vector<16xf32>,
      %add3A_241 = arith.constant 2 : i32
      %add3A_242 = vector.broadcast %add3A_241 : i32 to vector<16xi32>
      %add3A_243 = arith.addi %broadcast_in_dim3A_237, %add3A_242 : vector<16xi32>
      tpu.vector_store_idx %arg18[%add3A_243, %add3A_234, %broadcast_in_dim3A_235], %sub3A_231 : memref<3x64x128xf32, #tpu.memory_space<vmem>>[vector<16xi32>, vector<16xi32>, vector<16xi32>], vector<16xf32>,
      %get3A_244 = arith.constant 144 : index
      %get3A_245 = tpu.vector_load %arg16[%get3A_244] {strides = array<i32>} : memref<2048xi32, #tpu.memory_space<vmem>>, vector<16xi32>,
      %add3A_246 = arith.constant 16 : i32
      %add3A_247 = vector.broadcast %add3A_246 : i32 to vector<16xi32>
      %add3A_248 = arith.addi %iota3A, %add3A_247 : vector<16xi32>
      %lt3A_249 = vector.broadcast %min3A_199 : i32 to vector<16xi32>
      %lt3A_250 = arith.cmpi slt, %add3A_248, %lt3A_249 : vector<16xi32>
      %broadcast_in_dim3A_251 = vector.broadcast %squeeze3A_203 : i32 to vector<16xi32>
      %select_n3A_252 = arith.select %lt3A_250, %get3A_245, %broadcast_in_dim3A_251 : vector<16xi1>, vector<16xi32>
      %gather3A_253 = tpu.vector_load_idx %arg10[%select_n3A_252] : memref<4096xf32, #tpu.memory_space<vmem>>[vector<16xi32>], vector<16xf32>,
      %sub3A_254 = vector.broadcast %squeeze3A_205 : f32 to vector<16xf32>
      %sub3A_255 = arith.subf %gather3A_253, %sub3A_254 : vector<16xf32>
      %gather3A_256 = tpu.vector_load_idx %arg11[%select_n3A_252] : memref<4096xf32, #tpu.memory_space<vmem>>[vector<16xi32>], vector<16xf32>,
      %sub3A_257 = vector.broadcast %squeeze3A_207 : f32 to vector<16xf32>
      %sub3A_258 = arith.subf %gather3A_256, %sub3A_257 : vector<16xf32>
      %gather3A_259 = tpu.vector_load_idx %arg12[%select_n3A_252] : memref<4096xf32, #tpu.memory_space<vmem>>[vector<16xi32>], vector<16xf32>,
      %sub3A_260 = vector.broadcast %squeeze3A_209 : f32 to vector<16xf32>
      %sub3A_261 = arith.subf %gather3A_259, %sub3A_260 : vector<16xf32>
      %add3A_262 = arith.constant 16 : i32
      %add3A_263 = vector.broadcast %add3A_262 : i32 to vector<16xi32>
      %add3A_264 = arith.addi %iota3A, %add3A_263 : vector<16xi32>
      %broadcast_in_dim3A_265 = vector.broadcast %add3A_213 : i32 to vector<16xi32>
      tpu.vector_store_idx %arg17[%add3A_264, %broadcast_in_dim3A_265], %select_n3A_252 : memref<64x128xi32, #tpu.memory_space<vmem>>[vector<16xi32>, vector<16xi32>], vector<16xi32>,
      %broadcast_in_dim3A_266 = arith.constant 0 : i32
      %broadcast_in_dim3A_267 = vector.broadcast %broadcast_in_dim3A_266 : i32 to vector<16xi32>
      tpu.vector_store_idx %arg18[%broadcast_in_dim3A_267, %add3A_264, %broadcast_in_dim3A_265], %sub3A_255 : memref<3x64x128xf32, #tpu.memory_space<vmem>>[vector<16xi32>, vector<16xi32>, vector<16xi32>], vector<16xf32>,
      %add3A_268 = arith.constant 1 : i32
      %add3A_269 = vector.broadcast %add3A_268 : i32 to vector<16xi32>
      %add3A_270 = arith.addi %broadcast_in_dim3A_267, %add3A_269 : vector<16xi32>
      tpu.vector_store_idx %arg18[%add3A_270, %add3A_264, %broadcast_in_dim3A_265], %sub3A_258 : memref<3x64x128xf32, #tpu.memory_space<vmem>>[vector<16xi32>, vector<16xi32>, vector<16xi32>], vector<16xf32>,
      %add3A_271 = arith.constant 2 : i32
      %add3A_272 = vector.broadcast %add3A_271 : i32 to vector<16xi32>
      %add3A_273 = arith.addi %broadcast_in_dim3A_267, %add3A_272 : vector<16xi32>
      tpu.vector_store_idx %arg18[%add3A_273, %add3A_264, %broadcast_in_dim3A_265], %sub3A_261 : memref<3x64x128xf32, #tpu.memory_space<vmem>>[vector<16xi32>, vector<16xi32>, vector<16xi32>], vector<16xf32>,
      %get3A_274 = arith.constant 160 : index
      %get3A_275 = tpu.vector_load %arg16[%get3A_274] {strides = array<i32>} : memref<2048xi32, #tpu.memory_space<vmem>>, vector<16xi32>,
      %add3A_276 = arith.constant 32 : i32
      %add3A_277 = vector.broadcast %add3A_276 : i32 to vector<16xi32>
      %add3A_278 = arith.addi %iota3A, %add3A_277 : vector<16xi32>
      %lt3A_279 = vector.broadcast %min3A_199 : i32 to vector<16xi32>
      %lt3A_280 = arith.cmpi slt, %add3A_278, %lt3A_279 : vector<16xi32>
      %broadcast_in_dim3A_281 = vector.broadcast %squeeze3A_203 : i32 to vector<16xi32>
      %select_n3A_282 = arith.select %lt3A_280, %get3A_275, %broadcast_in_dim3A_281 : vector<16xi1>, vector<16xi32>
      %gather3A_283 = tpu.vector_load_idx %arg10[%select_n3A_282] : memref<4096xf32, #tpu.memory_space<vmem>>[vector<16xi32>], vector<16xf32>,
      %sub3A_284 = vector.broadcast %squeeze3A_205 : f32 to vector<16xf32>
      %sub3A_285 = arith.subf %gather3A_283, %sub3A_284 : vector<16xf32>
      %gather3A_286 = tpu.vector_load_idx %arg11[%select_n3A_282] : memref<4096xf32, #tpu.memory_space<vmem>>[vector<16xi32>], vector<16xf32>,
      %sub3A_287 = vector.broadcast %squeeze3A_207 : f32 to vector<16xf32>
      %sub3A_288 = arith.subf %gather3A_286, %sub3A_287 : vector<16xf32>
      %gather3A_289 = tpu.vector_load_idx %arg12[%select_n3A_282] : memref<4096xf32, #tpu.memory_space<vmem>>[vector<16xi32>], vector<16xf32>,
      %sub3A_290 = vector.broadcast %squeeze3A_209 : f32 to vector<16xf32>
      %sub3A_291 = arith.subf %gather3A_289, %sub3A_290 : vector<16xf32>
      %add3A_292 = arith.constant 32 : i32
      %add3A_293 = vector.broadcast %add3A_292 : i32 to vector<16xi32>
      %add3A_294 = arith.addi %iota3A, %add3A_293 : vector<16xi32>
      %broadcast_in_dim3A_295 = vector.broadcast %add3A_213 : i32 to vector<16xi32>
      tpu.vector_store_idx %arg17[%add3A_294, %broadcast_in_dim3A_295], %select_n3A_282 : memref<64x128xi32, #tpu.memory_space<vmem>>[vector<16xi32>, vector<16xi32>], vector<16xi32>,
      %broadcast_in_dim3A_296 = arith.constant 0 : i32
      %broadcast_in_dim3A_297 = vector.broadcast %broadcast_in_dim3A_296 : i32 to vector<16xi32>
      tpu.vector_store_idx %arg18[%broadcast_in_dim3A_297, %add3A_294, %broadcast_in_dim3A_295], %sub3A_285 : memref<3x64x128xf32, #tpu.memory_space<vmem>>[vector<16xi32>, vector<16xi32>, vector<16xi32>], vector<16xf32>,
      %add3A_298 = arith.constant 1 : i32
      %add3A_299 = vector.broadcast %add3A_298 : i32 to vector<16xi32>
      %add3A_300 = arith.addi %broadcast_in_dim3A_297, %add3A_299 : vector<16xi32>
      tpu.vector_store_idx %arg18[%add3A_300, %add3A_294, %broadcast_in_dim3A_295], %sub3A_288 : memref<3x64x128xf32, #tpu.memory_space<vmem>>[vector<16xi32>, vector<16xi32>, vector<16xi32>], vector<16xf32>,
      %add3A_301 = arith.constant 2 : i32
      %add3A_302 = vector.broadcast %add3A_301 : i32 to vector<16xi32>
      %add3A_303 = arith.addi %broadcast_in_dim3A_297, %add3A_302 : vector<16xi32>
      tpu.vector_store_idx %arg18[%add3A_303, %add3A_294, %broadcast_in_dim3A_295], %sub3A_291 : memref<3x64x128xf32, #tpu.memory_space<vmem>>[vector<16xi32>, vector<16xi32>, vector<16xi32>], vector<16xf32>,
      %get3A_304 = arith.constant 176 : index
      %get3A_305 = tpu.vector_load %arg16[%get3A_304] {strides = array<i32>} : memref<2048xi32, #tpu.memory_space<vmem>>, vector<16xi32>,
      %add3A_306 = arith.constant 48 : i32
      %add3A_307 = vector.broadcast %add3A_306 : i32 to vector<16xi32>
      %add3A_308 = arith.addi %iota3A, %add3A_307 : vector<16xi32>
      %lt3A_309 = vector.broadcast %min3A_199 : i32 to vector<16xi32>
      %lt3A_310 = arith.cmpi slt, %add3A_308, %lt3A_309 : vector<16xi32>
      %broadcast_in_dim3A_311 = vector.broadcast %squeeze3A_203 : i32 to vector<16xi32>
      %select_n3A_312 = arith.select %lt3A_310, %get3A_305, %broadcast_in_dim3A_311 : vector<16xi1>, vector<16xi32>
      %gather3A_313 = tpu.vector_load_idx %arg10[%select_n3A_312] : memref<4096xf32, #tpu.memory_space<vmem>>[vector<16xi32>], vector<16xf32>,
      %sub3A_314 = vector.broadcast %squeeze3A_205 : f32 to vector<16xf32>
      %sub3A_315 = arith.subf %gather3A_313, %sub3A_314 : vector<16xf32>
      %gather3A_316 = tpu.vector_load_idx %arg11[%select_n3A_312] : memref<4096xf32, #tpu.memory_space<vmem>>[vector<16xi32>], vector<16xf32>,
      %sub3A_317 = vector.broadcast %squeeze3A_207 : f32 to vector<16xf32>
      %sub3A_318 = arith.subf %gather3A_316, %sub3A_317 : vector<16xf32>
      %gather3A_319 = tpu.vector_load_idx %arg12[%select_n3A_312] : memref<4096xf32, #tpu.memory_space<vmem>>[vector<16xi32>], vector<16xf32>,
      %sub3A_320 = vector.broadcast %squeeze3A_209 : f32 to vector<16xf32>
      %sub3A_321 = arith.subf %gather3A_319, %sub3A_320 : vector<16xf32>
      %add3A_322 = arith.constant 48 : i32
      %add3A_323 = vector.broadcast %add3A_322 : i32 to vector<16xi32>
      %add3A_324 = arith.addi %iota3A, %add3A_323 : vector<16xi32>
      %broadcast_in_dim3A_325 = vector.broadcast %add3A_213 : i32 to vector<16xi32>
      tpu.vector_store_idx %arg17[%add3A_324, %broadcast_in_dim3A_325], %select_n3A_312 : memref<64x128xi32, #tpu.memory_space<vmem>>[vector<16xi32>, vector<16xi32>], vector<16xi32>,
      %broadcast_in_dim3A_326 = arith.constant 0 : i32
      %broadcast_in_dim3A_327 = vector.broadcast %broadcast_in_dim3A_326 : i32 to vector<16xi32>
      tpu.vector_store_idx %arg18[%broadcast_in_dim3A_327, %add3A_324, %broadcast_in_dim3A_325], %sub3A_315 : memref<3x64x128xf32, #tpu.memory_space<vmem>>[vector<16xi32>, vector<16xi32>, vector<16xi32>], vector<16xf32>,
      %add3A_328 = arith.constant 1 : i32
      %add3A_329 = vector.broadcast %add3A_328 : i32 to vector<16xi32>
      %add3A_330 = arith.addi %broadcast_in_dim3A_327, %add3A_329 : vector<16xi32>
      tpu.vector_store_idx %arg18[%add3A_330, %add3A_324, %broadcast_in_dim3A_325], %sub3A_318 : memref<3x64x128xf32, #tpu.memory_space<vmem>>[vector<16xi32>, vector<16xi32>, vector<16xi32>], vector<16xf32>,
      %add3A_331 = arith.constant 2 : i32
      %add3A_332 = vector.broadcast %add3A_331 : i32 to vector<16xi32>
      %add3A_333 = arith.addi %broadcast_in_dim3A_327, %add3A_332 : vector<16xi32>
      tpu.vector_store_idx %arg18[%add3A_333, %add3A_324, %broadcast_in_dim3A_325], %sub3A_321 : memref<3x64x128xf32, #tpu.memory_space<vmem>>[vector<16xi32>, vector<16xi32>, vector<16xi32>], vector<16xf32>,
      %slice3A_334 = vector.extract_strided_slice %scan3A_60 {offsets = [2], sizes = [1], strides = [1]} : vector<16xi32> to vector<1xi32>
      %squeeze3A_335 = vector.extract %slice3A_334[0] : i32 from vector<1xi32>
      %min3A_336 = arith.constant 64 : i32
      %min3A_337 = arith.minsi %squeeze3A_335, %min3A_336 : i32
      %get3A_338 = arith.constant 256 : index
      %get3A_339 = tpu.vector_load %arg16[%get3A_338] {strides = array<i32>} : memref<2048xi32, #tpu.memory_space<vmem>>, vector<16xi32>,
      %slice3A_340 = vector.extract_strided_slice %get3A_339 {offsets = [0], sizes = [1], strides = [1]} : vector<16xi32> to vector<1xi32>
      %squeeze3A_341 = vector.extract %slice3A_340[0] : i32 from vector<1xi32>
      %slice3A_342 = vector.extract_strided_slice %get3A_46 {offsets = [2], sizes = [1], strides = [1]} : vector<16xf32> to vector<1xf32>
      %squeeze3A_343 = vector.extract %slice3A_342[0] : f32 from vector<1xf32>
      %slice3A_344 = vector.extract_strided_slice %get3A_50 {offsets = [2], sizes = [1], strides = [1]} : vector<16xf32> to vector<1xf32>
      %squeeze3A_345 = vector.extract %slice3A_344[0] : f32 from vector<1xf32>
      %slice3A_346 = vector.extract_strided_slice %get3A_54 {offsets = [2], sizes = [1], strides = [1]} : vector<16xf32> to vector<1xf32>
      %squeeze3A_347 = vector.extract %slice3A_346[0] : f32 from vector<1xf32>
      %mul3A_348 = arith.constant 16 : i32
      %mul3A_349 = arith.muli %scan3A_42, %mul3A_348 : i32
      %add3A_350 = arith.constant 2 : i32
      %add3A_351 = arith.addi %mul3A_349, %add3A_350 : i32
      %get3A_352 = arith.constant 256 : index
      %get3A_353 = tpu.vector_load %arg16[%get3A_352] {strides = array<i32>} : memref<2048xi32, #tpu.memory_space<vmem>>, vector<16xi32>,
      %add3A_354 = arith.constant 0 : i32
      %add3A_355 = vector.broadcast %add3A_354 : i32 to vector<16xi32>
      %add3A_356 = arith.addi %iota3A, %add3A_355 : vector<16xi32>
      %lt3A_357 = vector.broadcast %min3A_337 : i32 to vector<16xi32>
      %lt3A_358 = arith.cmpi slt, %add3A_356, %lt3A_357 : vector<16xi32>
      %broadcast_in_dim3A_359 = vector.broadcast %squeeze3A_341 : i32 to vector<16xi32>
      %select_n3A_360 = arith.select %lt3A_358, %get3A_353, %broadcast_in_dim3A_359 : vector<16xi1>, vector<16xi32>
      %gather3A_361 = tpu.vector_load_idx %arg10[%select_n3A_360] : memref<4096xf32, #tpu.memory_space<vmem>>[vector<16xi32>], vector<16xf32>,
      %sub3A_362 = vector.broadcast %squeeze3A_343 : f32 to vector<16xf32>
      %sub3A_363 = arith.subf %gather3A_361, %sub3A_362 : vector<16xf32>
      %gather3A_364 = tpu.vector_load_idx %arg11[%select_n3A_360] : memref<4096xf32, #tpu.memory_space<vmem>>[vector<16xi32>], vector<16xf32>,
      %sub3A_365 = vector.broadcast %squeeze3A_345 : f32 to vector<16xf32>
      %sub3A_366 = arith.subf %gather3A_364, %sub3A_365 : vector<16xf32>
      %gather3A_367 = tpu.vector_load_idx %arg12[%select_n3A_360] : memref<4096xf32, #tpu.memory_space<vmem>>[vector<16xi32>], vector<16xf32>,
      %sub3A_368 = vector.broadcast %squeeze3A_347 : f32 to vector<16xf32>
      %sub3A_369 = arith.subf %gather3A_367, %sub3A_368 : vector<16xf32>
      %add3A_370 = arith.constant 0 : i32
      %add3A_371 = vector.broadcast %add3A_370 : i32 to vector<16xi32>
      %add3A_372 = arith.addi %iota3A, %add3A_371 : vector<16xi32>
      %broadcast_in_dim3A_373 = vector.broadcast %add3A_351 : i32 to vector<16xi32>
      tpu.vector_store_idx %arg17[%add3A_372, %broadcast_in_dim3A_373], %select_n3A_360 : memref<64x128xi32, #tpu.memory_space<vmem>>[vector<16xi32>, vector<16xi32>], vector<16xi32>,
      %broadcast_in_dim3A_374 = arith.constant 0 : i32
      %broadcast_in_dim3A_375 = vector.broadcast %broadcast_in_dim3A_374 : i32 to vector<16xi32>
      tpu.vector_store_idx %arg18[%broadcast_in_dim3A_375, %add3A_372, %broadcast_in_dim3A_373], %sub3A_363 : memref<3x64x128xf32, #tpu.memory_space<vmem>>[vector<16xi32>, vector<16xi32>, vector<16xi32>], vector<16xf32>,
      %add3A_376 = arith.constant 1 : i32
      %add3A_377 = vector.broadcast %add3A_376 : i32 to vector<16xi32>
      %add3A_378 = arith.addi %broadcast_in_dim3A_375, %add3A_377 : vector<16xi32>
      tpu.vector_store_idx %arg18[%add3A_378, %add3A_372, %broadcast_in_dim3A_373], %sub3A_366 : memref<3x64x128xf32, #tpu.memory_space<vmem>>[vector<16xi32>, vector<16xi32>, vector<16xi32>], vector<16xf32>,
      %add3A_379 = arith.constant 2 : i32
      %add3A_380 = vector.broadcast %add3A_379 : i32 to vector<16xi32>
      %add3A_381 = arith.addi %broadcast_in_dim3A_375, %add3A_380 : vector<16xi32>
      tpu.vector_store_idx %arg18[%add3A_381, %add3A_372, %broadcast_in_dim3A_373], %sub3A_369 : memref<3x64x128xf32, #tpu.memory_space<vmem>>[vector<16xi32>, vector<16xi32>, vector<16xi32>], vector<16xf32>,
      %get3A_382 = arith.constant 272 : index
      %get3A_383 = tpu.vector_load %arg16[%get3A_382] {strides = array<i32>} : memref<2048xi32, #tpu.memory_space<vmem>>, vector<16xi32>,
      %add3A_384 = arith.constant 16 : i32
      %add3A_385 = vector.broadcast %add3A_384 : i32 to vector<16xi32>
      %add3A_386 = arith.addi %iota3A, %add3A_385 : vector<16xi32>
      %lt3A_387 = vector.broadcast %min3A_337 : i32 to vector<16xi32>
      %lt3A_388 = arith.cmpi slt, %add3A_386, %lt3A_387 : vector<16xi32>
      %broadcast_in_dim3A_389 = vector.broadcast %squeeze3A_341 : i32 to vector<16xi32>
      %select_n3A_390 = arith.select %lt3A_388, %get3A_383, %broadcast_in_dim3A_389 : vector<16xi1>, vector<16xi32>
      %gather3A_391 = tpu.vector_load_idx %arg10[%select_n3A_390] : memref<4096xf32, #tpu.memory_space<vmem>>[vector<16xi32>], vector<16xf32>,
      %sub3A_392 = vector.broadcast %squeeze3A_343 : f32 to vector<16xf32>
      %sub3A_393 = arith.subf %gather3A_391, %sub3A_392 : vector<16xf32>
      %gather3A_394 = tpu.vector_load_idx %arg11[%select_n3A_390] : memref<4096xf32, #tpu.memory_space<vmem>>[vector<16xi32>], vector<16xf32>,
      %sub3A_395 = vector.broadcast %squeeze3A_345 : f32 to vector<16xf32>
      %sub3A_396 = arith.subf %gather3A_394, %sub3A_395 : vector<16xf32>
      %gather3A_397 = tpu.vector_load_idx %arg12[%select_n3A_390] : memref<4096xf32, #tpu.memory_space<vmem>>[vector<16xi32>], vector<16xf32>,
      %sub3A_398 = vector.broadcast %squeeze3A_347 : f32 to vector<16xf32>
      %sub3A_399 = arith.subf %gather3A_397, %sub3A_398 : vector<16xf32>
      %add3A_400 = arith.constant 16 : i32
      %add3A_401 = vector.broadcast %add3A_400 : i32 to vector<16xi32>
      %add3A_402 = arith.addi %iota3A, %add3A_401 : vector<16xi32>
      %broadcast_in_dim3A_403 = vector.broadcast %add3A_351 : i32 to vector<16xi32>
      tpu.vector_store_idx %arg17[%add3A_402, %broadcast_in_dim3A_403], %select_n3A_390 : memref<64x128xi32, #tpu.memory_space<vmem>>[vector<16xi32>, vector<16xi32>], vector<16xi32>,
      %broadcast_in_dim3A_404 = arith.constant 0 : i32
      %broadcast_in_dim3A_405 = vector.broadcast %broadcast_in_dim3A_404 : i32 to vector<16xi32>
      tpu.vector_store_idx %arg18[%broadcast_in_dim3A_405, %add3A_402, %broadcast_in_dim3A_403], %sub3A_393 : memref<3x64x128xf32, #tpu.memory_space<vmem>>[vector<16xi32>, vector<16xi32>, vector<16xi32>], vector<16xf32>,
      %add3A_406 = arith.constant 1 : i32
      %add3A_407 = vector.broadcast %add3A_406 : i32 to vector<16xi32>
      %add3A_408 = arith.addi %broadcast_in_dim3A_405, %add3A_407 : vector<16xi32>
      tpu.vector_store_idx %arg18[%add3A_408, %add3A_402, %broadcast_in_dim3A_403], %sub3A_396 : memref<3x64x128xf32, #tpu.memory_space<vmem>>[vector<16xi32>, vector<16xi32>, vector<16xi32>], vector<16xf32>,
      %add3A_409 = arith.constant 2 : i32
      %add3A_410 = vector.broadcast %add3A_409 : i32 to vector<16xi32>
      %add3A_411 = arith.addi %broadcast_in_dim3A_405, %add3A_410 : vector<16xi32>
      tpu.vector_store_idx %arg18[%add3A_411, %add3A_402, %broadcast_in_dim3A_403], %sub3A_399 : memref<3x64x128xf32, #tpu.memory_space<vmem>>[vector<16xi32>, vector<16xi32>, vector<16xi32>], vector<16xf32>,
      %get3A_412 = arith.constant 288 : index
      %get3A_413 = tpu.vector_load %arg16[%get3A_412] {strides = array<i32>} : memref<2048xi32, #tpu.memory_space<vmem>>, vector<16xi32>,
      %add3A_414 = arith.constant 32 : i32
      %add3A_415 = vector.broadcast %add3A_414 : i32 to vector<16xi32>
      %add3A_416 = arith.addi %iota3A, %add3A_415 : vector<16xi32>
      %lt3A_417 = vector.broadcast %min3A_337 : i32 to vector<16xi32>
      %lt3A_418 = arith.cmpi slt, %add3A_416, %lt3A_417 : vector<16xi32>
      %broadcast_in_dim3A_419 = vector.broadcast %squeeze3A_341 : i32 to vector<16xi32>
      %select_n3A_420 = arith.select %lt3A_418, %get3A_413, %broadcast_in_dim3A_419 : vector<16xi1>, vector<16xi32>
      %gather3A_421 = tpu.vector_load_idx %arg10[%select_n3A_420] : memref<4096xf32, #tpu.memory_space<vmem>>[vector<16xi32>], vector<16xf32>,
      %sub3A_422 = vector.broadcast %squeeze3A_343 : f32 to vector<16xf32>
      %sub3A_423 = arith.subf %gather3A_421, %sub3A_422 : vector<16xf32>
      %gather3A_424 = tpu.vector_load_idx %arg11[%select_n3A_420] : memref<4096xf32, #tpu.memory_space<vmem>>[vector<16xi32>], vector<16xf32>,
      %sub3A_425 = vector.broadcast %squeeze3A_345 : f32 to vector<16xf32>
      %sub3A_426 = arith.subf %gather3A_424, %sub3A_425 : vector<16xf32>
      %gather3A_427 = tpu.vector_load_idx %arg12[%select_n3A_420] : memref<4096xf32, #tpu.memory_space<vmem>>[vector<16xi32>], vector<16xf32>,
      %sub3A_428 = vector.broadcast %squeeze3A_347 : f32 to vector<16xf32>
      %sub3A_429 = arith.subf %gather3A_427, %sub3A_428 : vector<16xf32>
      %add3A_430 = arith.constant 32 : i32
      %add3A_431 = vector.broadcast %add3A_430 : i32 to vector<16xi32>
      %add3A_432 = arith.addi %iota3A, %add3A_431 : vector<16xi32>
      %broadcast_in_dim3A_433 = vector.broadcast %add3A_351 : i32 to vector<16xi32>
      tpu.vector_store_idx %arg17[%add3A_432, %broadcast_in_dim3A_433], %select_n3A_420 : memref<64x128xi32, #tpu.memory_space<vmem>>[vector<16xi32>, vector<16xi32>], vector<16xi32>,
      %broadcast_in_dim3A_434 = arith.constant 0 : i32
      %broadcast_in_dim3A_435 = vector.broadcast %broadcast_in_dim3A_434 : i32 to vector<16xi32>
      tpu.vector_store_idx %arg18[%broadcast_in_dim3A_435, %add3A_432, %broadcast_in_dim3A_433], %sub3A_423 : memref<3x64x128xf32, #tpu.memory_space<vmem>>[vector<16xi32>, vector<16xi32>, vector<16xi32>], vector<16xf32>,
      %add3A_436 = arith.constant 1 : i32
      %add3A_437 = vector.broadcast %add3A_436 : i32 to vector<16xi32>
      %add3A_438 = arith.addi %broadcast_in_dim3A_435, %add3A_437 : vector<16xi32>
      tpu.vector_store_idx %arg18[%add3A_438, %add3A_432, %broadcast_in_dim3A_433], %sub3A_426 : memref<3x64x128xf32, #tpu.memory_space<vmem>>[vector<16xi32>, vector<16xi32>, vector<16xi32>], vector<16xf32>,
      %add3A_439 = arith.constant 2 : i32
      %add3A_440 = vector.broadcast %add3A_439 : i32 to vector<16xi32>
      %add3A_441 = arith.addi %broadcast_in_dim3A_435, %add3A_440 : vector<16xi32>
      tpu.vector_store_idx %arg18[%add3A_441, %add3A_432, %broadcast_in_dim3A_433], %sub3A_429 : memref<3x64x128xf32, #tpu.memory_space<vmem>>[vector<16xi32>, vector<16xi32>, vector<16xi32>], vector<16xf32>,
      %get3A_442 = arith.constant 304 : index
      %get3A_443 = tpu.vector_load %arg16[%get3A_442] {strides = array<i32>} : memref<2048xi32, #tpu.memory_space<vmem>>, vector<16xi32>,
      %add3A_444 = arith.constant 48 : i32
      %add3A_445 = vector.broadcast %add3A_444 : i32 to vector<16xi32>
      %add3A_446 = arith.addi %iota3A, %add3A_445 : vector<16xi32>
      %lt3A_447 = vector.broadcast %min3A_337 : i32 to vector<16xi32>
      %lt3A_448 = arith.cmpi slt, %add3A_446, %lt3A_447 : vector<16xi32>
      %broadcast_in_dim3A_449 = vector.broadcast %squeeze3A_341 : i32 to vector<16xi32>
      %select_n3A_450 = arith.select %lt3A_448, %get3A_443, %broadcast_in_dim3A_449 : vector<16xi1>, vector<16xi32>
      %gather3A_451 = tpu.vector_load_idx %arg10[%select_n3A_450] : memref<4096xf32, #tpu.memory_space<vmem>>[vector<16xi32>], vector<16xf32>,
      %sub3A_452 = vector.broadcast %squeeze3A_343 : f32 to vector<16xf32>
      %sub3A_453 = arith.subf %gather3A_451, %sub3A_452 : vector<16xf32>
      %gather3A_454 = tpu.vector_load_idx %arg11[%select_n3A_450] : memref<4096xf32, #tpu.memory_space<vmem>>[vector<16xi32>], vector<16xf32>,
      %sub3A_455 = vector.broadcast %squeeze3A_345 : f32 to vector<16xf32>
      %sub3A_456 = arith.subf %gather3A_454, %sub3A_455 : vector<16xf32>
      %gather3A_457 = tpu.vector_load_idx %arg12[%select_n3A_450] : memref<4096xf32, #tpu.memory_space<vmem>>[vector<16xi32>], vector<16xf32>,
      %sub3A_458 = vector.broadcast %squeeze3A_347 : f32 to vector<16xf32>
      %sub3A_459 = arith.subf %gather3A_457, %sub3A_458 : vector<16xf32>
      %add3A_460 = arith.constant 48 : i32
      %add3A_461 = vector.broadcast %add3A_460 : i32 to vector<16xi32>
      %add3A_462 = arith.addi %iota3A, %add3A_461 : vector<16xi32>
      %broadcast_in_dim3A_463 = vector.broadcast %add3A_351 : i32 to vector<16xi32>
      tpu.vector_store_idx %arg17[%add3A_462, %broadcast_in_dim3A_463], %select_n3A_450 : memref<64x128xi32, #tpu.memory_space<vmem>>[vector<16xi32>, vector<16xi32>], vector<16xi32>,
      %broadcast_in_dim3A_464 = arith.constant 0 : i32
      %broadcast_in_dim3A_465 = vector.broadcast %broadcast_in_dim3A_464 : i32 to vector<16xi32>
      tpu.vector_store_idx %arg18[%broadcast_in_dim3A_465, %add3A_462, %broadcast_in_dim3A_463], %sub3A_453 : memref<3x64x128xf32, #tpu.memory_space<vmem>>[vector<16xi32>, vector<16xi32>, vector<16xi32>], vector<16xf32>,
      %add3A_466 = arith.constant 1 : i32
      %add3A_467 = vector.broadcast %add3A_466 : i32 to vector<16xi32>
      %add3A_468 = arith.addi %broadcast_in_dim3A_465, %add3A_467 : vector<16xi32>
      tpu.vector_store_idx %arg18[%add3A_468, %add3A_462, %broadcast_in_dim3A_463], %sub3A_456 : memref<3x64x128xf32, #tpu.memory_space<vmem>>[vector<16xi32>, vector<16xi32>, vector<16xi32>], vector<16xf32>,
      %add3A_469 = arith.constant 2 : i32
      %add3A_470 = vector.broadcast %add3A_469 : i32 to vector<16xi32>
      %add3A_471 = arith.addi %broadcast_in_dim3A_465, %add3A_470 : vector<16xi32>
      tpu.vector_store_idx %arg18[%add3A_471, %add3A_462, %broadcast_in_dim3A_463], %sub3A_459 : memref<3x64x128xf32, #tpu.memory_space<vmem>>[vector<16xi32>, vector<16xi32>, vector<16xi32>], vector<16xf32>,
      %slice3A_472 = vector.extract_strided_slice %scan3A_60 {offsets = [3], sizes = [1], strides = [1]} : vector<16xi32> to vector<1xi32>
      %squeeze3A_473 = vector.extract %slice3A_472[0] : i32 from vector<1xi32>
      %min3A_474 = arith.constant 64 : i32
      %min3A_475 = arith.minsi %squeeze3A_473, %min3A_474 : i32
      %get3A_476 = arith.constant 384 : index
      %get3A_477 = tpu.vector_load %arg16[%get3A_476] {strides = array<i32>} : memref<2048xi32, #tpu.memory_space<vmem>>, vector<16xi32>,
      %slice3A_478 = vector.extract_strided_slice %get3A_477 {offsets = [0], sizes = [1], strides = [1]} : vector<16xi32> to vector<1xi32>
      %squeeze3A_479 = vector.extract %slice3A_478[0] : i32 from vector<1xi32>
      %slice3A_480 = vector.extract_strided_slice %get3A_46 {offsets = [3], sizes = [1], strides = [1]} : vector<16xf32> to vector<1xf32>
      %squeeze3A_481 = vector.extract %slice3A_480[0] : f32 from vector<1xf32>
      %slice3A_482 = vector.extract_strided_slice %get3A_50 {offsets = [3], sizes = [1], strides = [1]} : vector<16xf32> to vector<1xf32>
      %squeeze3A_483 = vector.extract %slice3A_482[0] : f32 from vector<1xf32>
      %slice3A_484 = vector.extract_strided_slice %get3A_54 {offsets = [3], sizes = [1], strides = [1]} : vector<16xf32> to vector<1xf32>
      %squeeze3A_485 = vector.extract %slice3A_484[0] : f32 from vector<1xf32>
      %mul3A_486 = arith.constant 16 : i32
      %mul3A_487 = arith.muli %scan3A_42, %mul3A_486 : i32
      %add3A_488 = arith.constant 3 : i32
      %add3A_489 = arith.addi %mul3A_487, %add3A_488 : i32
      %get3A_490 = arith.constant 384 : index
      %get3A_491 = tpu.vector_load %arg16[%get3A_490] {strides = array<i32>} : memref<2048xi32, #tpu.memory_space<vmem>>, vector<16xi32>,
      %add3A_492 = arith.constant 0 : i32
      %add3A_493 = vector.broadcast %add3A_492 : i32 to vector<16xi32>
      %add3A_494 = arith.addi %iota3A, %add3A_493 : vector<16xi32>
      %lt3A_495 = vector.broadcast %min3A_475 : i32 to vector<16xi32>
      %lt3A_496 = arith.cmpi slt, %add3A_494, %lt3A_495 : vector<16xi32>
      %broadcast_in_dim3A_497 = vector.broadcast %squeeze3A_479 : i32 to vector<16xi32>
      %select_n3A_498 = arith.select %lt3A_496, %get3A_491, %broadcast_in_dim3A_497 : vector<16xi1>, vector<16xi32>
      %gather3A_499 = tpu.vector_load_idx %arg10[%select_n3A_498] : memref<4096xf32, #tpu.memory_space<vmem>>[vector<16xi32>], vector<16xf32>,
      %sub3A_500 = vector.broadcast %squeeze3A_481 : f32 to vector<16xf32>
      %sub3A_501 = arith.subf %gather3A_499, %sub3A_500 : vector<16xf32>
      %gather3A_502 = tpu.vector_load_idx %arg11[%select_n3A_498] : memref<4096xf32, #tpu.memory_space<vmem>>[vector<16xi32>], vector<16xf32>,
      %sub3A_503 = vector.broadcast %squeeze3A_483 : f32 to vector<16xf32>
      %sub3A_504 = arith.subf %gather3A_502, %sub3A_503 : vector<16xf32>
      %gather3A_505 = tpu.vector_load_idx %arg12[%select_n3A_498] : memref<4096xf32, #tpu.memory_space<vmem>>[vector<16xi32>], vector<16xf32>,
      %sub3A_506 = vector.broadcast %squeeze3A_485 : f32 to vector<16xf32>
      %sub3A_507 = arith.subf %gather3A_505, %sub3A_506 : vector<16xf32>
      %add3A_508 = arith.constant 0 : i32
      %add3A_509 = vector.broadcast %add3A_508 : i32 to vector<16xi32>
      %add3A_510 = arith.addi %iota3A, %add3A_509 : vector<16xi32>
      %broadcast_in_dim3A_511 = vector.broadcast %add3A_489 : i32 to vector<16xi32>
      tpu.vector_store_idx %arg17[%add3A_510, %broadcast_in_dim3A_511], %select_n3A_498 : memref<64x128xi32, #tpu.memory_space<vmem>>[vector<16xi32>, vector<16xi32>], vector<16xi32>,
      %broadcast_in_dim3A_512 = arith.constant 0 : i32
      %broadcast_in_dim3A_513 = vector.broadcast %broadcast_in_dim3A_512 : i32 to vector<16xi32>
      tpu.vector_store_idx %arg18[%broadcast_in_dim3A_513, %add3A_510, %broadcast_in_dim3A_511], %sub3A_501 : memref<3x64x128xf32, #tpu.memory_space<vmem>>[vector<16xi32>, vector<16xi32>, vector<16xi32>], vector<16xf32>,
      %add3A_514 = arith.constant 1 : i32
      %add3A_515 = vector.broadcast %add3A_514 : i32 to vector<16xi32>
      %add3A_516 = arith.addi %broadcast_in_dim3A_513, %add3A_515 : vector<16xi32>
      tpu.vector_store_idx %arg18[%add3A_516, %add3A_510, %broadcast_in_dim3A_511], %sub3A_504 : memref<3x64x128xf32, #tpu.memory_space<vmem>>[vector<16xi32>, vector<16xi32>, vector<16xi32>], vector<16xf32>,
      %add3A_517 = arith.constant 2 : i32
      %add3A_518 = vector.broadcast %add3A_517 : i32 to vector<16xi32>
      %add3A_519 = arith.addi %broadcast_in_dim3A_513, %add3A_518 : vector<16xi32>
      tpu.vector_store_idx %arg18[%add3A_519, %add3A_510, %broadcast_in_dim3A_511], %sub3A_507 : memref<3x64x128xf32, #tpu.memory_space<vmem>>[vector<16xi32>, vector<16xi32>, vector<16xi32>], vector<16xf32>,
      %get3A_520 = arith.constant 400 : index
      %get3A_521 = tpu.vector_load %arg16[%get3A_520] {strides = array<i32>} : memref<2048xi32, #tpu.memory_space<vmem>>, vector<16xi32>,
      %add3A_522 = arith.constant 16 : i32
      %add3A_523 = vector.broadcast %add3A_522 : i32 to vector<16xi32>
      %add3A_524 = arith.addi %iota3A, %add3A_523 : vector<16xi32>
      %lt3A_525 = vector.broadcast %min3A_475 : i32 to vector<16xi32>
      %lt3A_526 = arith.cmpi slt, %add3A_524, %lt3A_525 : vector<16xi32>
      %broadcast_in_dim3A_527 = vector.broadcast %squeeze3A_479 : i32 to vector<16xi32>
      %select_n3A_528 = arith.select %lt3A_526, %get3A_521, %broadcast_in_dim3A_527 : vector<16xi1>, vector<16xi32>
      %gather3A_529 = tpu.vector_load_idx %arg10[%select_n3A_528] : memref<4096xf32, #tpu.memory_space<vmem>>[vector<16xi32>], vector<16xf32>,
      %sub3A_530 = vector.broadcast %squeeze3A_481 : f32 to vector<16xf32>
      %sub3A_531 = arith.subf %gather3A_529, %sub3A_530 : vector<16xf32>
      %gather3A_532 = tpu.vector_load_idx %arg11[%select_n3A_528] : memref<4096xf32, #tpu.memory_space<vmem>>[vector<16xi32>], vector<16xf32>,
      %sub3A_533 = vector.broadcast %squeeze3A_483 : f32 to vector<16xf32>
      %sub3A_534 = arith.subf %gather3A_532, %sub3A_533 : vector<16xf32>
      %gather3A_535 = tpu.vector_load_idx %arg12[%select_n3A_528] : memref<4096xf32, #tpu.memory_space<vmem>>[vector<16xi32>], vector<16xf32>,
      %sub3A_536 = vector.broadcast %squeeze3A_485 : f32 to vector<16xf32>
      %sub3A_537 = arith.subf %gather3A_535, %sub3A_536 : vector<16xf32>
      %add3A_538 = arith.constant 16 : i32
      %add3A_539 = vector.broadcast %add3A_538 : i32 to vector<16xi32>
      %add3A_540 = arith.addi %iota3A, %add3A_539 : vector<16xi32>
      %broadcast_in_dim3A_541 = vector.broadcast %add3A_489 : i32 to vector<16xi32>
      tpu.vector_store_idx %arg17[%add3A_540, %broadcast_in_dim3A_541], %select_n3A_528 : memref<64x128xi32, #tpu.memory_space<vmem>>[vector<16xi32>, vector<16xi32>], vector<16xi32>,
      %broadcast_in_dim3A_542 = arith.constant 0 : i32
      %broadcast_in_dim3A_543 = vector.broadcast %broadcast_in_dim3A_542 : i32 to vector<16xi32>
      tpu.vector_store_idx %arg18[%broadcast_in_dim3A_543, %add3A_540, %broadcast_in_dim3A_541], %sub3A_531 : memref<3x64x128xf32, #tpu.memory_space<vmem>>[vector<16xi32>, vector<16xi32>, vector<16xi32>], vector<16xf32>,
      %add3A_544 = arith.constant 1 : i32
      %add3A_545 = vector.broadcast %add3A_544 : i32 to vector<16xi32>
      %add3A_546 = arith.addi %broadcast_in_dim3A_543, %add3A_545 : vector<16xi32>
      tpu.vector_store_idx %arg18[%add3A_546, %add3A_540, %broadcast_in_dim3A_541], %sub3A_534 : memref<3x64x128xf32, #tpu.memory_space<vmem>>[vector<16xi32>, vector<16xi32>, vector<16xi32>], vector<16xf32>,
      %add3A_547 = arith.constant 2 : i32
      %add3A_548 = vector.broadcast %add3A_547 : i32 to vector<16xi32>
      %add3A_549 = arith.addi %broadcast_in_dim3A_543, %add3A_548 : vector<16xi32>
      tpu.vector_store_idx %arg18[%add3A_549, %add3A_540, %broadcast_in_dim3A_541], %sub3A_537 : memref<3x64x128xf32, #tpu.memory_space<vmem>>[vector<16xi32>, vector<16xi32>, vector<16xi32>], vector<16xf32>,
      %get3A_550 = arith.constant 416 : index
      %get3A_551 = tpu.vector_load %arg16[%get3A_550] {strides = array<i32>} : memref<2048xi32, #tpu.memory_space<vmem>>, vector<16xi32>,
      %add3A_552 = arith.constant 32 : i32
      %add3A_553 = vector.broadcast %add3A_552 : i32 to vector<16xi32>
      %add3A_554 = arith.addi %iota3A, %add3A_553 : vector<16xi32>
      %lt3A_555 = vector.broadcast %min3A_475 : i32 to vector<16xi32>
      %lt3A_556 = arith.cmpi slt, %add3A_554, %lt3A_555 : vector<16xi32>
      %broadcast_in_dim3A_557 = vector.broadcast %squeeze3A_479 : i32 to vector<16xi32>
      %select_n3A_558 = arith.select %lt3A_556, %get3A_551, %broadcast_in_dim3A_557 : vector<16xi1>, vector<16xi32>
      %gather3A_559 = tpu.vector_load_idx %arg10[%select_n3A_558] : memref<4096xf32, #tpu.memory_space<vmem>>[vector<16xi32>], vector<16xf32>,
      %sub3A_560 = vector.broadcast %squeeze3A_481 : f32 to vector<16xf32>
      %sub3A_561 = arith.subf %gather3A_559, %sub3A_560 : vector<16xf32>
      %gather3A_562 = tpu.vector_load_idx %arg11[%select_n3A_558] : memref<4096xf32, #tpu.memory_space<vmem>>[vector<16xi32>], vector<16xf32>,
      %sub3A_563 = vector.broadcast %squeeze3A_483 : f32 to vector<16xf32>
      %sub3A_564 = arith.subf %gather3A_562, %sub3A_563 : vector<16xf32>
      %gather3A_565 = tpu.vector_load_idx %arg12[%select_n3A_558] : memref<4096xf32, #tpu.memory_space<vmem>>[vector<16xi32>], vector<16xf32>,
      %sub3A_566 = vector.broadcast %squeeze3A_485 : f32 to vector<16xf32>
      %sub3A_567 = arith.subf %gather3A_565, %sub3A_566 : vector<16xf32>
      %add3A_568 = arith.constant 32 : i32
      %add3A_569 = vector.broadcast %add3A_568 : i32 to vector<16xi32>
      %add3A_570 = arith.addi %iota3A, %add3A_569 : vector<16xi32>
      %broadcast_in_dim3A_571 = vector.broadcast %add3A_489 : i32 to vector<16xi32>
      tpu.vector_store_idx %arg17[%add3A_570, %broadcast_in_dim3A_571], %select_n3A_558 : memref<64x128xi32, #tpu.memory_space<vmem>>[vector<16xi32>, vector<16xi32>], vector<16xi32>,
      %broadcast_in_dim3A_572 = arith.constant 0 : i32
      %broadcast_in_dim3A_573 = vector.broadcast %broadcast_in_dim3A_572 : i32 to vector<16xi32>
      tpu.vector_store_idx %arg18[%broadcast_in_dim3A_573, %add3A_570, %broadcast_in_dim3A_571], %sub3A_561 : memref<3x64x128xf32, #tpu.memory_space<vmem>>[vector<16xi32>, vector<16xi32>, vector<16xi32>], vector<16xf32>,
      %add3A_574 = arith.constant 1 : i32
      %add3A_575 = vector.broadcast %add3A_574 : i32 to vector<16xi32>
      %add3A_576 = arith.addi %broadcast_in_dim3A_573, %add3A_575 : vector<16xi32>
      tpu.vector_store_idx %arg18[%add3A_576, %add3A_570, %broadcast_in_dim3A_571], %sub3A_564 : memref<3x64x128xf32, #tpu.memory_space<vmem>>[vector<16xi32>, vector<16xi32>, vector<16xi32>], vector<16xf32>,
      %add3A_577 = arith.constant 2 : i32
      %add3A_578 = vector.broadcast %add3A_577 : i32 to vector<16xi32>
      %add3A_579 = arith.addi %broadcast_in_dim3A_573, %add3A_578 : vector<16xi32>
      tpu.vector_store_idx %arg18[%add3A_579, %add3A_570, %broadcast_in_dim3A_571], %sub3A_567 : memref<3x64x128xf32, #tpu.memory_space<vmem>>[vector<16xi32>, vector<16xi32>, vector<16xi32>], vector<16xf32>,
      %get3A_580 = arith.constant 432 : index
      %get3A_581 = tpu.vector_load %arg16[%get3A_580] {strides = array<i32>} : memref<2048xi32, #tpu.memory_space<vmem>>, vector<16xi32>,
      %add3A_582 = arith.constant 48 : i32
      %add3A_583 = vector.broadcast %add3A_582 : i32 to vector<16xi32>
      %add3A_584 = arith.addi %iota3A, %add3A_583 : vector<16xi32>
      %lt3A_585 = vector.broadcast %min3A_475 : i32 to vector<16xi32>
      %lt3A_586 = arith.cmpi slt, %add3A_584, %lt3A_585 : vector<16xi32>
      %broadcast_in_dim3A_587 = vector.broadcast %squeeze3A_479 : i32 to vector<16xi32>
      %select_n3A_588 = arith.select %lt3A_586, %get3A_581, %broadcast_in_dim3A_587 : vector<16xi1>, vector<16xi32>
      %gather3A_589 = tpu.vector_load_idx %arg10[%select_n3A_588] : memref<4096xf32, #tpu.memory_space<vmem>>[vector<16xi32>], vector<16xf32>,
      %sub3A_590 = vector.broadcast %squeeze3A_481 : f32 to vector<16xf32>
      %sub3A_591 = arith.subf %gather3A_589, %sub3A_590 : vector<16xf32>
      %gather3A_592 = tpu.vector_load_idx %arg11[%select_n3A_588] : memref<4096xf32, #tpu.memory_space<vmem>>[vector<16xi32>], vector<16xf32>,
      %sub3A_593 = vector.broadcast %squeeze3A_483 : f32 to vector<16xf32>
      %sub3A_594 = arith.subf %gather3A_592, %sub3A_593 : vector<16xf32>
      %gather3A_595 = tpu.vector_load_idx %arg12[%select_n3A_588] : memref<4096xf32, #tpu.memory_space<vmem>>[vector<16xi32>], vector<16xf32>,
      %sub3A_596 = vector.broadcast %squeeze3A_485 : f32 to vector<16xf32>
      %sub3A_597 = arith.subf %gather3A_595, %sub3A_596 : vector<16xf32>
      %add3A_598 = arith.constant 48 : i32
      %add3A_599 = vector.broadcast %add3A_598 : i32 to vector<16xi32>
      %add3A_600 = arith.addi %iota3A, %add3A_599 : vector<16xi32>
      %broadcast_in_dim3A_601 = vector.broadcast %add3A_489 : i32 to vector<16xi32>
      tpu.vector_store_idx %arg17[%add3A_600, %broadcast_in_dim3A_601], %select_n3A_588 : memref<64x128xi32, #tpu.memory_space<vmem>>[vector<16xi32>, vector<16xi32>], vector<16xi32>,
      %broadcast_in_dim3A_602 = arith.constant 0 : i32
      %broadcast_in_dim3A_603 = vector.broadcast %broadcast_in_dim3A_602 : i32 to vector<16xi32>
      tpu.vector_store_idx %arg18[%broadcast_in_dim3A_603, %add3A_600, %broadcast_in_dim3A_601], %sub3A_591 : memref<3x64x128xf32, #tpu.memory_space<vmem>>[vector<16xi32>, vector<16xi32>, vector<16xi32>], vector<16xf32>,
      %add3A_604 = arith.constant 1 : i32
      %add3A_605 = vector.broadcast %add3A_604 : i32 to vector<16xi32>
      %add3A_606 = arith.addi %broadcast_in_dim3A_603, %add3A_605 : vector<16xi32>
      tpu.vector_store_idx %arg18[%add3A_606, %add3A_600, %broadcast_in_dim3A_601], %sub3A_594 : memref<3x64x128xf32, #tpu.memory_space<vmem>>[vector<16xi32>, vector<16xi32>, vector<16xi32>], vector<16xf32>,
      %add3A_607 = arith.constant 2 : i32
      %add3A_608 = vector.broadcast %add3A_607 : i32 to vector<16xi32>
      %add3A_609 = arith.addi %broadcast_in_dim3A_603, %add3A_608 : vector<16xi32>
      tpu.vector_store_idx %arg18[%add3A_609, %add3A_600, %broadcast_in_dim3A_601], %sub3A_597 : memref<3x64x128xf32, #tpu.memory_space<vmem>>[vector<16xi32>, vector<16xi32>, vector<16xi32>], vector<16xf32>,
      %slice3A_610 = vector.extract_strided_slice %scan3A_60 {offsets = [4], sizes = [1], strides = [1]} : vector<16xi32> to vector<1xi32>
      %squeeze3A_611 = vector.extract %slice3A_610[0] : i32 from vector<1xi32>
      %min3A_612 = arith.constant 64 : i32
      %min3A_613 = arith.minsi %squeeze3A_611, %min3A_612 : i32
      %get3A_614 = arith.constant 512 : index
      %get3A_615 = tpu.vector_load %arg16[%get3A_614] {strides = array<i32>} : memref<2048xi32, #tpu.memory_space<vmem>>, vector<16xi32>,
      %slice3A_616 = vector.extract_strided_slice %get3A_615 {offsets = [0], sizes = [1], strides = [1]} : vector<16xi32> to vector<1xi32>
      %squeeze3A_617 = vector.extract %slice3A_616[0] : i32 from vector<1xi32>
      %slice3A_618 = vector.extract_strided_slice %get3A_46 {offsets = [4], sizes = [1], strides = [1]} : vector<16xf32> to vector<1xf32>
      %squeeze3A_619 = vector.extract %slice3A_618[0] : f32 from vector<1xf32>
      %slice3A_620 = vector.extract_strided_slice %get3A_50 {offsets = [4], sizes = [1], strides = [1]} : vector<16xf32> to vector<1xf32>
      %squeeze3A_621 = vector.extract %slice3A_620[0] : f32 from vector<1xf32>
      %slice3A_622 = vector.extract_strided_slice %get3A_54 {offsets = [4], sizes = [1], strides = [1]} : vector<16xf32> to vector<1xf32>
      %squeeze3A_623 = vector.extract %slice3A_622[0] : f32 from vector<1xf32>
      %mul3A_624 = arith.constant 16 : i32
      %mul3A_625 = arith.muli %scan3A_42, %mul3A_624 : i32
      %add3A_626 = arith.constant 4 : i32
      %add3A_627 = arith.addi %mul3A_625, %add3A_626 : i32
      %get3A_628 = arith.constant 512 : index
      %get3A_629 = tpu.vector_load %arg16[%get3A_628] {strides = array<i32>} : memref<2048xi32, #tpu.memory_space<vmem>>, vector<16xi32>,
      %add3A_630 = arith.constant 0 : i32
      %add3A_631 = vector.broadcast %add3A_630 : i32 to vector<16xi32>
      %add3A_632 = arith.addi %iota3A, %add3A_631 : vector<16xi32>
      %lt3A_633 = vector.broadcast %min3A_613 : i32 to vector<16xi32>
      %lt3A_634 = arith.cmpi slt, %add3A_632, %lt3A_633 : vector<16xi32>
      %broadcast_in_dim3A_635 = vector.broadcast %squeeze3A_617 : i32 to vector<16xi32>
      %select_n3A_636 = arith.select %lt3A_634, %get3A_629, %broadcast_in_dim3A_635 : vector<16xi1>, vector<16xi32>
      %gather3A_637 = tpu.vector_load_idx %arg10[%select_n3A_636] : memref<4096xf32, #tpu.memory_space<vmem>>[vector<16xi32>], vector<16xf32>,
      %sub3A_638 = vector.broadcast %squeeze3A_619 : f32 to vector<16xf32>
      %sub3A_639 = arith.subf %gather3A_637, %sub3A_638 : vector<16xf32>
      %gather3A_640 = tpu.vector_load_idx %arg11[%select_n3A_636] : memref<4096xf32, #tpu.memory_space<vmem>>[vector<16xi32>], vector<16xf32>,
      %sub3A_641 = vector.broadcast %squeeze3A_621 : f32 to vector<16xf32>
      %sub3A_642 = arith.subf %gather3A_640, %sub3A_641 : vector<16xf32>
      %gather3A_643 = tpu.vector_load_idx %arg12[%select_n3A_636] : memref<4096xf32, #tpu.memory_space<vmem>>[vector<16xi32>], vector<16xf32>,
      %sub3A_644 = vector.broadcast %squeeze3A_623 : f32 to vector<16xf32>
      %sub3A_645 = arith.subf %gather3A_643, %sub3A_644 : vector<16xf32>
      %add3A_646 = arith.constant 0 : i32
      %add3A_647 = vector.broadcast %add3A_646 : i32 to vector<16xi32>
      %add3A_648 = arith.addi %iota3A, %add3A_647 : vector<16xi32>
      %broadcast_in_dim3A_649 = vector.broadcast %add3A_627 : i32 to vector<16xi32>
      tpu.vector_store_idx %arg17[%add3A_648, %broadcast_in_dim3A_649], %select_n3A_636 : memref<64x128xi32, #tpu.memory_space<vmem>>[vector<16xi32>, vector<16xi32>], vector<16xi32>,
      %broadcast_in_dim3A_650 = arith.constant 0 : i32
      %broadcast_in_dim3A_651 = vector.broadcast %broadcast_in_dim3A_650 : i32 to vector<16xi32>
      tpu.vector_store_idx %arg18[%broadcast_in_dim3A_651, %add3A_648, %broadcast_in_dim3A_649], %sub3A_639 : memref<3x64x128xf32, #tpu.memory_space<vmem>>[vector<16xi32>, vector<16xi32>, vector<16xi32>], vector<16xf32>,
      %add3A_652 = arith.constant 1 : i32
      %add3A_653 = vector.broadcast %add3A_652 : i32 to vector<16xi32>
      %add3A_654 = arith.addi %broadcast_in_dim3A_651, %add3A_653 : vector<16xi32>
      tpu.vector_store_idx %arg18[%add3A_654, %add3A_648, %broadcast_in_dim3A_649], %sub3A_642 : memref<3x64x128xf32, #tpu.memory_space<vmem>>[vector<16xi32>, vector<16xi32>, vector<16xi32>], vector<16xf32>,
      %add3A_655 = arith.constant 2 : i32
      %add3A_656 = vector.broadcast %add3A_655 : i32 to vector<16xi32>
      %add3A_657 = arith.addi %broadcast_in_dim3A_651, %add3A_656 : vector<16xi32>
      tpu.vector_store_idx %arg18[%add3A_657, %add3A_648, %broadcast_in_dim3A_649], %sub3A_645 : memref<3x64x128xf32, #tpu.memory_space<vmem>>[vector<16xi32>, vector<16xi32>, vector<16xi32>], vector<16xf32>,
      %get3A_658 = arith.constant 528 : index
      %get3A_659 = tpu.vector_load %arg16[%get3A_658] {strides = array<i32>} : memref<2048xi32, #tpu.memory_space<vmem>>, vector<16xi32>,
      %add3A_660 = arith.constant 16 : i32
      %add3A_661 = vector.broadcast %add3A_660 : i32 to vector<16xi32>
      %add3A_662 = arith.addi %iota3A, %add3A_661 : vector<16xi32>
      %lt3A_663 = vector.broadcast %min3A_613 : i32 to vector<16xi32>
      %lt3A_664 = arith.cmpi slt, %add3A_662, %lt3A_663 : vector<16xi32>
      %broadcast_in_dim3A_665 = vector.broadcast %squeeze3A_617 : i32 to vector<16xi32>
      %select_n3A_666 = arith.select %lt3A_664, %get3A_659, %broadcast_in_dim3A_665 : vector<16xi1>, vector<16xi32>
      %gather3A_667 = tpu.vector_load_idx %arg10[%select_n3A_666] : memref<4096xf32, #tpu.memory_space<vmem>>[vector<16xi32>], vector<16xf32>,
      %sub3A_668 = vector.broadcast %squeeze3A_619 : f32 to vector<16xf32>
      %sub3A_669 = arith.subf %gather3A_667, %sub3A_668 : vector<16xf32>
      %gather3A_670 = tpu.vector_load_idx %arg11[%select_n3A_666] : memref<4096xf32, #tpu.memory_space<vmem>>[vector<16xi32>], vector<16xf32>,
      %sub3A_671 = vector.broadcast %squeeze3A_621 : f32 to vector<16xf32>
      %sub3A_672 = arith.subf %gather3A_670, %sub3A_671 : vector<16xf32>
      %gather3A_673 = tpu.vector_load_idx %arg12[%select_n3A_666] : memref<4096xf32, #tpu.memory_space<vmem>>[vector<16xi32>], vector<16xf32>,
      %sub3A_674 = vector.broadcast %squeeze3A_623 : f32 to vector<16xf32>
      %sub3A_675 = arith.subf %gather3A_673, %sub3A_674 : vector<16xf32>
      %add3A_676 = arith.constant 16 : i32
      %add3A_677 = vector.broadcast %add3A_676 : i32 to vector<16xi32>
      %add3A_678 = arith.addi %iota3A, %add3A_677 : vector<16xi32>
      %broadcast_in_dim3A_679 = vector.broadcast %add3A_627 : i32 to vector<16xi32>
      tpu.vector_store_idx %arg17[%add3A_678, %broadcast_in_dim3A_679], %select_n3A_666 : memref<64x128xi32, #tpu.memory_space<vmem>>[vector<16xi32>, vector<16xi32>], vector<16xi32>,
      %broadcast_in_dim3A_680 = arith.constant 0 : i32
      %broadcast_in_dim3A_681 = vector.broadcast %broadcast_in_dim3A_680 : i32 to vector<16xi32>
      tpu.vector_store_idx %arg18[%broadcast_in_dim3A_681, %add3A_678, %broadcast_in_dim3A_679], %sub3A_669 : memref<3x64x128xf32, #tpu.memory_space<vmem>>[vector<16xi32>, vector<16xi32>, vector<16xi32>], vector<16xf32>,
      %add3A_682 = arith.constant 1 : i32
      %add3A_683 = vector.broadcast %add3A_682 : i32 to vector<16xi32>
      %add3A_684 = arith.addi %broadcast_in_dim3A_681, %add3A_683 : vector<16xi32>
      tpu.vector_store_idx %arg18[%add3A_684, %add3A_678, %broadcast_in_dim3A_679], %sub3A_672 : memref<3x64x128xf32, #tpu.memory_space<vmem>>[vector<16xi32>, vector<16xi32>, vector<16xi32>], vector<16xf32>,
      %add3A_685 = arith.constant 2 : i32
      %add3A_686 = vector.broadcast %add3A_685 : i32 to vector<16xi32>
      %add3A_687 = arith.addi %broadcast_in_dim3A_681, %add3A_686 : vector<16xi32>
      tpu.vector_store_idx %arg18[%add3A_687, %add3A_678, %broadcast_in_dim3A_679], %sub3A_675 : memref<3x64x128xf32, #tpu.memory_space<vmem>>[vector<16xi32>, vector<16xi32>, vector<16xi32>], vector<16xf32>,
      %get3A_688 = arith.constant 544 : index
      %get3A_689 = tpu.vector_load %arg16[%get3A_688] {strides = array<i32>} : memref<2048xi32, #tpu.memory_space<vmem>>, vector<16xi32>,
      %add3A_690 = arith.constant 32 : i32
      %add3A_691 = vector.broadcast %add3A_690 : i32 to vector<16xi32>
      %add3A_692 = arith.addi %iota3A, %add3A_691 : vector<16xi32>
      %lt3A_693 = vector.broadcast %min3A_613 : i32 to vector<16xi32>
      %lt3A_694 = arith.cmpi slt, %add3A_692, %lt3A_693 : vector<16xi32>
      %broadcast_in_dim3A_695 = vector.broadcast %squeeze3A_617 : i32 to vector<16xi32>
      %select_n3A_696 = arith.select %lt3A_694, %get3A_689, %broadcast_in_dim3A_695 : vector<16xi1>, vector<16xi32>
      %gather3A_697 = tpu.vector_load_idx %arg10[%select_n3A_696] : memref<4096xf32, #tpu.memory_space<vmem>>[vector<16xi32>], vector<16xf32>,
      %sub3A_698 = vector.broadcast %squeeze3A_619 : f32 to vector<16xf32>
      %sub3A_699 = arith.subf %gather3A_697, %sub3A_698 : vector<16xf32>
      %gather3A_700 = tpu.vector_load_idx %arg11[%select_n3A_696] : memref<4096xf32, #tpu.memory_space<vmem>>[vector<16xi32>], vector<16xf32>,
      %sub3A_701 = vector.broadcast %squeeze3A_621 : f32 to vector<16xf32>
      %sub3A_702 = arith.subf %gather3A_700, %sub3A_701 : vector<16xf32>
      %gather3A_703 = tpu.vector_load_idx %arg12[%select_n3A_696] : memref<4096xf32, #tpu.memory_space<vmem>>[vector<16xi32>], vector<16xf32>,
      %sub3A_704 = vector.broadcast %squeeze3A_623 : f32 to vector<16xf32>
      %sub3A_705 = arith.subf %gather3A_703, %sub3A_704 : vector<16xf32>
      %add3A_706 = arith.constant 32 : i32
      %add3A_707 = vector.broadcast %add3A_706 : i32 to vector<16xi32>
      %add3A_708 = arith.addi %iota3A, %add3A_707 : vector<16xi32>
      %broadcast_in_dim3A_709 = vector.broadcast %add3A_627 : i32 to vector<16xi32>
      tpu.vector_store_idx %arg17[%add3A_708, %broadcast_in_dim3A_709], %select_n3A_696 : memref<64x128xi32, #tpu.memory_space<vmem>>[vector<16xi32>, vector<16xi32>], vector<16xi32>,
      %broadcast_in_dim3A_710 = arith.constant 0 : i32
      %broadcast_in_dim3A_711 = vector.broadcast %broadcast_in_dim3A_710 : i32 to vector<16xi32>
      tpu.vector_store_idx %arg18[%broadcast_in_dim3A_711, %add3A_708, %broadcast_in_dim3A_709], %sub3A_699 : memref<3x64x128xf32, #tpu.memory_space<vmem>>[vector<16xi32>, vector<16xi32>, vector<16xi32>], vector<16xf32>,
      %add3A_712 = arith.constant 1 : i32
      %add3A_713 = vector.broadcast %add3A_712 : i32 to vector<16xi32>
      %add3A_714 = arith.addi %broadcast_in_dim3A_711, %add3A_713 : vector<16xi32>
      tpu.vector_store_idx %arg18[%add3A_714, %add3A_708, %broadcast_in_dim3A_709], %sub3A_702 : memref<3x64x128xf32, #tpu.memory_space<vmem>>[vector<16xi32>, vector<16xi32>, vector<16xi32>], vector<16xf32>,
      %add3A_715 = arith.constant 2 : i32
      %add3A_716 = vector.broadcast %add3A_715 : i32 to vector<16xi32>
      %add3A_717 = arith.addi %broadcast_in_dim3A_711, %add3A_716 : vector<16xi32>
      tpu.vector_store_idx %arg18[%add3A_717, %add3A_708, %broadcast_in_dim3A_709], %sub3A_705 : memref<3x64x128xf32, #tpu.memory_space<vmem>>[vector<16xi32>, vector<16xi32>, vector<16xi32>], vector<16xf32>,
      %get3A_718 = arith.constant 560 : index
      %get3A_719 = tpu.vector_load %arg16[%get3A_718] {strides = array<i32>} : memref<2048xi32, #tpu.memory_space<vmem>>, vector<16xi32>,
      %add3A_720 = arith.constant 48 : i32
      %add3A_721 = vector.broadcast %add3A_720 : i32 to vector<16xi32>
      %add3A_722 = arith.addi %iota3A, %add3A_721 : vector<16xi32>
      %lt3A_723 = vector.broadcast %min3A_613 : i32 to vector<16xi32>
      %lt3A_724 = arith.cmpi slt, %add3A_722, %lt3A_723 : vector<16xi32>
      %broadcast_in_dim3A_725 = vector.broadcast %squeeze3A_617 : i32 to vector<16xi32>
      %select_n3A_726 = arith.select %lt3A_724, %get3A_719, %broadcast_in_dim3A_725 : vector<16xi1>, vector<16xi32>
      %gather3A_727 = tpu.vector_load_idx %arg10[%select_n3A_726] : memref<4096xf32, #tpu.memory_space<vmem>>[vector<16xi32>], vector<16xf32>,
      %sub3A_728 = vector.broadcast %squeeze3A_619 : f32 to vector<16xf32>
      %sub3A_729 = arith.subf %gather3A_727, %sub3A_728 : vector<16xf32>
      %gather3A_730 = tpu.vector_load_idx %arg11[%select_n3A_726] : memref<4096xf32, #tpu.memory_space<vmem>>[vector<16xi32>], vector<16xf32>,
      %sub3A_731 = vector.broadcast %squeeze3A_621 : f32 to vector<16xf32>
      %sub3A_732 = arith.subf %gather3A_730, %sub3A_731 : vector<16xf32>
      %gather3A_733 = tpu.vector_load_idx %arg12[%select_n3A_726] : memref<4096xf32, #tpu.memory_space<vmem>>[vector<16xi32>], vector<16xf32>,
      %sub3A_734 = vector.broadcast %squeeze3A_623 : f32 to vector<16xf32>
      %sub3A_735 = arith.subf %gather3A_733, %sub3A_734 : vector<16xf32>
      %add3A_736 = arith.constant 48 : i32
      %add3A_737 = vector.broadcast %add3A_736 : i32 to vector<16xi32>
      %add3A_738 = arith.addi %iota3A, %add3A_737 : vector<16xi32>
      %broadcast_in_dim3A_739 = vector.broadcast %add3A_627 : i32 to vector<16xi32>
      tpu.vector_store_idx %arg17[%add3A_738, %broadcast_in_dim3A_739], %select_n3A_726 : memref<64x128xi32, #tpu.memory_space<vmem>>[vector<16xi32>, vector<16xi32>], vector<16xi32>,
      %broadcast_in_dim3A_740 = arith.constant 0 : i32
      %broadcast_in_dim3A_741 = vector.broadcast %broadcast_in_dim3A_740 : i32 to vector<16xi32>
      tpu.vector_store_idx %arg18[%broadcast_in_dim3A_741, %add3A_738, %broadcast_in_dim3A_739], %sub3A_729 : memref<3x64x128xf32, #tpu.memory_space<vmem>>[vector<16xi32>, vector<16xi32>, vector<16xi32>], vector<16xf32>,
      %add3A_742 = arith.constant 1 : i32
      %add3A_743 = vector.broadcast %add3A_742 : i32 to vector<16xi32>
      %add3A_744 = arith.addi %broadcast_in_dim3A_741, %add3A_743 : vector<16xi32>
      tpu.vector_store_idx %arg18[%add3A_744, %add3A_738, %broadcast_in_dim3A_739], %sub3A_732 : memref<3x64x128xf32, #tpu.memory_space<vmem>>[vector<16xi32>, vector<16xi32>, vector<16xi32>], vector<16xf32>,
      %add3A_745 = arith.constant 2 : i32
      %add3A_746 = vector.broadcast %add3A_745 : i32 to vector<16xi32>
      %add3A_747 = arith.addi %broadcast_in_dim3A_741, %add3A_746 : vector<16xi32>
      tpu.vector_store_idx %arg18[%add3A_747, %add3A_738, %broadcast_in_dim3A_739], %sub3A_735 : memref<3x64x128xf32, #tpu.memory_space<vmem>>[vector<16xi32>, vector<16xi32>, vector<16xi32>], vector<16xf32>,
      %slice3A_748 = vector.extract_strided_slice %scan3A_60 {offsets = [5], sizes = [1], strides = [1]} : vector<16xi32> to vector<1xi32>
      %squeeze3A_749 = vector.extract %slice3A_748[0] : i32 from vector<1xi32>
      %min3A_750 = arith.constant 64 : i32
      %min3A_751 = arith.minsi %squeeze3A_749, %min3A_750 : i32
      %get3A_752 = arith.constant 640 : index
      %get3A_753 = tpu.vector_load %arg16[%get3A_752] {strides = array<i32>} : memref<2048xi32, #tpu.memory_space<vmem>>, vector<16xi32>,
      %slice3A_754 = vector.extract_strided_slice %get3A_753 {offsets = [0], sizes = [1], strides = [1]} : vector<16xi32> to vector<1xi32>
      %squeeze3A_755 = vector.extract %slice3A_754[0] : i32 from vector<1xi32>
      %slice3A_756 = vector.extract_strided_slice %get3A_46 {offsets = [5], sizes = [1], strides = [1]} : vector<16xf32> to vector<1xf32>
      %squeeze3A_757 = vector.extract %slice3A_756[0] : f32 from vector<1xf32>
      %slice3A_758 = vector.extract_strided_slice %get3A_50 {offsets = [5], sizes = [1], strides = [1]} : vector<16xf32> to vector<1xf32>
      %squeeze3A_759 = vector.extract %slice3A_758[0] : f32 from vector<1xf32>
      %slice3A_760 = vector.extract_strided_slice %get3A_54 {offsets = [5], sizes = [1], strides = [1]} : vector<16xf32> to vector<1xf32>
      %squeeze3A_761 = vector.extract %slice3A_760[0] : f32 from vector<1xf32>
      %mul3A_762 = arith.constant 16 : i32
      %mul3A_763 = arith.muli %scan3A_42, %mul3A_762 : i32
      %add3A_764 = arith.constant 5 : i32
      %add3A_765 = arith.addi %mul3A_763, %add3A_764 : i32
      %get3A_766 = arith.constant 640 : index
      %get3A_767 = tpu.vector_load %arg16[%get3A_766] {strides = array<i32>} : memref<2048xi32, #tpu.memory_space<vmem>>, vector<16xi32>,
      %add3A_768 = arith.constant 0 : i32
      %add3A_769 = vector.broadcast %add3A_768 : i32 to vector<16xi32>
      %add3A_770 = arith.addi %iota3A, %add3A_769 : vector<16xi32>
      %lt3A_771 = vector.broadcast %min3A_751 : i32 to vector<16xi32>
      %lt3A_772 = arith.cmpi slt, %add3A_770, %lt3A_771 : vector<16xi32>
      %broadcast_in_dim3A_773 = vector.broadcast %squeeze3A_755 : i32 to vector<16xi32>
      %select_n3A_774 = arith.select %lt3A_772, %get3A_767, %broadcast_in_dim3A_773 : vector<16xi1>, vector<16xi32>
      %gather3A_775 = tpu.vector_load_idx %arg10[%select_n3A_774] : memref<4096xf32, #tpu.memory_space<vmem>>[vector<16xi32>], vector<16xf32>,
      %sub3A_776 = vector.broadcast %squeeze3A_757 : f32 to vector<16xf32>
      %sub3A_777 = arith.subf %gather3A_775, %sub3A_776 : vector<16xf32>
      %gather3A_778 = tpu.vector_load_idx %arg11[%select_n3A_774] : memref<4096xf32, #tpu.memory_space<vmem>>[vector<16xi32>], vector<16xf32>,
      %sub3A_779 = vector.broadcast %squeeze3A_759 : f32 to vector<16xf32>
      %sub3A_780 = arith.subf %gather3A_778, %sub3A_779 : vector<16xf32>
      %gather3A_781 = tpu.vector_load_idx %arg12[%select_n3A_774] : memref<4096xf32, #tpu.memory_space<vmem>>[vector<16xi32>], vector<16xf32>,
      %sub3A_782 = vector.broadcast %squeeze3A_761 : f32 to vector<16xf32>
      %sub3A_783 = arith.subf %gather3A_781, %sub3A_782 : vector<16xf32>
      %add3A_784 = arith.constant 0 : i32
      %add3A_785 = vector.broadcast %add3A_784 : i32 to vector<16xi32>
      %add3A_786 = arith.addi %iota3A, %add3A_785 : vector<16xi32>
      %broadcast_in_dim3A_787 = vector.broadcast %add3A_765 : i32 to vector<16xi32>
      tpu.vector_store_idx %arg17[%add3A_786, %broadcast_in_dim3A_787], %select_n3A_774 : memref<64x128xi32, #tpu.memory_space<vmem>>[vector<16xi32>, vector<16xi32>], vector<16xi32>,
      %broadcast_in_dim3A_788 = arith.constant 0 : i32
      %broadcast_in_dim3A_789 = vector.broadcast %broadcast_in_dim3A_788 : i32 to vector<16xi32>
      tpu.vector_store_idx %arg18[%broadcast_in_dim3A_789, %add3A_786, %broadcast_in_dim3A_787], %sub3A_777 : memref<3x64x128xf32, #tpu.memory_space<vmem>>[vector<16xi32>, vector<16xi32>, vector<16xi32>], vector<16xf32>,
      %add3A_790 = arith.constant 1 : i32
      %add3A_791 = vector.broadcast %add3A_790 : i32 to vector<16xi32>
      %add3A_792 = arith.addi %broadcast_in_dim3A_789, %add3A_791 : vector<16xi32>
      tpu.vector_store_idx %arg18[%add3A_792, %add3A_786, %broadcast_in_dim3A_787], %sub3A_780 : memref<3x64x128xf32, #tpu.memory_space<vmem>>[vector<16xi32>, vector<16xi32>, vector<16xi32>], vector<16xf32>,
      %add3A_793 = arith.constant 2 : i32
      %add3A_794 = vector.broadcast %add3A_793 : i32 to vector<16xi32>
      %add3A_795 = arith.addi %broadcast_in_dim3A_789, %add3A_794 : vector<16xi32>
      tpu.vector_store_idx %arg18[%add3A_795, %add3A_786, %broadcast_in_dim3A_787], %sub3A_783 : memref<3x64x128xf32, #tpu.memory_space<vmem>>[vector<16xi32>, vector<16xi32>, vector<16xi32>], vector<16xf32>,
      %get3A_796 = arith.constant 656 : index
      %get3A_797 = tpu.vector_load %arg16[%get3A_796] {strides = array<i32>} : memref<2048xi32, #tpu.memory_space<vmem>>, vector<16xi32>,
      %add3A_798 = arith.constant 16 : i32
      %add3A_799 = vector.broadcast %add3A_798 : i32 to vector<16xi32>
      %add3A_800 = arith.addi %iota3A, %add3A_799 : vector<16xi32>
      %lt3A_801 = vector.broadcast %min3A_751 : i32 to vector<16xi32>
      %lt3A_802 = arith.cmpi slt, %add3A_800, %lt3A_801 : vector<16xi32>
      %broadcast_in_dim3A_803 = vector.broadcast %squeeze3A_755 : i32 to vector<16xi32>
      %select_n3A_804 = arith.select %lt3A_802, %get3A_797, %broadcast_in_dim3A_803 : vector<16xi1>, vector<16xi32>
      %gather3A_805 = tpu.vector_load_idx %arg10[%select_n3A_804] : memref<4096xf32, #tpu.memory_space<vmem>>[vector<16xi32>], vector<16xf32>,
      %sub3A_806 = vector.broadcast %squeeze3A_757 : f32 to vector<16xf32>
      %sub3A_807 = arith.subf %gather3A_805, %sub3A_806 : vector<16xf32>
      %gather3A_808 = tpu.vector_load_idx %arg11[%select_n3A_804] : memref<4096xf32, #tpu.memory_space<vmem>>[vector<16xi32>], vector<16xf32>,
      %sub3A_809 = vector.broadcast %squeeze3A_759 : f32 to vector<16xf32>
      %sub3A_810 = arith.subf %gather3A_808, %sub3A_809 : vector<16xf32>
      %gather3A_811 = tpu.vector_load_idx %arg12[%select_n3A_804] : memref<4096xf32, #tpu.memory_space<vmem>>[vector<16xi32>], vector<16xf32>,
      %sub3A_812 = vector.broadcast %squeeze3A_761 : f32 to vector<16xf32>
      %sub3A_813 = arith.subf %gather3A_811, %sub3A_812 : vector<16xf32>
      %add3A_814 = arith.constant 16 : i32
      %add3A_815 = vector.broadcast %add3A_814 : i32 to vector<16xi32>
      %add3A_816 = arith.addi %iota3A, %add3A_815 : vector<16xi32>
      %broadcast_in_dim3A_817 = vector.broadcast %add3A_765 : i32 to vector<16xi32>
      tpu.vector_store_idx %arg17[%add3A_816, %broadcast_in_dim3A_817], %select_n3A_804 : memref<64x128xi32, #tpu.memory_space<vmem>>[vector<16xi32>, vector<16xi32>], vector<16xi32>,
      %broadcast_in_dim3A_818 = arith.constant 0 : i32
      %broadcast_in_dim3A_819 = vector.broadcast %broadcast_in_dim3A_818 : i32 to vector<16xi32>
      tpu.vector_store_idx %arg18[%broadcast_in_dim3A_819, %add3A_816, %broadcast_in_dim3A_817], %sub3A_807 : memref<3x64x128xf32, #tpu.memory_space<vmem>>[vector<16xi32>, vector<16xi32>, vector<16xi32>], vector<16xf32>,
      %add3A_820 = arith.constant 1 : i32
      %add3A_821 = vector.broadcast %add3A_820 : i32 to vector<16xi32>
      %add3A_822 = arith.addi %broadcast_in_dim3A_819, %add3A_821 : vector<16xi32>
      tpu.vector_store_idx %arg18[%add3A_822, %add3A_816, %broadcast_in_dim3A_817], %sub3A_810 : memref<3x64x128xf32, #tpu.memory_space<vmem>>[vector<16xi32>, vector<16xi32>, vector<16xi32>], vector<16xf32>,
      %add3A_823 = arith.constant 2 : i32
      %add3A_824 = vector.broadcast %add3A_823 : i32 to vector<16xi32>
      %add3A_825 = arith.addi %broadcast_in_dim3A_819, %add3A_824 : vector<16xi32>
      tpu.vector_store_idx %arg18[%add3A_825, %add3A_816, %broadcast_in_dim3A_817], %sub3A_813 : memref<3x64x128xf32, #tpu.memory_space<vmem>>[vector<16xi32>, vector<16xi32>, vector<16xi32>], vector<16xf32>,
      %get3A_826 = arith.constant 672 : index
      %get3A_827 = tpu.vector_load %arg16[%get3A_826] {strides = array<i32>} : memref<2048xi32, #tpu.memory_space<vmem>>, vector<16xi32>,
      %add3A_828 = arith.constant 32 : i32
      %add3A_829 = vector.broadcast %add3A_828 : i32 to vector<16xi32>
      %add3A_830 = arith.addi %iota3A, %add3A_829 : vector<16xi32>
      %lt3A_831 = vector.broadcast %min3A_751 : i32 to vector<16xi32>
      %lt3A_832 = arith.cmpi slt, %add3A_830, %lt3A_831 : vector<16xi32>
      %broadcast_in_dim3A_833 = vector.broadcast %squeeze3A_755 : i32 to vector<16xi32>
      %select_n3A_834 = arith.select %lt3A_832, %get3A_827, %broadcast_in_dim3A_833 : vector<16xi1>, vector<16xi32>
      %gather3A_835 = tpu.vector_load_idx %arg10[%select_n3A_834] : memref<4096xf32, #tpu.memory_space<vmem>>[vector<16xi32>], vector<16xf32>,
      %sub3A_836 = vector.broadcast %squeeze3A_757 : f32 to vector<16xf32>
      %sub3A_837 = arith.subf %gather3A_835, %sub3A_836 : vector<16xf32>
      %gather3A_838 = tpu.vector_load_idx %arg11[%select_n3A_834] : memref<4096xf32, #tpu.memory_space<vmem>>[vector<16xi32>], vector<16xf32>,
      %sub3A_839 = vector.broadcast %squeeze3A_759 : f32 to vector<16xf32>
      %sub3A_840 = arith.subf %gather3A_838, %sub3A_839 : vector<16xf32>
      %gather3A_841 = tpu.vector_load_idx %arg12[%select_n3A_834] : memref<4096xf32, #tpu.memory_space<vmem>>[vector<16xi32>], vector<16xf32>,
      %sub3A_842 = vector.broadcast %squeeze3A_761 : f32 to vector<16xf32>
      %sub3A_843 = arith.subf %gather3A_841, %sub3A_842 : vector<16xf32>
      %add3A_844 = arith.constant 32 : i32
      %add3A_845 = vector.broadcast %add3A_844 : i32 to vector<16xi32>
      %add3A_846 = arith.addi %iota3A, %add3A_845 : vector<16xi32>
      %broadcast_in_dim3A_847 = vector.broadcast %add3A_765 : i32 to vector<16xi32>
      tpu.vector_store_idx %arg17[%add3A_846, %broadcast_in_dim3A_847], %select_n3A_834 : memref<64x128xi32, #tpu.memory_space<vmem>>[vector<16xi32>, vector<16xi32>], vector<16xi32>,
      %broadcast_in_dim3A_848 = arith.constant 0 : i32
      %broadcast_in_dim3A_849 = vector.broadcast %broadcast_in_dim3A_848 : i32 to vector<16xi32>
      tpu.vector_store_idx %arg18[%broadcast_in_dim3A_849, %add3A_846, %broadcast_in_dim3A_847], %sub3A_837 : memref<3x64x128xf32, #tpu.memory_space<vmem>>[vector<16xi32>, vector<16xi32>, vector<16xi32>], vector<16xf32>,
      %add3A_850 = arith.constant 1 : i32
      %add3A_851 = vector.broadcast %add3A_850 : i32 to vector<16xi32>
      %add3A_852 = arith.addi %broadcast_in_dim3A_849, %add3A_851 : vector<16xi32>
      tpu.vector_store_idx %arg18[%add3A_852, %add3A_846, %broadcast_in_dim3A_847], %sub3A_840 : memref<3x64x128xf32, #tpu.memory_space<vmem>>[vector<16xi32>, vector<16xi32>, vector<16xi32>], vector<16xf32>,
      %add3A_853 = arith.constant 2 : i32
      %add3A_854 = vector.broadcast %add3A_853 : i32 to vector<16xi32>
      %add3A_855 = arith.addi %broadcast_in_dim3A_849, %add3A_854 : vector<16xi32>
      tpu.vector_store_idx %arg18[%add3A_855, %add3A_846, %broadcast_in_dim3A_847], %sub3A_843 : memref<3x64x128xf32, #tpu.memory_space<vmem>>[vector<16xi32>, vector<16xi32>, vector<16xi32>], vector<16xf32>,
      %get3A_856 = arith.constant 688 : index
      %get3A_857 = tpu.vector_load %arg16[%get3A_856] {strides = array<i32>} : memref<2048xi32, #tpu.memory_space<vmem>>, vector<16xi32>,
      %add3A_858 = arith.constant 48 : i32
      %add3A_859 = vector.broadcast %add3A_858 : i32 to vector<16xi32>
      %add3A_860 = arith.addi %iota3A, %add3A_859 : vector<16xi32>
      %lt3A_861 = vector.broadcast %min3A_751 : i32 to vector<16xi32>
      %lt3A_862 = arith.cmpi slt, %add3A_860, %lt3A_861 : vector<16xi32>
      %broadcast_in_dim3A_863 = vector.broadcast %squeeze3A_755 : i32 to vector<16xi32>
      %select_n3A_864 = arith.select %lt3A_862, %get3A_857, %broadcast_in_dim3A_863 : vector<16xi1>, vector<16xi32>
      %gather3A_865 = tpu.vector_load_idx %arg10[%select_n3A_864] : memref<4096xf32, #tpu.memory_space<vmem>>[vector<16xi32>], vector<16xf32>,
      %sub3A_866 = vector.broadcast %squeeze3A_757 : f32 to vector<16xf32>
      %sub3A_867 = arith.subf %gather3A_865, %sub3A_866 : vector<16xf32>
      %gather3A_868 = tpu.vector_load_idx %arg11[%select_n3A_864] : memref<4096xf32, #tpu.memory_space<vmem>>[vector<16xi32>], vector<16xf32>,
      %sub3A_869 = vector.broadcast %squeeze3A_759 : f32 to vector<16xf32>
      %sub3A_870 = arith.subf %gather3A_868, %sub3A_869 : vector<16xf32>
      %gather3A_871 = tpu.vector_load_idx %arg12[%select_n3A_864] : memref<4096xf32, #tpu.memory_space<vmem>>[vector<16xi32>], vector<16xf32>,
      %sub3A_872 = vector.broadcast %squeeze3A_761 : f32 to vector<16xf32>
      %sub3A_873 = arith.subf %gather3A_871, %sub3A_872 : vector<16xf32>
      %add3A_874 = arith.constant 48 : i32
      %add3A_875 = vector.broadcast %add3A_874 : i32 to vector<16xi32>
      %add3A_876 = arith.addi %iota3A, %add3A_875 : vector<16xi32>
      %broadcast_in_dim3A_877 = vector.broadcast %add3A_765 : i32 to vector<16xi32>
      tpu.vector_store_idx %arg17[%add3A_876, %broadcast_in_dim3A_877], %select_n3A_864 : memref<64x128xi32, #tpu.memory_space<vmem>>[vector<16xi32>, vector<16xi32>], vector<16xi32>,
      %broadcast_in_dim3A_878 = arith.constant 0 : i32
      %broadcast_in_dim3A_879 = vector.broadcast %broadcast_in_dim3A_878 : i32 to vector<16xi32>
      tpu.vector_store_idx %arg18[%broadcast_in_dim3A_879, %add3A_876, %broadcast_in_dim3A_877], %sub3A_867 : memref<3x64x128xf32, #tpu.memory_space<vmem>>[vector<16xi32>, vector<16xi32>, vector<16xi32>], vector<16xf32>,
      %add3A_880 = arith.constant 1 : i32
      %add3A_881 = vector.broadcast %add3A_880 : i32 to vector<16xi32>
      %add3A_882 = arith.addi %broadcast_in_dim3A_879, %add3A_881 : vector<16xi32>
      tpu.vector_store_idx %arg18[%add3A_882, %add3A_876, %broadcast_in_dim3A_877], %sub3A_870 : memref<3x64x128xf32, #tpu.memory_space<vmem>>[vector<16xi32>, vector<16xi32>, vector<16xi32>], vector<16xf32>,
      %add3A_883 = arith.constant 2 : i32
      %add3A_884 = vector.broadcast %add3A_883 : i32 to vector<16xi32>
      %add3A_885 = arith.addi %broadcast_in_dim3A_879, %add3A_884 : vector<16xi32>
      tpu.vector_store_idx %arg18[%add3A_885, %add3A_876, %broadcast_in_dim3A_877], %sub3A_873 : memref<3x64x128xf32, #tpu.memory_space<vmem>>[vector<16xi32>, vector<16xi32>, vector<16xi32>], vector<16xf32>,
      %slice3A_886 = vector.extract_strided_slice %scan3A_60 {offsets = [6], sizes = [1], strides = [1]} : vector<16xi32> to vector<1xi32>
      %squeeze3A_887 = vector.extract %slice3A_886[0] : i32 from vector<1xi32>
      %min3A_888 = arith.constant 64 : i32
      %min3A_889 = arith.minsi %squeeze3A_887, %min3A_888 : i32
      %get3A_890 = arith.constant 768 : index
      %get3A_891 = tpu.vector_load %arg16[%get3A_890] {strides = array<i32>} : memref<2048xi32, #tpu.memory_space<vmem>>, vector<16xi32>,
      %slice3A_892 = vector.extract_strided_slice %get3A_891 {offsets = [0], sizes = [1], strides = [1]} : vector<16xi32> to vector<1xi32>
      %squeeze3A_893 = vector.extract %slice3A_892[0] : i32 from vector<1xi32>
      %slice3A_894 = vector.extract_strided_slice %get3A_46 {offsets = [6], sizes = [1], strides = [1]} : vector<16xf32> to vector<1xf32>
      %squeeze3A_895 = vector.extract %slice3A_894[0] : f32 from vector<1xf32>
      %slice3A_896 = vector.extract_strided_slice %get3A_50 {offsets = [6], sizes = [1], strides = [1]} : vector<16xf32> to vector<1xf32>
      %squeeze3A_897 = vector.extract %slice3A_896[0] : f32 from vector<1xf32>
      %slice3A_898 = vector.extract_strided_slice %get3A_54 {offsets = [6], sizes = [1], strides = [1]} : vector<16xf32> to vector<1xf32>
      %squeeze3A_899 = vector.extract %slice3A_898[0] : f32 from vector<1xf32>
      %mul3A_900 = arith.constant 16 : i32
      %mul3A_901 = arith.muli %scan3A_42, %mul3A_900 : i32
      %add3A_902 = arith.constant 6 : i32
      %add3A_903 = arith.addi %mul3A_901, %add3A_902 : i32
      %get3A_904 = arith.constant 768 : index
      %get3A_905 = tpu.vector_load %arg16[%get3A_904] {strides = array<i32>} : memref<2048xi32, #tpu.memory_space<vmem>>, vector<16xi32>,
      %add3A_906 = arith.constant 0 : i32
      %add3A_907 = vector.broadcast %add3A_906 : i32 to vector<16xi32>
      %add3A_908 = arith.addi %iota3A, %add3A_907 : vector<16xi32>
      %lt3A_909 = vector.broadcast %min3A_889 : i32 to vector<16xi32>
      %lt3A_910 = arith.cmpi slt, %add3A_908, %lt3A_909 : vector<16xi32>
      %broadcast_in_dim3A_911 = vector.broadcast %squeeze3A_893 : i32 to vector<16xi32>
      %select_n3A_912 = arith.select %lt3A_910, %get3A_905, %broadcast_in_dim3A_911 : vector<16xi1>, vector<16xi32>
      %gather3A_913 = tpu.vector_load_idx %arg10[%select_n3A_912] : memref<4096xf32, #tpu.memory_space<vmem>>[vector<16xi32>], vector<16xf32>,
      %sub3A_914 = vector.broadcast %squeeze3A_895 : f32 to vector<16xf32>
      %sub3A_915 = arith.subf %gather3A_913, %sub3A_914 : vector<16xf32>
      %gather3A_916 = tpu.vector_load_idx %arg11[%select_n3A_912] : memref<4096xf32, #tpu.memory_space<vmem>>[vector<16xi32>], vector<16xf32>,
      %sub3A_917 = vector.broadcast %squeeze3A_897 : f32 to vector<16xf32>
      %sub3A_918 = arith.subf %gather3A_916, %sub3A_917 : vector<16xf32>
      %gather3A_919 = tpu.vector_load_idx %arg12[%select_n3A_912] : memref<4096xf32, #tpu.memory_space<vmem>>[vector<16xi32>], vector<16xf32>,
      %sub3A_920 = vector.broadcast %squeeze3A_899 : f32 to vector<16xf32>
      %sub3A_921 = arith.subf %gather3A_919, %sub3A_920 : vector<16xf32>
      %add3A_922 = arith.constant 0 : i32
      %add3A_923 = vector.broadcast %add3A_922 : i32 to vector<16xi32>
      %add3A_924 = arith.addi %iota3A, %add3A_923 : vector<16xi32>
      %broadcast_in_dim3A_925 = vector.broadcast %add3A_903 : i32 to vector<16xi32>
      tpu.vector_store_idx %arg17[%add3A_924, %broadcast_in_dim3A_925], %select_n3A_912 : memref<64x128xi32, #tpu.memory_space<vmem>>[vector<16xi32>, vector<16xi32>], vector<16xi32>,
      %broadcast_in_dim3A_926 = arith.constant 0 : i32
      %broadcast_in_dim3A_927 = vector.broadcast %broadcast_in_dim3A_926 : i32 to vector<16xi32>
      tpu.vector_store_idx %arg18[%broadcast_in_dim3A_927, %add3A_924, %broadcast_in_dim3A_925], %sub3A_915 : memref<3x64x128xf32, #tpu.memory_space<vmem>>[vector<16xi32>, vector<16xi32>, vector<16xi32>], vector<16xf32>,
      %add3A_928 = arith.constant 1 : i32
      %add3A_929 = vector.broadcast %add3A_928 : i32 to vector<16xi32>
      %add3A_930 = arith.addi %broadcast_in_dim3A_927, %add3A_929 : vector<16xi32>
      tpu.vector_store_idx %arg18[%add3A_930, %add3A_924, %broadcast_in_dim3A_925], %sub3A_918 : memref<3x64x128xf32, #tpu.memory_space<vmem>>[vector<16xi32>, vector<16xi32>, vector<16xi32>], vector<16xf32>,
      %add3A_931 = arith.constant 2 : i32
      %add3A_932 = vector.broadcast %add3A_931 : i32 to vector<16xi32>
      %add3A_933 = arith.addi %broadcast_in_dim3A_927, %add3A_932 : vector<16xi32>
      tpu.vector_store_idx %arg18[%add3A_933, %add3A_924, %broadcast_in_dim3A_925], %sub3A_921 : memref<3x64x128xf32, #tpu.memory_space<vmem>>[vector<16xi32>, vector<16xi32>, vector<16xi32>], vector<16xf32>,
      %get3A_934 = arith.constant 784 : index
      %get3A_935 = tpu.vector_load %arg16[%get3A_934] {strides = array<i32>} : memref<2048xi32, #tpu.memory_space<vmem>>, vector<16xi32>,
      %add3A_936 = arith.constant 16 : i32
      %add3A_937 = vector.broadcast %add3A_936 : i32 to vector<16xi32>
      %add3A_938 = arith.addi %iota3A, %add3A_937 : vector<16xi32>
      %lt3A_939 = vector.broadcast %min3A_889 : i32 to vector<16xi32>
      %lt3A_940 = arith.cmpi slt, %add3A_938, %lt3A_939 : vector<16xi32>
      %broadcast_in_dim3A_941 = vector.broadcast %squeeze3A_893 : i32 to vector<16xi32>
      %select_n3A_942 = arith.select %lt3A_940, %get3A_935, %broadcast_in_dim3A_941 : vector<16xi1>, vector<16xi32>
      %gather3A_943 = tpu.vector_load_idx %arg10[%select_n3A_942] : memref<4096xf32, #tpu.memory_space<vmem>>[vector<16xi32>], vector<16xf32>,
      %sub3A_944 = vector.broadcast %squeeze3A_895 : f32 to vector<16xf32>
      %sub3A_945 = arith.subf %gather3A_943, %sub3A_944 : vector<16xf32>
      %gather3A_946 = tpu.vector_load_idx %arg11[%select_n3A_942] : memref<4096xf32, #tpu.memory_space<vmem>>[vector<16xi32>], vector<16xf32>,
      %sub3A_947 = vector.broadcast %squeeze3A_897 : f32 to vector<16xf32>
      %sub3A_948 = arith.subf %gather3A_946, %sub3A_947 : vector<16xf32>
      %gather3A_949 = tpu.vector_load_idx %arg12[%select_n3A_942] : memref<4096xf32, #tpu.memory_space<vmem>>[vector<16xi32>], vector<16xf32>,
      %sub3A_950 = vector.broadcast %squeeze3A_899 : f32 to vector<16xf32>
      %sub3A_951 = arith.subf %gather3A_949, %sub3A_950 : vector<16xf32>
      %add3A_952 = arith.constant 16 : i32
      %add3A_953 = vector.broadcast %add3A_952 : i32 to vector<16xi32>
      %add3A_954 = arith.addi %iota3A, %add3A_953 : vector<16xi32>
      %broadcast_in_dim3A_955 = vector.broadcast %add3A_903 : i32 to vector<16xi32>
      tpu.vector_store_idx %arg17[%add3A_954, %broadcast_in_dim3A_955], %select_n3A_942 : memref<64x128xi32, #tpu.memory_space<vmem>>[vector<16xi32>, vector<16xi32>], vector<16xi32>,
      %broadcast_in_dim3A_956 = arith.constant 0 : i32
      %broadcast_in_dim3A_957 = vector.broadcast %broadcast_in_dim3A_956 : i32 to vector<16xi32>
      tpu.vector_store_idx %arg18[%broadcast_in_dim3A_957, %add3A_954, %broadcast_in_dim3A_955], %sub3A_945 : memref<3x64x128xf32, #tpu.memory_space<vmem>>[vector<16xi32>, vector<16xi32>, vector<16xi32>], vector<16xf32>,
      %add3A_958 = arith.constant 1 : i32
      %add3A_959 = vector.broadcast %add3A_958 : i32 to vector<16xi32>
      %add3A_960 = arith.addi %broadcast_in_dim3A_957, %add3A_959 : vector<16xi32>
      tpu.vector_store_idx %arg18[%add3A_960, %add3A_954, %broadcast_in_dim3A_955], %sub3A_948 : memref<3x64x128xf32, #tpu.memory_space<vmem>>[vector<16xi32>, vector<16xi32>, vector<16xi32>], vector<16xf32>,
      %add3A_961 = arith.constant 2 : i32
      %add3A_962 = vector.broadcast %add3A_961 : i32 to vector<16xi32>
      %add3A_963 = arith.addi %broadcast_in_dim3A_957, %add3A_962 : vector<16xi32>
      tpu.vector_store_idx %arg18[%add3A_963, %add3A_954, %broadcast_in_dim3A_955], %sub3A_951 : memref<3x64x128xf32, #tpu.memory_space<vmem>>[vector<16xi32>, vector<16xi32>, vector<16xi32>], vector<16xf32>,
      %get3A_964 = arith.constant 800 : index
      %get3A_965 = tpu.vector_load %arg16[%get3A_964] {strides = array<i32>} : memref<2048xi32, #tpu.memory_space<vmem>>, vector<16xi32>,
      %add3A_966 = arith.constant 32 : i32
      %add3A_967 = vector.broadcast %add3A_966 : i32 to vector<16xi32>
      %add3A_968 = arith.addi %iota3A, %add3A_967 : vector<16xi32>
      %lt3A_969 = vector.broadcast %min3A_889 : i32 to vector<16xi32>
      %lt3A_970 = arith.cmpi slt, %add3A_968, %lt3A_969 : vector<16xi32>
      %broadcast_in_dim3A_971 = vector.broadcast %squeeze3A_893 : i32 to vector<16xi32>
      %select_n3A_972 = arith.select %lt3A_970, %get3A_965, %broadcast_in_dim3A_971 : vector<16xi1>, vector<16xi32>
      %gather3A_973 = tpu.vector_load_idx %arg10[%select_n3A_972] : memref<4096xf32, #tpu.memory_space<vmem>>[vector<16xi32>], vector<16xf32>,
      %sub3A_974 = vector.broadcast %squeeze3A_895 : f32 to vector<16xf32>
      %sub3A_975 = arith.subf %gather3A_973, %sub3A_974 : vector<16xf32>
      %gather3A_976 = tpu.vector_load_idx %arg11[%select_n3A_972] : memref<4096xf32, #tpu.memory_space<vmem>>[vector<16xi32>], vector<16xf32>,
      %sub3A_977 = vector.broadcast %squeeze3A_897 : f32 to vector<16xf32>
      %sub3A_978 = arith.subf %gather3A_976, %sub3A_977 : vector<16xf32>
      %gather3A_979 = tpu.vector_load_idx %arg12[%select_n3A_972] : memref<4096xf32, #tpu.memory_space<vmem>>[vector<16xi32>], vector<16xf32>,
      %sub3A_980 = vector.broadcast %squeeze3A_899 : f32 to vector<16xf32>
      %sub3A_981 = arith.subf %gather3A_979, %sub3A_980 : vector<16xf32>
      %add3A_982 = arith.constant 32 : i32
      %add3A_983 = vector.broadcast %add3A_982 : i32 to vector<16xi32>
      %add3A_984 = arith.addi %iota3A, %add3A_983 : vector<16xi32>
      %broadcast_in_dim3A_985 = vector.broadcast %add3A_903 : i32 to vector<16xi32>
      tpu.vector_store_idx %arg17[%add3A_984, %broadcast_in_dim3A_985], %select_n3A_972 : memref<64x128xi32, #tpu.memory_space<vmem>>[vector<16xi32>, vector<16xi32>], vector<16xi32>,
      %broadcast_in_dim3A_986 = arith.constant 0 : i32
      %broadcast_in_dim3A_987 = vector.broadcast %broadcast_in_dim3A_986 : i32 to vector<16xi32>
      tpu.vector_store_idx %arg18[%broadcast_in_dim3A_987, %add3A_984, %broadcast_in_dim3A_985], %sub3A_975 : memref<3x64x128xf32, #tpu.memory_space<vmem>>[vector<16xi32>, vector<16xi32>, vector<16xi32>], vector<16xf32>,
      %add3A_988 = arith.constant 1 : i32
      %add3A_989 = vector.broadcast %add3A_988 : i32 to vector<16xi32>
      %add3A_990 = arith.addi %broadcast_in_dim3A_987, %add3A_989 : vector<16xi32>
      tpu.vector_store_idx %arg18[%add3A_990, %add3A_984, %broadcast_in_dim3A_985], %sub3A_978 : memref<3x64x128xf32, #tpu.memory_space<vmem>>[vector<16xi32>, vector<16xi32>, vector<16xi32>], vector<16xf32>,
      %add3A_991 = arith.constant 2 : i32
      %add3A_992 = vector.broadcast %add3A_991 : i32 to vector<16xi32>
      %add3A_993 = arith.addi %broadcast_in_dim3A_987, %add3A_992 : vector<16xi32>
      tpu.vector_store_idx %arg18[%add3A_993, %add3A_984, %broadcast_in_dim3A_985], %sub3A_981 : memref<3x64x128xf32, #tpu.memory_space<vmem>>[vector<16xi32>, vector<16xi32>, vector<16xi32>], vector<16xf32>,
      %get3A_994 = arith.constant 816 : index
      %get3A_995 = tpu.vector_load %arg16[%get3A_994] {strides = array<i32>} : memref<2048xi32, #tpu.memory_space<vmem>>, vector<16xi32>,
      %add3A_996 = arith.constant 48 : i32
      %add3A_997 = vector.broadcast %add3A_996 : i32 to vector<16xi32>
      %add3A_998 = arith.addi %iota3A, %add3A_997 : vector<16xi32>
      %lt3A_999 = vector.broadcast %min3A_889 : i32 to vector<16xi32>
      %lt3A_1000 = arith.cmpi slt, %add3A_998, %lt3A_999 : vector<16xi32>
      %broadcast_in_dim3A_1001 = vector.broadcast %squeeze3A_893 : i32 to vector<16xi32>
      %select_n3A_1002 = arith.select %lt3A_1000, %get3A_995, %broadcast_in_dim3A_1001 : vector<16xi1>, vector<16xi32>
      %gather3A_1003 = tpu.vector_load_idx %arg10[%select_n3A_1002] : memref<4096xf32, #tpu.memory_space<vmem>>[vector<16xi32>], vector<16xf32>,
      %sub3A_1004 = vector.broadcast %squeeze3A_895 : f32 to vector<16xf32>
      %sub3A_1005 = arith.subf %gather3A_1003, %sub3A_1004 : vector<16xf32>
      %gather3A_1006 = tpu.vector_load_idx %arg11[%select_n3A_1002] : memref<4096xf32, #tpu.memory_space<vmem>>[vector<16xi32>], vector<16xf32>,
      %sub3A_1007 = vector.broadcast %squeeze3A_897 : f32 to vector<16xf32>
      %sub3A_1008 = arith.subf %gather3A_1006, %sub3A_1007 : vector<16xf32>
      %gather3A_1009 = tpu.vector_load_idx %arg12[%select_n3A_1002] : memref<4096xf32, #tpu.memory_space<vmem>>[vector<16xi32>], vector<16xf32>,
      %sub3A_1010 = vector.broadcast %squeeze3A_899 : f32 to vector<16xf32>
      %sub3A_1011 = arith.subf %gather3A_1009, %sub3A_1010 : vector<16xf32>
      %add3A_1012 = arith.constant 48 : i32
      %add3A_1013 = vector.broadcast %add3A_1012 : i32 to vector<16xi32>
      %add3A_1014 = arith.addi %iota3A, %add3A_1013 : vector<16xi32>
      %broadcast_in_dim3A_1015 = vector.broadcast %add3A_903 : i32 to vector<16xi32>
      tpu.vector_store_idx %arg17[%add3A_1014, %broadcast_in_dim3A_1015], %select_n3A_1002 : memref<64x128xi32, #tpu.memory_space<vmem>>[vector<16xi32>, vector<16xi32>], vector<16xi32>,
      %broadcast_in_dim3A_1016 = arith.constant 0 : i32
      %broadcast_in_dim3A_1017 = vector.broadcast %broadcast_in_dim3A_1016 : i32 to vector<16xi32>
      tpu.vector_store_idx %arg18[%broadcast_in_dim3A_1017, %add3A_1014, %broadcast_in_dim3A_1015], %sub3A_1005 : memref<3x64x128xf32, #tpu.memory_space<vmem>>[vector<16xi32>, vector<16xi32>, vector<16xi32>], vector<16xf32>,
      %add3A_1018 = arith.constant 1 : i32
      %add3A_1019 = vector.broadcast %add3A_1018 : i32 to vector<16xi32>
      %add3A_1020 = arith.addi %broadcast_in_dim3A_1017, %add3A_1019 : vector<16xi32>
      tpu.vector_store_idx %arg18[%add3A_1020, %add3A_1014, %broadcast_in_dim3A_1015], %sub3A_1008 : memref<3x64x128xf32, #tpu.memory_space<vmem>>[vector<16xi32>, vector<16xi32>, vector<16xi32>], vector<16xf32>,
      %add3A_1021 = arith.constant 2 : i32
      %add3A_1022 = vector.broadcast %add3A_1021 : i32 to vector<16xi32>
      %add3A_1023 = arith.addi %broadcast_in_dim3A_1017, %add3A_1022 : vector<16xi32>
      tpu.vector_store_idx %arg18[%add3A_1023, %add3A_1014, %broadcast_in_dim3A_1015], %sub3A_1011 : memref<3x64x128xf32, #tpu.memory_space<vmem>>[vector<16xi32>, vector<16xi32>, vector<16xi32>], vector<16xf32>,
      %slice3A_1024 = vector.extract_strided_slice %scan3A_60 {offsets = [7], sizes = [1], strides = [1]} : vector<16xi32> to vector<1xi32>
      %squeeze3A_1025 = vector.extract %slice3A_1024[0] : i32 from vector<1xi32>
      %min3A_1026 = arith.constant 64 : i32
      %min3A_1027 = arith.minsi %squeeze3A_1025, %min3A_1026 : i32
      %get3A_1028 = arith.constant 896 : index
      %get3A_1029 = tpu.vector_load %arg16[%get3A_1028] {strides = array<i32>} : memref<2048xi32, #tpu.memory_space<vmem>>, vector<16xi32>,
      %slice3A_1030 = vector.extract_strided_slice %get3A_1029 {offsets = [0], sizes = [1], strides = [1]} : vector<16xi32> to vector<1xi32>
      %squeeze3A_1031 = vector.extract %slice3A_1030[0] : i32 from vector<1xi32>
      %slice3A_1032 = vector.extract_strided_slice %get3A_46 {offsets = [7], sizes = [1], strides = [1]} : vector<16xf32> to vector<1xf32>
      %squeeze3A_1033 = vector.extract %slice3A_1032[0] : f32 from vector<1xf32>
      %slice3A_1034 = vector.extract_strided_slice %get3A_50 {offsets = [7], sizes = [1], strides = [1]} : vector<16xf32> to vector<1xf32>
      %squeeze3A_1035 = vector.extract %slice3A_1034[0] : f32 from vector<1xf32>
      %slice3A_1036 = vector.extract_strided_slice %get3A_54 {offsets = [7], sizes = [1], strides = [1]} : vector<16xf32> to vector<1xf32>
      %squeeze3A_1037 = vector.extract %slice3A_1036[0] : f32 from vector<1xf32>
      %mul3A_1038 = arith.constant 16 : i32
      %mul3A_1039 = arith.muli %scan3A_42, %mul3A_1038 : i32
      %add3A_1040 = arith.constant 7 : i32
      %add3A_1041 = arith.addi %mul3A_1039, %add3A_1040 : i32
      %get3A_1042 = arith.constant 896 : index
      %get3A_1043 = tpu.vector_load %arg16[%get3A_1042] {strides = array<i32>} : memref<2048xi32, #tpu.memory_space<vmem>>, vector<16xi32>,
      %add3A_1044 = arith.constant 0 : i32
      %add3A_1045 = vector.broadcast %add3A_1044 : i32 to vector<16xi32>
      %add3A_1046 = arith.addi %iota3A, %add3A_1045 : vector<16xi32>
      %lt3A_1047 = vector.broadcast %min3A_1027 : i32 to vector<16xi32>
      %lt3A_1048 = arith.cmpi slt, %add3A_1046, %lt3A_1047 : vector<16xi32>
      %broadcast_in_dim3A_1049 = vector.broadcast %squeeze3A_1031 : i32 to vector<16xi32>
      %select_n3A_1050 = arith.select %lt3A_1048, %get3A_1043, %broadcast_in_dim3A_1049 : vector<16xi1>, vector<16xi32>
      %gather3A_1051 = tpu.vector_load_idx %arg10[%select_n3A_1050] : memref<4096xf32, #tpu.memory_space<vmem>>[vector<16xi32>], vector<16xf32>,
      %sub3A_1052 = vector.broadcast %squeeze3A_1033 : f32 to vector<16xf32>
      %sub3A_1053 = arith.subf %gather3A_1051, %sub3A_1052 : vector<16xf32>
      %gather3A_1054 = tpu.vector_load_idx %arg11[%select_n3A_1050] : memref<4096xf32, #tpu.memory_space<vmem>>[vector<16xi32>], vector<16xf32>,
      %sub3A_1055 = vector.broadcast %squeeze3A_1035 : f32 to vector<16xf32>
      %sub3A_1056 = arith.subf %gather3A_1054, %sub3A_1055 : vector<16xf32>
      %gather3A_1057 = tpu.vector_load_idx %arg12[%select_n3A_1050] : memref<4096xf32, #tpu.memory_space<vmem>>[vector<16xi32>], vector<16xf32>,
      %sub3A_1058 = vector.broadcast %squeeze3A_1037 : f32 to vector<16xf32>
      %sub3A_1059 = arith.subf %gather3A_1057, %sub3A_1058 : vector<16xf32>
      %add3A_1060 = arith.constant 0 : i32
      %add3A_1061 = vector.broadcast %add3A_1060 : i32 to vector<16xi32>
      %add3A_1062 = arith.addi %iota3A, %add3A_1061 : vector<16xi32>
      %broadcast_in_dim3A_1063 = vector.broadcast %add3A_1041 : i32 to vector<16xi32>
      tpu.vector_store_idx %arg17[%add3A_1062, %broadcast_in_dim3A_1063], %select_n3A_1050 : memref<64x128xi32, #tpu.memory_space<vmem>>[vector<16xi32>, vector<16xi32>], vector<16xi32>,
      %broadcast_in_dim3A_1064 = arith.constant 0 : i32
      %broadcast_in_dim3A_1065 = vector.broadcast %broadcast_in_dim3A_1064 : i32 to vector<16xi32>
      tpu.vector_store_idx %arg18[%broadcast_in_dim3A_1065, %add3A_1062, %broadcast_in_dim3A_1063], %sub3A_1053 : memref<3x64x128xf32, #tpu.memory_space<vmem>>[vector<16xi32>, vector<16xi32>, vector<16xi32>], vector<16xf32>,
      %add3A_1066 = arith.constant 1 : i32
      %add3A_1067 = vector.broadcast %add3A_1066 : i32 to vector<16xi32>
      %add3A_1068 = arith.addi %broadcast_in_dim3A_1065, %add3A_1067 : vector<16xi32>
      tpu.vector_store_idx %arg18[%add3A_1068, %add3A_1062, %broadcast_in_dim3A_1063], %sub3A_1056 : memref<3x64x128xf32, #tpu.memory_space<vmem>>[vector<16xi32>, vector<16xi32>, vector<16xi32>], vector<16xf32>,
      %add3A_1069 = arith.constant 2 : i32
      %add3A_1070 = vector.broadcast %add3A_1069 : i32 to vector<16xi32>
      %add3A_1071 = arith.addi %broadcast_in_dim3A_1065, %add3A_1070 : vector<16xi32>
      tpu.vector_store_idx %arg18[%add3A_1071, %add3A_1062, %broadcast_in_dim3A_1063], %sub3A_1059 : memref<3x64x128xf32, #tpu.memory_space<vmem>>[vector<16xi32>, vector<16xi32>, vector<16xi32>], vector<16xf32>,
      %get3A_1072 = arith.constant 912 : index
      %get3A_1073 = tpu.vector_load %arg16[%get3A_1072] {strides = array<i32>} : memref<2048xi32, #tpu.memory_space<vmem>>, vector<16xi32>,
      %add3A_1074 = arith.constant 16 : i32
      %add3A_1075 = vector.broadcast %add3A_1074 : i32 to vector<16xi32>
      %add3A_1076 = arith.addi %iota3A, %add3A_1075 : vector<16xi32>
      %lt3A_1077 = vector.broadcast %min3A_1027 : i32 to vector<16xi32>
      %lt3A_1078 = arith.cmpi slt, %add3A_1076, %lt3A_1077 : vector<16xi32>
      %broadcast_in_dim3A_1079 = vector.broadcast %squeeze3A_1031 : i32 to vector<16xi32>
      %select_n3A_1080 = arith.select %lt3A_1078, %get3A_1073, %broadcast_in_dim3A_1079 : vector<16xi1>, vector<16xi32>
      %gather3A_1081 = tpu.vector_load_idx %arg10[%select_n3A_1080] : memref<4096xf32, #tpu.memory_space<vmem>>[vector<16xi32>], vector<16xf32>,
      %sub3A_1082 = vector.broadcast %squeeze3A_1033 : f32 to vector<16xf32>
      %sub3A_1083 = arith.subf %gather3A_1081, %sub3A_1082 : vector<16xf32>
      %gather3A_1084 = tpu.vector_load_idx %arg11[%select_n3A_1080] : memref<4096xf32, #tpu.memory_space<vmem>>[vector<16xi32>], vector<16xf32>,
      %sub3A_1085 = vector.broadcast %squeeze3A_1035 : f32 to vector<16xf32>
      %sub3A_1086 = arith.subf %gather3A_1084, %sub3A_1085 : vector<16xf32>
      %gather3A_1087 = tpu.vector_load_idx %arg12[%select_n3A_1080] : memref<4096xf32, #tpu.memory_space<vmem>>[vector<16xi32>], vector<16xf32>,
      %sub3A_1088 = vector.broadcast %squeeze3A_1037 : f32 to vector<16xf32>
      %sub3A_1089 = arith.subf %gather3A_1087, %sub3A_1088 : vector<16xf32>
      %add3A_1090 = arith.constant 16 : i32
      %add3A_1091 = vector.broadcast %add3A_1090 : i32 to vector<16xi32>
      %add3A_1092 = arith.addi %iota3A, %add3A_1091 : vector<16xi32>
      %broadcast_in_dim3A_1093 = vector.broadcast %add3A_1041 : i32 to vector<16xi32>
      tpu.vector_store_idx %arg17[%add3A_1092, %broadcast_in_dim3A_1093], %select_n3A_1080 : memref<64x128xi32, #tpu.memory_space<vmem>>[vector<16xi32>, vector<16xi32>], vector<16xi32>,
      %broadcast_in_dim3A_1094 = arith.constant 0 : i32
      %broadcast_in_dim3A_1095 = vector.broadcast %broadcast_in_dim3A_1094 : i32 to vector<16xi32>
      tpu.vector_store_idx %arg18[%broadcast_in_dim3A_1095, %add3A_1092, %broadcast_in_dim3A_1093], %sub3A_1083 : memref<3x64x128xf32, #tpu.memory_space<vmem>>[vector<16xi32>, vector<16xi32>, vector<16xi32>], vector<16xf32>,
      %add3A_1096 = arith.constant 1 : i32
      %add3A_1097 = vector.broadcast %add3A_1096 : i32 to vector<16xi32>
      %add3A_1098 = arith.addi %broadcast_in_dim3A_1095, %add3A_1097 : vector<16xi32>
      tpu.vector_store_idx %arg18[%add3A_1098, %add3A_1092, %broadcast_in_dim3A_1093], %sub3A_1086 : memref<3x64x128xf32, #tpu.memory_space<vmem>>[vector<16xi32>, vector<16xi32>, vector<16xi32>], vector<16xf32>,
      %add3A_1099 = arith.constant 2 : i32
      %add3A_1100 = vector.broadcast %add3A_1099 : i32 to vector<16xi32>
      %add3A_1101 = arith.addi %broadcast_in_dim3A_1095, %add3A_1100 : vector<16xi32>
      tpu.vector_store_idx %arg18[%add3A_1101, %add3A_1092, %broadcast_in_dim3A_1093], %sub3A_1089 : memref<3x64x128xf32, #tpu.memory_space<vmem>>[vector<16xi32>, vector<16xi32>, vector<16xi32>], vector<16xf32>,
      %get3A_1102 = arith.constant 928 : index
      %get3A_1103 = tpu.vector_load %arg16[%get3A_1102] {strides = array<i32>} : memref<2048xi32, #tpu.memory_space<vmem>>, vector<16xi32>,
      %add3A_1104 = arith.constant 32 : i32
      %add3A_1105 = vector.broadcast %add3A_1104 : i32 to vector<16xi32>
      %add3A_1106 = arith.addi %iota3A, %add3A_1105 : vector<16xi32>
      %lt3A_1107 = vector.broadcast %min3A_1027 : i32 to vector<16xi32>
      %lt3A_1108 = arith.cmpi slt, %add3A_1106, %lt3A_1107 : vector<16xi32>
      %broadcast_in_dim3A_1109 = vector.broadcast %squeeze3A_1031 : i32 to vector<16xi32>
      %select_n3A_1110 = arith.select %lt3A_1108, %get3A_1103, %broadcast_in_dim3A_1109 : vector<16xi1>, vector<16xi32>
      %gather3A_1111 = tpu.vector_load_idx %arg10[%select_n3A_1110] : memref<4096xf32, #tpu.memory_space<vmem>>[vector<16xi32>], vector<16xf32>,
      %sub3A_1112 = vector.broadcast %squeeze3A_1033 : f32 to vector<16xf32>
      %sub3A_1113 = arith.subf %gather3A_1111, %sub3A_1112 : vector<16xf32>
      %gather3A_1114 = tpu.vector_load_idx %arg11[%select_n3A_1110] : memref<4096xf32, #tpu.memory_space<vmem>>[vector<16xi32>], vector<16xf32>,
      %sub3A_1115 = vector.broadcast %squeeze3A_1035 : f32 to vector<16xf32>
      %sub3A_1116 = arith.subf %gather3A_1114, %sub3A_1115 : vector<16xf32>
      %gather3A_1117 = tpu.vector_load_idx %arg12[%select_n3A_1110] : memref<4096xf32, #tpu.memory_space<vmem>>[vector<16xi32>], vector<16xf32>,
      %sub3A_1118 = vector.broadcast %squeeze3A_1037 : f32 to vector<16xf32>
      %sub3A_1119 = arith.subf %gather3A_1117, %sub3A_1118 : vector<16xf32>
      %add3A_1120 = arith.constant 32 : i32
      %add3A_1121 = vector.broadcast %add3A_1120 : i32 to vector<16xi32>
      %add3A_1122 = arith.addi %iota3A, %add3A_1121 : vector<16xi32>
      %broadcast_in_dim3A_1123 = vector.broadcast %add3A_1041 : i32 to vector<16xi32>
      tpu.vector_store_idx %arg17[%add3A_1122, %broadcast_in_dim3A_1123], %select_n3A_1110 : memref<64x128xi32, #tpu.memory_space<vmem>>[vector<16xi32>, vector<16xi32>], vector<16xi32>,
      %broadcast_in_dim3A_1124 = arith.constant 0 : i32
      %broadcast_in_dim3A_1125 = vector.broadcast %broadcast_in_dim3A_1124 : i32 to vector<16xi32>
      tpu.vector_store_idx %arg18[%broadcast_in_dim3A_1125, %add3A_1122, %broadcast_in_dim3A_1123], %sub3A_1113 : memref<3x64x128xf32, #tpu.memory_space<vmem>>[vector<16xi32>, vector<16xi32>, vector<16xi32>], vector<16xf32>,
      %add3A_1126 = arith.constant 1 : i32
      %add3A_1127 = vector.broadcast %add3A_1126 : i32 to vector<16xi32>
      %add3A_1128 = arith.addi %broadcast_in_dim3A_1125, %add3A_1127 : vector<16xi32>
      tpu.vector_store_idx %arg18[%add3A_1128, %add3A_1122, %broadcast_in_dim3A_1123], %sub3A_1116 : memref<3x64x128xf32, #tpu.memory_space<vmem>>[vector<16xi32>, vector<16xi32>, vector<16xi32>], vector<16xf32>,
      %add3A_1129 = arith.constant 2 : i32
      %add3A_1130 = vector.broadcast %add3A_1129 : i32 to vector<16xi32>
      %add3A_1131 = arith.addi %broadcast_in_dim3A_1125, %add3A_1130 : vector<16xi32>
      tpu.vector_store_idx %arg18[%add3A_1131, %add3A_1122, %broadcast_in_dim3A_1123], %sub3A_1119 : memref<3x64x128xf32, #tpu.memory_space<vmem>>[vector<16xi32>, vector<16xi32>, vector<16xi32>], vector<16xf32>,
      %get3A_1132 = arith.constant 944 : index
      %get3A_1133 = tpu.vector_load %arg16[%get3A_1132] {strides = array<i32>} : memref<2048xi32, #tpu.memory_space<vmem>>, vector<16xi32>,
      %add3A_1134 = arith.constant 48 : i32
      %add3A_1135 = vector.broadcast %add3A_1134 : i32 to vector<16xi32>
      %add3A_1136 = arith.addi %iota3A, %add3A_1135 : vector<16xi32>
      %lt3A_1137 = vector.broadcast %min3A_1027 : i32 to vector<16xi32>
      %lt3A_1138 = arith.cmpi slt, %add3A_1136, %lt3A_1137 : vector<16xi32>
      %broadcast_in_dim3A_1139 = vector.broadcast %squeeze3A_1031 : i32 to vector<16xi32>
      %select_n3A_1140 = arith.select %lt3A_1138, %get3A_1133, %broadcast_in_dim3A_1139 : vector<16xi1>, vector<16xi32>
      %gather3A_1141 = tpu.vector_load_idx %arg10[%select_n3A_1140] : memref<4096xf32, #tpu.memory_space<vmem>>[vector<16xi32>], vector<16xf32>,
      %sub3A_1142 = vector.broadcast %squeeze3A_1033 : f32 to vector<16xf32>
      %sub3A_1143 = arith.subf %gather3A_1141, %sub3A_1142 : vector<16xf32>
      %gather3A_1144 = tpu.vector_load_idx %arg11[%select_n3A_1140] : memref<4096xf32, #tpu.memory_space<vmem>>[vector<16xi32>], vector<16xf32>,
      %sub3A_1145 = vector.broadcast %squeeze3A_1035 : f32 to vector<16xf32>
      %sub3A_1146 = arith.subf %gather3A_1144, %sub3A_1145 : vector<16xf32>
      %gather3A_1147 = tpu.vector_load_idx %arg12[%select_n3A_1140] : memref<4096xf32, #tpu.memory_space<vmem>>[vector<16xi32>], vector<16xf32>,
      %sub3A_1148 = vector.broadcast %squeeze3A_1037 : f32 to vector<16xf32>
      %sub3A_1149 = arith.subf %gather3A_1147, %sub3A_1148 : vector<16xf32>
      %add3A_1150 = arith.constant 48 : i32
      %add3A_1151 = vector.broadcast %add3A_1150 : i32 to vector<16xi32>
      %add3A_1152 = arith.addi %iota3A, %add3A_1151 : vector<16xi32>
      %broadcast_in_dim3A_1153 = vector.broadcast %add3A_1041 : i32 to vector<16xi32>
      tpu.vector_store_idx %arg17[%add3A_1152, %broadcast_in_dim3A_1153], %select_n3A_1140 : memref<64x128xi32, #tpu.memory_space<vmem>>[vector<16xi32>, vector<16xi32>], vector<16xi32>,
      %broadcast_in_dim3A_1154 = arith.constant 0 : i32
      %broadcast_in_dim3A_1155 = vector.broadcast %broadcast_in_dim3A_1154 : i32 to vector<16xi32>
      tpu.vector_store_idx %arg18[%broadcast_in_dim3A_1155, %add3A_1152, %broadcast_in_dim3A_1153], %sub3A_1143 : memref<3x64x128xf32, #tpu.memory_space<vmem>>[vector<16xi32>, vector<16xi32>, vector<16xi32>], vector<16xf32>,
      %add3A_1156 = arith.constant 1 : i32
      %add3A_1157 = vector.broadcast %add3A_1156 : i32 to vector<16xi32>
      %add3A_1158 = arith.addi %broadcast_in_dim3A_1155, %add3A_1157 : vector<16xi32>
      tpu.vector_store_idx %arg18[%add3A_1158, %add3A_1152, %broadcast_in_dim3A_1153], %sub3A_1146 : memref<3x64x128xf32, #tpu.memory_space<vmem>>[vector<16xi32>, vector<16xi32>, vector<16xi32>], vector<16xf32>,
      %add3A_1159 = arith.constant 2 : i32
      %add3A_1160 = vector.broadcast %add3A_1159 : i32 to vector<16xi32>
      %add3A_1161 = arith.addi %broadcast_in_dim3A_1155, %add3A_1160 : vector<16xi32>
      tpu.vector_store_idx %arg18[%add3A_1161, %add3A_1152, %broadcast_in_dim3A_1153], %sub3A_1149 : memref<3x64x128xf32, #tpu.memory_space<vmem>>[vector<16xi32>, vector<16xi32>, vector<16xi32>], vector<16xf32>,
      %slice3A_1162 = vector.extract_strided_slice %scan3A_60 {offsets = [8], sizes = [1], strides = [1]} : vector<16xi32> to vector<1xi32>
      %squeeze3A_1163 = vector.extract %slice3A_1162[0] : i32 from vector<1xi32>
      %min3A_1164 = arith.constant 64 : i32
      %min3A_1165 = arith.minsi %squeeze3A_1163, %min3A_1164 : i32
      %get3A_1166 = arith.constant 1024 : index
      %get3A_1167 = tpu.vector_load %arg16[%get3A_1166] {strides = array<i32>} : memref<2048xi32, #tpu.memory_space<vmem>>, vector<16xi32>,
      %slice3A_1168 = vector.extract_strided_slice %get3A_1167 {offsets = [0], sizes = [1], strides = [1]} : vector<16xi32> to vector<1xi32>
      %squeeze3A_1169 = vector.extract %slice3A_1168[0] : i32 from vector<1xi32>
      %slice3A_1170 = vector.extract_strided_slice %get3A_46 {offsets = [8], sizes = [1], strides = [1]} : vector<16xf32> to vector<1xf32>
      %squeeze3A_1171 = vector.extract %slice3A_1170[0] : f32 from vector<1xf32>
      %slice3A_1172 = vector.extract_strided_slice %get3A_50 {offsets = [8], sizes = [1], strides = [1]} : vector<16xf32> to vector<1xf32>
      %squeeze3A_1173 = vector.extract %slice3A_1172[0] : f32 from vector<1xf32>
      %slice3A_1174 = vector.extract_strided_slice %get3A_54 {offsets = [8], sizes = [1], strides = [1]} : vector<16xf32> to vector<1xf32>
      %squeeze3A_1175 = vector.extract %slice3A_1174[0] : f32 from vector<1xf32>
      %mul3A_1176 = arith.constant 16 : i32
      %mul3A_1177 = arith.muli %scan3A_42, %mul3A_1176 : i32
      %add3A_1178 = arith.constant 8 : i32
      %add3A_1179 = arith.addi %mul3A_1177, %add3A_1178 : i32
      %get3A_1180 = arith.constant 1024 : index
      %get3A_1181 = tpu.vector_load %arg16[%get3A_1180] {strides = array<i32>} : memref<2048xi32, #tpu.memory_space<vmem>>, vector<16xi32>,
      %add3A_1182 = arith.constant 0 : i32
      %add3A_1183 = vector.broadcast %add3A_1182 : i32 to vector<16xi32>
      %add3A_1184 = arith.addi %iota3A, %add3A_1183 : vector<16xi32>
      %lt3A_1185 = vector.broadcast %min3A_1165 : i32 to vector<16xi32>
      %lt3A_1186 = arith.cmpi slt, %add3A_1184, %lt3A_1185 : vector<16xi32>
      %broadcast_in_dim3A_1187 = vector.broadcast %squeeze3A_1169 : i32 to vector<16xi32>
      %select_n3A_1188 = arith.select %lt3A_1186, %get3A_1181, %broadcast_in_dim3A_1187 : vector<16xi1>, vector<16xi32>
      %gather3A_1189 = tpu.vector_load_idx %arg10[%select_n3A_1188] : memref<4096xf32, #tpu.memory_space<vmem>>[vector<16xi32>], vector<16xf32>,
      %sub3A_1190 = vector.broadcast %squeeze3A_1171 : f32 to vector<16xf32>
      %sub3A_1191 = arith.subf %gather3A_1189, %sub3A_1190 : vector<16xf32>
      %gather3A_1192 = tpu.vector_load_idx %arg11[%select_n3A_1188] : memref<4096xf32, #tpu.memory_space<vmem>>[vector<16xi32>], vector<16xf32>,
      %sub3A_1193 = vector.broadcast %squeeze3A_1173 : f32 to vector<16xf32>
      %sub3A_1194 = arith.subf %gather3A_1192, %sub3A_1193 : vector<16xf32>
      %gather3A_1195 = tpu.vector_load_idx %arg12[%select_n3A_1188] : memref<4096xf32, #tpu.memory_space<vmem>>[vector<16xi32>], vector<16xf32>,
      %sub3A_1196 = vector.broadcast %squeeze3A_1175 : f32 to vector<16xf32>
      %sub3A_1197 = arith.subf %gather3A_1195, %sub3A_1196 : vector<16xf32>
      %add3A_1198 = arith.constant 0 : i32
      %add3A_1199 = vector.broadcast %add3A_1198 : i32 to vector<16xi32>
      %add3A_1200 = arith.addi %iota3A, %add3A_1199 : vector<16xi32>
      %broadcast_in_dim3A_1201 = vector.broadcast %add3A_1179 : i32 to vector<16xi32>
      tpu.vector_store_idx %arg17[%add3A_1200, %broadcast_in_dim3A_1201], %select_n3A_1188 : memref<64x128xi32, #tpu.memory_space<vmem>>[vector<16xi32>, vector<16xi32>], vector<16xi32>,
      %broadcast_in_dim3A_1202 = arith.constant 0 : i32
      %broadcast_in_dim3A_1203 = vector.broadcast %broadcast_in_dim3A_1202 : i32 to vector<16xi32>
      tpu.vector_store_idx %arg18[%broadcast_in_dim3A_1203, %add3A_1200, %broadcast_in_dim3A_1201], %sub3A_1191 : memref<3x64x128xf32, #tpu.memory_space<vmem>>[vector<16xi32>, vector<16xi32>, vector<16xi32>], vector<16xf32>,
      %add3A_1204 = arith.constant 1 : i32
      %add3A_1205 = vector.broadcast %add3A_1204 : i32 to vector<16xi32>
      %add3A_1206 = arith.addi %broadcast_in_dim3A_1203, %add3A_1205 : vector<16xi32>
      tpu.vector_store_idx %arg18[%add3A_1206, %add3A_1200, %broadcast_in_dim3A_1201], %sub3A_1194 : memref<3x64x128xf32, #tpu.memory_space<vmem>>[vector<16xi32>, vector<16xi32>, vector<16xi32>], vector<16xf32>,
      %add3A_1207 = arith.constant 2 : i32
      %add3A_1208 = vector.broadcast %add3A_1207 : i32 to vector<16xi32>
      %add3A_1209 = arith.addi %broadcast_in_dim3A_1203, %add3A_1208 : vector<16xi32>
      tpu.vector_store_idx %arg18[%add3A_1209, %add3A_1200, %broadcast_in_dim3A_1201], %sub3A_1197 : memref<3x64x128xf32, #tpu.memory_space<vmem>>[vector<16xi32>, vector<16xi32>, vector<16xi32>], vector<16xf32>,
      %get3A_1210 = arith.constant 1040 : index
      %get3A_1211 = tpu.vector_load %arg16[%get3A_1210] {strides = array<i32>} : memref<2048xi32, #tpu.memory_space<vmem>>, vector<16xi32>,
      %add3A_1212 = arith.constant 16 : i32
      %add3A_1213 = vector.broadcast %add3A_1212 : i32 to vector<16xi32>
      %add3A_1214 = arith.addi %iota3A, %add3A_1213 : vector<16xi32>
      %lt3A_1215 = vector.broadcast %min3A_1165 : i32 to vector<16xi32>
      %lt3A_1216 = arith.cmpi slt, %add3A_1214, %lt3A_1215 : vector<16xi32>
      %broadcast_in_dim3A_1217 = vector.broadcast %squeeze3A_1169 : i32 to vector<16xi32>
      %select_n3A_1218 = arith.select %lt3A_1216, %get3A_1211, %broadcast_in_dim3A_1217 : vector<16xi1>, vector<16xi32>
      %gather3A_1219 = tpu.vector_load_idx %arg10[%select_n3A_1218] : memref<4096xf32, #tpu.memory_space<vmem>>[vector<16xi32>], vector<16xf32>,
      %sub3A_1220 = vector.broadcast %squeeze3A_1171 : f32 to vector<16xf32>
      %sub3A_1221 = arith.subf %gather3A_1219, %sub3A_1220 : vector<16xf32>
      %gather3A_1222 = tpu.vector_load_idx %arg11[%select_n3A_1218] : memref<4096xf32, #tpu.memory_space<vmem>>[vector<16xi32>], vector<16xf32>,
      %sub3A_1223 = vector.broadcast %squeeze3A_1173 : f32 to vector<16xf32>
      %sub3A_1224 = arith.subf %gather3A_1222, %sub3A_1223 : vector<16xf32>
      %gather3A_1225 = tpu.vector_load_idx %arg12[%select_n3A_1218] : memref<4096xf32, #tpu.memory_space<vmem>>[vector<16xi32>], vector<16xf32>,
      %sub3A_1226 = vector.broadcast %squeeze3A_1175 : f32 to vector<16xf32>
      %sub3A_1227 = arith.subf %gather3A_1225, %sub3A_1226 : vector<16xf32>
      %add3A_1228 = arith.constant 16 : i32
      %add3A_1229 = vector.broadcast %add3A_1228 : i32 to vector<16xi32>
      %add3A_1230 = arith.addi %iota3A, %add3A_1229 : vector<16xi32>
      %broadcast_in_dim3A_1231 = vector.broadcast %add3A_1179 : i32 to vector<16xi32>
      tpu.vector_store_idx %arg17[%add3A_1230, %broadcast_in_dim3A_1231], %select_n3A_1218 : memref<64x128xi32, #tpu.memory_space<vmem>>[vector<16xi32>, vector<16xi32>], vector<16xi32>,
      %broadcast_in_dim3A_1232 = arith.constant 0 : i32
      %broadcast_in_dim3A_1233 = vector.broadcast %broadcast_in_dim3A_1232 : i32 to vector<16xi32>
      tpu.vector_store_idx %arg18[%broadcast_in_dim3A_1233, %add3A_1230, %broadcast_in_dim3A_1231], %sub3A_1221 : memref<3x64x128xf32, #tpu.memory_space<vmem>>[vector<16xi32>, vector<16xi32>, vector<16xi32>], vector<16xf32>,
      %add3A_1234 = arith.constant 1 : i32
      %add3A_1235 = vector.broadcast %add3A_1234 : i32 to vector<16xi32>
      %add3A_1236 = arith.addi %broadcast_in_dim3A_1233, %add3A_1235 : vector<16xi32>
      tpu.vector_store_idx %arg18[%add3A_1236, %add3A_1230, %broadcast_in_dim3A_1231], %sub3A_1224 : memref<3x64x128xf32, #tpu.memory_space<vmem>>[vector<16xi32>, vector<16xi32>, vector<16xi32>], vector<16xf32>,
      %add3A_1237 = arith.constant 2 : i32
      %add3A_1238 = vector.broadcast %add3A_1237 : i32 to vector<16xi32>
      %add3A_1239 = arith.addi %broadcast_in_dim3A_1233, %add3A_1238 : vector<16xi32>
      tpu.vector_store_idx %arg18[%add3A_1239, %add3A_1230, %broadcast_in_dim3A_1231], %sub3A_1227 : memref<3x64x128xf32, #tpu.memory_space<vmem>>[vector<16xi32>, vector<16xi32>, vector<16xi32>], vector<16xf32>,
      %get3A_1240 = arith.constant 1056 : index
      %get3A_1241 = tpu.vector_load %arg16[%get3A_1240] {strides = array<i32>} : memref<2048xi32, #tpu.memory_space<vmem>>, vector<16xi32>,
      %add3A_1242 = arith.constant 32 : i32
      %add3A_1243 = vector.broadcast %add3A_1242 : i32 to vector<16xi32>
      %add3A_1244 = arith.addi %iota3A, %add3A_1243 : vector<16xi32>
      %lt3A_1245 = vector.broadcast %min3A_1165 : i32 to vector<16xi32>
      %lt3A_1246 = arith.cmpi slt, %add3A_1244, %lt3A_1245 : vector<16xi32>
      %broadcast_in_dim3A_1247 = vector.broadcast %squeeze3A_1169 : i32 to vector<16xi32>
      %select_n3A_1248 = arith.select %lt3A_1246, %get3A_1241, %broadcast_in_dim3A_1247 : vector<16xi1>, vector<16xi32>
      %gather3A_1249 = tpu.vector_load_idx %arg10[%select_n3A_1248] : memref<4096xf32, #tpu.memory_space<vmem>>[vector<16xi32>], vector<16xf32>,
      %sub3A_1250 = vector.broadcast %squeeze3A_1171 : f32 to vector<16xf32>
      %sub3A_1251 = arith.subf %gather3A_1249, %sub3A_1250 : vector<16xf32>
      %gather3A_1252 = tpu.vector_load_idx %arg11[%select_n3A_1248] : memref<4096xf32, #tpu.memory_space<vmem>>[vector<16xi32>], vector<16xf32>,
      %sub3A_1253 = vector.broadcast %squeeze3A_1173 : f32 to vector<16xf32>
      %sub3A_1254 = arith.subf %gather3A_1252, %sub3A_1253 : vector<16xf32>
      %gather3A_1255 = tpu.vector_load_idx %arg12[%select_n3A_1248] : memref<4096xf32, #tpu.memory_space<vmem>>[vector<16xi32>], vector<16xf32>,
      %sub3A_1256 = vector.broadcast %squeeze3A_1175 : f32 to vector<16xf32>
      %sub3A_1257 = arith.subf %gather3A_1255, %sub3A_1256 : vector<16xf32>
      %add3A_1258 = arith.constant 32 : i32
      %add3A_1259 = vector.broadcast %add3A_1258 : i32 to vector<16xi32>
      %add3A_1260 = arith.addi %iota3A, %add3A_1259 : vector<16xi32>
      %broadcast_in_dim3A_1261 = vector.broadcast %add3A_1179 : i32 to vector<16xi32>
      tpu.vector_store_idx %arg17[%add3A_1260, %broadcast_in_dim3A_1261], %select_n3A_1248 : memref<64x128xi32, #tpu.memory_space<vmem>>[vector<16xi32>, vector<16xi32>], vector<16xi32>,
      %broadcast_in_dim3A_1262 = arith.constant 0 : i32
      %broadcast_in_dim3A_1263 = vector.broadcast %broadcast_in_dim3A_1262 : i32 to vector<16xi32>
      tpu.vector_store_idx %arg18[%broadcast_in_dim3A_1263, %add3A_1260, %broadcast_in_dim3A_1261], %sub3A_1251 : memref<3x64x128xf32, #tpu.memory_space<vmem>>[vector<16xi32>, vector<16xi32>, vector<16xi32>], vector<16xf32>,
      %add3A_1264 = arith.constant 1 : i32
      %add3A_1265 = vector.broadcast %add3A_1264 : i32 to vector<16xi32>
      %add3A_1266 = arith.addi %broadcast_in_dim3A_1263, %add3A_1265 : vector<16xi32>
      tpu.vector_store_idx %arg18[%add3A_1266, %add3A_1260, %broadcast_in_dim3A_1261], %sub3A_1254 : memref<3x64x128xf32, #tpu.memory_space<vmem>>[vector<16xi32>, vector<16xi32>, vector<16xi32>], vector<16xf32>,
      %add3A_1267 = arith.constant 2 : i32
      %add3A_1268 = vector.broadcast %add3A_1267 : i32 to vector<16xi32>
      %add3A_1269 = arith.addi %broadcast_in_dim3A_1263, %add3A_1268 : vector<16xi32>
      tpu.vector_store_idx %arg18[%add3A_1269, %add3A_1260, %broadcast_in_dim3A_1261], %sub3A_1257 : memref<3x64x128xf32, #tpu.memory_space<vmem>>[vector<16xi32>, vector<16xi32>, vector<16xi32>], vector<16xf32>,
      %get3A_1270 = arith.constant 1072 : index
      %get3A_1271 = tpu.vector_load %arg16[%get3A_1270] {strides = array<i32>} : memref<2048xi32, #tpu.memory_space<vmem>>, vector<16xi32>,
      %add3A_1272 = arith.constant 48 : i32
      %add3A_1273 = vector.broadcast %add3A_1272 : i32 to vector<16xi32>
      %add3A_1274 = arith.addi %iota3A, %add3A_1273 : vector<16xi32>
      %lt3A_1275 = vector.broadcast %min3A_1165 : i32 to vector<16xi32>
      %lt3A_1276 = arith.cmpi slt, %add3A_1274, %lt3A_1275 : vector<16xi32>
      %broadcast_in_dim3A_1277 = vector.broadcast %squeeze3A_1169 : i32 to vector<16xi32>
      %select_n3A_1278 = arith.select %lt3A_1276, %get3A_1271, %broadcast_in_dim3A_1277 : vector<16xi1>, vector<16xi32>
      %gather3A_1279 = tpu.vector_load_idx %arg10[%select_n3A_1278] : memref<4096xf32, #tpu.memory_space<vmem>>[vector<16xi32>], vector<16xf32>,
      %sub3A_1280 = vector.broadcast %squeeze3A_1171 : f32 to vector<16xf32>
      %sub3A_1281 = arith.subf %gather3A_1279, %sub3A_1280 : vector<16xf32>
      %gather3A_1282 = tpu.vector_load_idx %arg11[%select_n3A_1278] : memref<4096xf32, #tpu.memory_space<vmem>>[vector<16xi32>], vector<16xf32>,
      %sub3A_1283 = vector.broadcast %squeeze3A_1173 : f32 to vector<16xf32>
      %sub3A_1284 = arith.subf %gather3A_1282, %sub3A_1283 : vector<16xf32>
      %gather3A_1285 = tpu.vector_load_idx %arg12[%select_n3A_1278] : memref<4096xf32, #tpu.memory_space<vmem>>[vector<16xi32>], vector<16xf32>,
      %sub3A_1286 = vector.broadcast %squeeze3A_1175 : f32 to vector<16xf32>
      %sub3A_1287 = arith.subf %gather3A_1285, %sub3A_1286 : vector<16xf32>
      %add3A_1288 = arith.constant 48 : i32
      %add3A_1289 = vector.broadcast %add3A_1288 : i32 to vector<16xi32>
      %add3A_1290 = arith.addi %iota3A, %add3A_1289 : vector<16xi32>
      %broadcast_in_dim3A_1291 = vector.broadcast %add3A_1179 : i32 to vector<16xi32>
      tpu.vector_store_idx %arg17[%add3A_1290, %broadcast_in_dim3A_1291], %select_n3A_1278 : memref<64x128xi32, #tpu.memory_space<vmem>>[vector<16xi32>, vector<16xi32>], vector<16xi32>,
      %broadcast_in_dim3A_1292 = arith.constant 0 : i32
      %broadcast_in_dim3A_1293 = vector.broadcast %broadcast_in_dim3A_1292 : i32 to vector<16xi32>
      tpu.vector_store_idx %arg18[%broadcast_in_dim3A_1293, %add3A_1290, %broadcast_in_dim3A_1291], %sub3A_1281 : memref<3x64x128xf32, #tpu.memory_space<vmem>>[vector<16xi32>, vector<16xi32>, vector<16xi32>], vector<16xf32>,
      %add3A_1294 = arith.constant 1 : i32
      %add3A_1295 = vector.broadcast %add3A_1294 : i32 to vector<16xi32>
      %add3A_1296 = arith.addi %broadcast_in_dim3A_1293, %add3A_1295 : vector<16xi32>
      tpu.vector_store_idx %arg18[%add3A_1296, %add3A_1290, %broadcast_in_dim3A_1291], %sub3A_1284 : memref<3x64x128xf32, #tpu.memory_space<vmem>>[vector<16xi32>, vector<16xi32>, vector<16xi32>], vector<16xf32>,
      %add3A_1297 = arith.constant 2 : i32
      %add3A_1298 = vector.broadcast %add3A_1297 : i32 to vector<16xi32>
      %add3A_1299 = arith.addi %broadcast_in_dim3A_1293, %add3A_1298 : vector<16xi32>
      tpu.vector_store_idx %arg18[%add3A_1299, %add3A_1290, %broadcast_in_dim3A_1291], %sub3A_1287 : memref<3x64x128xf32, #tpu.memory_space<vmem>>[vector<16xi32>, vector<16xi32>, vector<16xi32>], vector<16xf32>,
      %slice3A_1300 = vector.extract_strided_slice %scan3A_60 {offsets = [9], sizes = [1], strides = [1]} : vector<16xi32> to vector<1xi32>
      %squeeze3A_1301 = vector.extract %slice3A_1300[0] : i32 from vector<1xi32>
      %min3A_1302 = arith.constant 64 : i32
      %min3A_1303 = arith.minsi %squeeze3A_1301, %min3A_1302 : i32
      %get3A_1304 = arith.constant 1152 : index
      %get3A_1305 = tpu.vector_load %arg16[%get3A_1304] {strides = array<i32>} : memref<2048xi32, #tpu.memory_space<vmem>>, vector<16xi32>,
      %slice3A_1306 = vector.extract_strided_slice %get3A_1305 {offsets = [0], sizes = [1], strides = [1]} : vector<16xi32> to vector<1xi32>
      %squeeze3A_1307 = vector.extract %slice3A_1306[0] : i32 from vector<1xi32>
      %slice3A_1308 = vector.extract_strided_slice %get3A_46 {offsets = [9], sizes = [1], strides = [1]} : vector<16xf32> to vector<1xf32>
      %squeeze3A_1309 = vector.extract %slice3A_1308[0] : f32 from vector<1xf32>
      %slice3A_1310 = vector.extract_strided_slice %get3A_50 {offsets = [9], sizes = [1], strides = [1]} : vector<16xf32> to vector<1xf32>
      %squeeze3A_1311 = vector.extract %slice3A_1310[0] : f32 from vector<1xf32>
      %slice3A_1312 = vector.extract_strided_slice %get3A_54 {offsets = [9], sizes = [1], strides = [1]} : vector<16xf32> to vector<1xf32>
      %squeeze3A_1313 = vector.extract %slice3A_1312[0] : f32 from vector<1xf32>
      %mul3A_1314 = arith.constant 16 : i32
      %mul3A_1315 = arith.muli %scan3A_42, %mul3A_1314 : i32
      %add3A_1316 = arith.constant 9 : i32
      %add3A_1317 = arith.addi %mul3A_1315, %add3A_1316 : i32
      %get3A_1318 = arith.constant 1152 : index
      %get3A_1319 = tpu.vector_load %arg16[%get3A_1318] {strides = array<i32>} : memref<2048xi32, #tpu.memory_space<vmem>>, vector<16xi32>,
      %add3A_1320 = arith.constant 0 : i32
      %add3A_1321 = vector.broadcast %add3A_1320 : i32 to vector<16xi32>
      %add3A_1322 = arith.addi %iota3A, %add3A_1321 : vector<16xi32>
      %lt3A_1323 = vector.broadcast %min3A_1303 : i32 to vector<16xi32>
      %lt3A_1324 = arith.cmpi slt, %add3A_1322, %lt3A_1323 : vector<16xi32>
      %broadcast_in_dim3A_1325 = vector.broadcast %squeeze3A_1307 : i32 to vector<16xi32>
      %select_n3A_1326 = arith.select %lt3A_1324, %get3A_1319, %broadcast_in_dim3A_1325 : vector<16xi1>, vector<16xi32>
      %gather3A_1327 = tpu.vector_load_idx %arg10[%select_n3A_1326] : memref<4096xf32, #tpu.memory_space<vmem>>[vector<16xi32>], vector<16xf32>,
      %sub3A_1328 = vector.broadcast %squeeze3A_1309 : f32 to vector<16xf32>
      %sub3A_1329 = arith.subf %gather3A_1327, %sub3A_1328 : vector<16xf32>
      %gather3A_1330 = tpu.vector_load_idx %arg11[%select_n3A_1326] : memref<4096xf32, #tpu.memory_space<vmem>>[vector<16xi32>], vector<16xf32>,
      %sub3A_1331 = vector.broadcast %squeeze3A_1311 : f32 to vector<16xf32>
      %sub3A_1332 = arith.subf %gather3A_1330, %sub3A_1331 : vector<16xf32>
      %gather3A_1333 = tpu.vector_load_idx %arg12[%select_n3A_1326] : memref<4096xf32, #tpu.memory_space<vmem>>[vector<16xi32>], vector<16xf32>,
      %sub3A_1334 = vector.broadcast %squeeze3A_1313 : f32 to vector<16xf32>
      %sub3A_1335 = arith.subf %gather3A_1333, %sub3A_1334 : vector<16xf32>
      %add3A_1336 = arith.constant 0 : i32
      %add3A_1337 = vector.broadcast %add3A_1336 : i32 to vector<16xi32>
      %add3A_1338 = arith.addi %iota3A, %add3A_1337 : vector<16xi32>
      %broadcast_in_dim3A_1339 = vector.broadcast %add3A_1317 : i32 to vector<16xi32>
      tpu.vector_store_idx %arg17[%add3A_1338, %broadcast_in_dim3A_1339], %select_n3A_1326 : memref<64x128xi32, #tpu.memory_space<vmem>>[vector<16xi32>, vector<16xi32>], vector<16xi32>,
      %broadcast_in_dim3A_1340 = arith.constant 0 : i32
      %broadcast_in_dim3A_1341 = vector.broadcast %broadcast_in_dim3A_1340 : i32 to vector<16xi32>
      tpu.vector_store_idx %arg18[%broadcast_in_dim3A_1341, %add3A_1338, %broadcast_in_dim3A_1339], %sub3A_1329 : memref<3x64x128xf32, #tpu.memory_space<vmem>>[vector<16xi32>, vector<16xi32>, vector<16xi32>], vector<16xf32>,
      %add3A_1342 = arith.constant 1 : i32
      %add3A_1343 = vector.broadcast %add3A_1342 : i32 to vector<16xi32>
      %add3A_1344 = arith.addi %broadcast_in_dim3A_1341, %add3A_1343 : vector<16xi32>
      tpu.vector_store_idx %arg18[%add3A_1344, %add3A_1338, %broadcast_in_dim3A_1339], %sub3A_1332 : memref<3x64x128xf32, #tpu.memory_space<vmem>>[vector<16xi32>, vector<16xi32>, vector<16xi32>], vector<16xf32>,
      %add3A_1345 = arith.constant 2 : i32
      %add3A_1346 = vector.broadcast %add3A_1345 : i32 to vector<16xi32>
      %add3A_1347 = arith.addi %broadcast_in_dim3A_1341, %add3A_1346 : vector<16xi32>
      tpu.vector_store_idx %arg18[%add3A_1347, %add3A_1338, %broadcast_in_dim3A_1339], %sub3A_1335 : memref<3x64x128xf32, #tpu.memory_space<vmem>>[vector<16xi32>, vector<16xi32>, vector<16xi32>], vector<16xf32>,
      %get3A_1348 = arith.constant 1168 : index
      %get3A_1349 = tpu.vector_load %arg16[%get3A_1348] {strides = array<i32>} : memref<2048xi32, #tpu.memory_space<vmem>>, vector<16xi32>,
      %add3A_1350 = arith.constant 16 : i32
      %add3A_1351 = vector.broadcast %add3A_1350 : i32 to vector<16xi32>
      %add3A_1352 = arith.addi %iota3A, %add3A_1351 : vector<16xi32>
      %lt3A_1353 = vector.broadcast %min3A_1303 : i32 to vector<16xi32>
      %lt3A_1354 = arith.cmpi slt, %add3A_1352, %lt3A_1353 : vector<16xi32>
      %broadcast_in_dim3A_1355 = vector.broadcast %squeeze3A_1307 : i32 to vector<16xi32>
      %select_n3A_1356 = arith.select %lt3A_1354, %get3A_1349, %broadcast_in_dim3A_1355 : vector<16xi1>, vector<16xi32>
      %gather3A_1357 = tpu.vector_load_idx %arg10[%select_n3A_1356] : memref<4096xf32, #tpu.memory_space<vmem>>[vector<16xi32>], vector<16xf32>,
      %sub3A_1358 = vector.broadcast %squeeze3A_1309 : f32 to vector<16xf32>
      %sub3A_1359 = arith.subf %gather3A_1357, %sub3A_1358 : vector<16xf32>
      %gather3A_1360 = tpu.vector_load_idx %arg11[%select_n3A_1356] : memref<4096xf32, #tpu.memory_space<vmem>>[vector<16xi32>], vector<16xf32>,
      %sub3A_1361 = vector.broadcast %squeeze3A_1311 : f32 to vector<16xf32>
      %sub3A_1362 = arith.subf %gather3A_1360, %sub3A_1361 : vector<16xf32>
      %gather3A_1363 = tpu.vector_load_idx %arg12[%select_n3A_1356] : memref<4096xf32, #tpu.memory_space<vmem>>[vector<16xi32>], vector<16xf32>,
      %sub3A_1364 = vector.broadcast %squeeze3A_1313 : f32 to vector<16xf32>
      %sub3A_1365 = arith.subf %gather3A_1363, %sub3A_1364 : vector<16xf32>
      %add3A_1366 = arith.constant 16 : i32
      %add3A_1367 = vector.broadcast %add3A_1366 : i32 to vector<16xi32>
      %add3A_1368 = arith.addi %iota3A, %add3A_1367 : vector<16xi32>
      %broadcast_in_dim3A_1369 = vector.broadcast %add3A_1317 : i32 to vector<16xi32>
      tpu.vector_store_idx %arg17[%add3A_1368, %broadcast_in_dim3A_1369], %select_n3A_1356 : memref<64x128xi32, #tpu.memory_space<vmem>>[vector<16xi32>, vector<16xi32>], vector<16xi32>,
      %broadcast_in_dim3A_1370 = arith.constant 0 : i32
      %broadcast_in_dim3A_1371 = vector.broadcast %broadcast_in_dim3A_1370 : i32 to vector<16xi32>
      tpu.vector_store_idx %arg18[%broadcast_in_dim3A_1371, %add3A_1368, %broadcast_in_dim3A_1369], %sub3A_1359 : memref<3x64x128xf32, #tpu.memory_space<vmem>>[vector<16xi32>, vector<16xi32>, vector<16xi32>], vector<16xf32>,
      %add3A_1372 = arith.constant 1 : i32
      %add3A_1373 = vector.broadcast %add3A_1372 : i32 to vector<16xi32>
      %add3A_1374 = arith.addi %broadcast_in_dim3A_1371, %add3A_1373 : vector<16xi32>
      tpu.vector_store_idx %arg18[%add3A_1374, %add3A_1368, %broadcast_in_dim3A_1369], %sub3A_1362 : memref<3x64x128xf32, #tpu.memory_space<vmem>>[vector<16xi32>, vector<16xi32>, vector<16xi32>], vector<16xf32>,
      %add3A_1375 = arith.constant 2 : i32
      %add3A_1376 = vector.broadcast %add3A_1375 : i32 to vector<16xi32>
      %add3A_1377 = arith.addi %broadcast_in_dim3A_1371, %add3A_1376 : vector<16xi32>
      tpu.vector_store_idx %arg18[%add3A_1377, %add3A_1368, %broadcast_in_dim3A_1369], %sub3A_1365 : memref<3x64x128xf32, #tpu.memory_space<vmem>>[vector<16xi32>, vector<16xi32>, vector<16xi32>], vector<16xf32>,
      %get3A_1378 = arith.constant 1184 : index
      %get3A_1379 = tpu.vector_load %arg16[%get3A_1378] {strides = array<i32>} : memref<2048xi32, #tpu.memory_space<vmem>>, vector<16xi32>,
      %add3A_1380 = arith.constant 32 : i32
      %add3A_1381 = vector.broadcast %add3A_1380 : i32 to vector<16xi32>
      %add3A_1382 = arith.addi %iota3A, %add3A_1381 : vector<16xi32>
      %lt3A_1383 = vector.broadcast %min3A_1303 : i32 to vector<16xi32>
      %lt3A_1384 = arith.cmpi slt, %add3A_1382, %lt3A_1383 : vector<16xi32>
      %broadcast_in_dim3A_1385 = vector.broadcast %squeeze3A_1307 : i32 to vector<16xi32>
      %select_n3A_1386 = arith.select %lt3A_1384, %get3A_1379, %broadcast_in_dim3A_1385 : vector<16xi1>, vector<16xi32>
      %gather3A_1387 = tpu.vector_load_idx %arg10[%select_n3A_1386] : memref<4096xf32, #tpu.memory_space<vmem>>[vector<16xi32>], vector<16xf32>,
      %sub3A_1388 = vector.broadcast %squeeze3A_1309 : f32 to vector<16xf32>
      %sub3A_1389 = arith.subf %gather3A_1387, %sub3A_1388 : vector<16xf32>
      %gather3A_1390 = tpu.vector_load_idx %arg11[%select_n3A_1386] : memref<4096xf32, #tpu.memory_space<vmem>>[vector<16xi32>], vector<16xf32>,
      %sub3A_1391 = vector.broadcast %squeeze3A_1311 : f32 to vector<16xf32>
      %sub3A_1392 = arith.subf %gather3A_1390, %sub3A_1391 : vector<16xf32>
      %gather3A_1393 = tpu.vector_load_idx %arg12[%select_n3A_1386] : memref<4096xf32, #tpu.memory_space<vmem>>[vector<16xi32>], vector<16xf32>,
      %sub3A_1394 = vector.broadcast %squeeze3A_1313 : f32 to vector<16xf32>
      %sub3A_1395 = arith.subf %gather3A_1393, %sub3A_1394 : vector<16xf32>
      %add3A_1396 = arith.constant 32 : i32
      %add3A_1397 = vector.broadcast %add3A_1396 : i32 to vector<16xi32>
      %add3A_1398 = arith.addi %iota3A, %add3A_1397 : vector<16xi32>
      %broadcast_in_dim3A_1399 = vector.broadcast %add3A_1317 : i32 to vector<16xi32>
      tpu.vector_store_idx %arg17[%add3A_1398, %broadcast_in_dim3A_1399], %select_n3A_1386 : memref<64x128xi32, #tpu.memory_space<vmem>>[vector<16xi32>, vector<16xi32>], vector<16xi32>,
      %broadcast_in_dim3A_1400 = arith.constant 0 : i32
      %broadcast_in_dim3A_1401 = vector.broadcast %broadcast_in_dim3A_1400 : i32 to vector<16xi32>
      tpu.vector_store_idx %arg18[%broadcast_in_dim3A_1401, %add3A_1398, %broadcast_in_dim3A_1399], %sub3A_1389 : memref<3x64x128xf32, #tpu.memory_space<vmem>>[vector<16xi32>, vector<16xi32>, vector<16xi32>], vector<16xf32>,
      %add3A_1402 = arith.constant 1 : i32
      %add3A_1403 = vector.broadcast %add3A_1402 : i32 to vector<16xi32>
      %add3A_1404 = arith.addi %broadcast_in_dim3A_1401, %add3A_1403 : vector<16xi32>
      tpu.vector_store_idx %arg18[%add3A_1404, %add3A_1398, %broadcast_in_dim3A_1399], %sub3A_1392 : memref<3x64x128xf32, #tpu.memory_space<vmem>>[vector<16xi32>, vector<16xi32>, vector<16xi32>], vector<16xf32>,
      %add3A_1405 = arith.constant 2 : i32
      %add3A_1406 = vector.broadcast %add3A_1405 : i32 to vector<16xi32>
      %add3A_1407 = arith.addi %broadcast_in_dim3A_1401, %add3A_1406 : vector<16xi32>
      tpu.vector_store_idx %arg18[%add3A_1407, %add3A_1398, %broadcast_in_dim3A_1399], %sub3A_1395 : memref<3x64x128xf32, #tpu.memory_space<vmem>>[vector<16xi32>, vector<16xi32>, vector<16xi32>], vector<16xf32>,
      %get3A_1408 = arith.constant 1200 : index
      %get3A_1409 = tpu.vector_load %arg16[%get3A_1408] {strides = array<i32>} : memref<2048xi32, #tpu.memory_space<vmem>>, vector<16xi32>,
      %add3A_1410 = arith.constant 48 : i32
      %add3A_1411 = vector.broadcast %add3A_1410 : i32 to vector<16xi32>
      %add3A_1412 = arith.addi %iota3A, %add3A_1411 : vector<16xi32>
      %lt3A_1413 = vector.broadcast %min3A_1303 : i32 to vector<16xi32>
      %lt3A_1414 = arith.cmpi slt, %add3A_1412, %lt3A_1413 : vector<16xi32>
      %broadcast_in_dim3A_1415 = vector.broadcast %squeeze3A_1307 : i32 to vector<16xi32>
      %select_n3A_1416 = arith.select %lt3A_1414, %get3A_1409, %broadcast_in_dim3A_1415 : vector<16xi1>, vector<16xi32>
      %gather3A_1417 = tpu.vector_load_idx %arg10[%select_n3A_1416] : memref<4096xf32, #tpu.memory_space<vmem>>[vector<16xi32>], vector<16xf32>,
      %sub3A_1418 = vector.broadcast %squeeze3A_1309 : f32 to vector<16xf32>
      %sub3A_1419 = arith.subf %gather3A_1417, %sub3A_1418 : vector<16xf32>
      %gather3A_1420 = tpu.vector_load_idx %arg11[%select_n3A_1416] : memref<4096xf32, #tpu.memory_space<vmem>>[vector<16xi32>], vector<16xf32>,
      %sub3A_1421 = vector.broadcast %squeeze3A_1311 : f32 to vector<16xf32>
      %sub3A_1422 = arith.subf %gather3A_1420, %sub3A_1421 : vector<16xf32>
      %gather3A_1423 = tpu.vector_load_idx %arg12[%select_n3A_1416] : memref<4096xf32, #tpu.memory_space<vmem>>[vector<16xi32>], vector<16xf32>,
      %sub3A_1424 = vector.broadcast %squeeze3A_1313 : f32 to vector<16xf32>
      %sub3A_1425 = arith.subf %gather3A_1423, %sub3A_1424 : vector<16xf32>
      %add3A_1426 = arith.constant 48 : i32
      %add3A_1427 = vector.broadcast %add3A_1426 : i32 to vector<16xi32>
      %add3A_1428 = arith.addi %iota3A, %add3A_1427 : vector<16xi32>
      %broadcast_in_dim3A_1429 = vector.broadcast %add3A_1317 : i32 to vector<16xi32>
      tpu.vector_store_idx %arg17[%add3A_1428, %broadcast_in_dim3A_1429], %select_n3A_1416 : memref<64x128xi32, #tpu.memory_space<vmem>>[vector<16xi32>, vector<16xi32>], vector<16xi32>,
      %broadcast_in_dim3A_1430 = arith.constant 0 : i32
      %broadcast_in_dim3A_1431 = vector.broadcast %broadcast_in_dim3A_1430 : i32 to vector<16xi32>
      tpu.vector_store_idx %arg18[%broadcast_in_dim3A_1431, %add3A_1428, %broadcast_in_dim3A_1429], %sub3A_1419 : memref<3x64x128xf32, #tpu.memory_space<vmem>>[vector<16xi32>, vector<16xi32>, vector<16xi32>], vector<16xf32>,
      %add3A_1432 = arith.constant 1 : i32
      %add3A_1433 = vector.broadcast %add3A_1432 : i32 to vector<16xi32>
      %add3A_1434 = arith.addi %broadcast_in_dim3A_1431, %add3A_1433 : vector<16xi32>
      tpu.vector_store_idx %arg18[%add3A_1434, %add3A_1428, %broadcast_in_dim3A_1429], %sub3A_1422 : memref<3x64x128xf32, #tpu.memory_space<vmem>>[vector<16xi32>, vector<16xi32>, vector<16xi32>], vector<16xf32>,
      %add3A_1435 = arith.constant 2 : i32
      %add3A_1436 = vector.broadcast %add3A_1435 : i32 to vector<16xi32>
      %add3A_1437 = arith.addi %broadcast_in_dim3A_1431, %add3A_1436 : vector<16xi32>
      tpu.vector_store_idx %arg18[%add3A_1437, %add3A_1428, %broadcast_in_dim3A_1429], %sub3A_1425 : memref<3x64x128xf32, #tpu.memory_space<vmem>>[vector<16xi32>, vector<16xi32>, vector<16xi32>], vector<16xf32>,
      %slice3A_1438 = vector.extract_strided_slice %scan3A_60 {offsets = [10], sizes = [1], strides = [1]} : vector<16xi32> to vector<1xi32>
      %squeeze3A_1439 = vector.extract %slice3A_1438[0] : i32 from vector<1xi32>
      %min3A_1440 = arith.constant 64 : i32
      %min3A_1441 = arith.minsi %squeeze3A_1439, %min3A_1440 : i32
      %get3A_1442 = arith.constant 1280 : index
      %get3A_1443 = tpu.vector_load %arg16[%get3A_1442] {strides = array<i32>} : memref<2048xi32, #tpu.memory_space<vmem>>, vector<16xi32>,
      %slice3A_1444 = vector.extract_strided_slice %get3A_1443 {offsets = [0], sizes = [1], strides = [1]} : vector<16xi32> to vector<1xi32>
      %squeeze3A_1445 = vector.extract %slice3A_1444[0] : i32 from vector<1xi32>
      %slice3A_1446 = vector.extract_strided_slice %get3A_46 {offsets = [10], sizes = [1], strides = [1]} : vector<16xf32> to vector<1xf32>
      %squeeze3A_1447 = vector.extract %slice3A_1446[0] : f32 from vector<1xf32>
      %slice3A_1448 = vector.extract_strided_slice %get3A_50 {offsets = [10], sizes = [1], strides = [1]} : vector<16xf32> to vector<1xf32>
      %squeeze3A_1449 = vector.extract %slice3A_1448[0] : f32 from vector<1xf32>
      %slice3A_1450 = vector.extract_strided_slice %get3A_54 {offsets = [10], sizes = [1], strides = [1]} : vector<16xf32> to vector<1xf32>
      %squeeze3A_1451 = vector.extract %slice3A_1450[0] : f32 from vector<1xf32>
      %mul3A_1452 = arith.constant 16 : i32
      %mul3A_1453 = arith.muli %scan3A_42, %mul3A_1452 : i32
      %add3A_1454 = arith.constant 10 : i32
      %add3A_1455 = arith.addi %mul3A_1453, %add3A_1454 : i32
      %get3A_1456 = arith.constant 1280 : index
      %get3A_1457 = tpu.vector_load %arg16[%get3A_1456] {strides = array<i32>} : memref<2048xi32, #tpu.memory_space<vmem>>, vector<16xi32>,
      %add3A_1458 = arith.constant 0 : i32
      %add3A_1459 = vector.broadcast %add3A_1458 : i32 to vector<16xi32>
      %add3A_1460 = arith.addi %iota3A, %add3A_1459 : vector<16xi32>
      %lt3A_1461 = vector.broadcast %min3A_1441 : i32 to vector<16xi32>
      %lt3A_1462 = arith.cmpi slt, %add3A_1460, %lt3A_1461 : vector<16xi32>
      %broadcast_in_dim3A_1463 = vector.broadcast %squeeze3A_1445 : i32 to vector<16xi32>
      %select_n3A_1464 = arith.select %lt3A_1462, %get3A_1457, %broadcast_in_dim3A_1463 : vector<16xi1>, vector<16xi32>
      %gather3A_1465 = tpu.vector_load_idx %arg10[%select_n3A_1464] : memref<4096xf32, #tpu.memory_space<vmem>>[vector<16xi32>], vector<16xf32>,
      %sub3A_1466 = vector.broadcast %squeeze3A_1447 : f32 to vector<16xf32>
      %sub3A_1467 = arith.subf %gather3A_1465, %sub3A_1466 : vector<16xf32>
      %gather3A_1468 = tpu.vector_load_idx %arg11[%select_n3A_1464] : memref<4096xf32, #tpu.memory_space<vmem>>[vector<16xi32>], vector<16xf32>,
      %sub3A_1469 = vector.broadcast %squeeze3A_1449 : f32 to vector<16xf32>
      %sub3A_1470 = arith.subf %gather3A_1468, %sub3A_1469 : vector<16xf32>
      %gather3A_1471 = tpu.vector_load_idx %arg12[%select_n3A_1464] : memref<4096xf32, #tpu.memory_space<vmem>>[vector<16xi32>], vector<16xf32>,
      %sub3A_1472 = vector.broadcast %squeeze3A_1451 : f32 to vector<16xf32>
      %sub3A_1473 = arith.subf %gather3A_1471, %sub3A_1472 : vector<16xf32>
      %add3A_1474 = arith.constant 0 : i32
      %add3A_1475 = vector.broadcast %add3A_1474 : i32 to vector<16xi32>
      %add3A_1476 = arith.addi %iota3A, %add3A_1475 : vector<16xi32>
      %broadcast_in_dim3A_1477 = vector.broadcast %add3A_1455 : i32 to vector<16xi32>
      tpu.vector_store_idx %arg17[%add3A_1476, %broadcast_in_dim3A_1477], %select_n3A_1464 : memref<64x128xi32, #tpu.memory_space<vmem>>[vector<16xi32>, vector<16xi32>], vector<16xi32>,
      %broadcast_in_dim3A_1478 = arith.constant 0 : i32
      %broadcast_in_dim3A_1479 = vector.broadcast %broadcast_in_dim3A_1478 : i32 to vector<16xi32>
      tpu.vector_store_idx %arg18[%broadcast_in_dim3A_1479, %add3A_1476, %broadcast_in_dim3A_1477], %sub3A_1467 : memref<3x64x128xf32, #tpu.memory_space<vmem>>[vector<16xi32>, vector<16xi32>, vector<16xi32>], vector<16xf32>,
      %add3A_1480 = arith.constant 1 : i32
      %add3A_1481 = vector.broadcast %add3A_1480 : i32 to vector<16xi32>
      %add3A_1482 = arith.addi %broadcast_in_dim3A_1479, %add3A_1481 : vector<16xi32>
      tpu.vector_store_idx %arg18[%add3A_1482, %add3A_1476, %broadcast_in_dim3A_1477], %sub3A_1470 : memref<3x64x128xf32, #tpu.memory_space<vmem>>[vector<16xi32>, vector<16xi32>, vector<16xi32>], vector<16xf32>,
      %add3A_1483 = arith.constant 2 : i32
      %add3A_1484 = vector.broadcast %add3A_1483 : i32 to vector<16xi32>
      %add3A_1485 = arith.addi %broadcast_in_dim3A_1479, %add3A_1484 : vector<16xi32>
      tpu.vector_store_idx %arg18[%add3A_1485, %add3A_1476, %broadcast_in_dim3A_1477], %sub3A_1473 : memref<3x64x128xf32, #tpu.memory_space<vmem>>[vector<16xi32>, vector<16xi32>, vector<16xi32>], vector<16xf32>,
      %get3A_1486 = arith.constant 1296 : index
      %get3A_1487 = tpu.vector_load %arg16[%get3A_1486] {strides = array<i32>} : memref<2048xi32, #tpu.memory_space<vmem>>, vector<16xi32>,
      %add3A_1488 = arith.constant 16 : i32
      %add3A_1489 = vector.broadcast %add3A_1488 : i32 to vector<16xi32>
      %add3A_1490 = arith.addi %iota3A, %add3A_1489 : vector<16xi32>
      %lt3A_1491 = vector.broadcast %min3A_1441 : i32 to vector<16xi32>
      %lt3A_1492 = arith.cmpi slt, %add3A_1490, %lt3A_1491 : vector<16xi32>
      %broadcast_in_dim3A_1493 = vector.broadcast %squeeze3A_1445 : i32 to vector<16xi32>
      %select_n3A_1494 = arith.select %lt3A_1492, %get3A_1487, %broadcast_in_dim3A_1493 : vector<16xi1>, vector<16xi32>
      %gather3A_1495 = tpu.vector_load_idx %arg10[%select_n3A_1494] : memref<4096xf32, #tpu.memory_space<vmem>>[vector<16xi32>], vector<16xf32>,
      %sub3A_1496 = vector.broadcast %squeeze3A_1447 : f32 to vector<16xf32>
      %sub3A_1497 = arith.subf %gather3A_1495, %sub3A_1496 : vector<16xf32>
      %gather3A_1498 = tpu.vector_load_idx %arg11[%select_n3A_1494] : memref<4096xf32, #tpu.memory_space<vmem>>[vector<16xi32>], vector<16xf32>,
      %sub3A_1499 = vector.broadcast %squeeze3A_1449 : f32 to vector<16xf32>
      %sub3A_1500 = arith.subf %gather3A_1498, %sub3A_1499 : vector<16xf32>
      %gather3A_1501 = tpu.vector_load_idx %arg12[%select_n3A_1494] : memref<4096xf32, #tpu.memory_space<vmem>>[vector<16xi32>], vector<16xf32>,
      %sub3A_1502 = vector.broadcast %squeeze3A_1451 : f32 to vector<16xf32>
      %sub3A_1503 = arith.subf %gather3A_1501, %sub3A_1502 : vector<16xf32>
      %add3A_1504 = arith.constant 16 : i32
      %add3A_1505 = vector.broadcast %add3A_1504 : i32 to vector<16xi32>
      %add3A_1506 = arith.addi %iota3A, %add3A_1505 : vector<16xi32>
      %broadcast_in_dim3A_1507 = vector.broadcast %add3A_1455 : i32 to vector<16xi32>
      tpu.vector_store_idx %arg17[%add3A_1506, %broadcast_in_dim3A_1507], %select_n3A_1494 : memref<64x128xi32, #tpu.memory_space<vmem>>[vector<16xi32>, vector<16xi32>], vector<16xi32>,
      %broadcast_in_dim3A_1508 = arith.constant 0 : i32
      %broadcast_in_dim3A_1509 = vector.broadcast %broadcast_in_dim3A_1508 : i32 to vector<16xi32>
      tpu.vector_store_idx %arg18[%broadcast_in_dim3A_1509, %add3A_1506, %broadcast_in_dim3A_1507], %sub3A_1497 : memref<3x64x128xf32, #tpu.memory_space<vmem>>[vector<16xi32>, vector<16xi32>, vector<16xi32>], vector<16xf32>,
      %add3A_1510 = arith.constant 1 : i32
      %add3A_1511 = vector.broadcast %add3A_1510 : i32 to vector<16xi32>
      %add3A_1512 = arith.addi %broadcast_in_dim3A_1509, %add3A_1511 : vector<16xi32>
      tpu.vector_store_idx %arg18[%add3A_1512, %add3A_1506, %broadcast_in_dim3A_1507], %sub3A_1500 : memref<3x64x128xf32, #tpu.memory_space<vmem>>[vector<16xi32>, vector<16xi32>, vector<16xi32>], vector<16xf32>,
      %add3A_1513 = arith.constant 2 : i32
      %add3A_1514 = vector.broadcast %add3A_1513 : i32 to vector<16xi32>
      %add3A_1515 = arith.addi %broadcast_in_dim3A_1509, %add3A_1514 : vector<16xi32>
      tpu.vector_store_idx %arg18[%add3A_1515, %add3A_1506, %broadcast_in_dim3A_1507], %sub3A_1503 : memref<3x64x128xf32, #tpu.memory_space<vmem>>[vector<16xi32>, vector<16xi32>, vector<16xi32>], vector<16xf32>,
      %get3A_1516 = arith.constant 1312 : index
      %get3A_1517 = tpu.vector_load %arg16[%get3A_1516] {strides = array<i32>} : memref<2048xi32, #tpu.memory_space<vmem>>, vector<16xi32>,
      %add3A_1518 = arith.constant 32 : i32
      %add3A_1519 = vector.broadcast %add3A_1518 : i32 to vector<16xi32>
      %add3A_1520 = arith.addi %iota3A, %add3A_1519 : vector<16xi32>
      %lt3A_1521 = vector.broadcast %min3A_1441 : i32 to vector<16xi32>
      %lt3A_1522 = arith.cmpi slt, %add3A_1520, %lt3A_1521 : vector<16xi32>
      %broadcast_in_dim3A_1523 = vector.broadcast %squeeze3A_1445 : i32 to vector<16xi32>
      %select_n3A_1524 = arith.select %lt3A_1522, %get3A_1517, %broadcast_in_dim3A_1523 : vector<16xi1>, vector<16xi32>
      %gather3A_1525 = tpu.vector_load_idx %arg10[%select_n3A_1524] : memref<4096xf32, #tpu.memory_space<vmem>>[vector<16xi32>], vector<16xf32>,
      %sub3A_1526 = vector.broadcast %squeeze3A_1447 : f32 to vector<16xf32>
      %sub3A_1527 = arith.subf %gather3A_1525, %sub3A_1526 : vector<16xf32>
      %gather3A_1528 = tpu.vector_load_idx %arg11[%select_n3A_1524] : memref<4096xf32, #tpu.memory_space<vmem>>[vector<16xi32>], vector<16xf32>,
      %sub3A_1529 = vector.broadcast %squeeze3A_1449 : f32 to vector<16xf32>
      %sub3A_1530 = arith.subf %gather3A_1528, %sub3A_1529 : vector<16xf32>
      %gather3A_1531 = tpu.vector_load_idx %arg12[%select_n3A_1524] : memref<4096xf32, #tpu.memory_space<vmem>>[vector<16xi32>], vector<16xf32>,
      %sub3A_1532 = vector.broadcast %squeeze3A_1451 : f32 to vector<16xf32>
      %sub3A_1533 = arith.subf %gather3A_1531, %sub3A_1532 : vector<16xf32>
      %add3A_1534 = arith.constant 32 : i32
      %add3A_1535 = vector.broadcast %add3A_1534 : i32 to vector<16xi32>
      %add3A_1536 = arith.addi %iota3A, %add3A_1535 : vector<16xi32>
      %broadcast_in_dim3A_1537 = vector.broadcast %add3A_1455 : i32 to vector<16xi32>
      tpu.vector_store_idx %arg17[%add3A_1536, %broadcast_in_dim3A_1537], %select_n3A_1524 : memref<64x128xi32, #tpu.memory_space<vmem>>[vector<16xi32>, vector<16xi32>], vector<16xi32>,
      %broadcast_in_dim3A_1538 = arith.constant 0 : i32
      %broadcast_in_dim3A_1539 = vector.broadcast %broadcast_in_dim3A_1538 : i32 to vector<16xi32>
      tpu.vector_store_idx %arg18[%broadcast_in_dim3A_1539, %add3A_1536, %broadcast_in_dim3A_1537], %sub3A_1527 : memref<3x64x128xf32, #tpu.memory_space<vmem>>[vector<16xi32>, vector<16xi32>, vector<16xi32>], vector<16xf32>,
      %add3A_1540 = arith.constant 1 : i32
      %add3A_1541 = vector.broadcast %add3A_1540 : i32 to vector<16xi32>
      %add3A_1542 = arith.addi %broadcast_in_dim3A_1539, %add3A_1541 : vector<16xi32>
      tpu.vector_store_idx %arg18[%add3A_1542, %add3A_1536, %broadcast_in_dim3A_1537], %sub3A_1530 : memref<3x64x128xf32, #tpu.memory_space<vmem>>[vector<16xi32>, vector<16xi32>, vector<16xi32>], vector<16xf32>,
      %add3A_1543 = arith.constant 2 : i32
      %add3A_1544 = vector.broadcast %add3A_1543 : i32 to vector<16xi32>
      %add3A_1545 = arith.addi %broadcast_in_dim3A_1539, %add3A_1544 : vector<16xi32>
      tpu.vector_store_idx %arg18[%add3A_1545, %add3A_1536, %broadcast_in_dim3A_1537], %sub3A_1533 : memref<3x64x128xf32, #tpu.memory_space<vmem>>[vector<16xi32>, vector<16xi32>, vector<16xi32>], vector<16xf32>,
      %get3A_1546 = arith.constant 1328 : index
      %get3A_1547 = tpu.vector_load %arg16[%get3A_1546] {strides = array<i32>} : memref<2048xi32, #tpu.memory_space<vmem>>, vector<16xi32>,
      %add3A_1548 = arith.constant 48 : i32
      %add3A_1549 = vector.broadcast %add3A_1548 : i32 to vector<16xi32>
      %add3A_1550 = arith.addi %iota3A, %add3A_1549 : vector<16xi32>
      %lt3A_1551 = vector.broadcast %min3A_1441 : i32 to vector<16xi32>
      %lt3A_1552 = arith.cmpi slt, %add3A_1550, %lt3A_1551 : vector<16xi32>
      %broadcast_in_dim3A_1553 = vector.broadcast %squeeze3A_1445 : i32 to vector<16xi32>
      %select_n3A_1554 = arith.select %lt3A_1552, %get3A_1547, %broadcast_in_dim3A_1553 : vector<16xi1>, vector<16xi32>
      %gather3A_1555 = tpu.vector_load_idx %arg10[%select_n3A_1554] : memref<4096xf32, #tpu.memory_space<vmem>>[vector<16xi32>], vector<16xf32>,
      %sub3A_1556 = vector.broadcast %squeeze3A_1447 : f32 to vector<16xf32>
      %sub3A_1557 = arith.subf %gather3A_1555, %sub3A_1556 : vector<16xf32>
      %gather3A_1558 = tpu.vector_load_idx %arg11[%select_n3A_1554] : memref<4096xf32, #tpu.memory_space<vmem>>[vector<16xi32>], vector<16xf32>,
      %sub3A_1559 = vector.broadcast %squeeze3A_1449 : f32 to vector<16xf32>
      %sub3A_1560 = arith.subf %gather3A_1558, %sub3A_1559 : vector<16xf32>
      %gather3A_1561 = tpu.vector_load_idx %arg12[%select_n3A_1554] : memref<4096xf32, #tpu.memory_space<vmem>>[vector<16xi32>], vector<16xf32>,
      %sub3A_1562 = vector.broadcast %squeeze3A_1451 : f32 to vector<16xf32>
      %sub3A_1563 = arith.subf %gather3A_1561, %sub3A_1562 : vector<16xf32>
      %add3A_1564 = arith.constant 48 : i32
      %add3A_1565 = vector.broadcast %add3A_1564 : i32 to vector<16xi32>
      %add3A_1566 = arith.addi %iota3A, %add3A_1565 : vector<16xi32>
      %broadcast_in_dim3A_1567 = vector.broadcast %add3A_1455 : i32 to vector<16xi32>
      tpu.vector_store_idx %arg17[%add3A_1566, %broadcast_in_dim3A_1567], %select_n3A_1554 : memref<64x128xi32, #tpu.memory_space<vmem>>[vector<16xi32>, vector<16xi32>], vector<16xi32>,
      %broadcast_in_dim3A_1568 = arith.constant 0 : i32
      %broadcast_in_dim3A_1569 = vector.broadcast %broadcast_in_dim3A_1568 : i32 to vector<16xi32>
      tpu.vector_store_idx %arg18[%broadcast_in_dim3A_1569, %add3A_1566, %broadcast_in_dim3A_1567], %sub3A_1557 : memref<3x64x128xf32, #tpu.memory_space<vmem>>[vector<16xi32>, vector<16xi32>, vector<16xi32>], vector<16xf32>,
      %add3A_1570 = arith.constant 1 : i32
      %add3A_1571 = vector.broadcast %add3A_1570 : i32 to vector<16xi32>
      %add3A_1572 = arith.addi %broadcast_in_dim3A_1569, %add3A_1571 : vector<16xi32>
      tpu.vector_store_idx %arg18[%add3A_1572, %add3A_1566, %broadcast_in_dim3A_1567], %sub3A_1560 : memref<3x64x128xf32, #tpu.memory_space<vmem>>[vector<16xi32>, vector<16xi32>, vector<16xi32>], vector<16xf32>,
      %add3A_1573 = arith.constant 2 : i32
      %add3A_1574 = vector.broadcast %add3A_1573 : i32 to vector<16xi32>
      %add3A_1575 = arith.addi %broadcast_in_dim3A_1569, %add3A_1574 : vector<16xi32>
      tpu.vector_store_idx %arg18[%add3A_1575, %add3A_1566, %broadcast_in_dim3A_1567], %sub3A_1563 : memref<3x64x128xf32, #tpu.memory_space<vmem>>[vector<16xi32>, vector<16xi32>, vector<16xi32>], vector<16xf32>,
      %slice3A_1576 = vector.extract_strided_slice %scan3A_60 {offsets = [11], sizes = [1], strides = [1]} : vector<16xi32> to vector<1xi32>
      %squeeze3A_1577 = vector.extract %slice3A_1576[0] : i32 from vector<1xi32>
      %min3A_1578 = arith.constant 64 : i32
      %min3A_1579 = arith.minsi %squeeze3A_1577, %min3A_1578 : i32
      %get3A_1580 = arith.constant 1408 : index
      %get3A_1581 = tpu.vector_load %arg16[%get3A_1580] {strides = array<i32>} : memref<2048xi32, #tpu.memory_space<vmem>>, vector<16xi32>,
      %slice3A_1582 = vector.extract_strided_slice %get3A_1581 {offsets = [0], sizes = [1], strides = [1]} : vector<16xi32> to vector<1xi32>
      %squeeze3A_1583 = vector.extract %slice3A_1582[0] : i32 from vector<1xi32>
      %slice3A_1584 = vector.extract_strided_slice %get3A_46 {offsets = [11], sizes = [1], strides = [1]} : vector<16xf32> to vector<1xf32>
      %squeeze3A_1585 = vector.extract %slice3A_1584[0] : f32 from vector<1xf32>
      %slice3A_1586 = vector.extract_strided_slice %get3A_50 {offsets = [11], sizes = [1], strides = [1]} : vector<16xf32> to vector<1xf32>
      %squeeze3A_1587 = vector.extract %slice3A_1586[0] : f32 from vector<1xf32>
      %slice3A_1588 = vector.extract_strided_slice %get3A_54 {offsets = [11], sizes = [1], strides = [1]} : vector<16xf32> to vector<1xf32>
      %squeeze3A_1589 = vector.extract %slice3A_1588[0] : f32 from vector<1xf32>
      %mul3A_1590 = arith.constant 16 : i32
      %mul3A_1591 = arith.muli %scan3A_42, %mul3A_1590 : i32
      %add3A_1592 = arith.constant 11 : i32
      %add3A_1593 = arith.addi %mul3A_1591, %add3A_1592 : i32
      %get3A_1594 = arith.constant 1408 : index
      %get3A_1595 = tpu.vector_load %arg16[%get3A_1594] {strides = array<i32>} : memref<2048xi32, #tpu.memory_space<vmem>>, vector<16xi32>,
      %add3A_1596 = arith.constant 0 : i32
      %add3A_1597 = vector.broadcast %add3A_1596 : i32 to vector<16xi32>
      %add3A_1598 = arith.addi %iota3A, %add3A_1597 : vector<16xi32>
      %lt3A_1599 = vector.broadcast %min3A_1579 : i32 to vector<16xi32>
      %lt3A_1600 = arith.cmpi slt, %add3A_1598, %lt3A_1599 : vector<16xi32>
      %broadcast_in_dim3A_1601 = vector.broadcast %squeeze3A_1583 : i32 to vector<16xi32>
      %select_n3A_1602 = arith.select %lt3A_1600, %get3A_1595, %broadcast_in_dim3A_1601 : vector<16xi1>, vector<16xi32>
      %gather3A_1603 = tpu.vector_load_idx %arg10[%select_n3A_1602] : memref<4096xf32, #tpu.memory_space<vmem>>[vector<16xi32>], vector<16xf32>,
      %sub3A_1604 = vector.broadcast %squeeze3A_1585 : f32 to vector<16xf32>
      %sub3A_1605 = arith.subf %gather3A_1603, %sub3A_1604 : vector<16xf32>
      %gather3A_1606 = tpu.vector_load_idx %arg11[%select_n3A_1602] : memref<4096xf32, #tpu.memory_space<vmem>>[vector<16xi32>], vector<16xf32>,
      %sub3A_1607 = vector.broadcast %squeeze3A_1587 : f32 to vector<16xf32>
      %sub3A_1608 = arith.subf %gather3A_1606, %sub3A_1607 : vector<16xf32>
      %gather3A_1609 = tpu.vector_load_idx %arg12[%select_n3A_1602] : memref<4096xf32, #tpu.memory_space<vmem>>[vector<16xi32>], vector<16xf32>,
      %sub3A_1610 = vector.broadcast %squeeze3A_1589 : f32 to vector<16xf32>
      %sub3A_1611 = arith.subf %gather3A_1609, %sub3A_1610 : vector<16xf32>
      %add3A_1612 = arith.constant 0 : i32
      %add3A_1613 = vector.broadcast %add3A_1612 : i32 to vector<16xi32>
      %add3A_1614 = arith.addi %iota3A, %add3A_1613 : vector<16xi32>
      %broadcast_in_dim3A_1615 = vector.broadcast %add3A_1593 : i32 to vector<16xi32>
      tpu.vector_store_idx %arg17[%add3A_1614, %broadcast_in_dim3A_1615], %select_n3A_1602 : memref<64x128xi32, #tpu.memory_space<vmem>>[vector<16xi32>, vector<16xi32>], vector<16xi32>,
      %broadcast_in_dim3A_1616 = arith.constant 0 : i32
      %broadcast_in_dim3A_1617 = vector.broadcast %broadcast_in_dim3A_1616 : i32 to vector<16xi32>
      tpu.vector_store_idx %arg18[%broadcast_in_dim3A_1617, %add3A_1614, %broadcast_in_dim3A_1615], %sub3A_1605 : memref<3x64x128xf32, #tpu.memory_space<vmem>>[vector<16xi32>, vector<16xi32>, vector<16xi32>], vector<16xf32>,
      %add3A_1618 = arith.constant 1 : i32
      %add3A_1619 = vector.broadcast %add3A_1618 : i32 to vector<16xi32>
      %add3A_1620 = arith.addi %broadcast_in_dim3A_1617, %add3A_1619 : vector<16xi32>
      tpu.vector_store_idx %arg18[%add3A_1620, %add3A_1614, %broadcast_in_dim3A_1615], %sub3A_1608 : memref<3x64x128xf32, #tpu.memory_space<vmem>>[vector<16xi32>, vector<16xi32>, vector<16xi32>], vector<16xf32>,
      %add3A_1621 = arith.constant 2 : i32
      %add3A_1622 = vector.broadcast %add3A_1621 : i32 to vector<16xi32>
      %add3A_1623 = arith.addi %broadcast_in_dim3A_1617, %add3A_1622 : vector<16xi32>
      tpu.vector_store_idx %arg18[%add3A_1623, %add3A_1614, %broadcast_in_dim3A_1615], %sub3A_1611 : memref<3x64x128xf32, #tpu.memory_space<vmem>>[vector<16xi32>, vector<16xi32>, vector<16xi32>], vector<16xf32>,
      %get3A_1624 = arith.constant 1424 : index
      %get3A_1625 = tpu.vector_load %arg16[%get3A_1624] {strides = array<i32>} : memref<2048xi32, #tpu.memory_space<vmem>>, vector<16xi32>,
      %add3A_1626 = arith.constant 16 : i32
      %add3A_1627 = vector.broadcast %add3A_1626 : i32 to vector<16xi32>
      %add3A_1628 = arith.addi %iota3A, %add3A_1627 : vector<16xi32>
      %lt3A_1629 = vector.broadcast %min3A_1579 : i32 to vector<16xi32>
      %lt3A_1630 = arith.cmpi slt, %add3A_1628, %lt3A_1629 : vector<16xi32>
      %broadcast_in_dim3A_1631 = vector.broadcast %squeeze3A_1583 : i32 to vector<16xi32>
      %select_n3A_1632 = arith.select %lt3A_1630, %get3A_1625, %broadcast_in_dim3A_1631 : vector<16xi1>, vector<16xi32>
      %gather3A_1633 = tpu.vector_load_idx %arg10[%select_n3A_1632] : memref<4096xf32, #tpu.memory_space<vmem>>[vector<16xi32>], vector<16xf32>,
      %sub3A_1634 = vector.broadcast %squeeze3A_1585 : f32 to vector<16xf32>
      %sub3A_1635 = arith.subf %gather3A_1633, %sub3A_1634 : vector<16xf32>
      %gather3A_1636 = tpu.vector_load_idx %arg11[%select_n3A_1632] : memref<4096xf32, #tpu.memory_space<vmem>>[vector<16xi32>], vector<16xf32>,
      %sub3A_1637 = vector.broadcast %squeeze3A_1587 : f32 to vector<16xf32>
      %sub3A_1638 = arith.subf %gather3A_1636, %sub3A_1637 : vector<16xf32>
      %gather3A_1639 = tpu.vector_load_idx %arg12[%select_n3A_1632] : memref<4096xf32, #tpu.memory_space<vmem>>[vector<16xi32>], vector<16xf32>,
      %sub3A_1640 = vector.broadcast %squeeze3A_1589 : f32 to vector<16xf32>
      %sub3A_1641 = arith.subf %gather3A_1639, %sub3A_1640 : vector<16xf32>
      %add3A_1642 = arith.constant 16 : i32
      %add3A_1643 = vector.broadcast %add3A_1642 : i32 to vector<16xi32>
      %add3A_1644 = arith.addi %iota3A, %add3A_1643 : vector<16xi32>
      %broadcast_in_dim3A_1645 = vector.broadcast %add3A_1593 : i32 to vector<16xi32>
      tpu.vector_store_idx %arg17[%add3A_1644, %broadcast_in_dim3A_1645], %select_n3A_1632 : memref<64x128xi32, #tpu.memory_space<vmem>>[vector<16xi32>, vector<16xi32>], vector<16xi32>,
      %broadcast_in_dim3A_1646 = arith.constant 0 : i32
      %broadcast_in_dim3A_1647 = vector.broadcast %broadcast_in_dim3A_1646 : i32 to vector<16xi32>
      tpu.vector_store_idx %arg18[%broadcast_in_dim3A_1647, %add3A_1644, %broadcast_in_dim3A_1645], %sub3A_1635 : memref<3x64x128xf32, #tpu.memory_space<vmem>>[vector<16xi32>, vector<16xi32>, vector<16xi32>], vector<16xf32>,
      %add3A_1648 = arith.constant 1 : i32
      %add3A_1649 = vector.broadcast %add3A_1648 : i32 to vector<16xi32>
      %add3A_1650 = arith.addi %broadcast_in_dim3A_1647, %add3A_1649 : vector<16xi32>
      tpu.vector_store_idx %arg18[%add3A_1650, %add3A_1644, %broadcast_in_dim3A_1645], %sub3A_1638 : memref<3x64x128xf32, #tpu.memory_space<vmem>>[vector<16xi32>, vector<16xi32>, vector<16xi32>], vector<16xf32>,
      %add3A_1651 = arith.constant 2 : i32
      %add3A_1652 = vector.broadcast %add3A_1651 : i32 to vector<16xi32>
      %add3A_1653 = arith.addi %broadcast_in_dim3A_1647, %add3A_1652 : vector<16xi32>
      tpu.vector_store_idx %arg18[%add3A_1653, %add3A_1644, %broadcast_in_dim3A_1645], %sub3A_1641 : memref<3x64x128xf32, #tpu.memory_space<vmem>>[vector<16xi32>, vector<16xi32>, vector<16xi32>], vector<16xf32>,
      %get3A_1654 = arith.constant 1440 : index
      %get3A_1655 = tpu.vector_load %arg16[%get3A_1654] {strides = array<i32>} : memref<2048xi32, #tpu.memory_space<vmem>>, vector<16xi32>,
      %add3A_1656 = arith.constant 32 : i32
      %add3A_1657 = vector.broadcast %add3A_1656 : i32 to vector<16xi32>
      %add3A_1658 = arith.addi %iota3A, %add3A_1657 : vector<16xi32>
      %lt3A_1659 = vector.broadcast %min3A_1579 : i32 to vector<16xi32>
      %lt3A_1660 = arith.cmpi slt, %add3A_1658, %lt3A_1659 : vector<16xi32>
      %broadcast_in_dim3A_1661 = vector.broadcast %squeeze3A_1583 : i32 to vector<16xi32>
      %select_n3A_1662 = arith.select %lt3A_1660, %get3A_1655, %broadcast_in_dim3A_1661 : vector<16xi1>, vector<16xi32>
      %gather3A_1663 = tpu.vector_load_idx %arg10[%select_n3A_1662] : memref<4096xf32, #tpu.memory_space<vmem>>[vector<16xi32>], vector<16xf32>,
      %sub3A_1664 = vector.broadcast %squeeze3A_1585 : f32 to vector<16xf32>
      %sub3A_1665 = arith.subf %gather3A_1663, %sub3A_1664 : vector<16xf32>
      %gather3A_1666 = tpu.vector_load_idx %arg11[%select_n3A_1662] : memref<4096xf32, #tpu.memory_space<vmem>>[vector<16xi32>], vector<16xf32>,
      %sub3A_1667 = vector.broadcast %squeeze3A_1587 : f32 to vector<16xf32>
      %sub3A_1668 = arith.subf %gather3A_1666, %sub3A_1667 : vector<16xf32>
      %gather3A_1669 = tpu.vector_load_idx %arg12[%select_n3A_1662] : memref<4096xf32, #tpu.memory_space<vmem>>[vector<16xi32>], vector<16xf32>,
      %sub3A_1670 = vector.broadcast %squeeze3A_1589 : f32 to vector<16xf32>
      %sub3A_1671 = arith.subf %gather3A_1669, %sub3A_1670 : vector<16xf32>
      %add3A_1672 = arith.constant 32 : i32
      %add3A_1673 = vector.broadcast %add3A_1672 : i32 to vector<16xi32>
      %add3A_1674 = arith.addi %iota3A, %add3A_1673 : vector<16xi32>
      %broadcast_in_dim3A_1675 = vector.broadcast %add3A_1593 : i32 to vector<16xi32>
      tpu.vector_store_idx %arg17[%add3A_1674, %broadcast_in_dim3A_1675], %select_n3A_1662 : memref<64x128xi32, #tpu.memory_space<vmem>>[vector<16xi32>, vector<16xi32>], vector<16xi32>,
      %broadcast_in_dim3A_1676 = arith.constant 0 : i32
      %broadcast_in_dim3A_1677 = vector.broadcast %broadcast_in_dim3A_1676 : i32 to vector<16xi32>
      tpu.vector_store_idx %arg18[%broadcast_in_dim3A_1677, %add3A_1674, %broadcast_in_dim3A_1675], %sub3A_1665 : memref<3x64x128xf32, #tpu.memory_space<vmem>>[vector<16xi32>, vector<16xi32>, vector<16xi32>], vector<16xf32>,
      %add3A_1678 = arith.constant 1 : i32
      %add3A_1679 = vector.broadcast %add3A_1678 : i32 to vector<16xi32>
      %add3A_1680 = arith.addi %broadcast_in_dim3A_1677, %add3A_1679 : vector<16xi32>
      tpu.vector_store_idx %arg18[%add3A_1680, %add3A_1674, %broadcast_in_dim3A_1675], %sub3A_1668 : memref<3x64x128xf32, #tpu.memory_space<vmem>>[vector<16xi32>, vector<16xi32>, vector<16xi32>], vector<16xf32>,
      %add3A_1681 = arith.constant 2 : i32
      %add3A_1682 = vector.broadcast %add3A_1681 : i32 to vector<16xi32>
      %add3A_1683 = arith.addi %broadcast_in_dim3A_1677, %add3A_1682 : vector<16xi32>
      tpu.vector_store_idx %arg18[%add3A_1683, %add3A_1674, %broadcast_in_dim3A_1675], %sub3A_1671 : memref<3x64x128xf32, #tpu.memory_space<vmem>>[vector<16xi32>, vector<16xi32>, vector<16xi32>], vector<16xf32>,
      %get3A_1684 = arith.constant 1456 : index
      %get3A_1685 = tpu.vector_load %arg16[%get3A_1684] {strides = array<i32>} : memref<2048xi32, #tpu.memory_space<vmem>>, vector<16xi32>,
      %add3A_1686 = arith.constant 48 : i32
      %add3A_1687 = vector.broadcast %add3A_1686 : i32 to vector<16xi32>
      %add3A_1688 = arith.addi %iota3A, %add3A_1687 : vector<16xi32>
      %lt3A_1689 = vector.broadcast %min3A_1579 : i32 to vector<16xi32>
      %lt3A_1690 = arith.cmpi slt, %add3A_1688, %lt3A_1689 : vector<16xi32>
      %broadcast_in_dim3A_1691 = vector.broadcast %squeeze3A_1583 : i32 to vector<16xi32>
      %select_n3A_1692 = arith.select %lt3A_1690, %get3A_1685, %broadcast_in_dim3A_1691 : vector<16xi1>, vector<16xi32>
      %gather3A_1693 = tpu.vector_load_idx %arg10[%select_n3A_1692] : memref<4096xf32, #tpu.memory_space<vmem>>[vector<16xi32>], vector<16xf32>,
      %sub3A_1694 = vector.broadcast %squeeze3A_1585 : f32 to vector<16xf32>
      %sub3A_1695 = arith.subf %gather3A_1693, %sub3A_1694 : vector<16xf32>
      %gather3A_1696 = tpu.vector_load_idx %arg11[%select_n3A_1692] : memref<4096xf32, #tpu.memory_space<vmem>>[vector<16xi32>], vector<16xf32>,
      %sub3A_1697 = vector.broadcast %squeeze3A_1587 : f32 to vector<16xf32>
      %sub3A_1698 = arith.subf %gather3A_1696, %sub3A_1697 : vector<16xf32>
      %gather3A_1699 = tpu.vector_load_idx %arg12[%select_n3A_1692] : memref<4096xf32, #tpu.memory_space<vmem>>[vector<16xi32>], vector<16xf32>,
      %sub3A_1700 = vector.broadcast %squeeze3A_1589 : f32 to vector<16xf32>
      %sub3A_1701 = arith.subf %gather3A_1699, %sub3A_1700 : vector<16xf32>
      %add3A_1702 = arith.constant 48 : i32
      %add3A_1703 = vector.broadcast %add3A_1702 : i32 to vector<16xi32>
      %add3A_1704 = arith.addi %iota3A, %add3A_1703 : vector<16xi32>
      %broadcast_in_dim3A_1705 = vector.broadcast %add3A_1593 : i32 to vector<16xi32>
      tpu.vector_store_idx %arg17[%add3A_1704, %broadcast_in_dim3A_1705], %select_n3A_1692 : memref<64x128xi32, #tpu.memory_space<vmem>>[vector<16xi32>, vector<16xi32>], vector<16xi32>,
      %broadcast_in_dim3A_1706 = arith.constant 0 : i32
      %broadcast_in_dim3A_1707 = vector.broadcast %broadcast_in_dim3A_1706 : i32 to vector<16xi32>
      tpu.vector_store_idx %arg18[%broadcast_in_dim3A_1707, %add3A_1704, %broadcast_in_dim3A_1705], %sub3A_1695 : memref<3x64x128xf32, #tpu.memory_space<vmem>>[vector<16xi32>, vector<16xi32>, vector<16xi32>], vector<16xf32>,
      %add3A_1708 = arith.constant 1 : i32
      %add3A_1709 = vector.broadcast %add3A_1708 : i32 to vector<16xi32>
      %add3A_1710 = arith.addi %broadcast_in_dim3A_1707, %add3A_1709 : vector<16xi32>
      tpu.vector_store_idx %arg18[%add3A_1710, %add3A_1704, %broadcast_in_dim3A_1705], %sub3A_1698 : memref<3x64x128xf32, #tpu.memory_space<vmem>>[vector<16xi32>, vector<16xi32>, vector<16xi32>], vector<16xf32>,
      %add3A_1711 = arith.constant 2 : i32
      %add3A_1712 = vector.broadcast %add3A_1711 : i32 to vector<16xi32>
      %add3A_1713 = arith.addi %broadcast_in_dim3A_1707, %add3A_1712 : vector<16xi32>
      tpu.vector_store_idx %arg18[%add3A_1713, %add3A_1704, %broadcast_in_dim3A_1705], %sub3A_1701 : memref<3x64x128xf32, #tpu.memory_space<vmem>>[vector<16xi32>, vector<16xi32>, vector<16xi32>], vector<16xf32>,
      %slice3A_1714 = vector.extract_strided_slice %scan3A_60 {offsets = [12], sizes = [1], strides = [1]} : vector<16xi32> to vector<1xi32>
      %squeeze3A_1715 = vector.extract %slice3A_1714[0] : i32 from vector<1xi32>
      %min3A_1716 = arith.constant 64 : i32
      %min3A_1717 = arith.minsi %squeeze3A_1715, %min3A_1716 : i32
      %get3A_1718 = arith.constant 1536 : index
      %get3A_1719 = tpu.vector_load %arg16[%get3A_1718] {strides = array<i32>} : memref<2048xi32, #tpu.memory_space<vmem>>, vector<16xi32>,
      %slice3A_1720 = vector.extract_strided_slice %get3A_1719 {offsets = [0], sizes = [1], strides = [1]} : vector<16xi32> to vector<1xi32>
      %squeeze3A_1721 = vector.extract %slice3A_1720[0] : i32 from vector<1xi32>
      %slice3A_1722 = vector.extract_strided_slice %get3A_46 {offsets = [12], sizes = [1], strides = [1]} : vector<16xf32> to vector<1xf32>
      %squeeze3A_1723 = vector.extract %slice3A_1722[0] : f32 from vector<1xf32>
      %slice3A_1724 = vector.extract_strided_slice %get3A_50 {offsets = [12], sizes = [1], strides = [1]} : vector<16xf32> to vector<1xf32>
      %squeeze3A_1725 = vector.extract %slice3A_1724[0] : f32 from vector<1xf32>
      %slice3A_1726 = vector.extract_strided_slice %get3A_54 {offsets = [12], sizes = [1], strides = [1]} : vector<16xf32> to vector<1xf32>
      %squeeze3A_1727 = vector.extract %slice3A_1726[0] : f32 from vector<1xf32>
      %mul3A_1728 = arith.constant 16 : i32
      %mul3A_1729 = arith.muli %scan3A_42, %mul3A_1728 : i32
      %add3A_1730 = arith.constant 12 : i32
      %add3A_1731 = arith.addi %mul3A_1729, %add3A_1730 : i32
      %get3A_1732 = arith.constant 1536 : index
      %get3A_1733 = tpu.vector_load %arg16[%get3A_1732] {strides = array<i32>} : memref<2048xi32, #tpu.memory_space<vmem>>, vector<16xi32>,
      %add3A_1734 = arith.constant 0 : i32
      %add3A_1735 = vector.broadcast %add3A_1734 : i32 to vector<16xi32>
      %add3A_1736 = arith.addi %iota3A, %add3A_1735 : vector<16xi32>
      %lt3A_1737 = vector.broadcast %min3A_1717 : i32 to vector<16xi32>
      %lt3A_1738 = arith.cmpi slt, %add3A_1736, %lt3A_1737 : vector<16xi32>
      %broadcast_in_dim3A_1739 = vector.broadcast %squeeze3A_1721 : i32 to vector<16xi32>
      %select_n3A_1740 = arith.select %lt3A_1738, %get3A_1733, %broadcast_in_dim3A_1739 : vector<16xi1>, vector<16xi32>
      %gather3A_1741 = tpu.vector_load_idx %arg10[%select_n3A_1740] : memref<4096xf32, #tpu.memory_space<vmem>>[vector<16xi32>], vector<16xf32>,
      %sub3A_1742 = vector.broadcast %squeeze3A_1723 : f32 to vector<16xf32>
      %sub3A_1743 = arith.subf %gather3A_1741, %sub3A_1742 : vector<16xf32>
      %gather3A_1744 = tpu.vector_load_idx %arg11[%select_n3A_1740] : memref<4096xf32, #tpu.memory_space<vmem>>[vector<16xi32>], vector<16xf32>,
      %sub3A_1745 = vector.broadcast %squeeze3A_1725 : f32 to vector<16xf32>
      %sub3A_1746 = arith.subf %gather3A_1744, %sub3A_1745 : vector<16xf32>
      %gather3A_1747 = tpu.vector_load_idx %arg12[%select_n3A_1740] : memref<4096xf32, #tpu.memory_space<vmem>>[vector<16xi32>], vector<16xf32>,
      %sub3A_1748 = vector.broadcast %squeeze3A_1727 : f32 to vector<16xf32>
      %sub3A_1749 = arith.subf %gather3A_1747, %sub3A_1748 : vector<16xf32>
      %add3A_1750 = arith.constant 0 : i32
      %add3A_1751 = vector.broadcast %add3A_1750 : i32 to vector<16xi32>
      %add3A_1752 = arith.addi %iota3A, %add3A_1751 : vector<16xi32>
      %broadcast_in_dim3A_1753 = vector.broadcast %add3A_1731 : i32 to vector<16xi32>
      tpu.vector_store_idx %arg17[%add3A_1752, %broadcast_in_dim3A_1753], %select_n3A_1740 : memref<64x128xi32, #tpu.memory_space<vmem>>[vector<16xi32>, vector<16xi32>], vector<16xi32>,
      %broadcast_in_dim3A_1754 = arith.constant 0 : i32
      %broadcast_in_dim3A_1755 = vector.broadcast %broadcast_in_dim3A_1754 : i32 to vector<16xi32>
      tpu.vector_store_idx %arg18[%broadcast_in_dim3A_1755, %add3A_1752, %broadcast_in_dim3A_1753], %sub3A_1743 : memref<3x64x128xf32, #tpu.memory_space<vmem>>[vector<16xi32>, vector<16xi32>, vector<16xi32>], vector<16xf32>,
      %add3A_1756 = arith.constant 1 : i32
      %add3A_1757 = vector.broadcast %add3A_1756 : i32 to vector<16xi32>
      %add3A_1758 = arith.addi %broadcast_in_dim3A_1755, %add3A_1757 : vector<16xi32>
      tpu.vector_store_idx %arg18[%add3A_1758, %add3A_1752, %broadcast_in_dim3A_1753], %sub3A_1746 : memref<3x64x128xf32, #tpu.memory_space<vmem>>[vector<16xi32>, vector<16xi32>, vector<16xi32>], vector<16xf32>,
      %add3A_1759 = arith.constant 2 : i32
      %add3A_1760 = vector.broadcast %add3A_1759 : i32 to vector<16xi32>
      %add3A_1761 = arith.addi %broadcast_in_dim3A_1755, %add3A_1760 : vector<16xi32>
      tpu.vector_store_idx %arg18[%add3A_1761, %add3A_1752, %broadcast_in_dim3A_1753], %sub3A_1749 : memref<3x64x128xf32, #tpu.memory_space<vmem>>[vector<16xi32>, vector<16xi32>, vector<16xi32>], vector<16xf32>,
      %get3A_1762 = arith.constant 1552 : index
      %get3A_1763 = tpu.vector_load %arg16[%get3A_1762] {strides = array<i32>} : memref<2048xi32, #tpu.memory_space<vmem>>, vector<16xi32>,
      %add3A_1764 = arith.constant 16 : i32
      %add3A_1765 = vector.broadcast %add3A_1764 : i32 to vector<16xi32>
      %add3A_1766 = arith.addi %iota3A, %add3A_1765 : vector<16xi32>
      %lt3A_1767 = vector.broadcast %min3A_1717 : i32 to vector<16xi32>
      %lt3A_1768 = arith.cmpi slt, %add3A_1766, %lt3A_1767 : vector<16xi32>
      %broadcast_in_dim3A_1769 = vector.broadcast %squeeze3A_1721 : i32 to vector<16xi32>
      %select_n3A_1770 = arith.select %lt3A_1768, %get3A_1763, %broadcast_in_dim3A_1769 : vector<16xi1>, vector<16xi32>
      %gather3A_1771 = tpu.vector_load_idx %arg10[%select_n3A_1770] : memref<4096xf32, #tpu.memory_space<vmem>>[vector<16xi32>], vector<16xf32>,
      %sub3A_1772 = vector.broadcast %squeeze3A_1723 : f32 to vector<16xf32>
      %sub3A_1773 = arith.subf %gather3A_1771, %sub3A_1772 : vector<16xf32>
      %gather3A_1774 = tpu.vector_load_idx %arg11[%select_n3A_1770] : memref<4096xf32, #tpu.memory_space<vmem>>[vector<16xi32>], vector<16xf32>,
      %sub3A_1775 = vector.broadcast %squeeze3A_1725 : f32 to vector<16xf32>
      %sub3A_1776 = arith.subf %gather3A_1774, %sub3A_1775 : vector<16xf32>
      %gather3A_1777 = tpu.vector_load_idx %arg12[%select_n3A_1770] : memref<4096xf32, #tpu.memory_space<vmem>>[vector<16xi32>], vector<16xf32>,
      %sub3A_1778 = vector.broadcast %squeeze3A_1727 : f32 to vector<16xf32>
      %sub3A_1779 = arith.subf %gather3A_1777, %sub3A_1778 : vector<16xf32>
      %add3A_1780 = arith.constant 16 : i32
      %add3A_1781 = vector.broadcast %add3A_1780 : i32 to vector<16xi32>
      %add3A_1782 = arith.addi %iota3A, %add3A_1781 : vector<16xi32>
      %broadcast_in_dim3A_1783 = vector.broadcast %add3A_1731 : i32 to vector<16xi32>
      tpu.vector_store_idx %arg17[%add3A_1782, %broadcast_in_dim3A_1783], %select_n3A_1770 : memref<64x128xi32, #tpu.memory_space<vmem>>[vector<16xi32>, vector<16xi32>], vector<16xi32>,
      %broadcast_in_dim3A_1784 = arith.constant 0 : i32
      %broadcast_in_dim3A_1785 = vector.broadcast %broadcast_in_dim3A_1784 : i32 to vector<16xi32>
      tpu.vector_store_idx %arg18[%broadcast_in_dim3A_1785, %add3A_1782, %broadcast_in_dim3A_1783], %sub3A_1773 : memref<3x64x128xf32, #tpu.memory_space<vmem>>[vector<16xi32>, vector<16xi32>, vector<16xi32>], vector<16xf32>,
      %add3A_1786 = arith.constant 1 : i32
      %add3A_1787 = vector.broadcast %add3A_1786 : i32 to vector<16xi32>
      %add3A_1788 = arith.addi %broadcast_in_dim3A_1785, %add3A_1787 : vector<16xi32>
      tpu.vector_store_idx %arg18[%add3A_1788, %add3A_1782, %broadcast_in_dim3A_1783], %sub3A_1776 : memref<3x64x128xf32, #tpu.memory_space<vmem>>[vector<16xi32>, vector<16xi32>, vector<16xi32>], vector<16xf32>,
      %add3A_1789 = arith.constant 2 : i32
      %add3A_1790 = vector.broadcast %add3A_1789 : i32 to vector<16xi32>
      %add3A_1791 = arith.addi %broadcast_in_dim3A_1785, %add3A_1790 : vector<16xi32>
      tpu.vector_store_idx %arg18[%add3A_1791, %add3A_1782, %broadcast_in_dim3A_1783], %sub3A_1779 : memref<3x64x128xf32, #tpu.memory_space<vmem>>[vector<16xi32>, vector<16xi32>, vector<16xi32>], vector<16xf32>,
      %get3A_1792 = arith.constant 1568 : index
      %get3A_1793 = tpu.vector_load %arg16[%get3A_1792] {strides = array<i32>} : memref<2048xi32, #tpu.memory_space<vmem>>, vector<16xi32>,
      %add3A_1794 = arith.constant 32 : i32
      %add3A_1795 = vector.broadcast %add3A_1794 : i32 to vector<16xi32>
      %add3A_1796 = arith.addi %iota3A, %add3A_1795 : vector<16xi32>
      %lt3A_1797 = vector.broadcast %min3A_1717 : i32 to vector<16xi32>
      %lt3A_1798 = arith.cmpi slt, %add3A_1796, %lt3A_1797 : vector<16xi32>
      %broadcast_in_dim3A_1799 = vector.broadcast %squeeze3A_1721 : i32 to vector<16xi32>
      %select_n3A_1800 = arith.select %lt3A_1798, %get3A_1793, %broadcast_in_dim3A_1799 : vector<16xi1>, vector<16xi32>
      %gather3A_1801 = tpu.vector_load_idx %arg10[%select_n3A_1800] : memref<4096xf32, #tpu.memory_space<vmem>>[vector<16xi32>], vector<16xf32>,
      %sub3A_1802 = vector.broadcast %squeeze3A_1723 : f32 to vector<16xf32>
      %sub3A_1803 = arith.subf %gather3A_1801, %sub3A_1802 : vector<16xf32>
      %gather3A_1804 = tpu.vector_load_idx %arg11[%select_n3A_1800] : memref<4096xf32, #tpu.memory_space<vmem>>[vector<16xi32>], vector<16xf32>,
      %sub3A_1805 = vector.broadcast %squeeze3A_1725 : f32 to vector<16xf32>
      %sub3A_1806 = arith.subf %gather3A_1804, %sub3A_1805 : vector<16xf32>
      %gather3A_1807 = tpu.vector_load_idx %arg12[%select_n3A_1800] : memref<4096xf32, #tpu.memory_space<vmem>>[vector<16xi32>], vector<16xf32>,
      %sub3A_1808 = vector.broadcast %squeeze3A_1727 : f32 to vector<16xf32>
      %sub3A_1809 = arith.subf %gather3A_1807, %sub3A_1808 : vector<16xf32>
      %add3A_1810 = arith.constant 32 : i32
      %add3A_1811 = vector.broadcast %add3A_1810 : i32 to vector<16xi32>
      %add3A_1812 = arith.addi %iota3A, %add3A_1811 : vector<16xi32>
      %broadcast_in_dim3A_1813 = vector.broadcast %add3A_1731 : i32 to vector<16xi32>
      tpu.vector_store_idx %arg17[%add3A_1812, %broadcast_in_dim3A_1813], %select_n3A_1800 : memref<64x128xi32, #tpu.memory_space<vmem>>[vector<16xi32>, vector<16xi32>], vector<16xi32>,
      %broadcast_in_dim3A_1814 = arith.constant 0 : i32
      %broadcast_in_dim3A_1815 = vector.broadcast %broadcast_in_dim3A_1814 : i32 to vector<16xi32>
      tpu.vector_store_idx %arg18[%broadcast_in_dim3A_1815, %add3A_1812, %broadcast_in_dim3A_1813], %sub3A_1803 : memref<3x64x128xf32, #tpu.memory_space<vmem>>[vector<16xi32>, vector<16xi32>, vector<16xi32>], vector<16xf32>,
      %add3A_1816 = arith.constant 1 : i32
      %add3A_1817 = vector.broadcast %add3A_1816 : i32 to vector<16xi32>
      %add3A_1818 = arith.addi %broadcast_in_dim3A_1815, %add3A_1817 : vector<16xi32>
      tpu.vector_store_idx %arg18[%add3A_1818, %add3A_1812, %broadcast_in_dim3A_1813], %sub3A_1806 : memref<3x64x128xf32, #tpu.memory_space<vmem>>[vector<16xi32>, vector<16xi32>, vector<16xi32>], vector<16xf32>,
      %add3A_1819 = arith.constant 2 : i32
      %add3A_1820 = vector.broadcast %add3A_1819 : i32 to vector<16xi32>
      %add3A_1821 = arith.addi %broadcast_in_dim3A_1815, %add3A_1820 : vector<16xi32>
      tpu.vector_store_idx %arg18[%add3A_1821, %add3A_1812, %broadcast_in_dim3A_1813], %sub3A_1809 : memref<3x64x128xf32, #tpu.memory_space<vmem>>[vector<16xi32>, vector<16xi32>, vector<16xi32>], vector<16xf32>,
      %get3A_1822 = arith.constant 1584 : index
      %get3A_1823 = tpu.vector_load %arg16[%get3A_1822] {strides = array<i32>} : memref<2048xi32, #tpu.memory_space<vmem>>, vector<16xi32>,
      %add3A_1824 = arith.constant 48 : i32
      %add3A_1825 = vector.broadcast %add3A_1824 : i32 to vector<16xi32>
      %add3A_1826 = arith.addi %iota3A, %add3A_1825 : vector<16xi32>
      %lt3A_1827 = vector.broadcast %min3A_1717 : i32 to vector<16xi32>
      %lt3A_1828 = arith.cmpi slt, %add3A_1826, %lt3A_1827 : vector<16xi32>
      %broadcast_in_dim3A_1829 = vector.broadcast %squeeze3A_1721 : i32 to vector<16xi32>
      %select_n3A_1830 = arith.select %lt3A_1828, %get3A_1823, %broadcast_in_dim3A_1829 : vector<16xi1>, vector<16xi32>
      %gather3A_1831 = tpu.vector_load_idx %arg10[%select_n3A_1830] : memref<4096xf32, #tpu.memory_space<vmem>>[vector<16xi32>], vector<16xf32>,
      %sub3A_1832 = vector.broadcast %squeeze3A_1723 : f32 to vector<16xf32>
      %sub3A_1833 = arith.subf %gather3A_1831, %sub3A_1832 : vector<16xf32>
      %gather3A_1834 = tpu.vector_load_idx %arg11[%select_n3A_1830] : memref<4096xf32, #tpu.memory_space<vmem>>[vector<16xi32>], vector<16xf32>,
      %sub3A_1835 = vector.broadcast %squeeze3A_1725 : f32 to vector<16xf32>
      %sub3A_1836 = arith.subf %gather3A_1834, %sub3A_1835 : vector<16xf32>
      %gather3A_1837 = tpu.vector_load_idx %arg12[%select_n3A_1830] : memref<4096xf32, #tpu.memory_space<vmem>>[vector<16xi32>], vector<16xf32>,
      %sub3A_1838 = vector.broadcast %squeeze3A_1727 : f32 to vector<16xf32>
      %sub3A_1839 = arith.subf %gather3A_1837, %sub3A_1838 : vector<16xf32>
      %add3A_1840 = arith.constant 48 : i32
      %add3A_1841 = vector.broadcast %add3A_1840 : i32 to vector<16xi32>
      %add3A_1842 = arith.addi %iota3A, %add3A_1841 : vector<16xi32>
      %broadcast_in_dim3A_1843 = vector.broadcast %add3A_1731 : i32 to vector<16xi32>
      tpu.vector_store_idx %arg17[%add3A_1842, %broadcast_in_dim3A_1843], %select_n3A_1830 : memref<64x128xi32, #tpu.memory_space<vmem>>[vector<16xi32>, vector<16xi32>], vector<16xi32>,
      %broadcast_in_dim3A_1844 = arith.constant 0 : i32
      %broadcast_in_dim3A_1845 = vector.broadcast %broadcast_in_dim3A_1844 : i32 to vector<16xi32>
      tpu.vector_store_idx %arg18[%broadcast_in_dim3A_1845, %add3A_1842, %broadcast_in_dim3A_1843], %sub3A_1833 : memref<3x64x128xf32, #tpu.memory_space<vmem>>[vector<16xi32>, vector<16xi32>, vector<16xi32>], vector<16xf32>,
      %add3A_1846 = arith.constant 1 : i32
      %add3A_1847 = vector.broadcast %add3A_1846 : i32 to vector<16xi32>
      %add3A_1848 = arith.addi %broadcast_in_dim3A_1845, %add3A_1847 : vector<16xi32>
      tpu.vector_store_idx %arg18[%add3A_1848, %add3A_1842, %broadcast_in_dim3A_1843], %sub3A_1836 : memref<3x64x128xf32, #tpu.memory_space<vmem>>[vector<16xi32>, vector<16xi32>, vector<16xi32>], vector<16xf32>,
      %add3A_1849 = arith.constant 2 : i32
      %add3A_1850 = vector.broadcast %add3A_1849 : i32 to vector<16xi32>
      %add3A_1851 = arith.addi %broadcast_in_dim3A_1845, %add3A_1850 : vector<16xi32>
      tpu.vector_store_idx %arg18[%add3A_1851, %add3A_1842, %broadcast_in_dim3A_1843], %sub3A_1839 : memref<3x64x128xf32, #tpu.memory_space<vmem>>[vector<16xi32>, vector<16xi32>, vector<16xi32>], vector<16xf32>,
      %slice3A_1852 = vector.extract_strided_slice %scan3A_60 {offsets = [13], sizes = [1], strides = [1]} : vector<16xi32> to vector<1xi32>
      %squeeze3A_1853 = vector.extract %slice3A_1852[0] : i32 from vector<1xi32>
      %min3A_1854 = arith.constant 64 : i32
      %min3A_1855 = arith.minsi %squeeze3A_1853, %min3A_1854 : i32
      %get3A_1856 = arith.constant 1664 : index
      %get3A_1857 = tpu.vector_load %arg16[%get3A_1856] {strides = array<i32>} : memref<2048xi32, #tpu.memory_space<vmem>>, vector<16xi32>,
      %slice3A_1858 = vector.extract_strided_slice %get3A_1857 {offsets = [0], sizes = [1], strides = [1]} : vector<16xi32> to vector<1xi32>
      %squeeze3A_1859 = vector.extract %slice3A_1858[0] : i32 from vector<1xi32>
      %slice3A_1860 = vector.extract_strided_slice %get3A_46 {offsets = [13], sizes = [1], strides = [1]} : vector<16xf32> to vector<1xf32>
      %squeeze3A_1861 = vector.extract %slice3A_1860[0] : f32 from vector<1xf32>
      %slice3A_1862 = vector.extract_strided_slice %get3A_50 {offsets = [13], sizes = [1], strides = [1]} : vector<16xf32> to vector<1xf32>
      %squeeze3A_1863 = vector.extract %slice3A_1862[0] : f32 from vector<1xf32>
      %slice3A_1864 = vector.extract_strided_slice %get3A_54 {offsets = [13], sizes = [1], strides = [1]} : vector<16xf32> to vector<1xf32>
      %squeeze3A_1865 = vector.extract %slice3A_1864[0] : f32 from vector<1xf32>
      %mul3A_1866 = arith.constant 16 : i32
      %mul3A_1867 = arith.muli %scan3A_42, %mul3A_1866 : i32
      %add3A_1868 = arith.constant 13 : i32
      %add3A_1869 = arith.addi %mul3A_1867, %add3A_1868 : i32
      %get3A_1870 = arith.constant 1664 : index
      %get3A_1871 = tpu.vector_load %arg16[%get3A_1870] {strides = array<i32>} : memref<2048xi32, #tpu.memory_space<vmem>>, vector<16xi32>,
      %add3A_1872 = arith.constant 0 : i32
      %add3A_1873 = vector.broadcast %add3A_1872 : i32 to vector<16xi32>
      %add3A_1874 = arith.addi %iota3A, %add3A_1873 : vector<16xi32>
      %lt3A_1875 = vector.broadcast %min3A_1855 : i32 to vector<16xi32>
      %lt3A_1876 = arith.cmpi slt, %add3A_1874, %lt3A_1875 : vector<16xi32>
      %broadcast_in_dim3A_1877 = vector.broadcast %squeeze3A_1859 : i32 to vector<16xi32>
      %select_n3A_1878 = arith.select %lt3A_1876, %get3A_1871, %broadcast_in_dim3A_1877 : vector<16xi1>, vector<16xi32>
      %gather3A_1879 = tpu.vector_load_idx %arg10[%select_n3A_1878] : memref<4096xf32, #tpu.memory_space<vmem>>[vector<16xi32>], vector<16xf32>,
      %sub3A_1880 = vector.broadcast %squeeze3A_1861 : f32 to vector<16xf32>
      %sub3A_1881 = arith.subf %gather3A_1879, %sub3A_1880 : vector<16xf32>
      %gather3A_1882 = tpu.vector_load_idx %arg11[%select_n3A_1878] : memref<4096xf32, #tpu.memory_space<vmem>>[vector<16xi32>], vector<16xf32>,
      %sub3A_1883 = vector.broadcast %squeeze3A_1863 : f32 to vector<16xf32>
      %sub3A_1884 = arith.subf %gather3A_1882, %sub3A_1883 : vector<16xf32>
      %gather3A_1885 = tpu.vector_load_idx %arg12[%select_n3A_1878] : memref<4096xf32, #tpu.memory_space<vmem>>[vector<16xi32>], vector<16xf32>,
      %sub3A_1886 = vector.broadcast %squeeze3A_1865 : f32 to vector<16xf32>
      %sub3A_1887 = arith.subf %gather3A_1885, %sub3A_1886 : vector<16xf32>
      %add3A_1888 = arith.constant 0 : i32
      %add3A_1889 = vector.broadcast %add3A_1888 : i32 to vector<16xi32>
      %add3A_1890 = arith.addi %iota3A, %add3A_1889 : vector<16xi32>
      %broadcast_in_dim3A_1891 = vector.broadcast %add3A_1869 : i32 to vector<16xi32>
      tpu.vector_store_idx %arg17[%add3A_1890, %broadcast_in_dim3A_1891], %select_n3A_1878 : memref<64x128xi32, #tpu.memory_space<vmem>>[vector<16xi32>, vector<16xi32>], vector<16xi32>,
      %broadcast_in_dim3A_1892 = arith.constant 0 : i32
      %broadcast_in_dim3A_1893 = vector.broadcast %broadcast_in_dim3A_1892 : i32 to vector<16xi32>
      tpu.vector_store_idx %arg18[%broadcast_in_dim3A_1893, %add3A_1890, %broadcast_in_dim3A_1891], %sub3A_1881 : memref<3x64x128xf32, #tpu.memory_space<vmem>>[vector<16xi32>, vector<16xi32>, vector<16xi32>], vector<16xf32>,
      %add3A_1894 = arith.constant 1 : i32
      %add3A_1895 = vector.broadcast %add3A_1894 : i32 to vector<16xi32>
      %add3A_1896 = arith.addi %broadcast_in_dim3A_1893, %add3A_1895 : vector<16xi32>
      tpu.vector_store_idx %arg18[%add3A_1896, %add3A_1890, %broadcast_in_dim3A_1891], %sub3A_1884 : memref<3x64x128xf32, #tpu.memory_space<vmem>>[vector<16xi32>, vector<16xi32>, vector<16xi32>], vector<16xf32>,
      %add3A_1897 = arith.constant 2 : i32
      %add3A_1898 = vector.broadcast %add3A_1897 : i32 to vector<16xi32>
      %add3A_1899 = arith.addi %broadcast_in_dim3A_1893, %add3A_1898 : vector<16xi32>
      tpu.vector_store_idx %arg18[%add3A_1899, %add3A_1890, %broadcast_in_dim3A_1891], %sub3A_1887 : memref<3x64x128xf32, #tpu.memory_space<vmem>>[vector<16xi32>, vector<16xi32>, vector<16xi32>], vector<16xf32>,
      %get3A_1900 = arith.constant 1680 : index
      %get3A_1901 = tpu.vector_load %arg16[%get3A_1900] {strides = array<i32>} : memref<2048xi32, #tpu.memory_space<vmem>>, vector<16xi32>,
      %add3A_1902 = arith.constant 16 : i32
      %add3A_1903 = vector.broadcast %add3A_1902 : i32 to vector<16xi32>
      %add3A_1904 = arith.addi %iota3A, %add3A_1903 : vector<16xi32>
      %lt3A_1905 = vector.broadcast %min3A_1855 : i32 to vector<16xi32>
      %lt3A_1906 = arith.cmpi slt, %add3A_1904, %lt3A_1905 : vector<16xi32>
      %broadcast_in_dim3A_1907 = vector.broadcast %squeeze3A_1859 : i32 to vector<16xi32>
      %select_n3A_1908 = arith.select %lt3A_1906, %get3A_1901, %broadcast_in_dim3A_1907 : vector<16xi1>, vector<16xi32>
      %gather3A_1909 = tpu.vector_load_idx %arg10[%select_n3A_1908] : memref<4096xf32, #tpu.memory_space<vmem>>[vector<16xi32>], vector<16xf32>,
      %sub3A_1910 = vector.broadcast %squeeze3A_1861 : f32 to vector<16xf32>
      %sub3A_1911 = arith.subf %gather3A_1909, %sub3A_1910 : vector<16xf32>
      %gather3A_1912 = tpu.vector_load_idx %arg11[%select_n3A_1908] : memref<4096xf32, #tpu.memory_space<vmem>>[vector<16xi32>], vector<16xf32>,
      %sub3A_1913 = vector.broadcast %squeeze3A_1863 : f32 to vector<16xf32>
      %sub3A_1914 = arith.subf %gather3A_1912, %sub3A_1913 : vector<16xf32>
      %gather3A_1915 = tpu.vector_load_idx %arg12[%select_n3A_1908] : memref<4096xf32, #tpu.memory_space<vmem>>[vector<16xi32>], vector<16xf32>,
      %sub3A_1916 = vector.broadcast %squeeze3A_1865 : f32 to vector<16xf32>
      %sub3A_1917 = arith.subf %gather3A_1915, %sub3A_1916 : vector<16xf32>
      %add3A_1918 = arith.constant 16 : i32
      %add3A_1919 = vector.broadcast %add3A_1918 : i32 to vector<16xi32>
      %add3A_1920 = arith.addi %iota3A, %add3A_1919 : vector<16xi32>
      %broadcast_in_dim3A_1921 = vector.broadcast %add3A_1869 : i32 to vector<16xi32>
      tpu.vector_store_idx %arg17[%add3A_1920, %broadcast_in_dim3A_1921], %select_n3A_1908 : memref<64x128xi32, #tpu.memory_space<vmem>>[vector<16xi32>, vector<16xi32>], vector<16xi32>,
      %broadcast_in_dim3A_1922 = arith.constant 0 : i32
      %broadcast_in_dim3A_1923 = vector.broadcast %broadcast_in_dim3A_1922 : i32 to vector<16xi32>
      tpu.vector_store_idx %arg18[%broadcast_in_dim3A_1923, %add3A_1920, %broadcast_in_dim3A_1921], %sub3A_1911 : memref<3x64x128xf32, #tpu.memory_space<vmem>>[vector<16xi32>, vector<16xi32>, vector<16xi32>], vector<16xf32>,
      %add3A_1924 = arith.constant 1 : i32
      %add3A_1925 = vector.broadcast %add3A_1924 : i32 to vector<16xi32>
      %add3A_1926 = arith.addi %broadcast_in_dim3A_1923, %add3A_1925 : vector<16xi32>
      tpu.vector_store_idx %arg18[%add3A_1926, %add3A_1920, %broadcast_in_dim3A_1921], %sub3A_1914 : memref<3x64x128xf32, #tpu.memory_space<vmem>>[vector<16xi32>, vector<16xi32>, vector<16xi32>], vector<16xf32>,
      %add3A_1927 = arith.constant 2 : i32
      %add3A_1928 = vector.broadcast %add3A_1927 : i32 to vector<16xi32>
      %add3A_1929 = arith.addi %broadcast_in_dim3A_1923, %add3A_1928 : vector<16xi32>
      tpu.vector_store_idx %arg18[%add3A_1929, %add3A_1920, %broadcast_in_dim3A_1921], %sub3A_1917 : memref<3x64x128xf32, #tpu.memory_space<vmem>>[vector<16xi32>, vector<16xi32>, vector<16xi32>], vector<16xf32>,
      %get3A_1930 = arith.constant 1696 : index
      %get3A_1931 = tpu.vector_load %arg16[%get3A_1930] {strides = array<i32>} : memref<2048xi32, #tpu.memory_space<vmem>>, vector<16xi32>,
      %add3A_1932 = arith.constant 32 : i32
      %add3A_1933 = vector.broadcast %add3A_1932 : i32 to vector<16xi32>
      %add3A_1934 = arith.addi %iota3A, %add3A_1933 : vector<16xi32>
      %lt3A_1935 = vector.broadcast %min3A_1855 : i32 to vector<16xi32>
      %lt3A_1936 = arith.cmpi slt, %add3A_1934, %lt3A_1935 : vector<16xi32>
      %broadcast_in_dim3A_1937 = vector.broadcast %squeeze3A_1859 : i32 to vector<16xi32>
      %select_n3A_1938 = arith.select %lt3A_1936, %get3A_1931, %broadcast_in_dim3A_1937 : vector<16xi1>, vector<16xi32>
      %gather3A_1939 = tpu.vector_load_idx %arg10[%select_n3A_1938] : memref<4096xf32, #tpu.memory_space<vmem>>[vector<16xi32>], vector<16xf32>,
      %sub3A_1940 = vector.broadcast %squeeze3A_1861 : f32 to vector<16xf32>
      %sub3A_1941 = arith.subf %gather3A_1939, %sub3A_1940 : vector<16xf32>
      %gather3A_1942 = tpu.vector_load_idx %arg11[%select_n3A_1938] : memref<4096xf32, #tpu.memory_space<vmem>>[vector<16xi32>], vector<16xf32>,
      %sub3A_1943 = vector.broadcast %squeeze3A_1863 : f32 to vector<16xf32>
      %sub3A_1944 = arith.subf %gather3A_1942, %sub3A_1943 : vector<16xf32>
      %gather3A_1945 = tpu.vector_load_idx %arg12[%select_n3A_1938] : memref<4096xf32, #tpu.memory_space<vmem>>[vector<16xi32>], vector<16xf32>,
      %sub3A_1946 = vector.broadcast %squeeze3A_1865 : f32 to vector<16xf32>
      %sub3A_1947 = arith.subf %gather3A_1945, %sub3A_1946 : vector<16xf32>
      %add3A_1948 = arith.constant 32 : i32
      %add3A_1949 = vector.broadcast %add3A_1948 : i32 to vector<16xi32>
      %add3A_1950 = arith.addi %iota3A, %add3A_1949 : vector<16xi32>
      %broadcast_in_dim3A_1951 = vector.broadcast %add3A_1869 : i32 to vector<16xi32>
      tpu.vector_store_idx %arg17[%add3A_1950, %broadcast_in_dim3A_1951], %select_n3A_1938 : memref<64x128xi32, #tpu.memory_space<vmem>>[vector<16xi32>, vector<16xi32>], vector<16xi32>,
      %broadcast_in_dim3A_1952 = arith.constant 0 : i32
      %broadcast_in_dim3A_1953 = vector.broadcast %broadcast_in_dim3A_1952 : i32 to vector<16xi32>
      tpu.vector_store_idx %arg18[%broadcast_in_dim3A_1953, %add3A_1950, %broadcast_in_dim3A_1951], %sub3A_1941 : memref<3x64x128xf32, #tpu.memory_space<vmem>>[vector<16xi32>, vector<16xi32>, vector<16xi32>], vector<16xf32>,
      %add3A_1954 = arith.constant 1 : i32
      %add3A_1955 = vector.broadcast %add3A_1954 : i32 to vector<16xi32>
      %add3A_1956 = arith.addi %broadcast_in_dim3A_1953, %add3A_1955 : vector<16xi32>
      tpu.vector_store_idx %arg18[%add3A_1956, %add3A_1950, %broadcast_in_dim3A_1951], %sub3A_1944 : memref<3x64x128xf32, #tpu.memory_space<vmem>>[vector<16xi32>, vector<16xi32>, vector<16xi32>], vector<16xf32>,
      %add3A_1957 = arith.constant 2 : i32
      %add3A_1958 = vector.broadcast %add3A_1957 : i32 to vector<16xi32>
      %add3A_1959 = arith.addi %broadcast_in_dim3A_1953, %add3A_1958 : vector<16xi32>
      tpu.vector_store_idx %arg18[%add3A_1959, %add3A_1950, %broadcast_in_dim3A_1951], %sub3A_1947 : memref<3x64x128xf32, #tpu.memory_space<vmem>>[vector<16xi32>, vector<16xi32>, vector<16xi32>], vector<16xf32>,
      %get3A_1960 = arith.constant 1712 : index
      %get3A_1961 = tpu.vector_load %arg16[%get3A_1960] {strides = array<i32>} : memref<2048xi32, #tpu.memory_space<vmem>>, vector<16xi32>,
      %add3A_1962 = arith.constant 48 : i32
      %add3A_1963 = vector.broadcast %add3A_1962 : i32 to vector<16xi32>
      %add3A_1964 = arith.addi %iota3A, %add3A_1963 : vector<16xi32>
      %lt3A_1965 = vector.broadcast %min3A_1855 : i32 to vector<16xi32>
      %lt3A_1966 = arith.cmpi slt, %add3A_1964, %lt3A_1965 : vector<16xi32>
      %broadcast_in_dim3A_1967 = vector.broadcast %squeeze3A_1859 : i32 to vector<16xi32>
      %select_n3A_1968 = arith.select %lt3A_1966, %get3A_1961, %broadcast_in_dim3A_1967 : vector<16xi1>, vector<16xi32>
      %gather3A_1969 = tpu.vector_load_idx %arg10[%select_n3A_1968] : memref<4096xf32, #tpu.memory_space<vmem>>[vector<16xi32>], vector<16xf32>,
      %sub3A_1970 = vector.broadcast %squeeze3A_1861 : f32 to vector<16xf32>
      %sub3A_1971 = arith.subf %gather3A_1969, %sub3A_1970 : vector<16xf32>
      %gather3A_1972 = tpu.vector_load_idx %arg11[%select_n3A_1968] : memref<4096xf32, #tpu.memory_space<vmem>>[vector<16xi32>], vector<16xf32>,
      %sub3A_1973 = vector.broadcast %squeeze3A_1863 : f32 to vector<16xf32>
      %sub3A_1974 = arith.subf %gather3A_1972, %sub3A_1973 : vector<16xf32>
      %gather3A_1975 = tpu.vector_load_idx %arg12[%select_n3A_1968] : memref<4096xf32, #tpu.memory_space<vmem>>[vector<16xi32>], vector<16xf32>,
      %sub3A_1976 = vector.broadcast %squeeze3A_1865 : f32 to vector<16xf32>
      %sub3A_1977 = arith.subf %gather3A_1975, %sub3A_1976 : vector<16xf32>
      %add3A_1978 = arith.constant 48 : i32
      %add3A_1979 = vector.broadcast %add3A_1978 : i32 to vector<16xi32>
      %add3A_1980 = arith.addi %iota3A, %add3A_1979 : vector<16xi32>
      %broadcast_in_dim3A_1981 = vector.broadcast %add3A_1869 : i32 to vector<16xi32>
      tpu.vector_store_idx %arg17[%add3A_1980, %broadcast_in_dim3A_1981], %select_n3A_1968 : memref<64x128xi32, #tpu.memory_space<vmem>>[vector<16xi32>, vector<16xi32>], vector<16xi32>,
      %broadcast_in_dim3A_1982 = arith.constant 0 : i32
      %broadcast_in_dim3A_1983 = vector.broadcast %broadcast_in_dim3A_1982 : i32 to vector<16xi32>
      tpu.vector_store_idx %arg18[%broadcast_in_dim3A_1983, %add3A_1980, %broadcast_in_dim3A_1981], %sub3A_1971 : memref<3x64x128xf32, #tpu.memory_space<vmem>>[vector<16xi32>, vector<16xi32>, vector<16xi32>], vector<16xf32>,
      %add3A_1984 = arith.constant 1 : i32
      %add3A_1985 = vector.broadcast %add3A_1984 : i32 to vector<16xi32>
      %add3A_1986 = arith.addi %broadcast_in_dim3A_1983, %add3A_1985 : vector<16xi32>
      tpu.vector_store_idx %arg18[%add3A_1986, %add3A_1980, %broadcast_in_dim3A_1981], %sub3A_1974 : memref<3x64x128xf32, #tpu.memory_space<vmem>>[vector<16xi32>, vector<16xi32>, vector<16xi32>], vector<16xf32>,
      %add3A_1987 = arith.constant 2 : i32
      %add3A_1988 = vector.broadcast %add3A_1987 : i32 to vector<16xi32>
      %add3A_1989 = arith.addi %broadcast_in_dim3A_1983, %add3A_1988 : vector<16xi32>
      tpu.vector_store_idx %arg18[%add3A_1989, %add3A_1980, %broadcast_in_dim3A_1981], %sub3A_1977 : memref<3x64x128xf32, #tpu.memory_space<vmem>>[vector<16xi32>, vector<16xi32>, vector<16xi32>], vector<16xf32>,
      %slice3A_1990 = vector.extract_strided_slice %scan3A_60 {offsets = [14], sizes = [1], strides = [1]} : vector<16xi32> to vector<1xi32>
      %squeeze3A_1991 = vector.extract %slice3A_1990[0] : i32 from vector<1xi32>
      %min3A_1992 = arith.constant 64 : i32
      %min3A_1993 = arith.minsi %squeeze3A_1991, %min3A_1992 : i32
      %get3A_1994 = arith.constant 1792 : index
      %get3A_1995 = tpu.vector_load %arg16[%get3A_1994] {strides = array<i32>} : memref<2048xi32, #tpu.memory_space<vmem>>, vector<16xi32>,
      %slice3A_1996 = vector.extract_strided_slice %get3A_1995 {offsets = [0], sizes = [1], strides = [1]} : vector<16xi32> to vector<1xi32>
      %squeeze3A_1997 = vector.extract %slice3A_1996[0] : i32 from vector<1xi32>
      %slice3A_1998 = vector.extract_strided_slice %get3A_46 {offsets = [14], sizes = [1], strides = [1]} : vector<16xf32> to vector<1xf32>
      %squeeze3A_1999 = vector.extract %slice3A_1998[0] : f32 from vector<1xf32>
      %slice3A_2000 = vector.extract_strided_slice %get3A_50 {offsets = [14], sizes = [1], strides = [1]} : vector<16xf32> to vector<1xf32>
      %squeeze3A_2001 = vector.extract %slice3A_2000[0] : f32 from vector<1xf32>
      %slice3A_2002 = vector.extract_strided_slice %get3A_54 {offsets = [14], sizes = [1], strides = [1]} : vector<16xf32> to vector<1xf32>
      %squeeze3A_2003 = vector.extract %slice3A_2002[0] : f32 from vector<1xf32>
      %mul3A_2004 = arith.constant 16 : i32
      %mul3A_2005 = arith.muli %scan3A_42, %mul3A_2004 : i32
      %add3A_2006 = arith.constant 14 : i32
      %add3A_2007 = arith.addi %mul3A_2005, %add3A_2006 : i32
      %get3A_2008 = arith.constant 1792 : index
      %get3A_2009 = tpu.vector_load %arg16[%get3A_2008] {strides = array<i32>} : memref<2048xi32, #tpu.memory_space<vmem>>, vector<16xi32>,
      %add3A_2010 = arith.constant 0 : i32
      %add3A_2011 = vector.broadcast %add3A_2010 : i32 to vector<16xi32>
      %add3A_2012 = arith.addi %iota3A, %add3A_2011 : vector<16xi32>
      %lt3A_2013 = vector.broadcast %min3A_1993 : i32 to vector<16xi32>
      %lt3A_2014 = arith.cmpi slt, %add3A_2012, %lt3A_2013 : vector<16xi32>
      %broadcast_in_dim3A_2015 = vector.broadcast %squeeze3A_1997 : i32 to vector<16xi32>
      %select_n3A_2016 = arith.select %lt3A_2014, %get3A_2009, %broadcast_in_dim3A_2015 : vector<16xi1>, vector<16xi32>
      %gather3A_2017 = tpu.vector_load_idx %arg10[%select_n3A_2016] : memref<4096xf32, #tpu.memory_space<vmem>>[vector<16xi32>], vector<16xf32>,
      %sub3A_2018 = vector.broadcast %squeeze3A_1999 : f32 to vector<16xf32>
      %sub3A_2019 = arith.subf %gather3A_2017, %sub3A_2018 : vector<16xf32>
      %gather3A_2020 = tpu.vector_load_idx %arg11[%select_n3A_2016] : memref<4096xf32, #tpu.memory_space<vmem>>[vector<16xi32>], vector<16xf32>,
      %sub3A_2021 = vector.broadcast %squeeze3A_2001 : f32 to vector<16xf32>
      %sub3A_2022 = arith.subf %gather3A_2020, %sub3A_2021 : vector<16xf32>
      %gather3A_2023 = tpu.vector_load_idx %arg12[%select_n3A_2016] : memref<4096xf32, #tpu.memory_space<vmem>>[vector<16xi32>], vector<16xf32>,
      %sub3A_2024 = vector.broadcast %squeeze3A_2003 : f32 to vector<16xf32>
      %sub3A_2025 = arith.subf %gather3A_2023, %sub3A_2024 : vector<16xf32>
      %add3A_2026 = arith.constant 0 : i32
      %add3A_2027 = vector.broadcast %add3A_2026 : i32 to vector<16xi32>
      %add3A_2028 = arith.addi %iota3A, %add3A_2027 : vector<16xi32>
      %broadcast_in_dim3A_2029 = vector.broadcast %add3A_2007 : i32 to vector<16xi32>
      tpu.vector_store_idx %arg17[%add3A_2028, %broadcast_in_dim3A_2029], %select_n3A_2016 : memref<64x128xi32, #tpu.memory_space<vmem>>[vector<16xi32>, vector<16xi32>], vector<16xi32>,
      %broadcast_in_dim3A_2030 = arith.constant 0 : i32
      %broadcast_in_dim3A_2031 = vector.broadcast %broadcast_in_dim3A_2030 : i32 to vector<16xi32>
      tpu.vector_store_idx %arg18[%broadcast_in_dim3A_2031, %add3A_2028, %broadcast_in_dim3A_2029], %sub3A_2019 : memref<3x64x128xf32, #tpu.memory_space<vmem>>[vector<16xi32>, vector<16xi32>, vector<16xi32>], vector<16xf32>,
      %add3A_2032 = arith.constant 1 : i32
      %add3A_2033 = vector.broadcast %add3A_2032 : i32 to vector<16xi32>
      %add3A_2034 = arith.addi %broadcast_in_dim3A_2031, %add3A_2033 : vector<16xi32>
      tpu.vector_store_idx %arg18[%add3A_2034, %add3A_2028, %broadcast_in_dim3A_2029], %sub3A_2022 : memref<3x64x128xf32, #tpu.memory_space<vmem>>[vector<16xi32>, vector<16xi32>, vector<16xi32>], vector<16xf32>,
      %add3A_2035 = arith.constant 2 : i32
      %add3A_2036 = vector.broadcast %add3A_2035 : i32 to vector<16xi32>
      %add3A_2037 = arith.addi %broadcast_in_dim3A_2031, %add3A_2036 : vector<16xi32>
      tpu.vector_store_idx %arg18[%add3A_2037, %add3A_2028, %broadcast_in_dim3A_2029], %sub3A_2025 : memref<3x64x128xf32, #tpu.memory_space<vmem>>[vector<16xi32>, vector<16xi32>, vector<16xi32>], vector<16xf32>,
      %get3A_2038 = arith.constant 1808 : index
      %get3A_2039 = tpu.vector_load %arg16[%get3A_2038] {strides = array<i32>} : memref<2048xi32, #tpu.memory_space<vmem>>, vector<16xi32>,
      %add3A_2040 = arith.constant 16 : i32
      %add3A_2041 = vector.broadcast %add3A_2040 : i32 to vector<16xi32>
      %add3A_2042 = arith.addi %iota3A, %add3A_2041 : vector<16xi32>
      %lt3A_2043 = vector.broadcast %min3A_1993 : i32 to vector<16xi32>
      %lt3A_2044 = arith.cmpi slt, %add3A_2042, %lt3A_2043 : vector<16xi32>
      %broadcast_in_dim3A_2045 = vector.broadcast %squeeze3A_1997 : i32 to vector<16xi32>
      %select_n3A_2046 = arith.select %lt3A_2044, %get3A_2039, %broadcast_in_dim3A_2045 : vector<16xi1>, vector<16xi32>
      %gather3A_2047 = tpu.vector_load_idx %arg10[%select_n3A_2046] : memref<4096xf32, #tpu.memory_space<vmem>>[vector<16xi32>], vector<16xf32>,
      %sub3A_2048 = vector.broadcast %squeeze3A_1999 : f32 to vector<16xf32>
      %sub3A_2049 = arith.subf %gather3A_2047, %sub3A_2048 : vector<16xf32>
      %gather3A_2050 = tpu.vector_load_idx %arg11[%select_n3A_2046] : memref<4096xf32, #tpu.memory_space<vmem>>[vector<16xi32>], vector<16xf32>,
      %sub3A_2051 = vector.broadcast %squeeze3A_2001 : f32 to vector<16xf32>
      %sub3A_2052 = arith.subf %gather3A_2050, %sub3A_2051 : vector<16xf32>
      %gather3A_2053 = tpu.vector_load_idx %arg12[%select_n3A_2046] : memref<4096xf32, #tpu.memory_space<vmem>>[vector<16xi32>], vector<16xf32>,
      %sub3A_2054 = vector.broadcast %squeeze3A_2003 : f32 to vector<16xf32>
      %sub3A_2055 = arith.subf %gather3A_2053, %sub3A_2054 : vector<16xf32>
      %add3A_2056 = arith.constant 16 : i32
      %add3A_2057 = vector.broadcast %add3A_2056 : i32 to vector<16xi32>
      %add3A_2058 = arith.addi %iota3A, %add3A_2057 : vector<16xi32>
      %broadcast_in_dim3A_2059 = vector.broadcast %add3A_2007 : i32 to vector<16xi32>
      tpu.vector_store_idx %arg17[%add3A_2058, %broadcast_in_dim3A_2059], %select_n3A_2046 : memref<64x128xi32, #tpu.memory_space<vmem>>[vector<16xi32>, vector<16xi32>], vector<16xi32>,
      %broadcast_in_dim3A_2060 = arith.constant 0 : i32
      %broadcast_in_dim3A_2061 = vector.broadcast %broadcast_in_dim3A_2060 : i32 to vector<16xi32>
      tpu.vector_store_idx %arg18[%broadcast_in_dim3A_2061, %add3A_2058, %broadcast_in_dim3A_2059], %sub3A_2049 : memref<3x64x128xf32, #tpu.memory_space<vmem>>[vector<16xi32>, vector<16xi32>, vector<16xi32>], vector<16xf32>,
      %add3A_2062 = arith.constant 1 : i32
      %add3A_2063 = vector.broadcast %add3A_2062 : i32 to vector<16xi32>
      %add3A_2064 = arith.addi %broadcast_in_dim3A_2061, %add3A_2063 : vector<16xi32>
      tpu.vector_store_idx %arg18[%add3A_2064, %add3A_2058, %broadcast_in_dim3A_2059], %sub3A_2052 : memref<3x64x128xf32, #tpu.memory_space<vmem>>[vector<16xi32>, vector<16xi32>, vector<16xi32>], vector<16xf32>,
      %add3A_2065 = arith.constant 2 : i32
      %add3A_2066 = vector.broadcast %add3A_2065 : i32 to vector<16xi32>
      %add3A_2067 = arith.addi %broadcast_in_dim3A_2061, %add3A_2066 : vector<16xi32>
      tpu.vector_store_idx %arg18[%add3A_2067, %add3A_2058, %broadcast_in_dim3A_2059], %sub3A_2055 : memref<3x64x128xf32, #tpu.memory_space<vmem>>[vector<16xi32>, vector<16xi32>, vector<16xi32>], vector<16xf32>,
      %get3A_2068 = arith.constant 1824 : index
      %get3A_2069 = tpu.vector_load %arg16[%get3A_2068] {strides = array<i32>} : memref<2048xi32, #tpu.memory_space<vmem>>, vector<16xi32>,
      %add3A_2070 = arith.constant 32 : i32
      %add3A_2071 = vector.broadcast %add3A_2070 : i32 to vector<16xi32>
      %add3A_2072 = arith.addi %iota3A, %add3A_2071 : vector<16xi32>
      %lt3A_2073 = vector.broadcast %min3A_1993 : i32 to vector<16xi32>
      %lt3A_2074 = arith.cmpi slt, %add3A_2072, %lt3A_2073 : vector<16xi32>
      %broadcast_in_dim3A_2075 = vector.broadcast %squeeze3A_1997 : i32 to vector<16xi32>
      %select_n3A_2076 = arith.select %lt3A_2074, %get3A_2069, %broadcast_in_dim3A_2075 : vector<16xi1>, vector<16xi32>
      %gather3A_2077 = tpu.vector_load_idx %arg10[%select_n3A_2076] : memref<4096xf32, #tpu.memory_space<vmem>>[vector<16xi32>], vector<16xf32>,
      %sub3A_2078 = vector.broadcast %squeeze3A_1999 : f32 to vector<16xf32>
      %sub3A_2079 = arith.subf %gather3A_2077, %sub3A_2078 : vector<16xf32>
      %gather3A_2080 = tpu.vector_load_idx %arg11[%select_n3A_2076] : memref<4096xf32, #tpu.memory_space<vmem>>[vector<16xi32>], vector<16xf32>,
      %sub3A_2081 = vector.broadcast %squeeze3A_2001 : f32 to vector<16xf32>
      %sub3A_2082 = arith.subf %gather3A_2080, %sub3A_2081 : vector<16xf32>
      %gather3A_2083 = tpu.vector_load_idx %arg12[%select_n3A_2076] : memref<4096xf32, #tpu.memory_space<vmem>>[vector<16xi32>], vector<16xf32>,
      %sub3A_2084 = vector.broadcast %squeeze3A_2003 : f32 to vector<16xf32>
      %sub3A_2085 = arith.subf %gather3A_2083, %sub3A_2084 : vector<16xf32>
      %add3A_2086 = arith.constant 32 : i32
      %add3A_2087 = vector.broadcast %add3A_2086 : i32 to vector<16xi32>
      %add3A_2088 = arith.addi %iota3A, %add3A_2087 : vector<16xi32>
      %broadcast_in_dim3A_2089 = vector.broadcast %add3A_2007 : i32 to vector<16xi32>
      tpu.vector_store_idx %arg17[%add3A_2088, %broadcast_in_dim3A_2089], %select_n3A_2076 : memref<64x128xi32, #tpu.memory_space<vmem>>[vector<16xi32>, vector<16xi32>], vector<16xi32>,
      %broadcast_in_dim3A_2090 = arith.constant 0 : i32
      %broadcast_in_dim3A_2091 = vector.broadcast %broadcast_in_dim3A_2090 : i32 to vector<16xi32>
      tpu.vector_store_idx %arg18[%broadcast_in_dim3A_2091, %add3A_2088, %broadcast_in_dim3A_2089], %sub3A_2079 : memref<3x64x128xf32, #tpu.memory_space<vmem>>[vector<16xi32>, vector<16xi32>, vector<16xi32>], vector<16xf32>,
      %add3A_2092 = arith.constant 1 : i32
      %add3A_2093 = vector.broadcast %add3A_2092 : i32 to vector<16xi32>
      %add3A_2094 = arith.addi %broadcast_in_dim3A_2091, %add3A_2093 : vector<16xi32>
      tpu.vector_store_idx %arg18[%add3A_2094, %add3A_2088, %broadcast_in_dim3A_2089], %sub3A_2082 : memref<3x64x128xf32, #tpu.memory_space<vmem>>[vector<16xi32>, vector<16xi32>, vector<16xi32>], vector<16xf32>,
      %add3A_2095 = arith.constant 2 : i32
      %add3A_2096 = vector.broadcast %add3A_2095 : i32 to vector<16xi32>
      %add3A_2097 = arith.addi %broadcast_in_dim3A_2091, %add3A_2096 : vector<16xi32>
      tpu.vector_store_idx %arg18[%add3A_2097, %add3A_2088, %broadcast_in_dim3A_2089], %sub3A_2085 : memref<3x64x128xf32, #tpu.memory_space<vmem>>[vector<16xi32>, vector<16xi32>, vector<16xi32>], vector<16xf32>,
      %get3A_2098 = arith.constant 1840 : index
      %get3A_2099 = tpu.vector_load %arg16[%get3A_2098] {strides = array<i32>} : memref<2048xi32, #tpu.memory_space<vmem>>, vector<16xi32>,
      %add3A_2100 = arith.constant 48 : i32
      %add3A_2101 = vector.broadcast %add3A_2100 : i32 to vector<16xi32>
      %add3A_2102 = arith.addi %iota3A, %add3A_2101 : vector<16xi32>
      %lt3A_2103 = vector.broadcast %min3A_1993 : i32 to vector<16xi32>
      %lt3A_2104 = arith.cmpi slt, %add3A_2102, %lt3A_2103 : vector<16xi32>
      %broadcast_in_dim3A_2105 = vector.broadcast %squeeze3A_1997 : i32 to vector<16xi32>
      %select_n3A_2106 = arith.select %lt3A_2104, %get3A_2099, %broadcast_in_dim3A_2105 : vector<16xi1>, vector<16xi32>
      %gather3A_2107 = tpu.vector_load_idx %arg10[%select_n3A_2106] : memref<4096xf32, #tpu.memory_space<vmem>>[vector<16xi32>], vector<16xf32>,
      %sub3A_2108 = vector.broadcast %squeeze3A_1999 : f32 to vector<16xf32>
      %sub3A_2109 = arith.subf %gather3A_2107, %sub3A_2108 : vector<16xf32>
      %gather3A_2110 = tpu.vector_load_idx %arg11[%select_n3A_2106] : memref<4096xf32, #tpu.memory_space<vmem>>[vector<16xi32>], vector<16xf32>,
      %sub3A_2111 = vector.broadcast %squeeze3A_2001 : f32 to vector<16xf32>
      %sub3A_2112 = arith.subf %gather3A_2110, %sub3A_2111 : vector<16xf32>
      %gather3A_2113 = tpu.vector_load_idx %arg12[%select_n3A_2106] : memref<4096xf32, #tpu.memory_space<vmem>>[vector<16xi32>], vector<16xf32>,
      %sub3A_2114 = vector.broadcast %squeeze3A_2003 : f32 to vector<16xf32>
      %sub3A_2115 = arith.subf %gather3A_2113, %sub3A_2114 : vector<16xf32>
      %add3A_2116 = arith.constant 48 : i32
      %add3A_2117 = vector.broadcast %add3A_2116 : i32 to vector<16xi32>
      %add3A_2118 = arith.addi %iota3A, %add3A_2117 : vector<16xi32>
      %broadcast_in_dim3A_2119 = vector.broadcast %add3A_2007 : i32 to vector<16xi32>
      tpu.vector_store_idx %arg17[%add3A_2118, %broadcast_in_dim3A_2119], %select_n3A_2106 : memref<64x128xi32, #tpu.memory_space<vmem>>[vector<16xi32>, vector<16xi32>], vector<16xi32>,
      %broadcast_in_dim3A_2120 = arith.constant 0 : i32
      %broadcast_in_dim3A_2121 = vector.broadcast %broadcast_in_dim3A_2120 : i32 to vector<16xi32>
      tpu.vector_store_idx %arg18[%broadcast_in_dim3A_2121, %add3A_2118, %broadcast_in_dim3A_2119], %sub3A_2109 : memref<3x64x128xf32, #tpu.memory_space<vmem>>[vector<16xi32>, vector<16xi32>, vector<16xi32>], vector<16xf32>,
      %add3A_2122 = arith.constant 1 : i32
      %add3A_2123 = vector.broadcast %add3A_2122 : i32 to vector<16xi32>
      %add3A_2124 = arith.addi %broadcast_in_dim3A_2121, %add3A_2123 : vector<16xi32>
      tpu.vector_store_idx %arg18[%add3A_2124, %add3A_2118, %broadcast_in_dim3A_2119], %sub3A_2112 : memref<3x64x128xf32, #tpu.memory_space<vmem>>[vector<16xi32>, vector<16xi32>, vector<16xi32>], vector<16xf32>,
      %add3A_2125 = arith.constant 2 : i32
      %add3A_2126 = vector.broadcast %add3A_2125 : i32 to vector<16xi32>
      %add3A_2127 = arith.addi %broadcast_in_dim3A_2121, %add3A_2126 : vector<16xi32>
      tpu.vector_store_idx %arg18[%add3A_2127, %add3A_2118, %broadcast_in_dim3A_2119], %sub3A_2115 : memref<3x64x128xf32, #tpu.memory_space<vmem>>[vector<16xi32>, vector<16xi32>, vector<16xi32>], vector<16xf32>,
      %slice3A_2128 = vector.extract_strided_slice %scan3A_60 {offsets = [15], sizes = [1], strides = [1]} : vector<16xi32> to vector<1xi32>
      %squeeze3A_2129 = vector.extract %slice3A_2128[0] : i32 from vector<1xi32>
      %min3A_2130 = arith.constant 64 : i32
      %min3A_2131 = arith.minsi %squeeze3A_2129, %min3A_2130 : i32
      %get3A_2132 = arith.constant 1920 : index
      %get3A_2133 = tpu.vector_load %arg16[%get3A_2132] {strides = array<i32>} : memref<2048xi32, #tpu.memory_space<vmem>>, vector<16xi32>,
      %slice3A_2134 = vector.extract_strided_slice %get3A_2133 {offsets = [0], sizes = [1], strides = [1]} : vector<16xi32> to vector<1xi32>
      %squeeze3A_2135 = vector.extract %slice3A_2134[0] : i32 from vector<1xi32>
      %slice3A_2136 = vector.extract_strided_slice %get3A_46 {offsets = [15], sizes = [1], strides = [1]} : vector<16xf32> to vector<1xf32>
      %squeeze3A_2137 = vector.extract %slice3A_2136[0] : f32 from vector<1xf32>
      %slice3A_2138 = vector.extract_strided_slice %get3A_50 {offsets = [15], sizes = [1], strides = [1]} : vector<16xf32> to vector<1xf32>
      %squeeze3A_2139 = vector.extract %slice3A_2138[0] : f32 from vector<1xf32>
      %slice3A_2140 = vector.extract_strided_slice %get3A_54 {offsets = [15], sizes = [1], strides = [1]} : vector<16xf32> to vector<1xf32>
      %squeeze3A_2141 = vector.extract %slice3A_2140[0] : f32 from vector<1xf32>
      %mul3A_2142 = arith.constant 16 : i32
      %mul3A_2143 = arith.muli %scan3A_42, %mul3A_2142 : i32
      %add3A_2144 = arith.constant 15 : i32
      %add3A_2145 = arith.addi %mul3A_2143, %add3A_2144 : i32
      %get3A_2146 = arith.constant 1920 : index
      %get3A_2147 = tpu.vector_load %arg16[%get3A_2146] {strides = array<i32>} : memref<2048xi32, #tpu.memory_space<vmem>>, vector<16xi32>,
      %add3A_2148 = arith.constant 0 : i32
      %add3A_2149 = vector.broadcast %add3A_2148 : i32 to vector<16xi32>
      %add3A_2150 = arith.addi %iota3A, %add3A_2149 : vector<16xi32>
      %lt3A_2151 = vector.broadcast %min3A_2131 : i32 to vector<16xi32>
      %lt3A_2152 = arith.cmpi slt, %add3A_2150, %lt3A_2151 : vector<16xi32>
      %broadcast_in_dim3A_2153 = vector.broadcast %squeeze3A_2135 : i32 to vector<16xi32>
      %select_n3A_2154 = arith.select %lt3A_2152, %get3A_2147, %broadcast_in_dim3A_2153 : vector<16xi1>, vector<16xi32>
      %gather3A_2155 = tpu.vector_load_idx %arg10[%select_n3A_2154] : memref<4096xf32, #tpu.memory_space<vmem>>[vector<16xi32>], vector<16xf32>,
      %sub3A_2156 = vector.broadcast %squeeze3A_2137 : f32 to vector<16xf32>
      %sub3A_2157 = arith.subf %gather3A_2155, %sub3A_2156 : vector<16xf32>
      %gather3A_2158 = tpu.vector_load_idx %arg11[%select_n3A_2154] : memref<4096xf32, #tpu.memory_space<vmem>>[vector<16xi32>], vector<16xf32>,
      %sub3A_2159 = vector.broadcast %squeeze3A_2139 : f32 to vector<16xf32>
      %sub3A_2160 = arith.subf %gather3A_2158, %sub3A_2159 : vector<16xf32>
      %gather3A_2161 = tpu.vector_load_idx %arg12[%select_n3A_2154] : memref<4096xf32, #tpu.memory_space<vmem>>[vector<16xi32>], vector<16xf32>,
      %sub3A_2162 = vector.broadcast %squeeze3A_2141 : f32 to vector<16xf32>
      %sub3A_2163 = arith.subf %gather3A_2161, %sub3A_2162 : vector<16xf32>
      %add3A_2164 = arith.constant 0 : i32
      %add3A_2165 = vector.broadcast %add3A_2164 : i32 to vector<16xi32>
      %add3A_2166 = arith.addi %iota3A, %add3A_2165 : vector<16xi32>
      %broadcast_in_dim3A_2167 = vector.broadcast %add3A_2145 : i32 to vector<16xi32>
      tpu.vector_store_idx %arg17[%add3A_2166, %broadcast_in_dim3A_2167], %select_n3A_2154 : memref<64x128xi32, #tpu.memory_space<vmem>>[vector<16xi32>, vector<16xi32>], vector<16xi32>,
      %broadcast_in_dim3A_2168 = arith.constant 0 : i32
      %broadcast_in_dim3A_2169 = vector.broadcast %broadcast_in_dim3A_2168 : i32 to vector<16xi32>
      tpu.vector_store_idx %arg18[%broadcast_in_dim3A_2169, %add3A_2166, %broadcast_in_dim3A_2167], %sub3A_2157 : memref<3x64x128xf32, #tpu.memory_space<vmem>>[vector<16xi32>, vector<16xi32>, vector<16xi32>], vector<16xf32>,
      %add3A_2170 = arith.constant 1 : i32
      %add3A_2171 = vector.broadcast %add3A_2170 : i32 to vector<16xi32>
      %add3A_2172 = arith.addi %broadcast_in_dim3A_2169, %add3A_2171 : vector<16xi32>
      tpu.vector_store_idx %arg18[%add3A_2172, %add3A_2166, %broadcast_in_dim3A_2167], %sub3A_2160 : memref<3x64x128xf32, #tpu.memory_space<vmem>>[vector<16xi32>, vector<16xi32>, vector<16xi32>], vector<16xf32>,
      %add3A_2173 = arith.constant 2 : i32
      %add3A_2174 = vector.broadcast %add3A_2173 : i32 to vector<16xi32>
      %add3A_2175 = arith.addi %broadcast_in_dim3A_2169, %add3A_2174 : vector<16xi32>
      tpu.vector_store_idx %arg18[%add3A_2175, %add3A_2166, %broadcast_in_dim3A_2167], %sub3A_2163 : memref<3x64x128xf32, #tpu.memory_space<vmem>>[vector<16xi32>, vector<16xi32>, vector<16xi32>], vector<16xf32>,
      %get3A_2176 = arith.constant 1936 : index
      %get3A_2177 = tpu.vector_load %arg16[%get3A_2176] {strides = array<i32>} : memref<2048xi32, #tpu.memory_space<vmem>>, vector<16xi32>,
      %add3A_2178 = arith.constant 16 : i32
      %add3A_2179 = vector.broadcast %add3A_2178 : i32 to vector<16xi32>
      %add3A_2180 = arith.addi %iota3A, %add3A_2179 : vector<16xi32>
      %lt3A_2181 = vector.broadcast %min3A_2131 : i32 to vector<16xi32>
      %lt3A_2182 = arith.cmpi slt, %add3A_2180, %lt3A_2181 : vector<16xi32>
      %broadcast_in_dim3A_2183 = vector.broadcast %squeeze3A_2135 : i32 to vector<16xi32>
      %select_n3A_2184 = arith.select %lt3A_2182, %get3A_2177, %broadcast_in_dim3A_2183 : vector<16xi1>, vector<16xi32>
      %gather3A_2185 = tpu.vector_load_idx %arg10[%select_n3A_2184] : memref<4096xf32, #tpu.memory_space<vmem>>[vector<16xi32>], vector<16xf32>,
      %sub3A_2186 = vector.broadcast %squeeze3A_2137 : f32 to vector<16xf32>
      %sub3A_2187 = arith.subf %gather3A_2185, %sub3A_2186 : vector<16xf32>
      %gather3A_2188 = tpu.vector_load_idx %arg11[%select_n3A_2184] : memref<4096xf32, #tpu.memory_space<vmem>>[vector<16xi32>], vector<16xf32>,
      %sub3A_2189 = vector.broadcast %squeeze3A_2139 : f32 to vector<16xf32>
      %sub3A_2190 = arith.subf %gather3A_2188, %sub3A_2189 : vector<16xf32>
      %gather3A_2191 = tpu.vector_load_idx %arg12[%select_n3A_2184] : memref<4096xf32, #tpu.memory_space<vmem>>[vector<16xi32>], vector<16xf32>,
      %sub3A_2192 = vector.broadcast %squeeze3A_2141 : f32 to vector<16xf32>
      %sub3A_2193 = arith.subf %gather3A_2191, %sub3A_2192 : vector<16xf32>
      %add3A_2194 = arith.constant 16 : i32
      %add3A_2195 = vector.broadcast %add3A_2194 : i32 to vector<16xi32>
      %add3A_2196 = arith.addi %iota3A, %add3A_2195 : vector<16xi32>
      %broadcast_in_dim3A_2197 = vector.broadcast %add3A_2145 : i32 to vector<16xi32>
      tpu.vector_store_idx %arg17[%add3A_2196, %broadcast_in_dim3A_2197], %select_n3A_2184 : memref<64x128xi32, #tpu.memory_space<vmem>>[vector<16xi32>, vector<16xi32>], vector<16xi32>,
      %broadcast_in_dim3A_2198 = arith.constant 0 : i32
      %broadcast_in_dim3A_2199 = vector.broadcast %broadcast_in_dim3A_2198 : i32 to vector<16xi32>
      tpu.vector_store_idx %arg18[%broadcast_in_dim3A_2199, %add3A_2196, %broadcast_in_dim3A_2197], %sub3A_2187 : memref<3x64x128xf32, #tpu.memory_space<vmem>>[vector<16xi32>, vector<16xi32>, vector<16xi32>], vector<16xf32>,
      %add3A_2200 = arith.constant 1 : i32
      %add3A_2201 = vector.broadcast %add3A_2200 : i32 to vector<16xi32>
      %add3A_2202 = arith.addi %broadcast_in_dim3A_2199, %add3A_2201 : vector<16xi32>
      tpu.vector_store_idx %arg18[%add3A_2202, %add3A_2196, %broadcast_in_dim3A_2197], %sub3A_2190 : memref<3x64x128xf32, #tpu.memory_space<vmem>>[vector<16xi32>, vector<16xi32>, vector<16xi32>], vector<16xf32>,
      %add3A_2203 = arith.constant 2 : i32
      %add3A_2204 = vector.broadcast %add3A_2203 : i32 to vector<16xi32>
      %add3A_2205 = arith.addi %broadcast_in_dim3A_2199, %add3A_2204 : vector<16xi32>
      tpu.vector_store_idx %arg18[%add3A_2205, %add3A_2196, %broadcast_in_dim3A_2197], %sub3A_2193 : memref<3x64x128xf32, #tpu.memory_space<vmem>>[vector<16xi32>, vector<16xi32>, vector<16xi32>], vector<16xf32>,
      %get3A_2206 = arith.constant 1952 : index
      %get3A_2207 = tpu.vector_load %arg16[%get3A_2206] {strides = array<i32>} : memref<2048xi32, #tpu.memory_space<vmem>>, vector<16xi32>,
      %add3A_2208 = arith.constant 32 : i32
      %add3A_2209 = vector.broadcast %add3A_2208 : i32 to vector<16xi32>
      %add3A_2210 = arith.addi %iota3A, %add3A_2209 : vector<16xi32>
      %lt3A_2211 = vector.broadcast %min3A_2131 : i32 to vector<16xi32>
      %lt3A_2212 = arith.cmpi slt, %add3A_2210, %lt3A_2211 : vector<16xi32>
      %broadcast_in_dim3A_2213 = vector.broadcast %squeeze3A_2135 : i32 to vector<16xi32>
      %select_n3A_2214 = arith.select %lt3A_2212, %get3A_2207, %broadcast_in_dim3A_2213 : vector<16xi1>, vector<16xi32>
      %gather3A_2215 = tpu.vector_load_idx %arg10[%select_n3A_2214] : memref<4096xf32, #tpu.memory_space<vmem>>[vector<16xi32>], vector<16xf32>,
      %sub3A_2216 = vector.broadcast %squeeze3A_2137 : f32 to vector<16xf32>
      %sub3A_2217 = arith.subf %gather3A_2215, %sub3A_2216 : vector<16xf32>
      %gather3A_2218 = tpu.vector_load_idx %arg11[%select_n3A_2214] : memref<4096xf32, #tpu.memory_space<vmem>>[vector<16xi32>], vector<16xf32>,
      %sub3A_2219 = vector.broadcast %squeeze3A_2139 : f32 to vector<16xf32>
      %sub3A_2220 = arith.subf %gather3A_2218, %sub3A_2219 : vector<16xf32>
      %gather3A_2221 = tpu.vector_load_idx %arg12[%select_n3A_2214] : memref<4096xf32, #tpu.memory_space<vmem>>[vector<16xi32>], vector<16xf32>,
      %sub3A_2222 = vector.broadcast %squeeze3A_2141 : f32 to vector<16xf32>
      %sub3A_2223 = arith.subf %gather3A_2221, %sub3A_2222 : vector<16xf32>
      %add3A_2224 = arith.constant 32 : i32
      %add3A_2225 = vector.broadcast %add3A_2224 : i32 to vector<16xi32>
      %add3A_2226 = arith.addi %iota3A, %add3A_2225 : vector<16xi32>
      %broadcast_in_dim3A_2227 = vector.broadcast %add3A_2145 : i32 to vector<16xi32>
      tpu.vector_store_idx %arg17[%add3A_2226, %broadcast_in_dim3A_2227], %select_n3A_2214 : memref<64x128xi32, #tpu.memory_space<vmem>>[vector<16xi32>, vector<16xi32>], vector<16xi32>,
      %broadcast_in_dim3A_2228 = arith.constant 0 : i32
      %broadcast_in_dim3A_2229 = vector.broadcast %broadcast_in_dim3A_2228 : i32 to vector<16xi32>
      tpu.vector_store_idx %arg18[%broadcast_in_dim3A_2229, %add3A_2226, %broadcast_in_dim3A_2227], %sub3A_2217 : memref<3x64x128xf32, #tpu.memory_space<vmem>>[vector<16xi32>, vector<16xi32>, vector<16xi32>], vector<16xf32>,
      %add3A_2230 = arith.constant 1 : i32
      %add3A_2231 = vector.broadcast %add3A_2230 : i32 to vector<16xi32>
      %add3A_2232 = arith.addi %broadcast_in_dim3A_2229, %add3A_2231 : vector<16xi32>
      tpu.vector_store_idx %arg18[%add3A_2232, %add3A_2226, %broadcast_in_dim3A_2227], %sub3A_2220 : memref<3x64x128xf32, #tpu.memory_space<vmem>>[vector<16xi32>, vector<16xi32>, vector<16xi32>], vector<16xf32>,
      %add3A_2233 = arith.constant 2 : i32
      %add3A_2234 = vector.broadcast %add3A_2233 : i32 to vector<16xi32>
      %add3A_2235 = arith.addi %broadcast_in_dim3A_2229, %add3A_2234 : vector<16xi32>
      tpu.vector_store_idx %arg18[%add3A_2235, %add3A_2226, %broadcast_in_dim3A_2227], %sub3A_2223 : memref<3x64x128xf32, #tpu.memory_space<vmem>>[vector<16xi32>, vector<16xi32>, vector<16xi32>], vector<16xf32>,
      %get3A_2236 = arith.constant 1968 : index
      %get3A_2237 = tpu.vector_load %arg16[%get3A_2236] {strides = array<i32>} : memref<2048xi32, #tpu.memory_space<vmem>>, vector<16xi32>,
      %add3A_2238 = arith.constant 48 : i32
      %add3A_2239 = vector.broadcast %add3A_2238 : i32 to vector<16xi32>
      %add3A_2240 = arith.addi %iota3A, %add3A_2239 : vector<16xi32>
      %lt3A_2241 = vector.broadcast %min3A_2131 : i32 to vector<16xi32>
      %lt3A_2242 = arith.cmpi slt, %add3A_2240, %lt3A_2241 : vector<16xi32>
      %broadcast_in_dim3A_2243 = vector.broadcast %squeeze3A_2135 : i32 to vector<16xi32>
      %select_n3A_2244 = arith.select %lt3A_2242, %get3A_2237, %broadcast_in_dim3A_2243 : vector<16xi1>, vector<16xi32>
      %gather3A_2245 = tpu.vector_load_idx %arg10[%select_n3A_2244] : memref<4096xf32, #tpu.memory_space<vmem>>[vector<16xi32>], vector<16xf32>,
      %sub3A_2246 = vector.broadcast %squeeze3A_2137 : f32 to vector<16xf32>
      %sub3A_2247 = arith.subf %gather3A_2245, %sub3A_2246 : vector<16xf32>
      %gather3A_2248 = tpu.vector_load_idx %arg11[%select_n3A_2244] : memref<4096xf32, #tpu.memory_space<vmem>>[vector<16xi32>], vector<16xf32>,
      %sub3A_2249 = vector.broadcast %squeeze3A_2139 : f32 to vector<16xf32>
      %sub3A_2250 = arith.subf %gather3A_2248, %sub3A_2249 : vector<16xf32>
      %gather3A_2251 = tpu.vector_load_idx %arg12[%select_n3A_2244] : memref<4096xf32, #tpu.memory_space<vmem>>[vector<16xi32>], vector<16xf32>,
      %sub3A_2252 = vector.broadcast %squeeze3A_2141 : f32 to vector<16xf32>
      %sub3A_2253 = arith.subf %gather3A_2251, %sub3A_2252 : vector<16xf32>
      %add3A_2254 = arith.constant 48 : i32
      %add3A_2255 = vector.broadcast %add3A_2254 : i32 to vector<16xi32>
      %add3A_2256 = arith.addi %iota3A, %add3A_2255 : vector<16xi32>
      %broadcast_in_dim3A_2257 = vector.broadcast %add3A_2145 : i32 to vector<16xi32>
      tpu.vector_store_idx %arg17[%add3A_2256, %broadcast_in_dim3A_2257], %select_n3A_2244 : memref<64x128xi32, #tpu.memory_space<vmem>>[vector<16xi32>, vector<16xi32>], vector<16xi32>,
      %broadcast_in_dim3A_2258 = arith.constant 0 : i32
      %broadcast_in_dim3A_2259 = vector.broadcast %broadcast_in_dim3A_2258 : i32 to vector<16xi32>
      tpu.vector_store_idx %arg18[%broadcast_in_dim3A_2259, %add3A_2256, %broadcast_in_dim3A_2257], %sub3A_2247 : memref<3x64x128xf32, #tpu.memory_space<vmem>>[vector<16xi32>, vector<16xi32>, vector<16xi32>], vector<16xf32>,
      %add3A_2260 = arith.constant 1 : i32
      %add3A_2261 = vector.broadcast %add3A_2260 : i32 to vector<16xi32>
      %add3A_2262 = arith.addi %broadcast_in_dim3A_2259, %add3A_2261 : vector<16xi32>
      tpu.vector_store_idx %arg18[%add3A_2262, %add3A_2256, %broadcast_in_dim3A_2257], %sub3A_2250 : memref<3x64x128xf32, #tpu.memory_space<vmem>>[vector<16xi32>, vector<16xi32>, vector<16xi32>], vector<16xf32>,
      %add3A_2263 = arith.constant 2 : i32
      %add3A_2264 = vector.broadcast %add3A_2263 : i32 to vector<16xi32>
      %add3A_2265 = arith.addi %broadcast_in_dim3A_2259, %add3A_2264 : vector<16xi32>
      tpu.vector_store_idx %arg18[%add3A_2265, %add3A_2256, %broadcast_in_dim3A_2257], %sub3A_2253 : memref<3x64x128xf32, #tpu.memory_space<vmem>>[vector<16xi32>, vector<16xi32>, vector<16xi32>], vector<16xf32>,
      %scan3A_2266 = arith.constant 0 : i32
      scf.yield %scan3A_2266 : i32
    }
    %scan3A_41 = arith.constant 8 : i32
    "tpu.region"() ({
      %run_scoped3A = tpu.sem_alloc : memref<!tpu.dma_semaphore, #tpu.memory_space<semaphore_mem>>
      %dma_start3A = arith.constant 0 : i32
      %dma_start3A_42 = tpu.memref_slice %arg8[%select_n3A, %dma_start3A, %mul3A_32] : memref<4x64x1024xi32, #tpu.memory_space<hbm>> -> memref<1x64x128xi32, #tpu.memory_space<hbm>>
      %dma_start3A_43 = tpu.memref_squeeze %dma_start3A_42 : memref<1x64x128xi32, #tpu.memory_space<hbm>> -> memref<64x128xi32, #tpu.memory_space<hbm>>
      %dma_start3A_44 = arith.constant 0 : i32
      %dma_start3A_45 = tpu.memref_slice %arg8[%select_n3A, %dma_start3A_44, %mul3A_32] : memref<4x64x1024xi32, #tpu.memory_space<hbm>> -> memref<1x64x128xi32, #tpu.memory_space<hbm>>
      %dma_start3A_46 = tpu.memref_squeeze %dma_start3A_45 : memref<1x64x128xi32, #tpu.memory_space<hbm>> -> memref<64x128xi32, #tpu.memory_space<hbm>>
      tpu.enqueue_dma source(%arg17 : memref<64x128xi32, #tpu.memory_space<vmem>>) target(%dma_start3A_46 : memref<64x128xi32, #tpu.memory_space<hbm>>) target_semaphore(%run_scoped3A : memref<!tpu.dma_semaphore, #tpu.memory_space<semaphore_mem>>)
      %dma_wait3A = arith.constant 0 : i32
      %dma_wait3A_47 = tpu.memref_slice %arg8[%select_n3A, %dma_wait3A, %mul3A_32] : memref<4x64x1024xi32, #tpu.memory_space<hbm>> -> memref<1x64x128xi32, #tpu.memory_space<hbm>>
      %dma_wait3A_48 = tpu.memref_squeeze %dma_wait3A_47 : memref<1x64x128xi32, #tpu.memory_space<hbm>> -> memref<64x128xi32, #tpu.memory_space<hbm>>
      %dma_wait3A_49 = arith.constant 0 : i32
      %dma_wait3A_50 = tpu.memref_slice %arg8[%select_n3A, %dma_wait3A_49, %mul3A_32] : memref<4x64x1024xi32, #tpu.memory_space<hbm>> -> memref<1x64x128xi32, #tpu.memory_space<hbm>>
      %dma_wait3A_51 = tpu.memref_squeeze %dma_wait3A_50 : memref<1x64x128xi32, #tpu.memory_space<hbm>> -> memref<64x128xi32, #tpu.memory_space<hbm>>
      tpu.wait_dma2 semaphore(%run_scoped3A : memref<!tpu.dma_semaphore, #tpu.memory_space<semaphore_mem>>) src(%arg17 : memref<64x128xi32, #tpu.memory_space<vmem>>) dst(%dma_wait3A_51 : memref<64x128xi32, #tpu.memory_space<hbm>>)
      tpu.yield
    }) : () -> ()
    "tpu.region"() ({
      %run_scoped3A = tpu.sem_alloc : memref<!tpu.dma_semaphore, #tpu.memory_space<semaphore_mem>>
      %dma_start3A = arith.constant 0 : i32
      %dma_start3A_42 = arith.constant 0 : i32
      %dma_start3A_43 = tpu.memref_slice %arg9[%select_n3A, %dma_start3A, %dma_start3A_42, %mul3A_32] : memref<4x3x64x1024xf32, #tpu.memory_space<hbm>> -> memref<1x3x64x128xf32, #tpu.memory_space<hbm>>
      %dma_start3A_44 = tpu.memref_squeeze %dma_start3A_43 : memref<1x3x64x128xf32, #tpu.memory_space<hbm>> -> memref<3x64x128xf32, #tpu.memory_space<hbm>>
      %dma_start3A_45 = arith.constant 0 : i32
      %dma_start3A_46 = arith.constant 0 : i32
      %dma_start3A_47 = tpu.memref_slice %arg9[%select_n3A, %dma_start3A_45, %dma_start3A_46, %mul3A_32] : memref<4x3x64x1024xf32, #tpu.memory_space<hbm>> -> memref<1x3x64x128xf32, #tpu.memory_space<hbm>>
      %dma_start3A_48 = tpu.memref_squeeze %dma_start3A_47 : memref<1x3x64x128xf32, #tpu.memory_space<hbm>> -> memref<3x64x128xf32, #tpu.memory_space<hbm>>
      tpu.enqueue_dma source(%arg18 : memref<3x64x128xf32, #tpu.memory_space<vmem>>) target(%dma_start3A_48 : memref<3x64x128xf32, #tpu.memory_space<hbm>>) target_semaphore(%run_scoped3A : memref<!tpu.dma_semaphore, #tpu.memory_space<semaphore_mem>>)
      %dma_wait3A = arith.constant 0 : i32
      %dma_wait3A_49 = arith.constant 0 : i32
      %dma_wait3A_50 = tpu.memref_slice %arg9[%select_n3A, %dma_wait3A, %dma_wait3A_49, %mul3A_32] : memref<4x3x64x1024xf32, #tpu.memory_space<hbm>> -> memref<1x3x64x128xf32, #tpu.memory_space<hbm>>
      %dma_wait3A_51 = tpu.memref_squeeze %dma_wait3A_50 : memref<1x3x64x128xf32, #tpu.memory_space<hbm>> -> memref<3x64x128xf32, #tpu.memory_space<hbm>>
      %dma_wait3A_52 = arith.constant 0 : i32
      %dma_wait3A_53 = arith.constant 0 : i32
      %dma_wait3A_54 = tpu.memref_slice %arg9[%select_n3A, %dma_wait3A_52, %dma_wait3A_53, %mul3A_32] : memref<4x3x64x1024xf32, #tpu.memory_space<hbm>> -> memref<1x3x64x128xf32, #tpu.memory_space<hbm>>
      %dma_wait3A_55 = tpu.memref_squeeze %dma_wait3A_54 : memref<1x3x64x128xf32, #tpu.memory_space<hbm>> -> memref<3x64x128xf32, #tpu.memory_space<hbm>>
      tpu.wait_dma2 semaphore(%run_scoped3A : memref<!tpu.dma_semaphore, #tpu.memory_space<semaphore_mem>>) src(%arg18 : memref<3x64x128xf32, #tpu.memory_space<vmem>>) dst(%dma_wait3A_55 : memref<3x64x128xf32, #tpu.memory_space<hbm>>)
      tpu.yield
    }) : () -> ()
    return
  }
}

#map = affine_map<(d0, d1) -> (0, 0)>
#map1 = affine_map<(d0, d1) -> (0, 0, 0)>
#map2 = affine_map<(d0, d1) -> (0)>
module attributes {stable_mosaic.version = 14 : i64} {
  func.func @_gather_body(%arg0: i32, %arg1: i32, %arg2: memref<4x524288xf32, #tpu.memory_space<hbm>>, %arg3: memref<4x65536xi32, #tpu.memory_space<hbm>>, %arg4: memref<4x3x65536xf32, #tpu.memory_space<hbm>>, %arg5: memref<34340864xf32, #tpu.memory_space<hbm>>, %arg6: memref<65536xf32, #tpu.memory_space<vmem>>, %arg7: memref<2x4096xi32, #tpu.memory_space<vmem>>, %arg8: memref<2x4096xf32, #tpu.memory_space<vmem>>, %arg9: memref<8192xf32, #tpu.memory_space<vmem>>, %arg10: memref<!tpu.dma_semaphore, #tpu.memory_space<semaphore_mem>>, %arg11: memref<!tpu.dma_semaphore, #tpu.memory_space<semaphore_mem>>) attributes {dimension_semantics = [#tpu.dimension_semantics<core_parallel>, #tpu.dimension_semantics<subcore_parallel>], iteration_bounds = array<i64: 2, 16>, scalar_prefetch = 0 : i64, scratch_operands = 6 : i64, tpu.core_type = #tpu.core_type<sc_vector_subcore>, window_params = [{transform_indices = #map}, {transform_indices = #map}, {transform_indices = #map1}, {transform_indices = #map2}]} {
    %mul3A = arith.constant 2 : i32
    %mul3A_0 = arith.muli %arg1, %mul3A : i32
    %add3A = arith.addi %mul3A_0, %arg0 : i32
    %jit3A = arith.constant 8 : i32
    %div3A = arith.divsi %add3A, %jit3A : i32
    %sign3A = arith.constant 0 : i32
    %sign3A_1 = arith.cmpi sgt, %add3A, %sign3A : i32
    %sign3A_2 = arith.extui %sign3A_1 : i1 to i32
    %sign3A_3 = arith.constant 0 : i32
    %sign3A_4 = arith.cmpi slt, %add3A, %sign3A_3 : i32
    %sign3A_5 = arith.extui %sign3A_4 : i1 to i32
    %sign3A_6 = arith.subi %sign3A_2, %sign3A_5 : i32
    %sign3A_7 = arith.constant 0 : i32
    %sign3A_8 = arith.cmpi sgt, %jit3A, %sign3A_7 : i32
    %sign3A_9 = arith.extui %sign3A_8 : i1 to i32
    %sign3A_10 = arith.constant 0 : i32
    %sign3A_11 = arith.cmpi slt, %jit3A, %sign3A_10 : i32
    %sign3A_12 = arith.extui %sign3A_11 : i1 to i32
    %sign3A_13 = arith.subi %sign3A_9, %sign3A_12 : i32
    %ne3A = arith.cmpi ne, %sign3A_6, %sign3A_13 : i32
    %rem3A = arith.remsi %add3A, %jit3A : i32
    %ne3A_14 = arith.constant 0 : i32
    %ne3A_15 = arith.cmpi ne, %rem3A, %ne3A_14 : i32
    %and3A = arith.andi %ne3A, %ne3A_15 : i1
    %sub3A = arith.constant 1 : i32
    %sub3A_16 = arith.subi %div3A, %sub3A : i32
    %select_n3A = arith.select %and3A, %sub3A_16, %div3A : i32
    %jit3A_17 = arith.constant 8 : i32
    %eq3A = arith.constant 0 : i32
    %eq3A_18 = arith.cmpi eq, %jit3A_17, %eq3A : i32
    %jit3A_19 = arith.constant 1 : i32
    %select_n3A_20 = arith.select %eq3A_18, %jit3A_19, %jit3A_17 : i32
    %rem3A_21 = arith.remsi %add3A, %select_n3A_20 : i32
    %ne3A_22 = arith.constant 0 : i32
    %ne3A_23 = arith.cmpi ne, %rem3A_21, %ne3A_22 : i32
    %lt3A = arith.constant 0 : i32
    %lt3A_24 = arith.cmpi slt, %rem3A_21, %lt3A : i32
    %lt3A_25 = arith.constant 0 : i32
    %lt3A_26 = arith.cmpi slt, %select_n3A_20, %lt3A_25 : i32
    %ne3A_27 = arith.xori %lt3A_24, %lt3A_26 : i1
    %and3A_28 = arith.andi %ne3A_27, %ne3A_23 : i1
    %add3A_29 = arith.addi %rem3A_21, %select_n3A_20 : i32
    %select_n3A_30 = arith.select %and3A_28, %add3A_29, %rem3A_21 : i32
    %mul3A_31 = arith.constant 16 : i32
    %mul3A_32 = arith.muli %select_n3A_30, %mul3A_31 : i32
    %mul3A_33 = arith.constant 131 : i32
    %mul3A_34 = arith.muli %select_n3A, %mul3A_33 : i32
    %mul3A_35 = arith.constant 65536 : i32
    %mul3A_36 = arith.muli %mul3A_34, %mul3A_35 : i32
    %mul3A_37 = arith.constant 4096 : i32
    %mul3A_38 = arith.muli %mul3A_32, %mul3A_37 : i32
    "tpu.region"() ({
      %run_scoped3A_77 = tpu.sem_alloc : memref<!tpu.dma_semaphore, #tpu.memory_space<semaphore_mem>>
      %dma_start3A = tpu.memref_slice %arg2[%select_n3A, %mul3A_38] : memref<4x524288xf32, #tpu.memory_space<hbm>> -> memref<1x65536xf32, #tpu.memory_space<hbm>>
      %dma_start3A_78 = tpu.memref_squeeze %dma_start3A : memref<1x65536xf32, #tpu.memory_space<hbm>> -> memref<65536xf32, #tpu.memory_space<hbm>>
      %dma_start3A_79 = tpu.memref_slice %arg2[%select_n3A, %mul3A_38] : memref<4x524288xf32, #tpu.memory_space<hbm>> -> memref<1x65536xf32, #tpu.memory_space<hbm>>
      %dma_start3A_80 = tpu.memref_squeeze %dma_start3A_79 : memref<1x65536xf32, #tpu.memory_space<hbm>> -> memref<65536xf32, #tpu.memory_space<hbm>>
      tpu.enqueue_dma source(%dma_start3A_80 : memref<65536xf32, #tpu.memory_space<hbm>>) target(%arg6 : memref<65536xf32, #tpu.memory_space<vmem>>) target_semaphore(%run_scoped3A_77 : memref<!tpu.dma_semaphore, #tpu.memory_space<semaphore_mem>>)
      %dma_wait3A_81 = tpu.memref_slice %arg2[%select_n3A, %mul3A_38] : memref<4x524288xf32, #tpu.memory_space<hbm>> -> memref<1x65536xf32, #tpu.memory_space<hbm>>
      %dma_wait3A_82 = tpu.memref_squeeze %dma_wait3A_81 : memref<1x65536xf32, #tpu.memory_space<hbm>> -> memref<65536xf32, #tpu.memory_space<hbm>>
      %dma_wait3A_83 = tpu.memref_slice %arg2[%select_n3A, %mul3A_38] : memref<4x524288xf32, #tpu.memory_space<hbm>> -> memref<1x65536xf32, #tpu.memory_space<hbm>>
      %dma_wait3A_84 = tpu.memref_squeeze %dma_wait3A_83 : memref<1x65536xf32, #tpu.memory_space<hbm>> -> memref<65536xf32, #tpu.memory_space<hbm>>
      tpu.wait_dma2 semaphore(%run_scoped3A_77 : memref<!tpu.dma_semaphore, #tpu.memory_space<semaphore_mem>>) src(%dma_wait3A_84 : memref<65536xf32, #tpu.memory_space<hbm>>) dst(%arg6 : memref<65536xf32, #tpu.memory_space<vmem>>)
      tpu.yield
    }) : () -> ()
    %scan3A = arith.constant 0 : i32
    %scan3A_39 = arith.constant 0 : i32
    %scan3A_40 = arith.constant 3 : i32
    %scan3A_41 = arith.addi %scan3A_39, %scan3A_40 : i32
    %scan3A_42 = arith.constant 1 : i32
    %scan3A_43 = scf.for %scan3A_77 = %scan3A_39 to %scan3A_41 step %scan3A_42 iter_args(%scan3A_78 = %scan3A) -> (i32)  : i32 {
      %mul3A_79 = arith.constant 8192 : i32
      %mul3A_80 = arith.muli %select_n3A_30, %mul3A_79 : i32
      "tpu.region"() ({
        %run_scoped3A_88 = tpu.sem_alloc : memref<!tpu.dma_semaphore, #tpu.memory_space<semaphore_mem>>
        %dma_start3A = tpu.memref_slice %arg4[%select_n3A, %scan3A_77, %mul3A_80] : memref<4x3x65536xf32, #tpu.memory_space<hbm>> -> memref<1x1x8192xf32, #tpu.memory_space<hbm>>
        %dma_start3A_89 = tpu.memref_squeeze %dma_start3A : memref<1x1x8192xf32, #tpu.memory_space<hbm>> -> memref<8192xf32, #tpu.memory_space<hbm>>
        %dma_start3A_90 = tpu.memref_slice %arg4[%select_n3A, %scan3A_77, %mul3A_80] : memref<4x3x65536xf32, #tpu.memory_space<hbm>> -> memref<1x1x8192xf32, #tpu.memory_space<hbm>>
        %dma_start3A_91 = tpu.memref_squeeze %dma_start3A_90 : memref<1x1x8192xf32, #tpu.memory_space<hbm>> -> memref<8192xf32, #tpu.memory_space<hbm>>
        tpu.enqueue_dma source(%dma_start3A_91 : memref<8192xf32, #tpu.memory_space<hbm>>) target(%arg9 : memref<8192xf32, #tpu.memory_space<vmem>>) target_semaphore(%run_scoped3A_88 : memref<!tpu.dma_semaphore, #tpu.memory_space<semaphore_mem>>)
        %dma_wait3A_92 = tpu.memref_slice %arg4[%select_n3A, %scan3A_77, %mul3A_80] : memref<4x3x65536xf32, #tpu.memory_space<hbm>> -> memref<1x1x8192xf32, #tpu.memory_space<hbm>>
        %dma_wait3A_93 = tpu.memref_squeeze %dma_wait3A_92 : memref<1x1x8192xf32, #tpu.memory_space<hbm>> -> memref<8192xf32, #tpu.memory_space<hbm>>
        %dma_wait3A_94 = tpu.memref_slice %arg4[%select_n3A, %scan3A_77, %mul3A_80] : memref<4x3x65536xf32, #tpu.memory_space<hbm>> -> memref<1x1x8192xf32, #tpu.memory_space<hbm>>
        %dma_wait3A_95 = tpu.memref_squeeze %dma_wait3A_94 : memref<1x1x8192xf32, #tpu.memory_space<hbm>> -> memref<8192xf32, #tpu.memory_space<hbm>>
        tpu.wait_dma2 semaphore(%run_scoped3A_88 : memref<!tpu.dma_semaphore, #tpu.memory_space<semaphore_mem>>) src(%dma_wait3A_95 : memref<8192xf32, #tpu.memory_space<hbm>>) dst(%arg9 : memref<8192xf32, #tpu.memory_space<vmem>>)
        tpu.yield
      }) : () -> ()
      %mul3A_81 = arith.constant 65536 : i32
      %mul3A_82 = arith.muli %scan3A_77, %mul3A_81 : i32
      %add3A_83 = arith.addi %mul3A_36, %mul3A_82 : i32
      %mul3A_84 = arith.constant 8192 : i32
      %mul3A_85 = arith.muli %select_n3A_30, %mul3A_84 : i32
      %add3A_86 = arith.addi %add3A_83, %mul3A_85 : i32
      "tpu.region"() ({
        %run_scoped3A_88 = tpu.sem_alloc : memref<!tpu.dma_semaphore, #tpu.memory_space<semaphore_mem>>
        %dma_start3A = tpu.memref_slice %arg5[%add3A_86] : memref<34340864xf32, #tpu.memory_space<hbm>> -> memref<8192xf32, #tpu.memory_space<hbm>>
        %dma_start3A_89 = tpu.memref_slice %arg5[%add3A_86] : memref<34340864xf32, #tpu.memory_space<hbm>> -> memref<8192xf32, #tpu.memory_space<hbm>>
        tpu.enqueue_dma source(%arg9 : memref<8192xf32, #tpu.memory_space<vmem>>) target(%dma_start3A_89 : memref<8192xf32, #tpu.memory_space<hbm>>) target_semaphore(%run_scoped3A_88 : memref<!tpu.dma_semaphore, #tpu.memory_space<semaphore_mem>>)
        %dma_wait3A_90 = tpu.memref_slice %arg5[%add3A_86] : memref<34340864xf32, #tpu.memory_space<hbm>> -> memref<8192xf32, #tpu.memory_space<hbm>>
        %dma_wait3A_91 = tpu.memref_slice %arg5[%add3A_86] : memref<34340864xf32, #tpu.memory_space<hbm>> -> memref<8192xf32, #tpu.memory_space<hbm>>
        tpu.wait_dma2 semaphore(%run_scoped3A_88 : memref<!tpu.dma_semaphore, #tpu.memory_space<semaphore_mem>>) src(%arg9 : memref<8192xf32, #tpu.memory_space<vmem>>) dst(%dma_wait3A_91 : memref<8192xf32, #tpu.memory_space<hbm>>)
        tpu.yield
      }) : () -> ()
      %scan3A_87 = arith.constant 0 : i32
      scf.yield %scan3A_87 : i32
    }
    %scan3A_44 = arith.constant 3 : i32
    %run_scoped3A = arith.constant 0 : i32
    "tpu.region"() ({
      %run_scoped3A_77 = tpu.sem_alloc : memref<!tpu.dma_semaphore, #tpu.memory_space<semaphore_mem>>
      %dma_start3A = arith.constant 0 : i32
      %dma_start3A_78 = tpu.memref_slice %arg7[%run_scoped3A, %dma_start3A] : memref<2x4096xi32, #tpu.memory_space<vmem>> -> memref<1x4096xi32, #tpu.memory_space<vmem>>
      %dma_start3A_79 = tpu.memref_squeeze %dma_start3A_78 : memref<1x4096xi32, #tpu.memory_space<vmem>> -> memref<4096xi32, #tpu.memory_space<vmem>>
      %dma_start3A_80 = arith.constant 0 : i32
      %dma_start3A_81 = tpu.memref_slice %arg3[%select_n3A, %dma_start3A_80] : memref<4x65536xi32, #tpu.memory_space<hbm>> -> memref<1x4096xi32, #tpu.memory_space<hbm>>
      %dma_start3A_82 = tpu.memref_squeeze %dma_start3A_81 : memref<1x4096xi32, #tpu.memory_space<hbm>> -> memref<4096xi32, #tpu.memory_space<hbm>>
      %dma_start3A_83 = arith.constant 0 : i32
      %dma_start3A_84 = tpu.memref_slice %arg7[%run_scoped3A, %dma_start3A_83] : memref<2x4096xi32, #tpu.memory_space<vmem>> -> memref<1x4096xi32, #tpu.memory_space<vmem>>
      %dma_start3A_85 = tpu.memref_squeeze %dma_start3A_84 : memref<1x4096xi32, #tpu.memory_space<vmem>> -> memref<4096xi32, #tpu.memory_space<vmem>>
      %dma_start3A_86 = arith.constant 0 : i32
      %dma_start3A_87 = tpu.memref_slice %arg3[%select_n3A, %dma_start3A_86] : memref<4x65536xi32, #tpu.memory_space<hbm>> -> memref<1x4096xi32, #tpu.memory_space<hbm>>
      %dma_start3A_88 = tpu.memref_squeeze %dma_start3A_87 : memref<1x4096xi32, #tpu.memory_space<hbm>> -> memref<4096xi32, #tpu.memory_space<hbm>>
      tpu.enqueue_dma source(%dma_start3A_88 : memref<4096xi32, #tpu.memory_space<hbm>>) target(%dma_start3A_85 : memref<4096xi32, #tpu.memory_space<vmem>>) target_semaphore(%run_scoped3A_77 : memref<!tpu.dma_semaphore, #tpu.memory_space<semaphore_mem>>)
      %dma_wait3A_89 = arith.constant 0 : i32
      %dma_wait3A_90 = tpu.memref_slice %arg7[%run_scoped3A, %dma_wait3A_89] : memref<2x4096xi32, #tpu.memory_space<vmem>> -> memref<1x4096xi32, #tpu.memory_space<vmem>>
      %dma_wait3A_91 = tpu.memref_squeeze %dma_wait3A_90 : memref<1x4096xi32, #tpu.memory_space<vmem>> -> memref<4096xi32, #tpu.memory_space<vmem>>
      %dma_wait3A_92 = arith.constant 0 : i32
      %dma_wait3A_93 = tpu.memref_slice %arg3[%select_n3A, %dma_wait3A_92] : memref<4x65536xi32, #tpu.memory_space<hbm>> -> memref<1x4096xi32, #tpu.memory_space<hbm>>
      %dma_wait3A_94 = tpu.memref_squeeze %dma_wait3A_93 : memref<1x4096xi32, #tpu.memory_space<hbm>> -> memref<4096xi32, #tpu.memory_space<hbm>>
      %dma_wait3A_95 = arith.constant 0 : i32
      %dma_wait3A_96 = tpu.memref_slice %arg7[%run_scoped3A, %dma_wait3A_95] : memref<2x4096xi32, #tpu.memory_space<vmem>> -> memref<1x4096xi32, #tpu.memory_space<vmem>>
      %dma_wait3A_97 = tpu.memref_squeeze %dma_wait3A_96 : memref<1x4096xi32, #tpu.memory_space<vmem>> -> memref<4096xi32, #tpu.memory_space<vmem>>
      %dma_wait3A_98 = arith.constant 0 : i32
      %dma_wait3A_99 = tpu.memref_slice %arg3[%select_n3A, %dma_wait3A_98] : memref<4x65536xi32, #tpu.memory_space<hbm>> -> memref<1x4096xi32, #tpu.memory_space<hbm>>
      %dma_wait3A_100 = tpu.memref_squeeze %dma_wait3A_99 : memref<1x4096xi32, #tpu.memory_space<hbm>> -> memref<4096xi32, #tpu.memory_space<hbm>>
      tpu.wait_dma2 semaphore(%run_scoped3A_77 : memref<!tpu.dma_semaphore, #tpu.memory_space<semaphore_mem>>) src(%dma_wait3A_100 : memref<4096xi32, #tpu.memory_space<hbm>>) dst(%dma_wait3A_97 : memref<4096xi32, #tpu.memory_space<vmem>>)
      tpu.yield
    }) : () -> ()
    %scan3A_45 = arith.constant 0 : i32
    %scan3A_46 = arith.constant 0 : i32
    %scan3A_47 = arith.constant 16 : i32
    %scan3A_48 = arith.addi %scan3A_46, %scan3A_47 : i32
    %scan3A_49 = arith.constant 1 : i32
    %scan3A_50 = scf.for %scan3A_77 = %scan3A_46 to %scan3A_48 step %scan3A_49 iter_args(%scan3A_78 = %scan3A_45) -> (i32)  : i32 {
      %jit3A_79 = arith.constant 2 : i32
      %eq3A_80 = arith.constant 0 : i32
      %eq3A_81 = arith.cmpi eq, %jit3A_79, %eq3A_80 : i32
      %jit3A_82 = arith.constant 1 : i32
      %select_n3A_83 = arith.select %eq3A_81, %jit3A_82, %jit3A_79 : i32
      %rem3A_84 = arith.remsi %scan3A_77, %select_n3A_83 : i32
      %ne3A_85 = arith.constant 0 : i32
      %ne3A_86 = arith.cmpi ne, %rem3A_84, %ne3A_85 : i32
      %lt3A_87 = arith.constant 0 : i32
      %lt3A_88 = arith.cmpi slt, %rem3A_84, %lt3A_87 : i32
      %lt3A_89 = arith.constant 0 : i32
      %lt3A_90 = arith.cmpi slt, %select_n3A_83, %lt3A_89 : i32
      %ne3A_91 = arith.xori %lt3A_88, %lt3A_90 : i1
      %and3A_92 = arith.andi %ne3A_91, %ne3A_86 : i1
      %add3A_93 = arith.addi %rem3A_84, %select_n3A_83 : i32
      %select_n3A_94 = arith.select %and3A_92, %add3A_93, %rem3A_84 : i32
      %add3A_95 = arith.constant 1 : i32
      %add3A_96 = arith.addi %scan3A_77, %add3A_95 : i32
      %lt3A_97 = arith.constant 16 : i32
      %lt3A_98 = arith.cmpi slt, %add3A_96, %lt3A_97 : i32
      %convert_element_type3A = arith.extui %lt3A_98 : i1 to i32
      %cond3A = arith.constant 0 : i32
      %cond3A_99 = arith.cmpi ne, %convert_element_type3A, %cond3A : i32
      scf.if %cond3A_99 {
        %add3A_115 = arith.constant 1 : i32
        %add3A_116 = arith.addi %scan3A_77, %add3A_115 : i32
        %mul3A_117 = arith.constant 4096 : i32
        %mul3A_118 = arith.muli %add3A_116, %mul3A_117 : i32
        %sub3A_119 = arith.constant 1 : i32
        %sub3A_120 = arith.subi %sub3A_119, %select_n3A_94 : i32
        %dma_start3A = arith.constant 0 : i32
        %dma_start3A_121 = tpu.memref_slice %arg7[%sub3A_120, %dma_start3A] : memref<2x4096xi32, #tpu.memory_space<vmem>> -> memref<1x4096xi32, #tpu.memory_space<vmem>>
        %dma_start3A_122 = tpu.memref_squeeze %dma_start3A_121 : memref<1x4096xi32, #tpu.memory_space<vmem>> -> memref<4096xi32, #tpu.memory_space<vmem>>
        %dma_start3A_123 = tpu.memref_slice %arg3[%select_n3A, %mul3A_118] : memref<4x65536xi32, #tpu.memory_space<hbm>> -> memref<1x4096xi32, #tpu.memory_space<hbm>>
        %dma_start3A_124 = tpu.memref_squeeze %dma_start3A_123 : memref<1x4096xi32, #tpu.memory_space<hbm>> -> memref<4096xi32, #tpu.memory_space<hbm>>
        %dma_start3A_125 = arith.constant 0 : i32
        %dma_start3A_126 = tpu.memref_slice %arg7[%sub3A_120, %dma_start3A_125] : memref<2x4096xi32, #tpu.memory_space<vmem>> -> memref<1x4096xi32, #tpu.memory_space<vmem>>
        %dma_start3A_127 = tpu.memref_squeeze %dma_start3A_126 : memref<1x4096xi32, #tpu.memory_space<vmem>> -> memref<4096xi32, #tpu.memory_space<vmem>>
        %dma_start3A_128 = tpu.memref_slice %arg3[%select_n3A, %mul3A_118] : memref<4x65536xi32, #tpu.memory_space<hbm>> -> memref<1x4096xi32, #tpu.memory_space<hbm>>
        %dma_start3A_129 = tpu.memref_squeeze %dma_start3A_128 : memref<1x4096xi32, #tpu.memory_space<hbm>> -> memref<4096xi32, #tpu.memory_space<hbm>>
        tpu.enqueue_dma source(%dma_start3A_129 : memref<4096xi32, #tpu.memory_space<hbm>>) target(%dma_start3A_127 : memref<4096xi32, #tpu.memory_space<vmem>>) target_semaphore(%arg11 : memref<!tpu.dma_semaphore, #tpu.memory_space<semaphore_mem>>)
      } else {
      }
      %scan3A_100 = arith.constant 0 : i32
      %scan3A_101 = arith.constant 0 : i32
      %scan3A_102 = arith.constant 16 : i32
      %scan3A_103 = arith.addi %scan3A_101, %scan3A_102 : i32
      %scan3A_104 = arith.constant 1 : i32
      %scan3A_105 = scf.for %scan3A_115 = %scan3A_101 to %scan3A_103 step %scan3A_104 iter_args(%scan3A_116 = %scan3A_100) -> (i32)  : i32 {
        %mul3A_117 = arith.constant 16 : i32
        %mul3A_118 = arith.muli %scan3A_77, %mul3A_117 : i32
        %add3A_119 = arith.addi %mul3A_118, %scan3A_115 : i32
        %jit3A_120 = arith.constant 2 : i32
        %eq3A_121 = arith.constant 0 : i32
        %eq3A_122 = arith.cmpi eq, %jit3A_120, %eq3A_121 : i32
        %jit3A_123 = arith.constant 1 : i32
        %select_n3A_124 = arith.select %eq3A_122, %jit3A_123, %jit3A_120 : i32
        %rem3A_125 = arith.remsi %add3A_119, %select_n3A_124 : i32
        %ne3A_126 = arith.constant 0 : i32
        %ne3A_127 = arith.cmpi ne, %rem3A_125, %ne3A_126 : i32
        %lt3A_128 = arith.constant 0 : i32
        %lt3A_129 = arith.cmpi slt, %rem3A_125, %lt3A_128 : i32
        %lt3A_130 = arith.constant 0 : i32
        %lt3A_131 = arith.cmpi slt, %select_n3A_124, %lt3A_130 : i32
        %ne3A_132 = arith.xori %lt3A_129, %lt3A_131 : i1
        %and3A_133 = arith.andi %ne3A_132, %ne3A_127 : i1
        %add3A_134 = arith.addi %rem3A_125, %select_n3A_124 : i32
        %select_n3A_135 = arith.select %and3A_133, %add3A_134, %rem3A_125 : i32
        %ge3A = arith.constant 2 : i32
        %ge3A_136 = arith.cmpi sge, %add3A_119, %ge3A : i32
        %convert_element_type3A_137 = arith.extui %ge3A_136 : i1 to i32
        %cond3A_138 = arith.constant 0 : i32
        %cond3A_139 = arith.cmpi ne, %convert_element_type3A_137, %cond3A_138 : i32
        scf.if %cond3A_139 {
          %dma_wait3A_161 = arith.constant 0 : i32
          %dma_wait3A_162 = tpu.memref_slice %arg8[%select_n3A_135, %dma_wait3A_161] : memref<2x4096xf32, #tpu.memory_space<vmem>> -> memref<1x4096xf32, #tpu.memory_space<vmem>>
          %dma_wait3A_163 = tpu.memref_squeeze %dma_wait3A_162 : memref<1x4096xf32, #tpu.memory_space<vmem>> -> memref<4096xf32, #tpu.memory_space<vmem>>
          %dma_wait3A_164 = arith.constant 0 : i32
          %dma_wait3A_165 = tpu.memref_slice %arg3[%select_n3A, %dma_wait3A_164] : memref<4x65536xi32, #tpu.memory_space<hbm>> -> memref<1x4096xi32, #tpu.memory_space<hbm>>
          %dma_wait3A_166 = tpu.memref_squeeze %dma_wait3A_165 : memref<1x4096xi32, #tpu.memory_space<hbm>> -> memref<4096xi32, #tpu.memory_space<hbm>>
          %dma_wait3A_167 = arith.constant 0 : i32
          %dma_wait3A_168 = tpu.memref_slice %arg8[%select_n3A_135, %dma_wait3A_167] : memref<2x4096xf32, #tpu.memory_space<vmem>> -> memref<1x4096xf32, #tpu.memory_space<vmem>>
          %dma_wait3A_169 = tpu.memref_squeeze %dma_wait3A_168 : memref<1x4096xf32, #tpu.memory_space<vmem>> -> memref<4096xf32, #tpu.memory_space<vmem>>
          %dma_wait3A_170 = arith.constant 0 : i32
          %dma_wait3A_171 = tpu.memref_slice %arg3[%select_n3A, %dma_wait3A_170] : memref<4x65536xi32, #tpu.memory_space<hbm>> -> memref<1x4096xi32, #tpu.memory_space<hbm>>
          %dma_wait3A_172 = tpu.memref_squeeze %dma_wait3A_171 : memref<1x4096xi32, #tpu.memory_space<hbm>> -> memref<4096xi32, #tpu.memory_space<hbm>>
          tpu.wait_dma2 semaphore(%arg10 : memref<!tpu.dma_semaphore, #tpu.memory_space<semaphore_mem>>) src(%dma_wait3A_172 : memref<4096xi32, #tpu.memory_space<hbm>>) dst(%dma_wait3A_169 : memref<4096xf32, #tpu.memory_space<vmem>>)
        } else {
        }
        %mul3A_140 = arith.constant 4096 : i32
        %mul3A_141 = arith.muli %scan3A_115, %mul3A_140 : i32
        %parallel_loop3A = arith.constant 0 : i32
        %parallel_loop3A_142 = arith.constant 4096 : i32
        %parallel_loop3A_143 = arith.constant 16 : i32
        scf.for %parallel_loop3A_161 = %parallel_loop3A to %parallel_loop3A_142 step %parallel_loop3A_143  : i32 {
          %parallel_loop3A_162 = arith.index_cast %select_n3A_94 : i32 to index
          %parallel_loop3A_163 = arith.index_cast %parallel_loop3A_161 : i32 to index
          %parallel_loop3A_164 = tpu.vector_load %arg7[%parallel_loop3A_162, %parallel_loop3A_163] {strides = array<i32>} : memref<2x4096xi32, #tpu.memory_space<vmem>>, vector<16xi32>,
          %parallel_loop3A_165 = vector.broadcast %mul3A_141 : i32 to vector<16xi32>
          %parallel_loop3A_166 = arith.addi %parallel_loop3A_164, %parallel_loop3A_165 : vector<16xi32>
          %parallel_loop3A_167 = tpu.vector_load_idx %arg6[%parallel_loop3A_166] : memref<65536xf32, #tpu.memory_space<vmem>>[vector<16xi32>], vector<16xf32>,
          %parallel_loop3A_168 = arith.index_cast %select_n3A_135 : i32 to index
          %parallel_loop3A_169 = arith.index_cast %parallel_loop3A_161 : i32 to index
          %parallel_loop3A_170 = tpu.vector_load %arg8[%parallel_loop3A_168, %parallel_loop3A_169] {strides = array<i32>} : memref<2x4096xf32, #tpu.memory_space<vmem>>, vector<16xf32>,
          tpu.vector_store %arg8[%parallel_loop3A_168, %parallel_loop3A_169], %parallel_loop3A_167 {strides = array<i32>} : memref<2x4096xf32, #tpu.memory_space<vmem>>, vector<16xf32>,
        } {sc.loop_unroll_factor = 8 : i64, sc.parallel_access}
        %add3A_144 = arith.constant 3 : i32
        %add3A_145 = arith.addi %add3A_144, %mul3A_32 : i32
        %add3A_146 = arith.addi %add3A_145, %scan3A_115 : i32
        %mul3A_147 = arith.constant 65536 : i32
        %mul3A_148 = arith.muli %add3A_146, %mul3A_147 : i32
        %add3A_149 = arith.addi %mul3A_36, %mul3A_148 : i32
        %mul3A_150 = arith.constant 4096 : i32
        %mul3A_151 = arith.muli %scan3A_77, %mul3A_150 : i32
        %add3A_152 = arith.addi %add3A_149, %mul3A_151 : i32
        %dma_start3A = arith.constant 0 : i32
        %dma_start3A_153 = tpu.memref_slice %arg8[%select_n3A_135, %dma_start3A] : memref<2x4096xf32, #tpu.memory_space<vmem>> -> memref<1x4096xf32, #tpu.memory_space<vmem>>
        %dma_start3A_154 = tpu.memref_squeeze %dma_start3A_153 : memref<1x4096xf32, #tpu.memory_space<vmem>> -> memref<4096xf32, #tpu.memory_space<vmem>>
        %dma_start3A_155 = tpu.memref_slice %arg5[%add3A_152] : memref<34340864xf32, #tpu.memory_space<hbm>> -> memref<4096xf32, #tpu.memory_space<hbm>>
        %dma_start3A_156 = tpu.memref_slice %arg5[%add3A_152] : memref<34340864xf32, #tpu.memory_space<hbm>> -> memref<4096xf32, #tpu.memory_space<hbm>>
        %dma_start3A_157 = arith.constant 0 : i32
        %dma_start3A_158 = tpu.memref_slice %arg8[%select_n3A_135, %dma_start3A_157] : memref<2x4096xf32, #tpu.memory_space<vmem>> -> memref<1x4096xf32, #tpu.memory_space<vmem>>
        %dma_start3A_159 = tpu.memref_squeeze %dma_start3A_158 : memref<1x4096xf32, #tpu.memory_space<vmem>> -> memref<4096xf32, #tpu.memory_space<vmem>>
        tpu.enqueue_dma source(%dma_start3A_159 : memref<4096xf32, #tpu.memory_space<vmem>>) target(%dma_start3A_156 : memref<4096xf32, #tpu.memory_space<hbm>>) target_semaphore(%arg10 : memref<!tpu.dma_semaphore, #tpu.memory_space<semaphore_mem>>)
        %scan3A_160 = arith.constant 0 : i32
        scf.yield %scan3A_160 : i32
      }
      %scan3A_106 = arith.constant 16 : i32
      %add3A_107 = arith.constant 1 : i32
      %add3A_108 = arith.addi %scan3A_77, %add3A_107 : i32
      %lt3A_109 = arith.constant 16 : i32
      %lt3A_110 = arith.cmpi slt, %add3A_108, %lt3A_109 : i32
      %convert_element_type3A_111 = arith.extui %lt3A_110 : i1 to i32
      %cond3A_112 = arith.constant 0 : i32
      %cond3A_113 = arith.cmpi ne, %convert_element_type3A_111, %cond3A_112 : i32
      scf.if %cond3A_113 {
        %sub3A_115 = arith.constant 1 : i32
        %sub3A_116 = arith.subi %sub3A_115, %select_n3A_94 : i32
        %dma_wait3A_117 = arith.constant 0 : i32
        %dma_wait3A_118 = tpu.memref_slice %arg7[%sub3A_116, %dma_wait3A_117] : memref<2x4096xi32, #tpu.memory_space<vmem>> -> memref<1x4096xi32, #tpu.memory_space<vmem>>
        %dma_wait3A_119 = tpu.memref_squeeze %dma_wait3A_118 : memref<1x4096xi32, #tpu.memory_space<vmem>> -> memref<4096xi32, #tpu.memory_space<vmem>>
        %dma_wait3A_120 = arith.constant 0 : i32
        %dma_wait3A_121 = tpu.memref_slice %arg3[%select_n3A, %dma_wait3A_120] : memref<4x65536xi32, #tpu.memory_space<hbm>> -> memref<1x4096xi32, #tpu.memory_space<hbm>>
        %dma_wait3A_122 = tpu.memref_squeeze %dma_wait3A_121 : memref<1x4096xi32, #tpu.memory_space<hbm>> -> memref<4096xi32, #tpu.memory_space<hbm>>
        %dma_wait3A_123 = arith.constant 0 : i32
        %dma_wait3A_124 = tpu.memref_slice %arg7[%sub3A_116, %dma_wait3A_123] : memref<2x4096xi32, #tpu.memory_space<vmem>> -> memref<1x4096xi32, #tpu.memory_space<vmem>>
        %dma_wait3A_125 = tpu.memref_squeeze %dma_wait3A_124 : memref<1x4096xi32, #tpu.memory_space<vmem>> -> memref<4096xi32, #tpu.memory_space<vmem>>
        %dma_wait3A_126 = arith.constant 0 : i32
        %dma_wait3A_127 = tpu.memref_slice %arg3[%select_n3A, %dma_wait3A_126] : memref<4x65536xi32, #tpu.memory_space<hbm>> -> memref<1x4096xi32, #tpu.memory_space<hbm>>
        %dma_wait3A_128 = tpu.memref_squeeze %dma_wait3A_127 : memref<1x4096xi32, #tpu.memory_space<hbm>> -> memref<4096xi32, #tpu.memory_space<hbm>>
        tpu.wait_dma2 semaphore(%arg11 : memref<!tpu.dma_semaphore, #tpu.memory_space<semaphore_mem>>) src(%dma_wait3A_128 : memref<4096xi32, #tpu.memory_space<hbm>>) dst(%dma_wait3A_125 : memref<4096xi32, #tpu.memory_space<vmem>>)
      } else {
      }
      %scan3A_114 = arith.constant 0 : i32
      scf.yield %scan3A_114 : i32
    }
    %scan3A_51 = arith.constant 16 : i32
    %dma_wait3A = arith.constant 0 : i32
    %dma_wait3A_52 = arith.constant 0 : i32
    %dma_wait3A_53 = tpu.memref_slice %arg8[%dma_wait3A, %dma_wait3A_52] : memref<2x4096xf32, #tpu.memory_space<vmem>> -> memref<1x4096xf32, #tpu.memory_space<vmem>>
    %dma_wait3A_54 = tpu.memref_squeeze %dma_wait3A_53 : memref<1x4096xf32, #tpu.memory_space<vmem>> -> memref<4096xf32, #tpu.memory_space<vmem>>
    %dma_wait3A_55 = arith.constant 0 : i32
    %dma_wait3A_56 = tpu.memref_slice %arg3[%select_n3A, %dma_wait3A_55] : memref<4x65536xi32, #tpu.memory_space<hbm>> -> memref<1x4096xi32, #tpu.memory_space<hbm>>
    %dma_wait3A_57 = tpu.memref_squeeze %dma_wait3A_56 : memref<1x4096xi32, #tpu.memory_space<hbm>> -> memref<4096xi32, #tpu.memory_space<hbm>>
    %dma_wait3A_58 = arith.constant 0 : i32
    %dma_wait3A_59 = tpu.memref_slice %arg8[%dma_wait3A, %dma_wait3A_58] : memref<2x4096xf32, #tpu.memory_space<vmem>> -> memref<1x4096xf32, #tpu.memory_space<vmem>>
    %dma_wait3A_60 = tpu.memref_squeeze %dma_wait3A_59 : memref<1x4096xf32, #tpu.memory_space<vmem>> -> memref<4096xf32, #tpu.memory_space<vmem>>
    %dma_wait3A_61 = arith.constant 0 : i32
    %dma_wait3A_62 = tpu.memref_slice %arg3[%select_n3A, %dma_wait3A_61] : memref<4x65536xi32, #tpu.memory_space<hbm>> -> memref<1x4096xi32, #tpu.memory_space<hbm>>
    %dma_wait3A_63 = tpu.memref_squeeze %dma_wait3A_62 : memref<1x4096xi32, #tpu.memory_space<hbm>> -> memref<4096xi32, #tpu.memory_space<hbm>>
    tpu.wait_dma2 semaphore(%arg10 : memref<!tpu.dma_semaphore, #tpu.memory_space<semaphore_mem>>) src(%dma_wait3A_63 : memref<4096xi32, #tpu.memory_space<hbm>>) dst(%dma_wait3A_60 : memref<4096xf32, #tpu.memory_space<vmem>>)
    %dma_wait3A_64 = arith.constant 1 : i32
    %dma_wait3A_65 = arith.constant 0 : i32
    %dma_wait3A_66 = tpu.memref_slice %arg8[%dma_wait3A_64, %dma_wait3A_65] : memref<2x4096xf32, #tpu.memory_space<vmem>> -> memref<1x4096xf32, #tpu.memory_space<vmem>>
    %dma_wait3A_67 = tpu.memref_squeeze %dma_wait3A_66 : memref<1x4096xf32, #tpu.memory_space<vmem>> -> memref<4096xf32, #tpu.memory_space<vmem>>
    %dma_wait3A_68 = arith.constant 0 : i32
    %dma_wait3A_69 = tpu.memref_slice %arg3[%select_n3A, %dma_wait3A_68] : memref<4x65536xi32, #tpu.memory_space<hbm>> -> memref<1x4096xi32, #tpu.memory_space<hbm>>
    %dma_wait3A_70 = tpu.memref_squeeze %dma_wait3A_69 : memref<1x4096xi32, #tpu.memory_space<hbm>> -> memref<4096xi32, #tpu.memory_space<hbm>>
    %dma_wait3A_71 = arith.constant 0 : i32
    %dma_wait3A_72 = tpu.memref_slice %arg8[%dma_wait3A_64, %dma_wait3A_71] : memref<2x4096xf32, #tpu.memory_space<vmem>> -> memref<1x4096xf32, #tpu.memory_space<vmem>>
    %dma_wait3A_73 = tpu.memref_squeeze %dma_wait3A_72 : memref<1x4096xf32, #tpu.memory_space<vmem>> -> memref<4096xf32, #tpu.memory_space<vmem>>
    %dma_wait3A_74 = arith.constant 0 : i32
    %dma_wait3A_75 = tpu.memref_slice %arg3[%select_n3A, %dma_wait3A_74] : memref<4x65536xi32, #tpu.memory_space<hbm>> -> memref<1x4096xi32, #tpu.memory_space<hbm>>
    %dma_wait3A_76 = tpu.memref_squeeze %dma_wait3A_75 : memref<1x4096xi32, #tpu.memory_space<hbm>> -> memref<4096xi32, #tpu.memory_space<hbm>>
    tpu.wait_dma2 semaphore(%arg10 : memref<!tpu.dma_semaphore, #tpu.memory_space<semaphore_mem>>) src(%dma_wait3A_76 : memref<4096xi32, #tpu.memory_space<hbm>>) dst(%dma_wait3A_73 : memref<4096xf32, #tpu.memory_space<vmem>>)
    return
  }
}

module attributes {stable_mosaic.version = 14 : i64} {
  func.func @_fps_body(%arg0: memref<4x4096xf32, #tpu.memory_space<vmem>>, %arg1: memref<4x4096xf32, #tpu.memory_space<vmem>>, %arg2: memref<4x4096xf32, #tpu.memory_space<vmem>>, %arg3: memref<1024x4x4xf32, #tpu.memory_space<vmem>>) attributes {dimension_semantics = [], scalar_prefetch = 0 : i64, scratch_operands = 0 : i64, tpu.core_type = #tpu.core_type<tc>} {
    %get3A = arith.constant 0 : index
    %get3A_0 = arith.constant 0 : index
    %get3A_1 = vector.load %arg0[%get3A, %get3A_0] : memref<4x4096xf32, #tpu.memory_space<vmem>>, vector<4x4096xf32>
    %get3A_2 = arith.constant 0 : index
    %get3A_3 = arith.constant 0 : index
    %get3A_4 = vector.load %arg1[%get3A_2, %get3A_3] : memref<4x4096xf32, #tpu.memory_space<vmem>>, vector<4x4096xf32>
    %get3A_5 = arith.constant 0 : index
    %get3A_6 = arith.constant 0 : index
    %get3A_7 = vector.load %arg2[%get3A_5, %get3A_6] : memref<4x4096xf32, #tpu.memory_space<vmem>>, vector<4x4096xf32>
    %iota3A = tpu.iota {dimensions = array<i32: 1>} : vector<4x4096xi32>
    %broadcast_in_dim3A = arith.constant 1.000000e+10 : f32
    %broadcast_in_dim3A_8 = vector.broadcast %broadcast_in_dim3A : f32 to vector<4x4096xf32>
    %slice3A = vector.extract_strided_slice %get3A_1 {offsets = [0, 0], sizes = [4, 1], strides = [1, 1]} : vector<4x4096xf32> to vector<4x1xf32>
    %slice3A_9 = vector.extract_strided_slice %get3A_4 {offsets = [0, 0], sizes = [4, 1], strides = [1, 1]} : vector<4x4096xf32> to vector<4x1xf32>
    %slice3A_10 = vector.extract_strided_slice %get3A_7 {offsets = [0, 0], sizes = [4, 1], strides = [1, 1]} : vector<4x4096xf32> to vector<4x1xf32>
    %scan3A = arith.constant 0 : i32
    %scan3A_11 = arith.constant 1024 : i32
    %scan3A_12 = arith.addi %scan3A, %scan3A_11 : i32
    %scan3A_13 = arith.constant 1 : i32
    %scan3A_14:4 = scf.for %scan3A_16 = %scan3A to %scan3A_12 step %scan3A_13 iter_args(%scan3A_17 = %broadcast_in_dim3A_8, %scan3A_18 = %slice3A, %scan3A_19 = %slice3A_9, %scan3A_20 = %slice3A_10) -> (vector<4x4096xf32>, vector<4x1xf32>, vector<4x1xf32>, vector<4x1xf32>)  : i32 {
      %broadcast_in_dim3A_21 = arith.constant 0.000000e+00 : f32
      %broadcast_in_dim3A_22 = vector.broadcast %broadcast_in_dim3A_21 : f32 to vector<4x1xf32>
      %concatenate3A = tpu.concatenate %scan3A_18, %scan3A_19, %scan3A_20, %broadcast_in_dim3A_22 in 1 : vector<4x1xf32>, vector<4x1xf32>, vector<4x1xf32>, vector<4x1xf32> -> vector<4x4xf32>
      %broadcast_in_dim3A_23 = vector.shape_cast %concatenate3A : vector<4x4xf32> to vector<1x4x4xf32>
      %swap3A = arith.index_cast %scan3A_16 : i32 to index
      %swap3A_24 = arith.constant 0 : index
      %swap3A_25 = arith.constant 0 : index
      %swap3A_26 = vector.load %arg3[%swap3A, %swap3A_24, %swap3A_25] : memref<1024x4x4xf32, #tpu.memory_space<vmem>>, vector<1x4x4xf32>
      tpu.vector_store %arg3[%swap3A, %swap3A_24, %swap3A_25], %broadcast_in_dim3A_23 {strides = array<i32>} : memref<1024x4x4xf32, #tpu.memory_space<vmem>>, vector<1x4x4xf32>,
      %sub3A = vector.broadcast %scan3A_18 : vector<4x1xf32> to vector<4x4096xf32>
      %sub3A_27 = arith.subf %get3A_1, %sub3A : vector<4x4096xf32>
      %sub3A_28 = vector.broadcast %scan3A_19 : vector<4x1xf32> to vector<4x4096xf32>
      %sub3A_29 = arith.subf %get3A_4, %sub3A_28 : vector<4x4096xf32>
      %sub3A_30 = vector.broadcast %scan3A_20 : vector<4x1xf32> to vector<4x4096xf32>
      %sub3A_31 = arith.subf %get3A_7, %sub3A_30 : vector<4x4096xf32>
      %mul3A = arith.mulf %sub3A_27, %sub3A_27 : vector<4x4096xf32>
      %mul3A_32 = arith.mulf %sub3A_29, %sub3A_29 : vector<4x4096xf32>
      %add3A = arith.addf %mul3A, %mul3A_32 : vector<4x4096xf32>
      %mul3A_33 = arith.mulf %sub3A_31, %sub3A_31 : vector<4x4096xf32>
      %add3A_34 = arith.addf %add3A, %mul3A_33 : vector<4x4096xf32>
      %min3A = arith.minimumf %scan3A_17, %add3A_34 : vector<4x4096xf32>
      %reduce_max3A = arith.constant dense<0xFF800000> : vector<4xf32>
      %reduce_max3A_35 = vector.multi_reduction <maximumf>, %min3A, %reduce_max3A [1] : vector<4x4096xf32> to vector<4xf32>
      %broadcast_in_dim3A_36 = vector.shape_cast %reduce_max3A_35 : vector<4xf32> to vector<4x1xf32>
      %eq3A = vector.broadcast %broadcast_in_dim3A_36 : vector<4x1xf32> to vector<4x4096xf32>
      %eq3A_37 = arith.cmpf oeq, %min3A, %eq3A : vector<4x4096xf32>
      %jit3A = arith.constant 4096 : i32
      %broadcast_in_dim3A_38 = vector.broadcast %jit3A : i32 to vector<4x4096xi32>
      %select_n3A = arith.select %eq3A_37, %iota3A, %broadcast_in_dim3A_38 : vector<4x4096xi1>, vector<4x4096xi32>
      %reduce_min3A = arith.constant dense<2147483647> : vector<4xi32>
      %reduce_min3A_39 = vector.multi_reduction <minsi>, %select_n3A, %reduce_min3A [1] : vector<4x4096xi32> to vector<4xi32>
      %broadcast_in_dim3A_40 = vector.shape_cast %reduce_min3A_39 : vector<4xi32> to vector<4x1xi32>
      %eq3A_41 = vector.broadcast %broadcast_in_dim3A_40 : vector<4x1xi32> to vector<4x4096xi32>
      %eq3A_42 = arith.cmpi eq, %iota3A, %eq3A_41 : vector<4x4096xi32>
      %jit3A_43 = arith.constant 0.000000e+00 : f32
      %broadcast_in_dim3A_44 = vector.broadcast %jit3A_43 : f32 to vector<4x4096xf32>
      %select_n3A_45 = arith.select %eq3A_42, %get3A_1, %broadcast_in_dim3A_44 : vector<4x4096xi1>, vector<4x4096xf32>
      %reduce_sum3A = arith.constant dense<0.000000e+00> : vector<4xf32>
      %reduce_sum3A_46 = vector.multi_reduction <add>, %select_n3A_45, %reduce_sum3A [1] : vector<4x4096xf32> to vector<4xf32>
      %broadcast_in_dim3A_47 = vector.shape_cast %reduce_sum3A_46 : vector<4xf32> to vector<4x1xf32>
      %jit3A_48 = arith.constant 0.000000e+00 : f32
      %broadcast_in_dim3A_49 = vector.broadcast %jit3A_48 : f32 to vector<4x4096xf32>
      %select_n3A_50 = arith.select %eq3A_42, %get3A_4, %broadcast_in_dim3A_49 : vector<4x4096xi1>, vector<4x4096xf32>
      %reduce_sum3A_51 = arith.constant dense<0.000000e+00> : vector<4xf32>
      %reduce_sum3A_52 = vector.multi_reduction <add>, %select_n3A_50, %reduce_sum3A_51 [1] : vector<4x4096xf32> to vector<4xf32>
      %broadcast_in_dim3A_53 = vector.shape_cast %reduce_sum3A_52 : vector<4xf32> to vector<4x1xf32>
      %jit3A_54 = arith.constant 0.000000e+00 : f32
      %broadcast_in_dim3A_55 = vector.broadcast %jit3A_54 : f32 to vector<4x4096xf32>
      %select_n3A_56 = arith.select %eq3A_42, %get3A_7, %broadcast_in_dim3A_55 : vector<4x4096xi1>, vector<4x4096xf32>
      %reduce_sum3A_57 = arith.constant dense<0.000000e+00> : vector<4xf32>
      %reduce_sum3A_58 = vector.multi_reduction <add>, %select_n3A_56, %reduce_sum3A_57 [1] : vector<4x4096xf32> to vector<4xf32>
      %broadcast_in_dim3A_59 = vector.shape_cast %reduce_sum3A_58 : vector<4xf32> to vector<4x1xf32>
      scf.yield %min3A, %broadcast_in_dim3A_47, %broadcast_in_dim3A_53, %broadcast_in_dim3A_59 : vector<4x4096xf32>, vector<4x1xf32>, vector<4x1xf32>, vector<4x1xf32>
    }
    %scan3A_15 = arith.constant 1024 : i32
    return
  }
}

</mosaic_0001>

<sc_bundles>
// kernel: kernel.5.cloned.1.call-start
scs
__scs_entry_jumppad:
0x0: {  	(pc) =	sbr.rel $0x88, $3  }
0x1: {  	(tag) =	ssettag $0x0;
	lr =	simm.s32 $0x1  }
0x2: {  	[smem:$0x3F9F] =	sst lr;
	_ =	strace $0xD0000000  }
0x3: {  	_ = 	snop  }
0x4: {  	_ = 	snop  }
0x5: {  	_ = 	snop  }
0x6: {  	_ = 	snop  }
0x7: {  	_ = 	snop  }
__scs_overlays_trampoline_lowered:
0x8: {  	[smem:$0x3FAE] =	sst s0  }
0x9: {  	[smem:$0x3FAF] =	sst s1  }
0xa: {  	[smem:$0x3FB0] =	sst s2  }
0xb: {  	[smem:$0x3FB1] =	sst s3  }
0xc: {  	[smem:$0x3FB2] =	sst s4  }
0xd: {  	[smem:$0x3FB3] =	sst s5  }
0xe: {  	[smem:$0x3FB4] =	sst s6  }
0xf: {  	[smem:$0x3FB5] =	sst s7  }
0x10: {  	[smem:$0x3FB6] =	sst s8  }
0x11: {  	[smem:$0x3FB7] =	sst s9;
	s0 =	simm.s32 @!p0 $0x0  }
0x12: {  	s1 =	sld [smem:$0x3F9D];
	s0 =	simm.s32 @p0 $0x1  }
0x13: {  	[smem:$0x3FB8] =	sst s0;
	s0 =	simm.s32 @!p1 $0x0  }
0x14: {  	s2 =	sld [smem:$0x3F9C];
	s0 =	simm.s32 @p1 $0x1  }
0x15: {  	[smem:$0x3FB9] =	sst s0;
	s0 =	simm.s32 @!p2 $0x0  }
0x16: {  	s3 =	sld [smem:$0x3FDB];
	s0 =	simm.s32 @p2 $0x1  }
0x17: {  	s4 =	simm.s32 $0x1BF5;
	[smem:$0x3FBB] =	sst s0  }
0x18: {  	s0 =	sld [smem:$0x3F9E];
	_ =	swait.ge [sflag:s4], $0x0  }
0x19: {  	s7 =	sld [smem:$0x3F9F]  }
0x1a: {  	s8 =	sadd.s32 $0xFFFFE003, lr  }
0x1b: {  	s9 =	sadd.s32 $0xFFFFFEF7, lr;
	s5 =	simm.s32 $0xFFFFFFFF;
	p2 =	slt.u32 s8, $0xFFFFF086  }
0x1c: {  	p1 =	slt.u32 s9, $0xF7A;
	s5 =	simm.s32 @!p2 $0x0  }
0x1d: {  	s5 =	simm.s32 @p1 $0x1;
	p0 =	seq.s32 s7, s2  }
0x1e: {  	s7 =	smul.u32 @!p0 $0xF7A, s2;
	p2 =	seq.s32 @!p0 s5, $0x0  }
0x1f: {  	s9 =	smul.u32 $0xF7A, s1;
	s8 =	simm.s32 @!p0 $0x1BF5;
	p2 =	por !p2, p0  }
0x20: {  	[sflag:s8] =	ssyncset.s32 @!p0 $0xFFFFF086;
	s6 =	sadd.s32 @!p0 s3, s7;
	s7 =	simm.s32 @!p0 $0x108  }
0x21: {  	s3 =	sadd.s32 s3, s9;
	s6 =	sadd.s32 @!p0 $0x88, s6;
	s7 =	simm.s32 @p2 $0x1082  }
0x22: {  	[simem:s7], [sflag:s8] =	dma.local @!p0 [hbm:s6], $0xF7A  }
0x23: {  	s9 =	sor.u32 $0xD0000000, s2;
	s6 =	simm.s32 $0x108;
	_ =	swait.ge @!p0 [sflag:s8], $0x0  }
0x24: {  	s3 =	sadd.s32 $0x88, s3;
	s6 =	simm.s32 @!p1 $0x1082;
	[sflag:s4] =	ssyncset.s32 $0xFFFFF086  }
0x25: {  	[simem:s6], [sflag:s4] =	dma.local [hbm:s3], $0xF7A  }
0x26: {  	[smem:$0x3F9F] =	sst s1;
	(tag) =	ssettag s2;
	_ =	strace s9  }
0x27: {  	s1 =	sld [smem:$0x3FAF]  }
0x28: {  	s2 =	sld [smem:$0x3FB0]  }
0x29: {  	s4 =	sld [smem:$0x3FB2]  }
0x2a: {  	p0 =	seq.s32 s5, $0x0;
	s5 =	sld [smem:$0x3FB3]  }
0x2b: {  	s6 =	sld [smem:$0x3FB4]  }
0x2c: {  	s7 =	sld [smem:$0x3FB5]  }
0x2d: {  	s3 =	simm.s32 $0x108;
	s8 =	sld [smem:$0x3FB6]  }
0x2e: {  	s3 =	simm.s32 @!p0 $0x1082;
	s9 =	sld [smem:$0x3FB7]  }
0x2f: {  	lr =	sadd.s32 s0, s3;
	s0 =	sld [smem:$0x3FAE]  }
0x30: {  	s3 =	sld [smem:$0x3FB1]  }
0x31: {  	[smem:$0x3FBA] =	sst s10  }
0x32: {  	s10 =	sld [smem:$0x3FB8];
	_ =	sdelay $0x3  }
0x33: {  	p0 =	seq.s32 s10, $0x1;
	s10 =	sld [smem:$0x3FBA];
	_ =	sdelay $0x3  }
0x34: {  	[smem:$0x3FBA] =	sst s10  }
0x35: {  	s10 =	sld [smem:$0x3FB9];
	_ =	sdelay $0x3  }
0x36: {  	p1 =	seq.s32 s10, $0x1;
	s10 =	sld [smem:$0x3FBA];
	_ =	sdelay $0x3  }
0x37: {  	[smem:$0x3FBA] =	sst s10  }
0x38: {  	s10 =	sld [smem:$0x3FBB]  }
0x39: {  	_ = 	snop;
	(pc) =	sbr.ind lr, $3  }
0x3a: {  	_ = 	snop  }
0x3b: {  	_ = 	snop  }
0x3c: {  	p2 =	seq.s32 s10, $0x1;
	s10 =	sld [smem:$0x3FBA]  }
0x3d: {  	_ =	shalt  }
0x3e: {  	_ =	shalt  }
0x3f: {  	_ =	shalt  }
0x40: {  	_ =	shalt  }
0x41: {  	_ =	shalt  }
0x42: {  	_ =	shalt  }
0x43: {  	_ =	shalt  }
0x44: {  	_ =	shalt  }
0x45: {  	_ =	shalt  }
0x46: {  	_ =	shalt  }
0x47: {  	_ =	shalt  }
0x48: {  	_ =	shalt  }
0x49: {  	_ =	shalt  }
0x4a: {  	_ =	shalt  }
0x4b: {  	_ =	shalt  }
0x4c: {  	_ =	shalt  }
0x4d: {  	_ =	shalt  }
0x4e: {  	_ =	shalt  }
0x4f: {  	_ =	shalt  }
0x50: {  	_ =	shalt  }
0x51: {  	_ =	shalt  }
0x52: {  	_ =	shalt  }
0x53: {  	_ =	shalt  }
0x54: {  	_ =	shalt  }
0x55: {  	_ =	shalt  }
0x56: {  	_ =	shalt  }
0x57: {  	_ =	shalt  }
0x58: {  	_ =	shalt  }
0x59: {  	_ =	shalt  }
0x5a: {  	_ =	shalt  }
0x5b: {  	_ =	shalt  }
0x5c: {  	_ =	shalt  }
0x5d: {  	_ =	shalt  }
0x5e: {  	_ =	shalt  }
0x5f: {  	_ =	shalt  }
0x60: {  	_ =	shalt  }
0x61: {  	_ =	shalt  }
0x62: {  	_ =	shalt  }
0x63: {  	_ =	shalt  }
0x64: {  	_ =	shalt  }
0x65: {  	_ =	shalt  }
0x66: {  	_ =	shalt  }
0x67: {  	_ =	shalt  }
0x68: {  	_ =	shalt  }
0x69: {  	_ =	shalt  }
0x6a: {  	_ =	shalt  }
0x6b: {  	_ =	shalt  }
0x6c: {  	_ =	shalt  }
0x6d: {  	_ =	shalt  }
0x6e: {  	_ =	shalt  }
0x6f: {  	_ =	shalt  }
0x70: {  	_ =	shalt  }
0x71: {  	_ =	shalt  }
0x72: {  	_ =	shalt  }
0x73: {  	_ =	shalt  }
0x74: {  	_ =	shalt  }
0x75: {  	_ =	shalt  }
0x76: {  	_ =	shalt  }
0x77: {  	_ =	shalt  }
0x78: {  	_ =	shalt  }
0x79: {  	_ =	shalt  }
0x7a: {  	_ =	shalt  }
0x7b: {  	_ =	shalt  }
0x7c: {  	_ =	shalt  }
0x7d: {  	_ =	shalt  }
0x7e: {  	_ =	shalt  }
0x7f: {  	_ =	shalt  }
0x80: {  	_ =	shalt  }
0x81: {  	_ =	shalt  }
0x82: {  	_ =	shalt  }
0x83: {  	_ =	shalt  }
0x84: {  	_ =	shalt  }
0x85: {  	_ =	shalt  }
0x86: {  	_ =	shalt  }
0x87: {  	_ =	shalt  }
.Lfunc_end0:
.L_simem_size_0:
called_computation_lowered:
.L_overlay_start_0:
0x88: {  	s2 =	sld [smem:$0x3FD9]  }
0x89: {  	s3 =	sld [smem:$0x3FFE];
	_ =	sdelay $0x1  }
0x8a: {  	s1 =	srdreg.scid  }
0x8b: {  	s0 =	sand.u32 $0x1, s1  }
0x8c: {  	s16 =	sshll.u32 s0, $0xA;
	s2 =	sadd.s32 s3, s2  }
0x8d: {  	s2 =	sadd.s32 s2, s16  }
0x8e: {  	[smem:$0x3FC6] =	sst s2  }
0x8f: {  	_ = 	snop  }
0x90: {  	(tm) =	ssettm $0x1  }
0x91: {  	s17 =	sld [smem:$0x3FFB];
	_ =	sdelay $0x3  }
0x92: {  	_ =	strace s17  }
0x93: {  	s2 =	sld [smem:$0x3FFC];
	_ =	sdelay $0x3  }
0x94: {  	_ =	strace s2  }
0x95: {  	s2 =	sld [smem:$0x3FFD];
	_ =	sdelay $0x3  }
0x96: {  	_ =	strace s2  }
0x97: {  	_ =	strace $0x8FFFFFFF  }
0x98: {  	s18 =	sld [smem:$0x3FDB];
	_ =	sdelay $0x1  }
0x99: {  	s19 =	simm.s32 $_scs_section_size  }
0x9a: {  	s4 =	simm.s32 $_size__tile_overlayer_lowered;
	s5 =	simm.s32 $_tile_overlayer_lowered  }
0x9b: {  	s22 =	simm.s32 $0x1BFF;
	s21 =	sshll.u32 s5, $0x1;
	s2 =	sadd.s32 s19, s18  }
0x9c: {  	s6 =	simm.s32 $0x0;
	s20 =	sshll.u32 s4, $0x1;
	s4 =	sadd.s32 s21, s2  }
0x9d: {  	[timem:s6], [sflag:s22] =	dma.local [hbm:s4], s20  }
0x9e: {  	_ =	swait.ge [sflag:s22], s20  }
0x9f: {  	s3 =	ssub.s32 $0x0, s20;
	[sflag:s22] =	ssyncset.done $0x0  }
0xa0: {  	[sflag:s22] =	ssyncadd.s32 s3;
	_ =	sdelay $0x1  }
0xa1: {  	s23 =	simm.s32 $0x1B8B  }
0xa2: {  	_ =	swait.ge [sflag:s23], $0x1  }
0xa3: {  	[sflag:s23] =	ssyncset.done $0x0  }
0xa4: {  	s25 =	simm.s32 $0x1B8E;
	s24 =	sld [smem:$0x3FFE];
	[sflag:s23] =	ssyncadd.s32 $0xFFFFFFFF  }
0xa5: {  	s26 =	simm.s32 $execute0_lowered;
	[smem:$0x3FD2] =	sst s25  }
0xa6: {  	s4 =	sshll.u32 s26, $0x1;
	_ =	strace $0x80000046;
	[dreg:$0x1] =	wrdreg $0xFFFFFFFF  }
0xa7: {  	s28 =	simm.s32 $_size_execute0_lowered;
	s2 =	sadd.s32 s2, s4;
	[dreg:$0x0] =	wrdreg $0x0  }
0xa8: {  	s4 =	sshll.u32 s28, $0x1;
	[dreg:$0x2] =	wrdreg s2  }
0xa9: {  	[dreg:$0x3] =	wrdreg s4  }
0xaa: {  	[dreg:$0x4] =	wrdreg $0xC0  }
0xab: {  	_ =	task [dreg:s6], $0x5FFFF  }
0xac: {  	[dreg:$0x1] =	wrdreg $0xFFFFFFFF  }
0xad: {  	[dreg:$0x0] =	wrdreg $0x60  }
0xae: {  	[dreg:$0x2] =	wrdreg s24  }
0xaf: {  	[dreg:$0x3] =	wrdreg $0x9  }
0xb0: {  	_ =	task.clear_ibuf [dreg:s6], $0x4FFFF;
	_ =	strace $0x90000046  }
0xb1: {  	s29 =	simm.s32 $0x9;
	_ =	strace $0x80000048  }
0xb2: {  	_ =	swait.ge [sflag:s29], $0x1  }
0xb3: {  	[sflag:s29] =	ssyncadd.s32 $0xFFFFFFFF  }
0xb4: {  	_ =	strace $0x90000048  }
0xb5: {  	_ =	sfence  }
0xb6: {  	s30 =	sld [smem:$0x0];
	_ =	sdelay $0x2  }
0xb7: {  	s31 =	sshll.u32 s1, $0xD;
	s1 =	sshrl.u32 s1, $0x2  }
0xb8: {  	s3 =	sand.u32 $0x4000, s31;
	s1 =	sadd.s32 s1, s30  }
0xb9: {  	s0 =	sor.u32 s3, s0;
	s1 =	sshll.u32 s1, $0x11  }
0xba: {  	s0 =	sor.u32 s1, s0  }
0xbb: {  	s0 =	sadd.s32 $0x8F2B, s0  }
0xbc: {  	[sflag:s0] =	ssyncadd.remote.s32 $0x1  }
0xbd: {  	_ =	sfence.sel $0xFFFF  }
0xbe: {  	[dreg:$0x0] =	wrdreg $0xFFFFFFFF;
	(pc) =	sbr.abs _section_cstart, $3  }
0xbf: {  	[dreg:$0x1] =	wrdreg $0xFFFFFFFF  }
0xc0: {  	_ =	task.clear_ibuf [dreg:s6], $0x2FFFF;
	_ =	strace $0x9FFFFFFF  }
0xc1: {  	(tm) =	ssettm $0x7FFFFFFF  }
tec
execute0_lowered:
.L_overlay_start_1:
0x0: {  	(tag) =	ssettag $0x1  }
0x1: {  	s0 =	stileid.u32;
	s3 =	rddreg [dreg:$0x0]  }
0x2: {  	s2 =	srdreg.scid;
	s12 =	simm.s32 $0x80;
	s13 =	simm.s32 $0x200  }
0x3: {  	s14 =	simm.s32 $0x1;
	s15 =	simm.s32 $0x1000;
	s16 =	simm.s32 $0x2000  }
0x4: {  	s17 =	simm.s32 $0x3000;
	s18 =	simm.s32 $0x3080;
	s19 =	simm.s32 $0x3100  }
0x5: {  	s20 =	simm.s32 $0x3180;
	s21 =	simm.s32 $0x3980;
	s22 =	simm.s32 $0x5980  }
0x6: {  	s23 =	simm.s32 $0x400;
	s24 =	simm.s32 $0x0;
	s4 =	sshll.u32 s0, $0x1  }
0x7: {  	s5 =	sand.u32 $0x1, s2;
	s2 =	simm.s32 $0x0;
	s6 =	sshrl.u32 s0, $0x2  }
0x8: {  	s4 =	sand.u32 $0x6, s4;
	[smem:$0x7FF] =	sst s2;
	s7 =	sshll.u32 s6, $0x4  }
0x9: {  	s9 =	sshll.u32 s6, $0x10;
	s6 =	smul.u32 $0x30000, s6;
	s4 =	sor.u32 s5, s4  }
0xa: {  	_ =	strace $0x80000047;
	s5 =	ssub.s32 $0x2, s5;
	s8 =	sshll.u32 s4, $0x6  }
0xb: {  	s4 =	sshll.u32 s4, $0xA;
	s31 =	sshrl.u32 s5, $0x1;
	s8 =	sor.u32 s7, s8  }
0xc: {  	s7 =	sadd.s32 s7, s3;
	s9 =	sor.u32 s9, s4;
	s4 =	sor.u32 s6, s4  }
0xd: {  	s11 =	ssub.s32 s5, s31;
	s8 =	sadd.s32 s8, s3;
	s9 =	sshrl.u32 s9, $0x3  }
0xe: {  	s4 =	sshrl.u32 s4, $0x3;
	s5 =	sadd.s32 $0x1E00, s7;
	s11 =	smax.u32 s11, $0x1  }
0xf: {  	s9 =	sadd.s32 s9, s3;
	s10 =	sadd.s32 s4, s3;
	s3 =	sadd.s32 $0x1600, s7  }
0x10: {  	v0 =	vlaneseq.u32;
	s4 =	sadd.s32 $0x2600, s7;
	s6 =	sadd.s32 $0x3200, s8;
	s7 =	sadd.s32 $0x3000, s8  }
0x11: {  	v2 =	vimm.s32 $0x0;
	v1 =	vmul.u32 $0x80, v0;
	s8 =	sadd.s32 $0x2E00, s8;
	s9 =	sadd.s32 $0x3400, s9;
	s10 =	sadd.s32 $0xB400, s10  }
.LBB2_1:
0x12: {  	[tilespmem:s2], [sflag:$0x1] =	stream.strided.gather [hbm4b:s3+s12], $0x1000, s13, s12, $0x38;
	[tilespmem:$0xB980] =	vst v63  }
0x13: {  	_ =	swait.ge [sflag:s14], $0x1000  }
0x14: {  	[sflag:s14] =	ssyncset.done $0x0  }
0x15: {  	[sflag:s14] =	ssyncadd.s32 $0xFFFFF000  }
0x16: {  	[tilespmem:s15], [sflag:$0x1] =	stream.strided.gather [hbm4b:s4+s12], $0x1000, s13, s12, $0x38;
	[tilespmem:$0xB980] =	vst v63  }
0x17: {  	_ =	swait.ge [sflag:s14], $0x1000  }
0x18: {  	[sflag:s14] =	ssyncset.done $0x0  }
0x19: {  	[sflag:s14] =	ssyncadd.s32 $0xFFFFF000  }
0x1a: {  	[tilespmem:s16], [sflag:$0x1] =	stream.strided.gather [hbm4b:s5+s12], $0x1000, s13, s12, $0x38;
	[tilespmem:$0xB980] =	vst v63  }
0x1b: {  	_ =	swait.ge [sflag:s14], $0x1000  }
0x1c: {  	[sflag:s14] =	ssyncset.done $0x0  }
0x1d: {  	[sflag:s14] =	ssyncadd.s32 $0xFFFFF000  }
0x1e: {  	[tilespmem:s17], [sflag:$0x1] =	stream.linear.gather [hbm4b:s6+s2], $0x80, $0x38;
	[tilespmem:$0xB980] =	vst v63  }
0x1f: {  	_ =	swait.ge [sflag:s14], $0x80  }
0x20: {  	[sflag:s14] =	ssyncset.done $0x0  }
0x21: {  	[sflag:s14] =	ssyncadd.s32 $0xFFFFFF80  }
0x22: {  	[tilespmem:s18], [sflag:$0x1] =	stream.linear.gather [hbm4b:s7+s2], $0x80, $0x38;
	[tilespmem:$0xB980] =	vst v63  }
0x23: {  	_ =	swait.ge [sflag:s14], $0x80  }
0x24: {  	[sflag:s14] =	ssyncset.done $0x0  }
0x25: {  	[sflag:s14] =	ssyncadd.s32 $0xFFFFFF80  }
0x26: {  	[tilespmem:s19], [sflag:$0x1] =	stream.linear.gather [hbm4b:s8+s2], $0x80, $0x38;
	[tilespmem:$0xB980] =	vst v63  }
0x27: {  	_ =	swait.ge [sflag:s14], $0x80  }
0x28: {  	[sflag:s14] =	ssyncset.done $0x0  }
0x29: {  	s25 =	simm.s32 $0x0;
	[sflag:s14] =	ssyncadd.s32 $0xFFFFFF80  }
.LBB2_2:
0x2a: {  	s26 =	sshll.u32 s25, $0x4  }
0x2b: {  	v5 =	vld [tilespmem:s26+$0x3000]  }
0x2c: {  	s28 =	simm.s32 $0xF;
	v4 =	vld [tilespmem:s26+$0x3080]  }
0x2d: {  	v6 =	vimm.s32 $0x0;
	s29 =	simm.s32 $0x0;
	s30 =	simm.s32 $0x1000;
	s31 =	simm.s32 $0x2000;
	v3 =	vld [tilespmem:s26+$0x3100]  }
.LBB2_3:
0x2e: {  	v8 =	vld [tilespmem:s29+$0x0]  }
0x2f: {  	v9 =	vld [tilespmem:s30+$0x0]  }
0x30: {  	v7 =	vld [tilespmem:s31+$0x0];
	_ =	sdelay $0x3  }
0x31: {  	v10 =	vbroadcast v8, $0x0;
	v11 =	vbroadcast v9, $0x0  }
0x32: {  	v12 =	vbroadcast v7, $0x0;
	v13 =	vbroadcast v8, $0x1  }
0x33: {  	v14 =	vbroadcast v9, $0x1;
	v28 =	vbroadcast v7, $0x1  }
0x34: {  	v33 =	vbroadcast v8, $0x2;
	v15 =	vbroadcast v9, $0x2  }
0x35: {  	v36 =	vbroadcast v7, $0x2;
	v17 =	vbroadcast v8, $0x3  }
0x36: {  	vm1 =	vlt.s32 v6, $0x7E;
	v18 =	vbroadcast v9, $0x3;
	v41 =	vbroadcast v7, $0x3  }
0x37: {  	v30 =	vnsel vm1, $0x7E, v6;
	v46 =	vbroadcast v8, $0x4;
	v19 =	vbroadcast v9, $0x4  }
0x38: {  	v49 =	vbroadcast v7, $0x4;
	v20 =	vbroadcast v8, $0x5;
	v10 =	vsub.f32 v5, v10  }
0x39: {  	v21 =	vbroadcast v9, $0x5;
	v11 =	vsub.f32 v4, v11;
	v12 =	vsub.f32 v3, v12  }
0x3a: {  	v23 =	vbroadcast v7, $0x5;
	v26 =	vsub.f32 v5, v13;
	v27 =	vsub.f32 v4, v14  }
0x3b: {  	v55 =	vbroadcast v8, $0x6;
	v29 =	vsub.f32 v3, v28;
	v34 =	vsub.f32 v5, v33  }
0x3c: {  	v56 =	vbroadcast v9, $0x6;
	v35 =	vsub.f32 v4, v15;
	v15 =	vsub.f32 v3, v36  }
0x3d: {  	v58 =	vbroadcast v7, $0x6;
	v39 =	vsub.f32 v5, v17;
	v40 =	vsub.f32 v4, v18  }
0x3e: {  	v17 =	vsub.f32 v3, v41;
	v28 =	vbroadcast v8, $0x7;
	v33 =	vbroadcast v8, $0x8  }
0x3f: {  	v57 =	vsub.f32 v4, v56;
	v56 =	vbroadcast v9, $0xC;
	v10 =	vmul.f32 v10, v10  }
0x40: {  	v48 =	vsub.f32 v4, v19;
	v11 =	vmul.f32 v11, v11;
	v25 =	vmul.f32 v12, v12  }
0x41: {  	v19 =	vsub.f32 v3, v49;
	v12 =	vmul.f32 v26, v26;
	v13 =	vmul.f32 v27, v27  }
0x42: {  	v20 =	vsub.f32 v5, v20;
	v14 =	vmul.f32 v35, v35;
	v38 =	vmul.f32 v15, v15  }
0x43: {  	v21 =	vsub.f32 v4, v21;
	v15 =	vmul.f32 v39, v39;
	v44 =	vmul.f32 v17, v17  }
0x44: {  	v47 =	vsub.f32 v5, v46;
	v18 =	vmul.f32 v48, v48;
	v19 =	vmul.f32 v19, v19  }
0x45: {  	v52 =	vsub.f32 v3, v23;
	v53 =	vmul.f32 v20, v20;
	v54 =	vmul.f32 v21, v21  }
0x46: {  	v60 =	vsub.f32 v3, v58;
	v20 =	vmul.f32 v57, v57;
	v39 =	vbroadcast v9, $0x9  }
0x47: {  	v17 =	vsub.f32 v5, v55;
	v48 =	vbroadcast v7, $0xA;
	v55 =	vbroadcast v8, $0xC  }
0x48: {  	v10 =	vadd.f32 v11, v10;
	v12 =	vadd.f32 v13, v12;
	v11 =	vmul.f32 v29, v29  }
0x49: {  	v61 =	vmul.f32 v17, v17;
	v41 =	vsub.f32 v4, v39;
	v49 =	vsub.f32 v3, v48  }
0x4a: {  	v29 =	vbroadcast v9, $0x7;
	v58 =	vsub.f32 v5, v55;
	v10 =	vadd.f32 v25, v10  }
0x4b: {  	v11 =	vadd.f32 v11, v12;
	v12 =	vmul.f32 v34, v34;
	v62 =	vadd.f32 v20, v61  }
0x4c: {  	s1 =	sadd.s32 $0xFFFFFFF1, s28;
	v34 =	vbroadcast v9, $0x8;
	v25 =	vbroadcast v7, $0x8;
	vm0 =	vle.f32 v10, $3.999999910e-02  }
0x4d: {  	v10 =	vmov s1;
	vm1 =	vle.f32 v11, $3.999999910e-02;
	v12 =	vadd.f32 v14, v12  }
0x4e: {  	v23 =	vsub.f32 v4, v34;
	v36 =	vsub.f32 v3, v25;
	v31 =	vsel vm0, $0x1, v2  }
0x4f: {  	s1 =	sadd.s32 $0xFFFFFFF2, s28;
	v16 =	vsel vm1, $0x1, v2;
	v32 =	vadd.s32 v31, v6;
	v6 =	vadd.s32 v1, v30  }
0x50: {  	v14 =	vadd.f32 v38, v12;
	v12 =	vmov s1;
	v30 =	vsub.f32 v5, v28  }
0x51: {  	v31 =	vsub.f32 v4, v29;
	v23 =	vmul.f32 v23, v23;
	v38 =	vbroadcast v8, $0x9  }
0x52: {  	vm2 =	vlt.s32 v32, $0x7E;
	v13 =	vadd.s32 v16, v32;
	v16 =	vmul.f32 v40, v40  }
0x53: {  	s1 =	sadd.s32 $0xFFFFFFF3, s28;
	v37 =	vnsel vm2, $0x7E, v32;
	vm3 =	vlt.s32 v13, $0x7E;
	vm2 =	vle.f32 v14, $3.999999910e-02  }
0x54: {  	v14 =	vmov s1;
	v32 =	vbroadcast v7, $0x7;
	v21 =	vmul.f32 v31, v31  }
0x55: {  	v11 =	vadd.s32 v1, v37;
	v42 =	vnsel vm3, $0x7E, v13;
	v43 =	vsel vm2, $0x1, v2  }
0x56: {  	v15 =	vadd.f32 v16, v15;
	v16 =	vmul.f32 v47, v47;
	v37 =	vmul.f32 v36, v36  }
0x57: {  	v45 =	vadd.s32 v43, v13;
	v13 =	vadd.s32 v1, v42;
	v42 =	vbroadcast v7, $0x9  }
0x58: {  	s1 =	sadd.s32 $0xFFFFFFF4, s28;
	v15 =	vadd.f32 v44, v15;
	vm4 =	vlt.s32 v45, $0x7E;
	v18 =	vadd.f32 v18, v16  }
0x59: {  	v16 =	vmov s1;
	v44 =	vbroadcast v8, $0xA;
	s1 =	sadd.s32 $0xFFFFFFF5, s28;
	v50 =	vnsel vm4, $0x7E, v45  }
0x5a: {  	v43 =	vsub.f32 v3, v42;
	v48 =	vmov s1;
	vm3 =	vle.f32 v15, $3.999999910e-02  }
0x5b: {  	v15 =	vadd.s32 v1, v50;
	v51 =	vadd.f32 v19, v18;
	v19 =	vadd.f32 v54, v53  }
0x5c: {  	v18 =	vmul.f32 v52, v52;
	v46 =	vsub.f32 v5, v44;
	v50 =	vbroadcast v8, $0xB  }
0x5d: {  	v53 =	vbroadcast v7, $0xB;
	v44 =	vbroadcast v9, $0xE;
	v22 =	vsel vm3, $0x1, v2  }
0x5e: {  	v22 =	vadd.s32 v22, v45;
	v18 =	vadd.f32 v18, v19;
	v19 =	vmul.f32 v60, v60  }
0x5f: {  	vm4 =	vle.f32 v51, $3.999999910e-02;
	v45 =	vbroadcast v9, $0xA;
	v51 =	vbroadcast v9, $0xB  }
0x60: {  	v54 =	vsub.f32 v3, v53;
	vm5 =	vlt.s32 v22, $0x7E;
	v24 =	vsel vm4, $0x1, v2  }
0x61: {  	v60 =	vbroadcast v7, $0xC;
	v59 =	vnsel vm5, $0x7E, v22;
	v22 =	vadd.s32 v24, v22  }
0x62: {  	vm5 =	vle.f32 v18, $3.999999910e-02;
	v18 =	vadd.f32 v19, v62;
	v19 =	vmul.f32 v30, v30  }
0x63: {  	v47 =	vsub.f32 v4, v45;
	v52 =	vsub.f32 v4, v51;
	v57 =	vmul.f32 v54, v54  }
0x64: {  	v62 =	vsub.f32 v3, v60;
	v30 =	vbroadcast v9, $0xD;
	v9 =	vbroadcast v9, $0xF  }
0x65: {  	v17 =	vadd.s32 v1, v59;
	vm6 =	vlt.s32 v22, $0x7E;
	v63 =	vsel vm5, $0x1, v2  }
0x66: {  	v59 =	vsub.f32 v4, v56;
	v24 =	vnsel vm6, $0x7E, v22;
	v20 =	vadd.s32 v63, v22  }
0x67: {  	vm6 =	vle.f32 v18, $3.999999910e-02;
	v22 =	vsub.f32 v3, v32;
	v18 =	vsub.f32 v5, v33  }
0x68: {  	v19 =	vadd.f32 v21, v19;
	v21 =	vmul.f32 v41, v41;
	v33 =	vbroadcast v8, $0xD  }
0x69: {  	v36 =	vsub.f32 v4, v30;
	v9 =	vsub.f32 v4, v9;
	vm7 =	vlt.s32 v20, $0x7E  }
0x6a: {  	v26 =	vsel vm6, $0x1, v2;
	v24 =	vadd.s32 v1, v24;
	v35 =	vmul.f32 v22, v22  }
0x6b: {  	v18 =	vmul.f32 v18, v18;
	v25 =	vnsel vm7, $0x7E, v20;
	v22 =	vmul.f32 v47, v47  }
0x6c: {  	v20 =	vadd.s32 v26, v20;
	v47 =	vbroadcast v7, $0xE;
	v9 =	vmul.f32 v9, v9  }
0x6d: {  	vm8 =	vlt.s32 v20, $0x7E;
	v51 =	vadd.s32 v1, v25;
	v19 =	vadd.f32 v35, v19  }
0x6e: {  	v18 =	vadd.f32 v23, v18;
	v26 =	vnsel vm8, $0x7E, v20;
	v35 =	vsub.f32 v5, v33  }
0x6f: {  	v30 =	vsub.f32 v3, v47;
	v53 =	vadd.s32 v1, v26;
	vm7 =	vle.f32 v19, $3.999999910e-02  }
0x70: {  	v18 =	vadd.f32 v37, v18;
	v19 =	vsub.f32 v5, v38;
	v40 =	vsel vm7, $0x1, v2  }
0x71: {  	v37 =	vbroadcast v7, $0xD;
	v7 =	vbroadcast v7, $0xF;
	v20 =	vadd.s32 v40, v20  }
0x72: {  	vm8 =	vle.f32 v18, $3.999999910e-02;
	v19 =	vmul.f32 v19, v19;
	v18 =	vmul.f32 v43, v43  }
0x73: {  	v39 =	vsub.f32 v3, v37;
	v43 =	vbroadcast v8, $0xE;
	v8 =	vbroadcast v8, $0xF  }
0x74: {  	v7 =	vsub.f32 v3, v7;
	vm9 =	vlt.s32 v20, $0x7E;
	v27 =	vsel vm8, $0x1, v2  }
0x75: {  	v19 =	vadd.f32 v21, v19;
	v28 =	vnsel vm9, $0x7E, v20;
	v20 =	vadd.s32 v27, v20  }
0x76: {  	v21 =	vmul.f32 v46, v46;
	v45 =	vsub.f32 v5, v43;
	v46 =	vsub.f32 v4, v44  }
0x77: {  	v8 =	vsub.f32 v5, v8;
	v7 =	vmul.f32 v7, v7;
	vm10 =	vlt.s32 v20, $0x7E  }
0x78: {  	v55 =	vadd.s32 v1, v28;
	v18 =	vadd.f32 v18, v19;
	v21 =	vadd.f32 v22, v21  }
0x79: {  	s1 =	sadd.s32 $0xFFFFFFF6, s28;
	v19 =	vmul.f32 v49, v49;
	v27 =	vnsel vm10, $0x7E, v20;
	v22 =	vmul.f32 v52, v52  }
0x7a: {  	v49 =	vmov s1;
	vm9 =	vle.f32 v18, $3.999999910e-02;
	v18 =	vsub.f32 v5, v50  }
0x7b: {  	s1 =	sadd.s32 $0xFFFFFFF7, s28;
	v8 =	vmul.f32 v8, v8;
	v19 =	vadd.f32 v19, v21;
	v21 =	vmul.f32 v58, v58  }
0x7c: {  	v52 =	vmov s1;
	s1 =	sadd.s32 $0xFFFFFFF8, s28;
	v50 =	vmul.f32 v30, v30;
	v18 =	vmul.f32 v18, v18  }
0x7d: {  	v54 =	vmov s1;
	s1 =	sadd.s32 $0xFFFFFFF9, s28;
	v8 =	vadd.f32 v9, v8;
	v29 =	vsel vm9, $0x1, v2  }
0x7e: {  	v56 =	vmov s1;
	v20 =	vadd.s32 v29, v20;
	v18 =	vadd.f32 v22, v18  }
0x7f: {  	vm10 =	vle.f32 v19, $3.999999910e-02;
	v19 =	vmul.f32 v62, v62;
	v22 =	vmul.f32 v59, v59  }
0x80: {  	v7 =	vadd.f32 v7, v8;
	v61 =	vsel vm10, $0x1, v2;
	v18 =	vadd.f32 v57, v18  }
0x81: {  	v34 =	vadd.f32 v22, v21;
	v21 =	vmul.f32 v35, v35;
	v22 =	vmul.f32 v36, v36  }
0x82: {  	vm12 =	vlt.s32 v20, $0x7E;
	v63 =	vadd.s32 v61, v20;
	vm11 =	vle.f32 v18, $3.999999910e-02  }
0x83: {  	v18 =	vadd.f32 v19, v34;
	v41 =	vadd.f32 v22, v21;
	v19 =	vmul.f32 v39, v39  }
0x84: {  	v20 =	vnsel vm12, $0x7E, v20;
	vm13 =	vlt.s32 v63, $0x7E;
	v22 =	vmul.f32 v46, v46  }
0x85: {  	vm12 =	vle.f32 v18, $3.999999910e-02;
	v18 =	vadd.f32 v19, v41;
	v19 =	vmul.f32 v45, v45  }
0x86: {  	[tilespmem:v6+s20+$0x0] =	vst.idx.msk vm0, v10;
	v58 =	vadd.s32 v1, v20;
	v40 =	vnsel vm13, $0x7E, v63;
	v57 =	vadd.s32 v1, v27  }
0x87: {  	[tilespmem:v11+s20+$0x0] =	vst.idx.msk vm1, v12;
	s1 =	sadd.s32 $0xFFFFFFFA, s28;
	v59 =	vadd.s32 v1, v40;
	v38 =	vsel vm11, $0x1, v2;
	v6 =	vadd.f32 v22, v19  }
0x88: {  	[tilespmem:v13+s20+$0x0] =	vst.idx.msk vm2, v14;
	v23 =	vadd.s32 v38, v63;
	v63 =	vmov s1;
	v42 =	vsel vm12, $0x1, v2  }
0x89: {  	[tilespmem:v15+s20+$0x0] =	vst.idx.msk vm3, v16;
	vm13 =	vlt.s32 v23, $0x7E;
	v21 =	vadd.s32 v42, v23;
	v6 =	vadd.f32 v50, v6  }
0x8a: {  	[tilespmem:v17+s20+$0x0] =	vst.idx.msk vm4, v48;
	v23 =	vnsel vm13, $0x7E, v23;
	vm13 =	vle.f32 v18, $3.999999910e-02;
	vm15 =	vlt.s32 v21, $0x7E  }
0x8b: {  	[tilespmem:v24+s20+$0x0] =	vst.idx.msk vm5, v49;
	v61 =	vadd.s32 v1, v23;
	vm4 =	vle.f32 v6, $3.999999910e-02;
	v6 =	vsel vm13, $0x1, v2  }
0x8c: {  	[tilespmem:v51+s20+$0x0] =	vst.idx.msk vm6, v52;
	v60 =	vnsel vm15, $0x7E, v21;
	v6 =	vadd.s32 v6, v21;
	v8 =	vsel vm4, $0x1, v2  }
0x8d: {  	[tilespmem:v53+s20+$0x0] =	vst.idx.msk vm7, v54;
	vm15 =	vle.f32 v7, $3.999999910e-02;
	vm6 =	vlt.s32 v6, $0x7E;
	v8 =	vadd.s32 v8, v6  }
0x8e: {  	[tilespmem:v55+s20+$0x0] =	vst.idx.msk vm8, v56;
	s1 =	sadd.s32 $0xFFFFFFFB, s28;
	v10 =	vadd.s32 v1, v60;
	v6 =	vnsel vm6, $0x7E, v6;
	vm14 =	vlt.s32 v8, $0x7E  }
0x8f: {  	[tilespmem:v57+s20+$0x0] =	vst.idx.msk vm9, v63;
	v7 =	vmov s1;
	s1 =	sadd.s32 $0xFFFFFFFC, s28;
	v62 =	vnsel vm14, $0x7E, v8;
	v6 =	vadd.s32 v1, v6  }
0x90: {  	p0 =	sne.s32 s28, $0xFFF;
	[tilespmem:v58+s20+$0x0] =	vst.idx.msk vm10, v7;
	v7 =	vmov s1;
	s1 =	sadd.s32 $0xFFFFFFFD, s28;
	v9 =	vadd.s32 v1, v62  }
.Ltmp0:
0x91: {  	[tilespmem:v59+s20+$0x0] =	vst.idx.msk vm11, v7;
	v7 =	vmov s1;
	s1 =	sadd.s32 $0xFFFFFFFE, s28;
	(pc) =	sbr.rel @p0 .LBB2_3-.Ltmp0, $4  }
0x92: {  	[tilespmem:v61+s20+$0x0] =	vst.idx.msk vm12, v7;
	v7 =	vmov s1;
	s1 =	sadd.s32 $0xFFFFFFFF, s28  }
0x93: {  	[tilespmem:v10+s20+$0x0] =	vst.idx.msk vm13, v7;
	v7 =	vmov s1  }
0x94: {  	s29 =	sadd.s32 $0x10, s29;
	[tilespmem:v6+s20+$0x0] =	vst.idx.msk vm4, v7;
	v6 =	vmov s28;
	v7 =	vsel vm15, $0x1, v2  }
0x95: {  	s30 =	sadd.s32 $0x10, s30;
	s31 =	sadd.s32 $0x10, s31;
	s28 =	sadd.s32 $0x10, s28;
	[tilespmem:v9+s20+$0x0] =	vst.idx.msk vm15, v6;
	v6 =	vadd.s32 v7, v8  }
0x96: {  	(v2sf) =	vpush v6, $0x0;
	_ =	sdelay $0xc  }
0x97: {  	v7 =	vld [tilespmem:$0x3180];
	_ =	sdelay $0x1  }
0x98: {  	s1 =	spop (v2sf)  }
0x99: {  	p0 =	slt.s32 s1, $0x40  }
0x9a: {  	s1 =	simm.s32 @!p0 $0x40  }
0x9b: {  	v19 =	vbroadcast v7, $0x0;
	v18 =	vmov s1  }
0x9c: {  	vm0 =	vgt.s32 v18, v0  }
0x9d: {  	v9 =	vsel vm0, v7, v19;
	_ =	sdelay $0x1  }
0x9e: {  	v43 =	vmov s26  }
0x9f: {  	v7 =	vand.u32 $0x70, v43  }
0xa0: {  	v21 =	vbroadcast v7, $0x0  }
0xa1: {  	v10 =	vld.idx.msk [tilespmem:v9+s2+$0x0], $0xffff  }
0xa2: {  	v12 =	vor.u32 v1, v21;
	v11 =	vld.idx.msk [tilespmem:v9+s15+$0x0], $0xffff  }
0xa3: {  	v7 =	vor.u32 $0x2000, v1;
	v13 =	vld.idx.msk [tilespmem:v9+s16+$0x0], $0xffff  }
0xa4: {  	v22 =	vbroadcast v5, $0x0;
	v8 =	vor.u32 $0x4000, v1;
	v14 =	vor.u32 v7, v21  }
0xa5: {  	v23 =	vbroadcast v4, $0x0;
	v15 =	vor.u32 v8, v21  }
0xa6: {  	v24 =	vbroadcast v3, $0x0;
	v10 =	vsub.f32 v10, v22  }
0xa7: {  	[tilespmem:v12+s21+$0x0] =	vst.idx.msk $0xffff, v9;
	v11 =	vsub.f32 v11, v23  }
0xa8: {  	v44 =	vsub.f32 v13, v24;
	[tilespmem:v12+s22+$0x0] =	vst.idx.msk $0xffff, v10  }
0xa9: {  	[tilespmem:v14+s22+$0x0] =	vst.idx.msk $0xffff, v11  }
0xaa: {  	[tilespmem:v15+s22+$0x0] =	vst.idx.msk $0xffff, v44  }
0xab: {  	v10 =	vld [tilespmem:$0x3190];
	_ =	sdelay $0x2  }
0xac: {  	v9 =	vor.u32 $0x10, v0  }
0xad: {  	vm13 =	vgt.s32 v18, v9  }
0xae: {  	v45 =	vsel vm13, v10, v19;
	_ =	sdelay $0x4  }
0xaf: {  	v10 =	vor.u32 $0x800, v1;
	v14 =	vld.idx.msk [tilespmem:v45+s2+$0x0], $0xffff  }
0xb0: {  	v16 =	vor.u32 v10, v21;
	v15 =	vld.idx.msk [tilespmem:v45+s15+$0x0], $0xffff  }
0xb1: {  	v11 =	vor.u32 $0x2800, v1;
	v17 =	vld.idx.msk [tilespmem:v45+s16+$0x0], $0xffff  }
0xb2: {  	v12 =	vor.u32 $0x4800, v1;
	v20 =	vor.u32 v11, v21  }
0xb3: {  	v25 =	vor.u32 v12, v21  }
0xb4: {  	v14 =	vsub.f32 v14, v22  }
0xb5: {  	[tilespmem:v16+s21+$0x0] =	vst.idx.msk $0xffff, v45;
	v15 =	vsub.f32 v15, v23  }
0xb6: {  	v46 =	vsub.f32 v17, v24;
	[tilespmem:v16+s22+$0x0] =	vst.idx.msk $0xffff, v14  }
0xb7: {  	[tilespmem:v20+s22+$0x0] =	vst.idx.msk $0xffff, v15  }
0xb8: {  	[tilespmem:v25+s22+$0x0] =	vst.idx.msk $0xffff, v46  }
0xb9: {  	v14 =	vld [tilespmem:$0x31A0];
	_ =	sdelay $0x2  }
0xba: {  	v13 =	vor.u32 $0x20, v0  }
0xbb: {  	vm14 =	vgt.s32 v18, v13  }
0xbc: {  	v47 =	vsel vm14, v14, v19;
	_ =	sdelay $0x4  }
0xbd: {  	v14 =	vor.u32 $0x1000, v1;
	v20 =	vld.idx.msk [tilespmem:v47+s2+$0x0], $0xffff  }
0xbe: {  	v26 =	vor.u32 v14, v21;
	v25 =	vld.idx.msk [tilespmem:v47+s15+$0x0], $0xffff  }
0xbf: {  	v15 =	vor.u32 $0x3000, v1;
	v27 =	vld.idx.msk [tilespmem:v47+s16+$0x0], $0xffff  }
0xc0: {  	v16 =	vor.u32 $0x5000, v1;
	v28 =	vor.u32 v15, v21  }
0xc1: {  	v29 =	vor.u32 v16, v21  }
0xc2: {  	v20 =	vsub.f32 v20, v22  }
0xc3: {  	[tilespmem:v26+s21+$0x0] =	vst.idx.msk $0xffff, v47;
	v25 =	vsub.f32 v25, v23  }
0xc4: {  	v48 =	vsub.f32 v27, v24;
	[tilespmem:v26+s22+$0x0] =	vst.idx.msk $0xffff, v20  }
0xc5: {  	[tilespmem:v28+s22+$0x0] =	vst.idx.msk $0xffff, v25  }
0xc6: {  	[tilespmem:v29+s22+$0x0] =	vst.idx.msk $0xffff, v48  }
0xc7: {  	v20 =	vld [tilespmem:$0x31B0];
	_ =	sdelay $0x2  }
0xc8: {  	v17 =	vor.u32 $0x30, v0  }
0xc9: {  	vm15 =	vgt.s32 v18, v17  }
0xca: {  	v49 =	vsel vm15, v20, v19;
	_ =	sdelay $0x1  }
0xcb: {  	(v2sf) =	vpush v6, $0x1;
	_ =	sdelay $0x2  }
0xcc: {  	v18 =	vor.u32 $0x1800, v1;
	v26 =	vld.idx.msk [tilespmem:v49+s2+$0x0], $0xffff  }
0xcd: {  	v51 =	vor.u32 v18, v21;
	v50 =	vld.idx.msk [tilespmem:v49+s15+$0x0], $0xffff  }
0xce: {  	v19 =	vor.u32 $0x3800, v1;
	v29 =	vld.idx.msk [tilespmem:v49+s16+$0x0], $0xffff  }
0xcf: {  	v20 =	vor.u32 $0x5800, v1;
	v30 =	vor.u32 v19, v21  }
0xd0: {  	v21 =	vor.u32 v20, v21  }
0xd1: {  	v22 =	vsub.f32 v26, v22  }
0xd2: {  	[tilespmem:v51+s21+$0x0] =	vst.idx.msk $0xffff, v49;
	v23 =	vsub.f32 v50, v23  }
0xd3: {  	v24 =	vsub.f32 v29, v24;
	[tilespmem:v51+s22+$0x0] =	vst.idx.msk $0xffff, v22  }
0xd4: {  	[tilespmem:v30+s22+$0x0] =	vst.idx.msk $0xffff, v23  }
0xd5: {  	[tilespmem:v21+s22+$0x0] =	vst.idx.msk $0xffff, v24  }
0xd6: {  	v21 =	vld [tilespmem:$0x3200];
	_ =	sdelay $0x1  }
0xd7: {  	s1 =	spop (v2sf)  }
0xd8: {  	p0 =	slt.s32 s1, $0x40  }
0xd9: {  	s1 =	simm.s32 @!p0 $0x40  }
0xda: {  	v52 =	vmov s1;
	v53 =	vbroadcast v21, $0x0  }
0xdb: {  	vm4 =	vgt.s32 v52, v0  }
0xdc: {  	v21 =	vsel vm4, v21, v53  }
0xdd: {  	s29 =	sor.u32 $0x1, s26  }
0xde: {  	v54 =	vmov s29  }
0xdf: {  	v24 =	vand.u32 $0x71, v54  }
0xe0: {  	v24 =	vbroadcast v24, $0x0  }
0xe1: {  	v25 =	vld.idx.msk [tilespmem:v21+s2+$0x0], $0xffff  }
0xe2: {  	v56 =	vor.u32 v1, v24;
	v55 =	vld.idx.msk [tilespmem:v21+s15+$0x0], $0xffff  }
0xe3: {  	v28 =	vld.idx.msk [tilespmem:v21+s16+$0x0], $0xffff  }
0xe4: {  	v57 =	vbroadcast v5, $0x1;
	v58 =	vor.u32 v7, v24  }
0xe5: {  	v31 =	vbroadcast v4, $0x1;
	v32 =	vor.u32 v8, v24  }
0xe6: {  	v33 =	vbroadcast v3, $0x1;
	v25 =	vsub.f32 v25, v57  }
0xe7: {  	[tilespmem:v56+s21+$0x0] =	vst.idx.msk $0xffff, v21;
	v26 =	vsub.f32 v55, v31  }
0xe8: {  	v59 =	vsub.f32 v28, v33;
	[tilespmem:v56+s22+$0x0] =	vst.idx.msk $0xffff, v25  }
0xe9: {  	[tilespmem:v58+s22+$0x0] =	vst.idx.msk $0xffff, v26  }
0xea: {  	[tilespmem:v32+s22+$0x0] =	vst.idx.msk $0xffff, v59  }
0xeb: {  	v21 =	vld [tilespmem:$0x3210];
	_ =	sdelay $0x3  }
0xec: {  	vm5 =	vgt.s32 v52, v9  }
0xed: {  	v21 =	vsel vm5, v21, v53;
	_ =	sdelay $0x4  }
0xee: {  	v60 =	vld.idx.msk [tilespmem:v21+s2+$0x0], $0xffff  }
0xef: {  	v62 =	vor.u32 v10, v24;
	v61 =	vld.idx.msk [tilespmem:v21+s15+$0x0], $0xffff  }
0xf0: {  	v63 =	vld.idx.msk [tilespmem:v21+s16+$0x0], $0xffff  }
0xf1: {  	v36 =	vor.u32 v11, v24  }
0xf2: {  	v37 =	vor.u32 v12, v24  }
0xf3: {  	v25 =	vsub.f32 v60, v57  }
0xf4: {  	[tilespmem:v62+s21+$0x0] =	vst.idx.msk $0xffff, v21;
	v26 =	vsub.f32 v61, v31  }
0xf5: {  	v38 =	vsub.f32 v63, v33;
	[tilespmem:v62+s22+$0x0] =	vst.idx.msk $0xffff, v25  }
0xf6: {  	[tilespmem:v36+s22+$0x0] =	vst.idx.msk $0xffff, v26  }
0xf7: {  	[tilespmem:v37+s22+$0x0] =	vst.idx.msk $0xffff, v38  }
0xf8: {  	v21 =	vld [tilespmem:$0x3220];
	_ =	sdelay $0x3  }
0xf9: {  	vm6 =	vgt.s32 v52, v13  }
0xfa: {  	v21 =	vsel vm6, v21, v53;
	_ =	sdelay $0x4  }
0xfb: {  	v25 =	vld.idx.msk [tilespmem:v21+s2+$0x0], $0xffff  }
0xfc: {  	v39 =	vor.u32 v14, v24;
	v26 =	vld.idx.msk [tilespmem:v21+s15+$0x0], $0xffff  }
0xfd: {  	v40 =	vld.idx.msk [tilespmem:v21+s16+$0x0], $0xffff  }
0xfe: {  	v41 =	vor.u32 v15, v24  }
0xff: {  	v42 =	vor.u32 v16, v24  }
0x100: {  	v25 =	vsub.f32 v25, v57  }
0x101: {  	[tilespmem:v39+s21+$0x0] =	vst.idx.msk $0xffff, v21;
	v26 =	vsub.f32 v26, v31  }
0x102: {  	v43 =	vsub.f32 v40, v33;
	[tilespmem:v39+s22+$0x0] =	vst.idx.msk $0xffff, v25  }
0x103: {  	[tilespmem:v41+s22+$0x0] =	vst.idx.msk $0xffff, v26  }
0x104: {  	[tilespmem:v42+s22+$0x0] =	vst.idx.msk $0xffff, v43  }
0x105: {  	v21 =	vld [tilespmem:$0x3230];
	_ =	sdelay $0x3  }
0x106: {  	vm7 =	vgt.s32 v52, v17  }
0x107: {  	v21 =	vsel vm7, v21, v53;
	_ =	sdelay $0x1  }
0x108: {  	(v2sf) =	vpush v6, $0x2;
	_ =	sdelay $0x2  }
0x109: {  	v44 =	vld.idx.msk [tilespmem:v21+s2+$0x0], $0xffff  }
0x10a: {  	v45 =	vor.u32 v18, v24;
	v23 =	vld.idx.msk [tilespmem:v21+s15+$0x0], $0xffff  }
0x10b: {  	v26 =	vld.idx.msk [tilespmem:v21+s16+$0x0], $0xffff  }
0x10c: {  	v46 =	vor.u32 v19, v24  }
0x10d: {  	v24 =	vor.u32 v20, v24  }
0x10e: {  	v22 =	vsub.f32 v44, v57  }
0x10f: {  	[tilespmem:v45+s21+$0x0] =	vst.idx.msk $0xffff, v21;
	v23 =	vsub.f32 v23, v31  }
0x110: {  	v47 =	vsub.f32 v26, v33;
	[tilespmem:v45+s22+$0x0] =	vst.idx.msk $0xffff, v22  }
0x111: {  	[tilespmem:v46+s22+$0x0] =	vst.idx.msk $0xffff, v23  }
0x112: {  	[tilespmem:v24+s22+$0x0] =	vst.idx.msk $0xffff, v47  }
0x113: {  	v21 =	vld [tilespmem:$0x3280];
	_ =	sdelay $0x1  }
0x114: {  	s1 =	spop (v2sf)  }
0x115: {  	p0 =	slt.s32 s1, $0x40  }
0x116: {  	s1 =	simm.s32 @!p0 $0x40  }
0x117: {  	v48 =	vmov s1;
	v49 =	vbroadcast v21, $0x0  }
0x118: {  	vm8 =	vgt.s32 v48, v0  }
0x119: {  	v21 =	vsel vm8, v21, v49  }
0x11a: {  	s30 =	sor.u32 $0x2, s26  }
0x11b: {  	v50 =	vmov s30  }
0x11c: {  	v24 =	vand.u32 $0x72, v50  }
0x11d: {  	v24 =	vbroadcast v24, $0x0  }
0x11e: {  	v25 =	vld.idx.msk [tilespmem:v21+s2+$0x0], $0xffff  }
0x11f: {  	v52 =	vor.u32 v1, v24;
	v51 =	vld.idx.msk [tilespmem:v21+s15+$0x0], $0xffff  }
0x120: {  	v53 =	vld.idx.msk [tilespmem:v21+s16+$0x0], $0xffff  }
0x121: {  	v54 =	vbroadcast v5, $0x2;
	v55 =	vor.u32 v7, v24  }
0x122: {  	v56 =	vbroadcast v4, $0x2;
	v57 =	vor.u32 v8, v24  }
0x123: {  	v58 =	vbroadcast v3, $0x2;
	v25 =	vsub.f32 v25, v54  }
0x124: {  	[tilespmem:v52+s21+$0x0] =	vst.idx.msk $0xffff, v21;
	v26 =	vsub.f32 v51, v56  }
0x125: {  	v59 =	vsub.f32 v53, v58;
	[tilespmem:v52+s22+$0x0] =	vst.idx.msk $0xffff, v25  }
0x126: {  	[tilespmem:v55+s22+$0x0] =	vst.idx.msk $0xffff, v26  }
0x127: {  	[tilespmem:v57+s22+$0x0] =	vst.idx.msk $0xffff, v59  }
0x128: {  	v21 =	vld [tilespmem:$0x3290];
	_ =	sdelay $0x3  }
0x129: {  	vm9 =	vgt.s32 v48, v9  }
0x12a: {  	v21 =	vsel vm9, v21, v49;
	_ =	sdelay $0x4  }
0x12b: {  	v25 =	vld.idx.msk [tilespmem:v21+s2+$0x0], $0xffff  }
0x12c: {  	v60 =	vor.u32 v10, v24;
	v26 =	vld.idx.msk [tilespmem:v21+s15+$0x0], $0xffff  }
0x12d: {  	v61 =	vld.idx.msk [tilespmem:v21+s16+$0x0], $0xffff  }
0x12e: {  	v62 =	vor.u32 v11, v24  }
0x12f: {  	v63 =	vor.u32 v12, v24  }
0x130: {  	v25 =	vsub.f32 v25, v54  }
0x131: {  	[tilespmem:v60+s21+$0x0] =	vst.idx.msk $0xffff, v21;
	v26 =	vsub.f32 v26, v56  }
0x132: {  	v35 =	vsub.f32 v61, v58;
	[tilespmem:v60+s22+$0x0] =	vst.idx.msk $0xffff, v25  }
0x133: {  	[tilespmem:v62+s22+$0x0] =	vst.idx.msk $0xffff, v26  }
0x134: {  	[tilespmem:v63+s22+$0x0] =	vst.idx.msk $0xffff, v35  }
0x135: {  	v21 =	vld [tilespmem:$0x32A0];
	_ =	sdelay $0x3  }
0x136: {  	vm10 =	vgt.s32 v48, v13  }
0x137: {  	v21 =	vsel vm10, v21, v49;
	_ =	sdelay $0x4  }
0x138: {  	v25 =	vld.idx.msk [tilespmem:v21+s2+$0x0], $0xffff  }
0x139: {  	v36 =	vor.u32 v14, v24;
	v26 =	vld.idx.msk [tilespmem:v21+s15+$0x0], $0xffff  }
0x13a: {  	v37 =	vld.idx.msk [tilespmem:v21+s16+$0x0], $0xffff  }
0x13b: {  	v38 =	vor.u32 v15, v24  }
0x13c: {  	v39 =	vor.u32 v16, v24  }
0x13d: {  	v25 =	vsub.f32 v25, v54  }
0x13e: {  	[tilespmem:v36+s21+$0x0] =	vst.idx.msk $0xffff, v21;
	v26 =	vsub.f32 v26, v56  }
0x13f: {  	v40 =	vsub.f32 v37, v58;
	[tilespmem:v36+s22+$0x0] =	vst.idx.msk $0xffff, v25  }
0x140: {  	[tilespmem:v38+s22+$0x0] =	vst.idx.msk $0xffff, v26  }
0x141: {  	[tilespmem:v39+s22+$0x0] =	vst.idx.msk $0xffff, v40  }
0x142: {  	v21 =	vld [tilespmem:$0x32B0];
	_ =	sdelay $0x3  }
0x143: {  	vm11 =	vgt.s32 v48, v17  }
0x144: {  	v21 =	vsel vm11, v21, v49;
	_ =	sdelay $0x1  }
0x145: {  	(v2sf) =	vpush v6, $0x3;
	_ =	sdelay $0x2  }
0x146: {  	v41 =	vld.idx.msk [tilespmem:v21+s2+$0x0], $0xffff  }
0x147: {  	v42 =	vor.u32 v18, v24;
	v23 =	vld.idx.msk [tilespmem:v21+s15+$0x0], $0xffff  }
0x148: {  	v26 =	vld.idx.msk [tilespmem:v21+s16+$0x0], $0xffff  }
0x149: {  	v43 =	vor.u32 v19, v24  }
0x14a: {  	v24 =	vor.u32 v20, v24  }
0x14b: {  	v22 =	vsub.f32 v41, v54  }
0x14c: {  	[tilespmem:v42+s21+$0x0] =	vst.idx.msk $0xffff, v21;
	v23 =	vsub.f32 v23, v56  }
0x14d: {  	v44 =	vsub.f32 v26, v58;
	[tilespmem:v42+s22+$0x0] =	vst.idx.msk $0xffff, v22  }
0x14e: {  	[tilespmem:v43+s22+$0x0] =	vst.idx.msk $0xffff, v23  }
0x14f: {  	[tilespmem:v24+s22+$0x0] =	vst.idx.msk $0xffff, v44  }
0x150: {  	v21 =	vld [tilespmem:$0x3300];
	_ =	sdelay $0x1  }
0x151: {  	s1 =	spop (v2sf)  }
0x152: {  	p0 =	slt.s32 s1, $0x40  }
0x153: {  	s1 =	simm.s32 @!p0 $0x40  }
0x154: {  	v45 =	vmov s1;
	v46 =	vbroadcast v21, $0x0  }
0x155: {  	vm12 =	vgt.s32 v45, v0  }
0x156: {  	v21 =	vsel vm12, v21, v46  }
0x157: {  	s31 =	sor.u32 $0x3, s26  }
0x158: {  	v47 =	vmov s31  }
0x159: {  	v24 =	vand.u32 $0x73, v47  }
0x15a: {  	v24 =	vbroadcast v24, $0x0  }
0x15b: {  	v25 =	vld.idx.msk [tilespmem:v21+s2+$0x0], $0xffff  }
0x15c: {  	v49 =	vor.u32 v1, v24;
	v48 =	vld.idx.msk [tilespmem:v21+s15+$0x0], $0xffff  }
0x15d: {  	v50 =	vld.idx.msk [tilespmem:v21+s16+$0x0], $0xffff  }
0x15e: {  	v51 =	vbroadcast v5, $0x3;
	v52 =	vor.u32 v7, v24  }
0x15f: {  	v53 =	vbroadcast v4, $0x3;
	v54 =	vor.u32 v8, v24  }
0x160: {  	v55 =	vbroadcast v3, $0x3;
	v25 =	vsub.f32 v25, v51  }
0x161: {  	[tilespmem:v49+s21+$0x0] =	vst.idx.msk $0xffff, v21;
	v26 =	vsub.f32 v48, v53  }
0x162: {  	v56 =	vsub.f32 v50, v55;
	[tilespmem:v49+s22+$0x0] =	vst.idx.msk $0xffff, v25  }
0x163: {  	[tilespmem:v52+s22+$0x0] =	vst.idx.msk $0xffff, v26  }
0x164: {  	[tilespmem:v54+s22+$0x0] =	vst.idx.msk $0xffff, v56  }
0x165: {  	v21 =	vld [tilespmem:$0x3310];
	_ =	sdelay $0x3  }
0x166: {  	vm13 =	vgt.s32 v45, v9  }
0x167: {  	v21 =	vsel vm13, v21, v46;
	_ =	sdelay $0x4  }
0x168: {  	v25 =	vld.idx.msk [tilespmem:v21+s2+$0x0], $0xffff  }
0x169: {  	v57 =	vor.u32 v10, v24;
	v26 =	vld.idx.msk [tilespmem:v21+s15+$0x0], $0xffff  }
0x16a: {  	v58 =	vld.idx.msk [tilespmem:v21+s16+$0x0], $0xffff  }
0x16b: {  	v59 =	vor.u32 v11, v24  }
0x16c: {  	v60 =	vor.u32 v12, v24  }
0x16d: {  	v25 =	vsub.f32 v25, v51  }
0x16e: {  	[tilespmem:v57+s21+$0x0] =	vst.idx.msk $0xffff, v21;
	v26 =	vsub.f32 v26, v53  }
0x16f: {  	v61 =	vsub.f32 v58, v55;
	[tilespmem:v57+s22+$0x0] =	vst.idx.msk $0xffff, v25  }
0x170: {  	[tilespmem:v59+s22+$0x0] =	vst.idx.msk $0xffff, v26  }
0x171: {  	[tilespmem:v60+s22+$0x0] =	vst.idx.msk $0xffff, v61  }
0x172: {  	v21 =	vld [tilespmem:$0x3320];
	_ =	sdelay $0x3  }
0x173: {  	vm14 =	vgt.s32 v45, v13  }
0x174: {  	v21 =	vsel vm14, v21, v46;
	_ =	sdelay $0x4  }
0x175: {  	v25 =	vld.idx.msk [tilespmem:v21+s2+$0x0], $0xffff  }
0x176: {  	v62 =	vor.u32 v14, v24;
	v26 =	vld.idx.msk [tilespmem:v21+s15+$0x0], $0xffff  }
0x177: {  	v63 =	vld.idx.msk [tilespmem:v21+s16+$0x0], $0xffff  }
0x178: {  	v36 =	vor.u32 v15, v24  }
0x179: {  	v37 =	vor.u32 v16, v24  }
0x17a: {  	v25 =	vsub.f32 v25, v51  }
0x17b: {  	[tilespmem:v62+s21+$0x0] =	vst.idx.msk $0xffff, v21;
	v26 =	vsub.f32 v26, v53  }
0x17c: {  	v38 =	vsub.f32 v63, v55;
	[tilespmem:v62+s22+$0x0] =	vst.idx.msk $0xffff, v25  }
0x17d: {  	[tilespmem:v36+s22+$0x0] =	vst.idx.msk $0xffff, v26  }
0x17e: {  	[tilespmem:v37+s22+$0x0] =	vst.idx.msk $0xffff, v38  }
0x17f: {  	v21 =	vld [tilespmem:$0x3330];
	_ =	sdelay $0x3  }
0x180: {  	vm15 =	vgt.s32 v45, v17  }
0x181: {  	v21 =	vsel vm15, v21, v46;
	_ =	sdelay $0x1  }
0x182: {  	(v2sf) =	vpush v6, $0x4;
	_ =	sdelay $0x2  }
0x183: {  	v39 =	vld.idx.msk [tilespmem:v21+s2+$0x0], $0xffff  }
0x184: {  	v40 =	vor.u32 v18, v24;
	v23 =	vld.idx.msk [tilespmem:v21+s15+$0x0], $0xffff  }
0x185: {  	v26 =	vld.idx.msk [tilespmem:v21+s16+$0x0], $0xffff  }
0x186: {  	v41 =	vor.u32 v19, v24  }
0x187: {  	v24 =	vor.u32 v20, v24  }
0x188: {  	v22 =	vsub.f32 v39, v51  }
0x189: {  	[tilespmem:v40+s21+$0x0] =	vst.idx.msk $0xffff, v21;
	v23 =	vsub.f32 v23, v53  }
0x18a: {  	v42 =	vsub.f32 v26, v55;
	[tilespmem:v40+s22+$0x0] =	vst.idx.msk $0xffff, v22  }
0x18b: {  	[tilespmem:v41+s22+$0x0] =	vst.idx.msk $0xffff, v23  }
0x18c: {  	[tilespmem:v24+s22+$0x0] =	vst.idx.msk $0xffff, v42  }
0x18d: {  	v21 =	vld [tilespmem:$0x3380];
	_ =	sdelay $0x1  }
0x18e: {  	s1 =	spop (v2sf)  }
0x18f: {  	p0 =	slt.s32 s1, $0x40  }
0x190: {  	s1 =	simm.s32 @!p0 $0x40  }
0x191: {  	v43 =	vmov s1;
	v44 =	vbroadcast v21, $0x0  }
0x192: {  	vm4 =	vgt.s32 v43, v0  }
0x193: {  	v21 =	vsel vm4, v21, v44  }
0x194: {  	s28 =	sor.u32 $0x4, s26  }
0x195: {  	v45 =	vmov s28  }
0x196: {  	v24 =	vand.u32 $0x74, v45  }
0x197: {  	v24 =	vbroadcast v24, $0x0  }
0x198: {  	v25 =	vld.idx.msk [tilespmem:v21+s2+$0x0], $0xffff  }
0x199: {  	v47 =	vor.u32 v1, v24;
	v46 =	vld.idx.msk [tilespmem:v21+s15+$0x0], $0xffff  }
0x19a: {  	v48 =	vld.idx.msk [tilespmem:v21+s16+$0x0], $0xffff  }
0x19b: {  	v49 =	vbroadcast v5, $0x4;
	v50 =	vor.u32 v7, v24  }
0x19c: {  	v51 =	vbroadcast v4, $0x4;
	v52 =	vor.u32 v8, v24  }
0x19d: {  	v53 =	vbroadcast v3, $0x4;
	v25 =	vsub.f32 v25, v49  }
0x19e: {  	[tilespmem:v47+s21+$0x0] =	vst.idx.msk $0xffff, v21;
	v26 =	vsub.f32 v46, v51  }
0x19f: {  	v54 =	vsub.f32 v48, v53;
	[tilespmem:v47+s22+$0x0] =	vst.idx.msk $0xffff, v25  }
0x1a0: {  	[tilespmem:v50+s22+$0x0] =	vst.idx.msk $0xffff, v26  }
0x1a1: {  	[tilespmem:v52+s22+$0x0] =	vst.idx.msk $0xffff, v54  }
0x1a2: {  	v21 =	vld [tilespmem:$0x3390];
	_ =	sdelay $0x3  }
0x1a3: {  	vm5 =	vgt.s32 v43, v9  }
0x1a4: {  	v21 =	vsel vm5, v21, v44;
	_ =	sdelay $0x4  }
0x1a5: {  	v25 =	vld.idx.msk [tilespmem:v21+s2+$0x0], $0xffff  }
0x1a6: {  	v55 =	vor.u32 v10, v24;
	v26 =	vld.idx.msk [tilespmem:v21+s15+$0x0], $0xffff  }
0x1a7: {  	v56 =	vld.idx.msk [tilespmem:v21+s16+$0x0], $0xffff  }
0x1a8: {  	v57 =	vor.u32 v11, v24  }
0x1a9: {  	v58 =	vor.u32 v12, v24  }
0x1aa: {  	v25 =	vsub.f32 v25, v49  }
0x1ab: {  	[tilespmem:v55+s21+$0x0] =	vst.idx.msk $0xffff, v21;
	v26 =	vsub.f32 v26, v51  }
0x1ac: {  	v59 =	vsub.f32 v56, v53;
	[tilespmem:v55+s22+$0x0] =	vst.idx.msk $0xffff, v25  }
0x1ad: {  	[tilespmem:v57+s22+$0x0] =	vst.idx.msk $0xffff, v26  }
0x1ae: {  	[tilespmem:v58+s22+$0x0] =	vst.idx.msk $0xffff, v59  }
0x1af: {  	v21 =	vld [tilespmem:$0x33A0];
	_ =	sdelay $0x3  }
0x1b0: {  	vm6 =	vgt.s32 v43, v13  }
0x1b1: {  	v21 =	vsel vm6, v21, v44;
	_ =	sdelay $0x4  }
0x1b2: {  	v25 =	vld.idx.msk [tilespmem:v21+s2+$0x0], $0xffff  }
0x1b3: {  	v60 =	vor.u32 v14, v24;
	v26 =	vld.idx.msk [tilespmem:v21+s15+$0x0], $0xffff  }
0x1b4: {  	v61 =	vld.idx.msk [tilespmem:v21+s16+$0x0], $0xffff  }
0x1b5: {  	v62 =	vor.u32 v15, v24  }
0x1b6: {  	v63 =	vor.u32 v16, v24  }
0x1b7: {  	v25 =	vsub.f32 v25, v49  }
0x1b8: {  	[tilespmem:v60+s21+$0x0] =	vst.idx.msk $0xffff, v21;
	v26 =	vsub.f32 v26, v51  }
0x1b9: {  	v28 =	vsub.f32 v61, v53;
	[tilespmem:v60+s22+$0x0] =	vst.idx.msk $0xffff, v25  }
0x1ba: {  	[tilespmem:v62+s22+$0x0] =	vst.idx.msk $0xffff, v26  }
0x1bb: {  	[tilespmem:v63+s22+$0x0] =	vst.idx.msk $0xffff, v28  }
0x1bc: {  	v21 =	vld [tilespmem:$0x33B0];
	_ =	sdelay $0x3  }
0x1bd: {  	vm7 =	vgt.s32 v43, v17  }
0x1be: {  	v21 =	vsel vm7, v21, v44;
	_ =	sdelay $0x1  }
0x1bf: {  	(v2sf) =	vpush v6, $0x5;
	_ =	sdelay $0x2  }
0x1c0: {  	v30 =	vld.idx.msk [tilespmem:v21+s2+$0x0], $0xffff  }
0x1c1: {  	v32 =	vor.u32 v18, v24;
	v23 =	vld.idx.msk [tilespmem:v21+s15+$0x0], $0xffff  }
0x1c2: {  	v26 =	vld.idx.msk [tilespmem:v21+s16+$0x0], $0xffff  }
0x1c3: {  	v34 =	vor.u32 v19, v24  }
0x1c4: {  	v24 =	vor.u32 v20, v24  }
0x1c5: {  	v22 =	vsub.f32 v30, v49  }
0x1c6: {  	[tilespmem:v32+s21+$0x0] =	vst.idx.msk $0xffff, v21;
	v23 =	vsub.f32 v23, v51  }
0x1c7: {  	v35 =	vsub.f32 v26, v53;
	[tilespmem:v32+s22+$0x0] =	vst.idx.msk $0xffff, v22  }
0x1c8: {  	[tilespmem:v34+s22+$0x0] =	vst.idx.msk $0xffff, v23  }
0x1c9: {  	[tilespmem:v24+s22+$0x0] =	vst.idx.msk $0xffff, v35  }
0x1ca: {  	v21 =	vld [tilespmem:$0x3400];
	_ =	sdelay $0x1  }
0x1cb: {  	s1 =	spop (v2sf)  }
0x1cc: {  	p0 =	slt.s32 s1, $0x40  }
0x1cd: {  	s1 =	simm.s32 @!p0 $0x40  }
0x1ce: {  	v36 =	vmov s1;
	v37 =	vbroadcast v21, $0x0  }
0x1cf: {  	vm8 =	vgt.s32 v36, v0  }
0x1d0: {  	v21 =	vsel vm8, v21, v37  }
0x1d1: {  	s29 =	sor.u32 $0x5, s26  }
0x1d2: {  	v38 =	vmov s29  }
0x1d3: {  	v24 =	vand.u32 $0x75, v38  }
0x1d4: {  	v24 =	vbroadcast v24, $0x0  }
0x1d5: {  	v25 =	vld.idx.msk [tilespmem:v21+s2+$0x0], $0xffff  }
0x1d6: {  	v40 =	vor.u32 v1, v24;
	v39 =	vld.idx.msk [tilespmem:v21+s15+$0x0], $0xffff  }
0x1d7: {  	v41 =	vld.idx.msk [tilespmem:v21+s16+$0x0], $0xffff  }
0x1d8: {  	v42 =	vbroadcast v5, $0x5;
	v43 =	vor.u32 v7, v24  }
0x1d9: {  	v44 =	vbroadcast v4, $0x5;
	v45 =	vor.u32 v8, v24  }
0x1da: {  	v46 =	vbroadcast v3, $0x5;
	v25 =	vsub.f32 v25, v42  }
0x1db: {  	[tilespmem:v40+s21+$0x0] =	vst.idx.msk $0xffff, v21;
	v26 =	vsub.f32 v39, v44  }
0x1dc: {  	v47 =	vsub.f32 v41, v46;
	[tilespmem:v40+s22+$0x0] =	vst.idx.msk $0xffff, v25  }
0x1dd: {  	[tilespmem:v43+s22+$0x0] =	vst.idx.msk $0xffff, v26  }
0x1de: {  	[tilespmem:v45+s22+$0x0] =	vst.idx.msk $0xffff, v47  }
0x1df: {  	v21 =	vld [tilespmem:$0x3410];
	_ =	sdelay $0x3  }
0x1e0: {  	vm9 =	vgt.s32 v36, v9  }
0x1e1: {  	v21 =	vsel vm9, v21, v37;
	_ =	sdelay $0x4  }
0x1e2: {  	v25 =	vld.idx.msk [tilespmem:v21+s2+$0x0], $0xffff  }
0x1e3: {  	v48 =	vor.u32 v10, v24;
	v26 =	vld.idx.msk [tilespmem:v21+s15+$0x0], $0xffff  }
0x1e4: {  	v49 =	vld.idx.msk [tilespmem:v21+s16+$0x0], $0xffff  }
0x1e5: {  	v50 =	vor.u32 v11, v24  }
0x1e6: {  	v51 =	vor.u32 v12, v24  }
0x1e7: {  	v25 =	vsub.f32 v25, v42  }
0x1e8: {  	[tilespmem:v48+s21+$0x0] =	vst.idx.msk $0xffff, v21;
	v26 =	vsub.f32 v26, v44  }
0x1e9: {  	v52 =	vsub.f32 v49, v46;
	[tilespmem:v48+s22+$0x0] =	vst.idx.msk $0xffff, v25  }
0x1ea: {  	[tilespmem:v50+s22+$0x0] =	vst.idx.msk $0xffff, v26  }
0x1eb: {  	[tilespmem:v51+s22+$0x0] =	vst.idx.msk $0xffff, v52  }
0x1ec: {  	v21 =	vld [tilespmem:$0x3420];
	_ =	sdelay $0x3  }
0x1ed: {  	vm10 =	vgt.s32 v36, v13  }
0x1ee: {  	v21 =	vsel vm10, v21, v37;
	_ =	sdelay $0x4  }
0x1ef: {  	v25 =	vld.idx.msk [tilespmem:v21+s2+$0x0], $0xffff  }
0x1f0: {  	v53 =	vor.u32 v14, v24;
	v26 =	vld.idx.msk [tilespmem:v21+s15+$0x0], $0xffff  }
0x1f1: {  	v54 =	vld.idx.msk [tilespmem:v21+s16+$0x0], $0xffff  }
0x1f2: {  	v55 =	vor.u32 v15, v24  }
0x1f3: {  	v56 =	vor.u32 v16, v24  }
0x1f4: {  	v25 =	vsub.f32 v25, v42  }
0x1f5: {  	[tilespmem:v53+s21+$0x0] =	vst.idx.msk $0xffff, v21;
	v26 =	vsub.f32 v26, v44  }
0x1f6: {  	v57 =	vsub.f32 v54, v46;
	[tilespmem:v53+s22+$0x0] =	vst.idx.msk $0xffff, v25  }
0x1f7: {  	[tilespmem:v55+s22+$0x0] =	vst.idx.msk $0xffff, v26  }
0x1f8: {  	[tilespmem:v56+s22+$0x0] =	vst.idx.msk $0xffff, v57  }
0x1f9: {  	v21 =	vld [tilespmem:$0x3430];
	_ =	sdelay $0x3  }
0x1fa: {  	vm11 =	vgt.s32 v36, v17  }
0x1fb: {  	v21 =	vsel vm11, v21, v37;
	_ =	sdelay $0x1  }
0x1fc: {  	(v2sf) =	vpush v6, $0x6;
	_ =	sdelay $0x2  }
0x1fd: {  	v58 =	vld.idx.msk [tilespmem:v21+s2+$0x0], $0xffff  }
0x1fe: {  	v59 =	vor.u32 v18, v24;
	v23 =	vld.idx.msk [tilespmem:v21+s15+$0x0], $0xffff  }
0x1ff: {  	v26 =	vld.idx.msk [tilespmem:v21+s16+$0x0], $0xffff  }
0x200: {  	v60 =	vor.u32 v19, v24  }
0x201: {  	v24 =	vor.u32 v20, v24  }
0x202: {  	v22 =	vsub.f32 v58, v42  }
0x203: {  	[tilespmem:v59+s21+$0x0] =	vst.idx.msk $0xffff, v21;
	v23 =	vsub.f32 v23, v44  }
0x204: {  	v61 =	vsub.f32 v26, v46;
	[tilespmem:v59+s22+$0x0] =	vst.idx.msk $0xffff, v22  }
0x205: {  	[tilespmem:v60+s22+$0x0] =	vst.idx.msk $0xffff, v23  }
0x206: {  	[tilespmem:v24+s22+$0x0] =	vst.idx.msk $0xffff, v61  }
0x207: {  	v21 =	vld [tilespmem:$0x3480];
	_ =	sdelay $0x1  }
0x208: {  	s1 =	spop (v2sf)  }
0x209: {  	p0 =	slt.s32 s1, $0x40  }
0x20a: {  	s1 =	simm.s32 @!p0 $0x40  }
0x20b: {  	v62 =	vmov s1;
	v63 =	vbroadcast v21, $0x0  }
0x20c: {  	vm12 =	vgt.s32 v62, v0  }
0x20d: {  	v21 =	vsel vm12, v21, v63  }
0x20e: {  	s30 =	sor.u32 $0x6, s26  }
0x20f: {  	v35 =	vmov s30  }
0x210: {  	v24 =	vand.u32 $0x76, v35  }
0x211: {  	v24 =	vbroadcast v24, $0x0  }
0x212: {  	v25 =	vld.idx.msk [tilespmem:v21+s2+$0x0], $0xffff  }
0x213: {  	v37 =	vor.u32 v1, v24;
	v36 =	vld.idx.msk [tilespmem:v21+s15+$0x0], $0xffff  }
0x214: {  	v38 =	vld.idx.msk [tilespmem:v21+s16+$0x0], $0xffff  }
0x215: {  	v39 =	vbroadcast v5, $0x6;
	v40 =	vor.u32 v7, v24  }
0x216: {  	v41 =	vbroadcast v4, $0x6;
	v42 =	vor.u32 v8, v24  }
0x217: {  	v43 =	vbroadcast v3, $0x6;
	v25 =	vsub.f32 v25, v39  }
0x218: {  	[tilespmem:v37+s21+$0x0] =	vst.idx.msk $0xffff, v21;
	v26 =	vsub.f32 v36, v41  }
0x219: {  	v44 =	vsub.f32 v38, v43;
	[tilespmem:v37+s22+$0x0] =	vst.idx.msk $0xffff, v25  }
0x21a: {  	[tilespmem:v40+s22+$0x0] =	vst.idx.msk $0xffff, v26  }
0x21b: {  	[tilespmem:v42+s22+$0x0] =	vst.idx.msk $0xffff, v44  }
0x21c: {  	v21 =	vld [tilespmem:$0x3490];
	_ =	sdelay $0x3  }
0x21d: {  	vm13 =	vgt.s32 v62, v9  }
0x21e: {  	v21 =	vsel vm13, v21, v63;
	_ =	sdelay $0x4  }
0x21f: {  	v25 =	vld.idx.msk [tilespmem:v21+s2+$0x0], $0xffff  }
0x220: {  	v45 =	vor.u32 v10, v24;
	v26 =	vld.idx.msk [tilespmem:v21+s15+$0x0], $0xffff  }
0x221: {  	v46 =	vld.idx.msk [tilespmem:v21+s16+$0x0], $0xffff  }
0x222: {  	v47 =	vor.u32 v11, v24  }
0x223: {  	v48 =	vor.u32 v12, v24  }
0x224: {  	v25 =	vsub.f32 v25, v39  }
0x225: {  	[tilespmem:v45+s21+$0x0] =	vst.idx.msk $0xffff, v21;
	v26 =	vsub.f32 v26, v41  }
0x226: {  	v49 =	vsub.f32 v46, v43;
	[tilespmem:v45+s22+$0x0] =	vst.idx.msk $0xffff, v25  }
0x227: {  	[tilespmem:v47+s22+$0x0] =	vst.idx.msk $0xffff, v26  }
0x228: {  	[tilespmem:v48+s22+$0x0] =	vst.idx.msk $0xffff, v49  }
0x229: {  	v21 =	vld [tilespmem:$0x34A0];
	_ =	sdelay $0x3  }
0x22a: {  	vm14 =	vgt.s32 v62, v13  }
0x22b: {  	v21 =	vsel vm14, v21, v63;
	_ =	sdelay $0x4  }
0x22c: {  	v25 =	vld.idx.msk [tilespmem:v21+s2+$0x0], $0xffff  }
0x22d: {  	v50 =	vor.u32 v14, v24;
	v26 =	vld.idx.msk [tilespmem:v21+s15+$0x0], $0xffff  }
0x22e: {  	v51 =	vld.idx.msk [tilespmem:v21+s16+$0x0], $0xffff  }
0x22f: {  	v52 =	vor.u32 v15, v24  }
0x230: {  	v53 =	vor.u32 v16, v24  }
0x231: {  	v25 =	vsub.f32 v25, v39  }
0x232: {  	[tilespmem:v50+s21+$0x0] =	vst.idx.msk $0xffff, v21;
	v26 =	vsub.f32 v26, v41  }
0x233: {  	v54 =	vsub.f32 v51, v43;
	[tilespmem:v50+s22+$0x0] =	vst.idx.msk $0xffff, v25  }
0x234: {  	[tilespmem:v52+s22+$0x0] =	vst.idx.msk $0xffff, v26  }
0x235: {  	[tilespmem:v53+s22+$0x0] =	vst.idx.msk $0xffff, v54  }
0x236: {  	v21 =	vld [tilespmem:$0x34B0];
	_ =	sdelay $0x3  }
0x237: {  	vm15 =	vgt.s32 v62, v17  }
0x238: {  	v21 =	vsel vm15, v21, v63;
	_ =	sdelay $0x1  }
0x239: {  	(v2sf) =	vpush v6, $0x7;
	_ =	sdelay $0x2  }
0x23a: {  	v55 =	vld.idx.msk [tilespmem:v21+s2+$0x0], $0xffff  }
0x23b: {  	v56 =	vor.u32 v18, v24;
	v23 =	vld.idx.msk [tilespmem:v21+s15+$0x0], $0xffff  }
0x23c: {  	v26 =	vld.idx.msk [tilespmem:v21+s16+$0x0], $0xffff  }
0x23d: {  	v57 =	vor.u32 v19, v24  }
0x23e: {  	v24 =	vor.u32 v20, v24  }
0x23f: {  	v22 =	vsub.f32 v55, v39  }
0x240: {  	[tilespmem:v56+s21+$0x0] =	vst.idx.msk $0xffff, v21;
	v23 =	vsub.f32 v23, v41  }
0x241: {  	v58 =	vsub.f32 v26, v43;
	[tilespmem:v56+s22+$0x0] =	vst.idx.msk $0xffff, v22  }
0x242: {  	[tilespmem:v57+s22+$0x0] =	vst.idx.msk $0xffff, v23  }
0x243: {  	[tilespmem:v24+s22+$0x0] =	vst.idx.msk $0xffff, v58  }
0x244: {  	v21 =	vld [tilespmem:$0x3500];
	_ =	sdelay $0x1  }
0x245: {  	s1 =	spop (v2sf)  }
0x246: {  	p0 =	slt.s32 s1, $0x40  }
0x247: {  	s1 =	simm.s32 @!p0 $0x40  }
0x248: {  	v59 =	vmov s1;
	v60 =	vbroadcast v21, $0x0  }
0x249: {  	vm4 =	vgt.s32 v59, v0  }
0x24a: {  	v21 =	vsel vm4, v21, v60  }
0x24b: {  	s31 =	sor.u32 $0x7, s26  }
0x24c: {  	v61 =	vmov s31  }
0x24d: {  	v24 =	vand.u32 $0x77, v61  }
0x24e: {  	v24 =	vbroadcast v24, $0x0  }
0x24f: {  	v25 =	vld.idx.msk [tilespmem:v21+s2+$0x0], $0xffff  }
0x250: {  	v63 =	vor.u32 v1, v24;
	v62 =	vld.idx.msk [tilespmem:v21+s15+$0x0], $0xffff  }
0x251: {  	v36 =	vld.idx.msk [tilespmem:v21+s16+$0x0], $0xffff  }
0x252: {  	v37 =	vbroadcast v5, $0x7;
	v38 =	vor.u32 v7, v24  }
0x253: {  	v39 =	vbroadcast v4, $0x7;
	v40 =	vor.u32 v8, v24  }
0x254: {  	v41 =	vbroadcast v3, $0x7;
	v25 =	vsub.f32 v25, v37  }
0x255: {  	[tilespmem:v63+s21+$0x0] =	vst.idx.msk $0xffff, v21;
	v26 =	vsub.f32 v62, v39  }
0x256: {  	v42 =	vsub.f32 v36, v41;
	[tilespmem:v63+s22+$0x0] =	vst.idx.msk $0xffff, v25  }
0x257: {  	[tilespmem:v38+s22+$0x0] =	vst.idx.msk $0xffff, v26  }
0x258: {  	[tilespmem:v40+s22+$0x0] =	vst.idx.msk $0xffff, v42  }
0x259: {  	v21 =	vld [tilespmem:$0x3510];
	_ =	sdelay $0x3  }
0x25a: {  	vm5 =	vgt.s32 v59, v9  }
0x25b: {  	v21 =	vsel vm5, v21, v60;
	_ =	sdelay $0x4  }
0x25c: {  	v25 =	vld.idx.msk [tilespmem:v21+s2+$0x0], $0xffff  }
0x25d: {  	v43 =	vor.u32 v10, v24;
	v26 =	vld.idx.msk [tilespmem:v21+s15+$0x0], $0xffff  }
0x25e: {  	v44 =	vld.idx.msk [tilespmem:v21+s16+$0x0], $0xffff  }
0x25f: {  	v45 =	vor.u32 v11, v24  }
0x260: {  	v46 =	vor.u32 v12, v24  }
0x261: {  	v25 =	vsub.f32 v25, v37  }
0x262: {  	[tilespmem:v43+s21+$0x0] =	vst.idx.msk $0xffff, v21;
	v26 =	vsub.f32 v26, v39  }
0x263: {  	v47 =	vsub.f32 v44, v41;
	[tilespmem:v43+s22+$0x0] =	vst.idx.msk $0xffff, v25  }
0x264: {  	[tilespmem:v45+s22+$0x0] =	vst.idx.msk $0xffff, v26  }
0x265: {  	[tilespmem:v46+s22+$0x0] =	vst.idx.msk $0xffff, v47  }
0x266: {  	v21 =	vld [tilespmem:$0x3520];
	_ =	sdelay $0x3  }
0x267: {  	vm6 =	vgt.s32 v59, v13  }
0x268: {  	v21 =	vsel vm6, v21, v60;
	_ =	sdelay $0x4  }
0x269: {  	v25 =	vld.idx.msk [tilespmem:v21+s2+$0x0], $0xffff  }
0x26a: {  	v48 =	vor.u32 v14, v24;
	v26 =	vld.idx.msk [tilespmem:v21+s15+$0x0], $0xffff  }
0x26b: {  	v49 =	vld.idx.msk [tilespmem:v21+s16+$0x0], $0xffff  }
0x26c: {  	v50 =	vor.u32 v15, v24  }
0x26d: {  	v51 =	vor.u32 v16, v24  }
0x26e: {  	v25 =	vsub.f32 v25, v37  }
0x26f: {  	[tilespmem:v48+s21+$0x0] =	vst.idx.msk $0xffff, v21;
	v26 =	vsub.f32 v26, v39  }
0x270: {  	v52 =	vsub.f32 v49, v41;
	[tilespmem:v48+s22+$0x0] =	vst.idx.msk $0xffff, v25  }
0x271: {  	[tilespmem:v50+s22+$0x0] =	vst.idx.msk $0xffff, v26  }
0x272: {  	[tilespmem:v51+s22+$0x0] =	vst.idx.msk $0xffff, v52  }
0x273: {  	v21 =	vld [tilespmem:$0x3530];
	_ =	sdelay $0x3  }
0x274: {  	vm7 =	vgt.s32 v59, v17  }
0x275: {  	v21 =	vsel vm7, v21, v60;
	_ =	sdelay $0x1  }
0x276: {  	(v2sf) =	vpush v6, $0x8;
	_ =	sdelay $0x2  }
0x277: {  	v53 =	vld.idx.msk [tilespmem:v21+s2+$0x0], $0xffff  }
0x278: {  	v54 =	vor.u32 v18, v24;
	v23 =	vld.idx.msk [tilespmem:v21+s15+$0x0], $0xffff  }
0x279: {  	v26 =	vld.idx.msk [tilespmem:v21+s16+$0x0], $0xffff  }
0x27a: {  	v55 =	vor.u32 v19, v24  }
0x27b: {  	v24 =	vor.u32 v20, v24  }
0x27c: {  	v22 =	vsub.f32 v53, v37  }
0x27d: {  	[tilespmem:v54+s21+$0x0] =	vst.idx.msk $0xffff, v21;
	v23 =	vsub.f32 v23, v39  }
0x27e: {  	v56 =	vsub.f32 v26, v41;
	[tilespmem:v54+s22+$0x0] =	vst.idx.msk $0xffff, v22  }
0x27f: {  	[tilespmem:v55+s22+$0x0] =	vst.idx.msk $0xffff, v23  }
0x280: {  	[tilespmem:v24+s22+$0x0] =	vst.idx.msk $0xffff, v56  }
0x281: {  	v21 =	vld [tilespmem:$0x3580];
	_ =	sdelay $0x1  }
0x282: {  	s1 =	spop (v2sf)  }
0x283: {  	p0 =	slt.s32 s1, $0x40  }
0x284: {  	s1 =	simm.s32 @!p0 $0x40  }
0x285: {  	v57 =	vmov s1;
	v58 =	vbroadcast v21, $0x0  }
0x286: {  	vm8 =	vgt.s32 v57, v0  }
0x287: {  	v21 =	vsel vm8, v21, v58  }
0x288: {  	s28 =	sor.u32 $0x8, s26  }
0x289: {  	v59 =	vmov s28  }
0x28a: {  	v24 =	vand.u32 $0x78, v59  }
0x28b: {  	v24 =	vbroadcast v24, $0x0  }
0x28c: {  	v25 =	vld.idx.msk [tilespmem:v21+s2+$0x0], $0xffff  }
0x28d: {  	v61 =	vor.u32 v1, v24;
	v60 =	vld.idx.msk [tilespmem:v21+s15+$0x0], $0xffff  }
0x28e: {  	v62 =	vld.idx.msk [tilespmem:v21+s16+$0x0], $0xffff  }
0x28f: {  	v63 =	vbroadcast v5, $0x8;
	v36 =	vor.u32 v7, v24  }
0x290: {  	v37 =	vbroadcast v4, $0x8;
	v38 =	vor.u32 v8, v24  }
0x291: {  	v39 =	vbroadcast v3, $0x8;
	v25 =	vsub.f32 v25, v63  }
0x292: {  	[tilespmem:v61+s21+$0x0] =	vst.idx.msk $0xffff, v21;
	v26 =	vsub.f32 v60, v37  }
0x293: {  	v40 =	vsub.f32 v62, v39;
	[tilespmem:v61+s22+$0x0] =	vst.idx.msk $0xffff, v25  }
0x294: {  	[tilespmem:v36+s22+$0x0] =	vst.idx.msk $0xffff, v26  }
0x295: {  	[tilespmem:v38+s22+$0x0] =	vst.idx.msk $0xffff, v40  }
0x296: {  	v21 =	vld [tilespmem:$0x3590];
	_ =	sdelay $0x3  }
0x297: {  	vm9 =	vgt.s32 v57, v9  }
0x298: {  	v21 =	vsel vm9, v21, v58;
	_ =	sdelay $0x4  }
0x299: {  	v25 =	vld.idx.msk [tilespmem:v21+s2+$0x0], $0xffff  }
0x29a: {  	v41 =	vor.u32 v10, v24;
	v26 =	vld.idx.msk [tilespmem:v21+s15+$0x0], $0xffff  }
0x29b: {  	v42 =	vld.idx.msk [tilespmem:v21+s16+$0x0], $0xffff  }
0x29c: {  	v43 =	vor.u32 v11, v24  }
0x29d: {  	v44 =	vor.u32 v12, v24  }
0x29e: {  	v25 =	vsub.f32 v25, v63  }
0x29f: {  	[tilespmem:v41+s21+$0x0] =	vst.idx.msk $0xffff, v21;
	v26 =	vsub.f32 v26, v37  }
0x2a0: {  	v45 =	vsub.f32 v42, v39;
	[tilespmem:v41+s22+$0x0] =	vst.idx.msk $0xffff, v25  }
0x2a1: {  	[tilespmem:v43+s22+$0x0] =	vst.idx.msk $0xffff, v26  }
0x2a2: {  	[tilespmem:v44+s22+$0x0] =	vst.idx.msk $0xffff, v45  }
0x2a3: {  	v21 =	vld [tilespmem:$0x35A0];
	_ =	sdelay $0x3  }
0x2a4: {  	vm10 =	vgt.s32 v57, v13  }
0x2a5: {  	v21 =	vsel vm10, v21, v58;
	_ =	sdelay $0x4  }
0x2a6: {  	v25 =	vld.idx.msk [tilespmem:v21+s2+$0x0], $0xffff  }
0x2a7: {  	v46 =	vor.u32 v14, v24;
	v26 =	vld.idx.msk [tilespmem:v21+s15+$0x0], $0xffff  }
0x2a8: {  	v47 =	vld.idx.msk [tilespmem:v21+s16+$0x0], $0xffff  }
0x2a9: {  	v48 =	vor.u32 v15, v24  }
0x2aa: {  	v49 =	vor.u32 v16, v24  }
0x2ab: {  	v25 =	vsub.f32 v25, v63  }
0x2ac: {  	[tilespmem:v46+s21+$0x0] =	vst.idx.msk $0xffff, v21;
	v26 =	vsub.f32 v26, v37  }
0x2ad: {  	v50 =	vsub.f32 v47, v39;
	[tilespmem:v46+s22+$0x0] =	vst.idx.msk $0xffff, v25  }
0x2ae: {  	[tilespmem:v48+s22+$0x0] =	vst.idx.msk $0xffff, v26  }
0x2af: {  	[tilespmem:v49+s22+$0x0] =	vst.idx.msk $0xffff, v50  }
0x2b0: {  	v21 =	vld [tilespmem:$0x35B0];
	_ =	sdelay $0x3  }
0x2b1: {  	vm11 =	vgt.s32 v57, v17  }
0x2b2: {  	v21 =	vsel vm11, v21, v58;
	_ =	sdelay $0x1  }
0x2b3: {  	(v2sf) =	vpush v6, $0x9;
	_ =	sdelay $0x2  }
0x2b4: {  	v51 =	vld.idx.msk [tilespmem:v21+s2+$0x0], $0xffff  }
0x2b5: {  	v52 =	vor.u32 v18, v24;
	v23 =	vld.idx.msk [tilespmem:v21+s15+$0x0], $0xffff  }
0x2b6: {  	v26 =	vld.idx.msk [tilespmem:v21+s16+$0x0], $0xffff  }
0x2b7: {  	v53 =	vor.u32 v19, v24  }
0x2b8: {  	v24 =	vor.u32 v20, v24  }
0x2b9: {  	v22 =	vsub.f32 v51, v63  }
0x2ba: {  	[tilespmem:v52+s21+$0x0] =	vst.idx.msk $0xffff, v21;
	v23 =	vsub.f32 v23, v37  }
0x2bb: {  	v54 =	vsub.f32 v26, v39;
	[tilespmem:v52+s22+$0x0] =	vst.idx.msk $0xffff, v22  }
0x2bc: {  	[tilespmem:v53+s22+$0x0] =	vst.idx.msk $0xffff, v23  }
0x2bd: {  	[tilespmem:v24+s22+$0x0] =	vst.idx.msk $0xffff, v54  }
0x2be: {  	v21 =	vld [tilespmem:$0x3600];
	_ =	sdelay $0x1  }
0x2bf: {  	s1 =	spop (v2sf)  }
0x2c0: {  	p0 =	slt.s32 s1, $0x40  }
0x2c1: {  	s1 =	simm.s32 @!p0 $0x40  }
0x2c2: {  	v55 =	vmov s1;
	v56 =	vbroadcast v21, $0x0  }
0x2c3: {  	vm12 =	vgt.s32 v55, v0  }
0x2c4: {  	v21 =	vsel vm12, v21, v56  }
0x2c5: {  	s29 =	sor.u32 $0x9, s26  }
0x2c6: {  	v57 =	vmov s29  }
0x2c7: {  	v24 =	vand.u32 $0x79, v57  }
0x2c8: {  	v24 =	vbroadcast v24, $0x0  }
0x2c9: {  	v25 =	vld.idx.msk [tilespmem:v21+s2+$0x0], $0xffff  }
0x2ca: {  	v59 =	vor.u32 v1, v24;
	v58 =	vld.idx.msk [tilespmem:v21+s15+$0x0], $0xffff  }
0x2cb: {  	v60 =	vld.idx.msk [tilespmem:v21+s16+$0x0], $0xffff  }
0x2cc: {  	v61 =	vbroadcast v5, $0x9;
	v62 =	vor.u32 v7, v24  }
0x2cd: {  	v63 =	vbroadcast v4, $0x9;
	v36 =	vor.u32 v8, v24  }
0x2ce: {  	v37 =	vbroadcast v3, $0x9;
	v25 =	vsub.f32 v25, v61  }
0x2cf: {  	[tilespmem:v59+s21+$0x0] =	vst.idx.msk $0xffff, v21;
	v26 =	vsub.f32 v58, v63  }
0x2d0: {  	v38 =	vsub.f32 v60, v37;
	[tilespmem:v59+s22+$0x0] =	vst.idx.msk $0xffff, v25  }
0x2d1: {  	[tilespmem:v62+s22+$0x0] =	vst.idx.msk $0xffff, v26  }
0x2d2: {  	[tilespmem:v36+s22+$0x0] =	vst.idx.msk $0xffff, v38  }
0x2d3: {  	v21 =	vld [tilespmem:$0x3610];
	_ =	sdelay $0x3  }
0x2d4: {  	vm13 =	vgt.s32 v55, v9  }
0x2d5: {  	v21 =	vsel vm13, v21, v56;
	_ =	sdelay $0x4  }
0x2d6: {  	v25 =	vld.idx.msk [tilespmem:v21+s2+$0x0], $0xffff  }
0x2d7: {  	v39 =	vor.u32 v10, v24;
	v26 =	vld.idx.msk [tilespmem:v21+s15+$0x0], $0xffff  }
0x2d8: {  	v40 =	vld.idx.msk [tilespmem:v21+s16+$0x0], $0xffff  }
0x2d9: {  	v41 =	vor.u32 v11, v24  }
0x2da: {  	v42 =	vor.u32 v12, v24  }
0x2db: {  	v25 =	vsub.f32 v25, v61  }
0x2dc: {  	[tilespmem:v39+s21+$0x0] =	vst.idx.msk $0xffff, v21;
	v26 =	vsub.f32 v26, v63  }
0x2dd: {  	v43 =	vsub.f32 v40, v37;
	[tilespmem:v39+s22+$0x0] =	vst.idx.msk $0xffff, v25  }
0x2de: {  	[tilespmem:v41+s22+$0x0] =	vst.idx.msk $0xffff, v26  }
0x2df: {  	[tilespmem:v42+s22+$0x0] =	vst.idx.msk $0xffff, v43  }
0x2e0: {  	v21 =	vld [tilespmem:$0x3620];
	_ =	sdelay $0x3  }
0x2e1: {  	vm14 =	vgt.s32 v55, v13  }
0x2e2: {  	v21 =	vsel vm14, v21, v56;
	_ =	sdelay $0x4  }
0x2e3: {  	v25 =	vld.idx.msk [tilespmem:v21+s2+$0x0], $0xffff  }
0x2e4: {  	v44 =	vor.u32 v14, v24;
	v26 =	vld.idx.msk [tilespmem:v21+s15+$0x0], $0xffff  }
0x2e5: {  	v45 =	vld.idx.msk [tilespmem:v21+s16+$0x0], $0xffff  }
0x2e6: {  	v46 =	vor.u32 v15, v24  }
0x2e7: {  	v47 =	vor.u32 v16, v24  }
0x2e8: {  	v25 =	vsub.f32 v25, v61  }
0x2e9: {  	[tilespmem:v44+s21+$0x0] =	vst.idx.msk $0xffff, v21;
	v26 =	vsub.f32 v26, v63  }
0x2ea: {  	v48 =	vsub.f32 v45, v37;
	[tilespmem:v44+s22+$0x0] =	vst.idx.msk $0xffff, v25  }
0x2eb: {  	[tilespmem:v46+s22+$0x0] =	vst.idx.msk $0xffff, v26  }
0x2ec: {  	[tilespmem:v47+s22+$0x0] =	vst.idx.msk $0xffff, v48  }
0x2ed: {  	v21 =	vld [tilespmem:$0x3630];
	_ =	sdelay $0x3  }
0x2ee: {  	vm15 =	vgt.s32 v55, v17  }
0x2ef: {  	v21 =	vsel vm15, v21, v56;
	_ =	sdelay $0x1  }
0x2f0: {  	(v2sf) =	vpush v6, $0xA;
	_ =	sdelay $0x2  }
0x2f1: {  	v49 =	vld.idx.msk [tilespmem:v21+s2+$0x0], $0xffff  }
0x2f2: {  	v50 =	vor.u32 v18, v24;
	v23 =	vld.idx.msk [tilespmem:v21+s15+$0x0], $0xffff  }
0x2f3: {  	v26 =	vld.idx.msk [tilespmem:v21+s16+$0x0], $0xffff  }
0x2f4: {  	v51 =	vor.u32 v19, v24  }
0x2f5: {  	v24 =	vor.u32 v20, v24  }
0x2f6: {  	v22 =	vsub.f32 v49, v61  }
0x2f7: {  	[tilespmem:v50+s21+$0x0] =	vst.idx.msk $0xffff, v21;
	v23 =	vsub.f32 v23, v63  }
0x2f8: {  	v52 =	vsub.f32 v26, v37;
	[tilespmem:v50+s22+$0x0] =	vst.idx.msk $0xffff, v22  }
0x2f9: {  	[tilespmem:v51+s22+$0x0] =	vst.idx.msk $0xffff, v23  }
0x2fa: {  	[tilespmem:v24+s22+$0x0] =	vst.idx.msk $0xffff, v52  }
0x2fb: {  	v21 =	vld [tilespmem:$0x3680];
	_ =	sdelay $0x1  }
0x2fc: {  	s1 =	spop (v2sf)  }
0x2fd: {  	p0 =	slt.s32 s1, $0x40  }
0x2fe: {  	s1 =	simm.s32 @!p0 $0x40  }
0x2ff: {  	v53 =	vmov s1;
	v54 =	vbroadcast v21, $0x0  }
0x300: {  	vm4 =	vgt.s32 v53, v0  }
0x301: {  	v21 =	vsel vm4, v21, v54  }
0x302: {  	s30 =	sor.u32 $0xA, s26  }
0x303: {  	v55 =	vmov s30  }
0x304: {  	v24 =	vand.u32 $0x7A, v55  }
0x305: {  	v24 =	vbroadcast v24, $0x0  }
0x306: {  	v25 =	vld.idx.msk [tilespmem:v21+s2+$0x0], $0xffff  }
0x307: {  	v57 =	vor.u32 v1, v24;
	v56 =	vld.idx.msk [tilespmem:v21+s15+$0x0], $0xffff  }
0x308: {  	v58 =	vld.idx.msk [tilespmem:v21+s16+$0x0], $0xffff  }
0x309: {  	v59 =	vbroadcast v5, $0xA;
	v60 =	vor.u32 v7, v24  }
0x30a: {  	v61 =	vbroadcast v4, $0xA;
	v62 =	vor.u32 v8, v24  }
0x30b: {  	v63 =	vbroadcast v3, $0xA;
	v25 =	vsub.f32 v25, v59  }
0x30c: {  	[tilespmem:v57+s21+$0x0] =	vst.idx.msk $0xffff, v21;
	v26 =	vsub.f32 v56, v61  }
0x30d: {  	v35 =	vsub.f32 v58, v63;
	[tilespmem:v57+s22+$0x0] =	vst.idx.msk $0xffff, v25  }
0x30e: {  	[tilespmem:v60+s22+$0x0] =	vst.idx.msk $0xffff, v26  }
0x30f: {  	[tilespmem:v62+s22+$0x0] =	vst.idx.msk $0xffff, v35  }
0x310: {  	v21 =	vld [tilespmem:$0x3690];
	_ =	sdelay $0x3  }
0x311: {  	vm5 =	vgt.s32 v53, v9  }
0x312: {  	v21 =	vsel vm5, v21, v54;
	_ =	sdelay $0x4  }
0x313: {  	v25 =	vld.idx.msk [tilespmem:v21+s2+$0x0], $0xffff  }
0x314: {  	v36 =	vor.u32 v10, v24;
	v26 =	vld.idx.msk [tilespmem:v21+s15+$0x0], $0xffff  }
0x315: {  	v37 =	vld.idx.msk [tilespmem:v21+s16+$0x0], $0xffff  }
0x316: {  	v38 =	vor.u32 v11, v24  }
0x317: {  	v39 =	vor.u32 v12, v24  }
0x318: {  	v25 =	vsub.f32 v25, v59  }
0x319: {  	[tilespmem:v36+s21+$0x0] =	vst.idx.msk $0xffff, v21;
	v26 =	vsub.f32 v26, v61  }
0x31a: {  	v40 =	vsub.f32 v37, v63;
	[tilespmem:v36+s22+$0x0] =	vst.idx.msk $0xffff, v25  }
0x31b: {  	[tilespmem:v38+s22+$0x0] =	vst.idx.msk $0xffff, v26  }
0x31c: {  	[tilespmem:v39+s22+$0x0] =	vst.idx.msk $0xffff, v40  }
0x31d: {  	v21 =	vld [tilespmem:$0x36A0];
	_ =	sdelay $0x3  }
0x31e: {  	vm6 =	vgt.s32 v53, v13  }
0x31f: {  	v21 =	vsel vm6, v21, v54;
	_ =	sdelay $0x4  }
0x320: {  	v25 =	vld.idx.msk [tilespmem:v21+s2+$0x0], $0xffff  }
0x321: {  	v41 =	vor.u32 v14, v24;
	v26 =	vld.idx.msk [tilespmem:v21+s15+$0x0], $0xffff  }
0x322: {  	v42 =	vld.idx.msk [tilespmem:v21+s16+$0x0], $0xffff  }
0x323: {  	v43 =	vor.u32 v15, v24  }
0x324: {  	v44 =	vor.u32 v16, v24  }
0x325: {  	v25 =	vsub.f32 v25, v59  }
0x326: {  	[tilespmem:v41+s21+$0x0] =	vst.idx.msk $0xffff, v21;
	v26 =	vsub.f32 v26, v61  }
0x327: {  	v45 =	vsub.f32 v42, v63;
	[tilespmem:v41+s22+$0x0] =	vst.idx.msk $0xffff, v25  }
0x328: {  	[tilespmem:v43+s22+$0x0] =	vst.idx.msk $0xffff, v26  }
0x329: {  	[tilespmem:v44+s22+$0x0] =	vst.idx.msk $0xffff, v45  }
0x32a: {  	v21 =	vld [tilespmem:$0x36B0];
	_ =	sdelay $0x3  }
0x32b: {  	vm7 =	vgt.s32 v53, v17  }
0x32c: {  	v21 =	vsel vm7, v21, v54;
	_ =	sdelay $0x1  }
0x32d: {  	(v2sf) =	vpush v6, $0xB;
	_ =	sdelay $0x2  }
0x32e: {  	v46 =	vld.idx.msk [tilespmem:v21+s2+$0x0], $0xffff  }
0x32f: {  	v47 =	vor.u32 v18, v24;
	v23 =	vld.idx.msk [tilespmem:v21+s15+$0x0], $0xffff  }
0x330: {  	v26 =	vld.idx.msk [tilespmem:v21+s16+$0x0], $0xffff  }
0x331: {  	v48 =	vor.u32 v19, v24  }
0x332: {  	v24 =	vor.u32 v20, v24  }
0x333: {  	v22 =	vsub.f32 v46, v59  }
0x334: {  	[tilespmem:v47+s21+$0x0] =	vst.idx.msk $0xffff, v21;
	v23 =	vsub.f32 v23, v61  }
0x335: {  	v49 =	vsub.f32 v26, v63;
	[tilespmem:v47+s22+$0x0] =	vst.idx.msk $0xffff, v22  }
0x336: {  	[tilespmem:v48+s22+$0x0] =	vst.idx.msk $0xffff, v23  }
0x337: {  	[tilespmem:v24+s22+$0x0] =	vst.idx.msk $0xffff, v49  }
0x338: {  	v21 =	vld [tilespmem:$0x3700];
	_ =	sdelay $0x1  }
0x339: {  	s1 =	spop (v2sf)  }
0x33a: {  	p0 =	slt.s32 s1, $0x40  }
0x33b: {  	s1 =	simm.s32 @!p0 $0x40  }
0x33c: {  	v50 =	vmov s1;
	v51 =	vbroadcast v21, $0x0  }
0x33d: {  	vm8 =	vgt.s32 v50, v0  }
0x33e: {  	v21 =	vsel vm8, v21, v51  }
0x33f: {  	s31 =	sor.u32 $0xB, s26  }
0x340: {  	v52 =	vmov s31  }
0x341: {  	v24 =	vand.u32 $0x7B, v52  }
0x342: {  	v24 =	vbroadcast v24, $0x0  }
0x343: {  	v25 =	vld.idx.msk [tilespmem:v21+s2+$0x0], $0xffff  }
0x344: {  	v54 =	vor.u32 v1, v24;
	v53 =	vld.idx.msk [tilespmem:v21+s15+$0x0], $0xffff  }
0x345: {  	v55 =	vld.idx.msk [tilespmem:v21+s16+$0x0], $0xffff  }
0x346: {  	v56 =	vbroadcast v5, $0xB;
	v57 =	vor.u32 v7, v24  }
0x347: {  	v58 =	vbroadcast v4, $0xB;
	v59 =	vor.u32 v8, v24  }
0x348: {  	v60 =	vbroadcast v3, $0xB;
	v25 =	vsub.f32 v25, v56  }
0x349: {  	[tilespmem:v54+s21+$0x0] =	vst.idx.msk $0xffff, v21;
	v26 =	vsub.f32 v53, v58  }
0x34a: {  	v61 =	vsub.f32 v55, v60;
	[tilespmem:v54+s22+$0x0] =	vst.idx.msk $0xffff, v25  }
0x34b: {  	[tilespmem:v57+s22+$0x0] =	vst.idx.msk $0xffff, v26  }
0x34c: {  	[tilespmem:v59+s22+$0x0] =	vst.idx.msk $0xffff, v61  }
0x34d: {  	v21 =	vld [tilespmem:$0x3710];
	_ =	sdelay $0x3  }
0x34e: {  	vm9 =	vgt.s32 v50, v9  }
0x34f: {  	v21 =	vsel vm9, v21, v51;
	_ =	sdelay $0x4  }
0x350: {  	v25 =	vld.idx.msk [tilespmem:v21+s2+$0x0], $0xffff  }
0x351: {  	v62 =	vor.u32 v10, v24;
	v26 =	vld.idx.msk [tilespmem:v21+s15+$0x0], $0xffff  }
0x352: {  	v63 =	vld.idx.msk [tilespmem:v21+s16+$0x0], $0xffff  }
0x353: {  	v36 =	vor.u32 v11, v24  }
0x354: {  	v37 =	vor.u32 v12, v24  }
0x355: {  	v25 =	vsub.f32 v25, v56  }
0x356: {  	[tilespmem:v62+s21+$0x0] =	vst.idx.msk $0xffff, v21;
	v26 =	vsub.f32 v26, v58  }
0x357: {  	v38 =	vsub.f32 v63, v60;
	[tilespmem:v62+s22+$0x0] =	vst.idx.msk $0xffff, v25  }
0x358: {  	[tilespmem:v36+s22+$0x0] =	vst.idx.msk $0xffff, v26  }
0x359: {  	[tilespmem:v37+s22+$0x0] =	vst.idx.msk $0xffff, v38  }
0x35a: {  	v21 =	vld [tilespmem:$0x3720];
	_ =	sdelay $0x3  }
0x35b: {  	vm10 =	vgt.s32 v50, v13  }
0x35c: {  	v21 =	vsel vm10, v21, v51;
	_ =	sdelay $0x4  }
0x35d: {  	v25 =	vld.idx.msk [tilespmem:v21+s2+$0x0], $0xffff  }
0x35e: {  	v39 =	vor.u32 v14, v24;
	v26 =	vld.idx.msk [tilespmem:v21+s15+$0x0], $0xffff  }
0x35f: {  	v40 =	vld.idx.msk [tilespmem:v21+s16+$0x0], $0xffff  }
0x360: {  	v41 =	vor.u32 v15, v24  }
0x361: {  	v42 =	vor.u32 v16, v24  }
0x362: {  	v25 =	vsub.f32 v25, v56  }
0x363: {  	[tilespmem:v39+s21+$0x0] =	vst.idx.msk $0xffff, v21;
	v26 =	vsub.f32 v26, v58  }
0x364: {  	v43 =	vsub.f32 v40, v60;
	[tilespmem:v39+s22+$0x0] =	vst.idx.msk $0xffff, v25  }
0x365: {  	[tilespmem:v41+s22+$0x0] =	vst.idx.msk $0xffff, v26  }
0x366: {  	[tilespmem:v42+s22+$0x0] =	vst.idx.msk $0xffff, v43  }
0x367: {  	v21 =	vld [tilespmem:$0x3730];
	_ =	sdelay $0x3  }
0x368: {  	vm11 =	vgt.s32 v50, v17  }
0x369: {  	v21 =	vsel vm11, v21, v51;
	_ =	sdelay $0x1  }
0x36a: {  	(v2sf) =	vpush v6, $0xC;
	_ =	sdelay $0x2  }
0x36b: {  	v44 =	vld.idx.msk [tilespmem:v21+s2+$0x0], $0xffff  }
0x36c: {  	v45 =	vor.u32 v18, v24;
	v23 =	vld.idx.msk [tilespmem:v21+s15+$0x0], $0xffff  }
0x36d: {  	v26 =	vld.idx.msk [tilespmem:v21+s16+$0x0], $0xffff  }
0x36e: {  	v46 =	vor.u32 v19, v24  }
0x36f: {  	v24 =	vor.u32 v20, v24  }
0x370: {  	v22 =	vsub.f32 v44, v56  }
0x371: {  	[tilespmem:v45+s21+$0x0] =	vst.idx.msk $0xffff, v21;
	v23 =	vsub.f32 v23, v58  }
0x372: {  	v47 =	vsub.f32 v26, v60;
	[tilespmem:v45+s22+$0x0] =	vst.idx.msk $0xffff, v22  }
0x373: {  	[tilespmem:v46+s22+$0x0] =	vst.idx.msk $0xffff, v23  }
0x374: {  	[tilespmem:v24+s22+$0x0] =	vst.idx.msk $0xffff, v47  }
0x375: {  	v21 =	vld [tilespmem:$0x3780];
	_ =	sdelay $0x1  }
0x376: {  	s1 =	spop (v2sf)  }
0x377: {  	p0 =	slt.s32 s1, $0x40  }
0x378: {  	s1 =	simm.s32 @!p0 $0x40  }
0x379: {  	v48 =	vmov s1;
	v49 =	vbroadcast v21, $0x0  }
0x37a: {  	vm12 =	vgt.s32 v48, v0  }
0x37b: {  	v21 =	vsel vm12, v21, v49  }
0x37c: {  	s28 =	sor.u32 $0xC, s26  }
0x37d: {  	v50 =	vmov s28  }
0x37e: {  	v24 =	vand.u32 $0x7C, v50  }
0x37f: {  	v24 =	vbroadcast v24, $0x0  }
0x380: {  	v25 =	vld.idx.msk [tilespmem:v21+s2+$0x0], $0xffff  }
0x381: {  	v52 =	vor.u32 v1, v24;
	v51 =	vld.idx.msk [tilespmem:v21+s15+$0x0], $0xffff  }
0x382: {  	v53 =	vld.idx.msk [tilespmem:v21+s16+$0x0], $0xffff  }
0x383: {  	v54 =	vbroadcast v5, $0xC;
	v55 =	vor.u32 v7, v24  }
0x384: {  	v56 =	vbroadcast v4, $0xC;
	v57 =	vor.u32 v8, v24  }
0x385: {  	v58 =	vbroadcast v3, $0xC;
	v25 =	vsub.f32 v25, v54  }
0x386: {  	[tilespmem:v52+s21+$0x0] =	vst.idx.msk $0xffff, v21;
	v26 =	vsub.f32 v51, v56  }
0x387: {  	v59 =	vsub.f32 v53, v58;
	[tilespmem:v52+s22+$0x0] =	vst.idx.msk $0xffff, v25  }
0x388: {  	[tilespmem:v55+s22+$0x0] =	vst.idx.msk $0xffff, v26  }
0x389: {  	[tilespmem:v57+s22+$0x0] =	vst.idx.msk $0xffff, v59  }
0x38a: {  	v21 =	vld [tilespmem:$0x3790];
	_ =	sdelay $0x3  }
0x38b: {  	vm13 =	vgt.s32 v48, v9  }
0x38c: {  	v21 =	vsel vm13, v21, v49;
	_ =	sdelay $0x4  }
0x38d: {  	v25 =	vld.idx.msk [tilespmem:v21+s2+$0x0], $0xffff  }
0x38e: {  	v60 =	vor.u32 v10, v24;
	v26 =	vld.idx.msk [tilespmem:v21+s15+$0x0], $0xffff  }
0x38f: {  	v61 =	vld.idx.msk [tilespmem:v21+s16+$0x0], $0xffff  }
0x390: {  	v62 =	vor.u32 v11, v24  }
0x391: {  	v63 =	vor.u32 v12, v24  }
0x392: {  	v25 =	vsub.f32 v25, v54  }
0x393: {  	[tilespmem:v60+s21+$0x0] =	vst.idx.msk $0xffff, v21;
	v26 =	vsub.f32 v26, v56  }
0x394: {  	v36 =	vsub.f32 v61, v58;
	[tilespmem:v60+s22+$0x0] =	vst.idx.msk $0xffff, v25  }
0x395: {  	[tilespmem:v62+s22+$0x0] =	vst.idx.msk $0xffff, v26  }
0x396: {  	[tilespmem:v63+s22+$0x0] =	vst.idx.msk $0xffff, v36  }
0x397: {  	v21 =	vld [tilespmem:$0x37A0];
	_ =	sdelay $0x3  }
0x398: {  	vm14 =	vgt.s32 v48, v13  }
0x399: {  	v21 =	vsel vm14, v21, v49;
	_ =	sdelay $0x4  }
0x39a: {  	v25 =	vld.idx.msk [tilespmem:v21+s2+$0x0], $0xffff  }
0x39b: {  	v37 =	vor.u32 v14, v24;
	v26 =	vld.idx.msk [tilespmem:v21+s15+$0x0], $0xffff  }
0x39c: {  	v38 =	vld.idx.msk [tilespmem:v21+s16+$0x0], $0xffff  }
0x39d: {  	v39 =	vor.u32 v15, v24  }
0x39e: {  	v40 =	vor.u32 v16, v24  }
0x39f: {  	v25 =	vsub.f32 v25, v54  }
0x3a0: {  	[tilespmem:v37+s21+$0x0] =	vst.idx.msk $0xffff, v21;
	v26 =	vsub.f32 v26, v56  }
0x3a1: {  	v41 =	vsub.f32 v38, v58;
	[tilespmem:v37+s22+$0x0] =	vst.idx.msk $0xffff, v25  }
0x3a2: {  	[tilespmem:v39+s22+$0x0] =	vst.idx.msk $0xffff, v26  }
0x3a3: {  	[tilespmem:v40+s22+$0x0] =	vst.idx.msk $0xffff, v41  }
0x3a4: {  	v21 =	vld [tilespmem:$0x37B0];
	_ =	sdelay $0x3  }
0x3a5: {  	vm15 =	vgt.s32 v48, v17  }
0x3a6: {  	v21 =	vsel vm15, v21, v49;
	_ =	sdelay $0x1  }
0x3a7: {  	(v2sf) =	vpush v6, $0xD;
	_ =	sdelay $0x2  }
0x3a8: {  	v42 =	vld.idx.msk [tilespmem:v21+s2+$0x0], $0xffff  }
0x3a9: {  	v43 =	vor.u32 v18, v24;
	v23 =	vld.idx.msk [tilespmem:v21+s15+$0x0], $0xffff  }
0x3aa: {  	v26 =	vld.idx.msk [tilespmem:v21+s16+$0x0], $0xffff  }
0x3ab: {  	v44 =	vor.u32 v19, v24  }
0x3ac: {  	v24 =	vor.u32 v20, v24  }
0x3ad: {  	v22 =	vsub.f32 v42, v54  }
0x3ae: {  	[tilespmem:v43+s21+$0x0] =	vst.idx.msk $0xffff, v21;
	v23 =	vsub.f32 v23, v56  }
0x3af: {  	v45 =	vsub.f32 v26, v58;
	[tilespmem:v43+s22+$0x0] =	vst.idx.msk $0xffff, v22  }
0x3b0: {  	[tilespmem:v44+s22+$0x0] =	vst.idx.msk $0xffff, v23  }
0x3b1: {  	[tilespmem:v24+s22+$0x0] =	vst.idx.msk $0xffff, v45  }
0x3b2: {  	v21 =	vld [tilespmem:$0x3800];
	_ =	sdelay $0x1  }
0x3b3: {  	s1 =	spop (v2sf)  }
0x3b4: {  	p0 =	slt.s32 s1, $0x40  }
0x3b5: {  	s1 =	simm.s32 @!p0 $0x40  }
0x3b6: {  	v46 =	vmov s1;
	v47 =	vbroadcast v21, $0x0  }
0x3b7: {  	vm4 =	vgt.s32 v46, v0  }
0x3b8: {  	v21 =	vsel vm4, v21, v47  }
0x3b9: {  	s29 =	sor.u32 $0xD, s26  }
0x3ba: {  	v48 =	vmov s29  }
0x3bb: {  	v24 =	vand.u32 $0x7D, v48  }
0x3bc: {  	v24 =	vbroadcast v24, $0x0  }
0x3bd: {  	v25 =	vld.idx.msk [tilespmem:v21+s2+$0x0], $0xffff  }
0x3be: {  	v50 =	vor.u32 v1, v24;
	v49 =	vld.idx.msk [tilespmem:v21+s15+$0x0], $0xffff  }
0x3bf: {  	v51 =	vld.idx.msk [tilespmem:v21+s16+$0x0], $0xffff  }
0x3c0: {  	v52 =	vbroadcast v5, $0xD;
	v53 =	vor.u32 v7, v24  }
0x3c1: {  	v54 =	vbroadcast v4, $0xD;
	v55 =	vor.u32 v8, v24  }
0x3c2: {  	v56 =	vbroadcast v3, $0xD;
	v25 =	vsub.f32 v25, v52  }
0x3c3: {  	[tilespmem:v50+s21+$0x0] =	vst.idx.msk $0xffff, v21;
	v26 =	vsub.f32 v49, v54  }
0x3c4: {  	v57 =	vsub.f32 v51, v56;
	[tilespmem:v50+s22+$0x0] =	vst.idx.msk $0xffff, v25  }
0x3c5: {  	[tilespmem:v53+s22+$0x0] =	vst.idx.msk $0xffff, v26  }
0x3c6: {  	[tilespmem:v55+s22+$0x0] =	vst.idx.msk $0xffff, v57  }
0x3c7: {  	v21 =	vld [tilespmem:$0x3810];
	_ =	sdelay $0x3  }
0x3c8: {  	vm5 =	vgt.s32 v46, v9  }
0x3c9: {  	v21 =	vsel vm5, v21, v47;
	_ =	sdelay $0x4  }
0x3ca: {  	v25 =	vld.idx.msk [tilespmem:v21+s2+$0x0], $0xffff  }
0x3cb: {  	v58 =	vor.u32 v10, v24;
	v26 =	vld.idx.msk [tilespmem:v21+s15+$0x0], $0xffff  }
0x3cc: {  	v59 =	vld.idx.msk [tilespmem:v21+s16+$0x0], $0xffff  }
0x3cd: {  	v60 =	vor.u32 v11, v24  }
0x3ce: {  	v61 =	vor.u32 v12, v24  }
0x3cf: {  	v25 =	vsub.f32 v25, v52  }
0x3d0: {  	[tilespmem:v58+s21+$0x0] =	vst.idx.msk $0xffff, v21;
	v26 =	vsub.f32 v26, v54  }
0x3d1: {  	v62 =	vsub.f32 v59, v56;
	[tilespmem:v58+s22+$0x0] =	vst.idx.msk $0xffff, v25  }
0x3d2: {  	[tilespmem:v60+s22+$0x0] =	vst.idx.msk $0xffff, v26  }
0x3d3: {  	[tilespmem:v61+s22+$0x0] =	vst.idx.msk $0xffff, v62  }
0x3d4: {  	v21 =	vld [tilespmem:$0x3820];
	_ =	sdelay $0x3  }
0x3d5: {  	vm6 =	vgt.s32 v46, v13  }
0x3d6: {  	v21 =	vsel vm6, v21, v47;
	_ =	sdelay $0x4  }
0x3d7: {  	v25 =	vld.idx.msk [tilespmem:v21+s2+$0x0], $0xffff  }
0x3d8: {  	v63 =	vor.u32 v14, v24;
	v26 =	vld.idx.msk [tilespmem:v21+s15+$0x0], $0xffff  }
0x3d9: {  	v36 =	vld.idx.msk [tilespmem:v21+s16+$0x0], $0xffff  }
0x3da: {  	v37 =	vor.u32 v15, v24  }
0x3db: {  	v38 =	vor.u32 v16, v24  }
0x3dc: {  	v25 =	vsub.f32 v25, v52  }
0x3dd: {  	[tilespmem:v63+s21+$0x0] =	vst.idx.msk $0xffff, v21;
	v26 =	vsub.f32 v26, v54  }
0x3de: {  	v39 =	vsub.f32 v36, v56;
	[tilespmem:v63+s22+$0x0] =	vst.idx.msk $0xffff, v25  }
0x3df: {  	[tilespmem:v37+s22+$0x0] =	vst.idx.msk $0xffff, v26  }
0x3e0: {  	[tilespmem:v38+s22+$0x0] =	vst.idx.msk $0xffff, v39  }
0x3e1: {  	v21 =	vld [tilespmem:$0x3830];
	_ =	sdelay $0x3  }
0x3e2: {  	vm7 =	vgt.s32 v46, v17  }
0x3e3: {  	v21 =	vsel vm7, v21, v47;
	_ =	sdelay $0x1  }
0x3e4: {  	(v2sf) =	vpush v6, $0xE;
	_ =	sdelay $0x2  }
0x3e5: {  	v40 =	vld.idx.msk [tilespmem:v21+s2+$0x0], $0xffff  }
0x3e6: {  	v41 =	vor.u32 v18, v24;
	v23 =	vld.idx.msk [tilespmem:v21+s15+$0x0], $0xffff  }
0x3e7: {  	v26 =	vld.idx.msk [tilespmem:v21+s16+$0x0], $0xffff  }
0x3e8: {  	v42 =	vor.u32 v19, v24  }
0x3e9: {  	v24 =	vor.u32 v20, v24  }
0x3ea: {  	v22 =	vsub.f32 v40, v52  }
0x3eb: {  	[tilespmem:v41+s21+$0x0] =	vst.idx.msk $0xffff, v21;
	v23 =	vsub.f32 v23, v54  }
0x3ec: {  	v43 =	vsub.f32 v26, v56;
	[tilespmem:v41+s22+$0x0] =	vst.idx.msk $0xffff, v22  }
0x3ed: {  	[tilespmem:v42+s22+$0x0] =	vst.idx.msk $0xffff, v23  }
0x3ee: {  	[tilespmem:v24+s22+$0x0] =	vst.idx.msk $0xffff, v43  }
0x3ef: {  	v21 =	vld [tilespmem:$0x3880];
	_ =	sdelay $0x1  }
0x3f0: {  	s1 =	spop (v2sf)  }
0x3f1: {  	p0 =	slt.s32 s1, $0x40  }
0x3f2: {  	s1 =	simm.s32 @!p0 $0x40  }
0x3f3: {  	v44 =	vmov s1;
	v45 =	vbroadcast v21, $0x0  }
0x3f4: {  	vm8 =	vgt.s32 v44, v0  }
0x3f5: {  	v21 =	vsel vm8, v21, v45  }
0x3f6: {  	s30 =	sor.u32 $0xE, s26  }
0x3f7: {  	v46 =	vmov s30  }
0x3f8: {  	v24 =	vand.u32 $0x7E, v46  }
0x3f9: {  	v24 =	vbroadcast v24, $0x0  }
0x3fa: {  	v25 =	vld.idx.msk [tilespmem:v21+s2+$0x0], $0xffff  }
0x3fb: {  	v48 =	vor.u32 v1, v24;
	v47 =	vld.idx.msk [tilespmem:v21+s15+$0x0], $0xffff  }
0x3fc: {  	v49 =	vld.idx.msk [tilespmem:v21+s16+$0x0], $0xffff  }
0x3fd: {  	v50 =	vbroadcast v5, $0xE;
	v51 =	vor.u32 v7, v24  }
0x3fe: {  	v52 =	vbroadcast v4, $0xE;
	v53 =	vor.u32 v8, v24  }
0x3ff: {  	v54 =	vbroadcast v3, $0xE;
	v25 =	vsub.f32 v25, v50  }
0x400: {  	[tilespmem:v48+s21+$0x0] =	vst.idx.msk $0xffff, v21;
	v26 =	vsub.f32 v47, v52  }
0x401: {  	v55 =	vsub.f32 v49, v54;
	[tilespmem:v48+s22+$0x0] =	vst.idx.msk $0xffff, v25  }
0x402: {  	[tilespmem:v51+s22+$0x0] =	vst.idx.msk $0xffff, v26  }
0x403: {  	[tilespmem:v53+s22+$0x0] =	vst.idx.msk $0xffff, v55  }
0x404: {  	v21 =	vld [tilespmem:$0x3890];
	_ =	sdelay $0x3  }
0x405: {  	vm9 =	vgt.s32 v44, v9  }
0x406: {  	v21 =	vsel vm9, v21, v45;
	_ =	sdelay $0x4  }
0x407: {  	v25 =	vld.idx.msk [tilespmem:v21+s2+$0x0], $0xffff  }
0x408: {  	v56 =	vor.u32 v10, v24;
	v26 =	vld.idx.msk [tilespmem:v21+s15+$0x0], $0xffff  }
0x409: {  	v57 =	vld.idx.msk [tilespmem:v21+s16+$0x0], $0xffff  }
0x40a: {  	v58 =	vor.u32 v11, v24  }
0x40b: {  	v59 =	vor.u32 v12, v24  }
0x40c: {  	v25 =	vsub.f32 v25, v50  }
0x40d: {  	[tilespmem:v56+s21+$0x0] =	vst.idx.msk $0xffff, v21;
	v26 =	vsub.f32 v26, v52  }
0x40e: {  	v60 =	vsub.f32 v57, v54;
	[tilespmem:v56+s22+$0x0] =	vst.idx.msk $0xffff, v25  }
0x40f: {  	[tilespmem:v58+s22+$0x0] =	vst.idx.msk $0xffff, v26  }
0x410: {  	[tilespmem:v59+s22+$0x0] =	vst.idx.msk $0xffff, v60  }
0x411: {  	v21 =	vld [tilespmem:$0x38A0];
	_ =	sdelay $0x3  }
0x412: {  	vm10 =	vgt.s32 v44, v13  }
0x413: {  	v21 =	vsel vm10, v21, v45;
	_ =	sdelay $0x4  }
0x414: {  	v25 =	vld.idx.msk [tilespmem:v21+s2+$0x0], $0xffff  }
0x415: {  	v61 =	vor.u32 v14, v24;
	v26 =	vld.idx.msk [tilespmem:v21+s15+$0x0], $0xffff  }
0x416: {  	v62 =	vld.idx.msk [tilespmem:v21+s16+$0x0], $0xffff  }
0x417: {  	v63 =	vor.u32 v15, v24  }
0x418: {  	v36 =	vor.u32 v16, v24  }
0x419: {  	v25 =	vsub.f32 v25, v50  }
0x41a: {  	[tilespmem:v61+s21+$0x0] =	vst.idx.msk $0xffff, v21;
	v37 =	vsub.f32 v26, v52  }
0x41b: {  	v38 =	vsub.f32 v62, v54;
	[tilespmem:v61+s22+$0x0] =	vst.idx.msk $0xffff, v25  }
0x41c: {  	[tilespmem:v63+s22+$0x0] =	vst.idx.msk $0xffff, v37  }
0x41d: {  	[tilespmem:v36+s22+$0x0] =	vst.idx.msk $0xffff, v38  }
0x41e: {  	v21 =	vld [tilespmem:$0x38B0];
	_ =	sdelay $0x3  }
0x41f: {  	vm11 =	vgt.s32 v44, v17  }
0x420: {  	v21 =	vsel vm11, v21, v45;
	_ =	sdelay $0x1  }
0x421: {  	(v2sf) =	vpush v6, $0xF;
	_ =	sdelay $0x2  }
0x422: {  	v39 =	vld.idx.msk [tilespmem:v21+s2+$0x0], $0xffff  }
0x423: {  	v41 =	vor.u32 v18, v24;
	v40 =	vld.idx.msk [tilespmem:v21+s15+$0x0], $0xffff  }
0x424: {  	v25 =	vld.idx.msk [tilespmem:v21+s16+$0x0], $0xffff  }
0x425: {  	v42 =	vor.u32 v19, v24  }
0x426: {  	v24 =	vor.u32 v20, v24  }
0x427: {  	v6 =	vsub.f32 v39, v50  }
0x428: {  	[tilespmem:v41+s21+$0x0] =	vst.idx.msk $0xffff, v21;
	v22 =	vsub.f32 v40, v52  }
0x429: {  	v43 =	vsub.f32 v25, v54;
	[tilespmem:v41+s22+$0x0] =	vst.idx.msk $0xffff, v6  }
0x42a: {  	[tilespmem:v42+s22+$0x0] =	vst.idx.msk $0xffff, v22  }
0x42b: {  	[tilespmem:v24+s22+$0x0] =	vst.idx.msk $0xffff, v43  }
0x42c: {  	v6 =	vld [tilespmem:$0x3900];
	_ =	sdelay $0x1  }
0x42d: {  	s1 =	spop (v2sf)  }
0x42e: {  	p0 =	slt.s32 s1, $0x40  }
0x42f: {  	s1 =	simm.s32 @!p0 $0x40  }
0x430: {  	v44 =	vmov s1;
	v45 =	vbroadcast v6, $0x0  }
0x431: {  	vm12 =	vgt.s32 v44, v0  }
0x432: {  	v6 =	vsel vm12, v6, v45  }
0x433: {  	s31 =	sor.u32 $0xF, s26  }
0x434: {  	v46 =	vmov s31  }
0x435: {  	v23 =	vand.u32 $0x7F, v46  }
0x436: {  	v23 =	vbroadcast v23, $0x0  }
0x437: {  	v24 =	vld.idx.msk [tilespmem:v6+s2+$0x0], $0xffff  }
0x438: {  	v48 =	vor.u32 v1, v23;
	v47 =	vld.idx.msk [tilespmem:v6+s15+$0x0], $0xffff  }
0x439: {  	v27 =	vld.idx.msk [tilespmem:v6+s16+$0x0], $0xffff  }
0x43a: {  	v7 =	vor.u32 v7, v23;
	v49 =	vbroadcast v5, $0xF  }
0x43b: {  	v8 =	vor.u32 v8, v23;
	v50 =	vbroadcast v4, $0xF  }
0x43c: {  	v3 =	vbroadcast v3, $0xF;
	v24 =	vsub.f32 v24, v49  }
0x43d: {  	[tilespmem:v48+s21+$0x0] =	vst.idx.msk $0xffff, v6;
	v25 =	vsub.f32 v47, v50  }
0x43e: {  	v51 =	vsub.f32 v27, v3;
	[tilespmem:v48+s22+$0x0] =	vst.idx.msk $0xffff, v24  }
0x43f: {  	[tilespmem:v7+s22+$0x0] =	vst.idx.msk $0xffff, v25  }
0x440: {  	[tilespmem:v8+s22+$0x0] =	vst.idx.msk $0xffff, v51  }
0x441: {  	v6 =	vld [tilespmem:$0x3910];
	_ =	sdelay $0x3  }
0x442: {  	vm13 =	vgt.s32 v44, v9  }
0x443: {  	v6 =	vsel vm13, v6, v45;
	_ =	sdelay $0x4  }
0x444: {  	v7 =	vld.idx.msk [tilespmem:v6+s2+$0x0], $0xffff  }
0x445: {  	v52 =	vor.u32 v10, v23;
	v8 =	vld.idx.msk [tilespmem:v6+s15+$0x0], $0xffff  }
0x446: {  	v53 =	vld.idx.msk [tilespmem:v6+s16+$0x0], $0xffff  }
0x447: {  	v11 =	vor.u32 v11, v23  }
0x448: {  	v12 =	vor.u32 v12, v23  }
0x449: {  	v7 =	vsub.f32 v7, v49  }
0x44a: {  	[tilespmem:v52+s21+$0x0] =	vst.idx.msk $0xffff, v6;
	v8 =	vsub.f32 v8, v50  }
0x44b: {  	v54 =	vsub.f32 v53, v3;
	[tilespmem:v52+s22+$0x0] =	vst.idx.msk $0xffff, v7  }
0x44c: {  	[tilespmem:v11+s22+$0x0] =	vst.idx.msk $0xffff, v8  }
0x44d: {  	[tilespmem:v12+s22+$0x0] =	vst.idx.msk $0xffff, v54  }
0x44e: {  	v6 =	vld [tilespmem:$0x3920];
	_ =	sdelay $0x3  }
0x44f: {  	vm14 =	vgt.s32 v44, v13  }
0x450: {  	v6 =	vsel vm14, v6, v45;
	_ =	sdelay $0x4  }
0x451: {  	v7 =	vld.idx.msk [tilespmem:v6+s2+$0x0], $0xffff  }
0x452: {  	v55 =	vor.u32 v14, v23;
	v8 =	vld.idx.msk [tilespmem:v6+s15+$0x0], $0xffff  }
0x453: {  	v56 =	vld.idx.msk [tilespmem:v6+s16+$0x0], $0xffff  }
0x454: {  	v57 =	vor.u32 v15, v23  }
0x455: {  	v58 =	vor.u32 v16, v23  }
0x456: {  	v7 =	vsub.f32 v7, v49  }
0x457: {  	[tilespmem:v55+s21+$0x0] =	vst.idx.msk $0xffff, v6;
	v8 =	vsub.f32 v8, v50  }
0x458: {  	v59 =	vsub.f32 v56, v3;
	[tilespmem:v55+s22+$0x0] =	vst.idx.msk $0xffff, v7  }
0x459: {  	[tilespmem:v57+s22+$0x0] =	vst.idx.msk $0xffff, v8  }
0x45a: {  	[tilespmem:v58+s22+$0x0] =	vst.idx.msk $0xffff, v59  }
0x45b: {  	v6 =	vld [tilespmem:$0x3930];
	_ =	sdelay $0x3  }
0x45c: {  	vm15 =	vgt.s32 v44, v17  }
0x45d: {  	v6 =	vsel vm15, v6, v45;
	_ =	sdelay $0x4  }
0x45e: {  	v7 =	vld.idx.msk [tilespmem:v6+s2+$0x0], $0xffff  }
0x45f: {  	v60 =	vor.u32 v18, v23;
	v8 =	vld.idx.msk [tilespmem:v6+s15+$0x0], $0xffff  }
0x460: {  	v61 =	vld.idx.msk [tilespmem:v6+s16+$0x0], $0xffff  }
0x461: {  	s25 =	sadd.s32 $0x1, s25;
	v62 =	vor.u32 v19, v23  }
0x462: {  	p0 =	sne.s32 s25, $0x8;
	v63 =	vor.u32 v20, v23  }
.Ltmp1:
0x463: {  	v5 =	vsub.f32 v7, v49;
	(pc) =	sbr.rel @p0 .LBB2_2-.Ltmp1, $4  }
0x464: {  	[tilespmem:v60+s21+$0x0] =	vst.idx.msk $0xffff, v6;
	v4 =	vsub.f32 v8, v50  }
0x465: {  	v3 =	vsub.f32 v61, v3;
	[tilespmem:v60+s22+$0x0] =	vst.idx.msk $0xffff, v5  }
0x466: {  	[tilespmem:v62+s22+$0x0] =	vst.idx.msk $0xffff, v4  }
0x467: {  	[tilespmem:v63+s22+$0x0] =	vst.idx.msk $0xffff, v3  }
0x468: {  	[hbm4b:s9+s23] =	stream.strided.scatter [tilespmem:s21], [sflag:$0x1], $0x2000, s16, s23, $0x38;
	[tilespmem:$0xB980] =	vst v63  }
0x469: {  	s24 =	sadd.s32 $0x1, s24;
	_ =	swait.ge [sflag:s14], $0x2000  }
0x46a: {  	p0 =	sne.s32 s24, s11;
	[sflag:s14] =	ssyncset.done $0x0  }
.Ltmp2:
0x46b: {  	[sflag:s14] =	ssyncadd.s32 $0xFFFFE000;
	(pc) =	sbr.rel @p0 .LBB2_1-.Ltmp2, $4  }
0x46c: {  	[hbm4b:s10+s23] =	stream.strided.scatter [tilespmem:s22], [sflag:$0x1], $0x6000, s16, s23, $0x38;
	[tilespmem:$0xB980] =	vst v63  }
0x46d: {  	_ =	swait.ge [sflag:s14], $0x6000  }
0x46e: {  	[sflag:s14] =	ssyncset.done $0x0  }
0x46f: {  	[sflag:s14] =	ssyncadd.s32 $0xFFFFA000  }
0x470: {  	_ =	sfence.sel $0x180000  }
0x471: {  	[bflag:$0x0] =	sbarrier.arrive $0xFFFF  }
0x472: {  	_ =	strace $0x90000047  }
0x473: {  	[bflag:$0x2] =	sbarrier.arrive $0xFFFF  }
0x474: {  	p0 =	sne.s32 s0, $0x0;
	s0 =	rddreg [dreg:$0x1]  }
0x475: {  	s0 =	sadd.s32 @!p0 $0x100000, s0  }
0x476: {  	[sflag:s0] =	ssyncadd.tile.s32 @!p0 $0x1;
	_ =	shalt  }
.Lfunc_end2:
_tile_overlayer_lowered:
.L_overlay_start_2:
0x477: {  	(tag) =	ssettag $0x2  }
0x478: {  	s0 =	rddreg [dreg:$0x0];
	s2 =	stileid.u32  }
0x479: {  	s1 =	rddreg [dreg:$0x1];
	p0 =	sne.s32 s2, $0x0  }
0x47a: {  	s3 =	rddreg [dreg:$0x2];
	[bflag:$0x3] =	sbarrier.arrive $0xFFFF;
	s2 =	simm.s32 @!p0 $0x1C01  }
0x47b: {  	[timem:s3], [sflag:s2] =	dma.local @!p0 [hbm:s0], s1  }
0x47c: {  	s0 =	simm.s32 @!p0 $0x1  }
0x47d: {  	_ =	swait.ge @!p0 [sflag:s0], s1  }
0x47e: {  	s1 =	ssub.s32 @!p0 $0x0, s1;
	[sflag:s0] =	ssyncset.done @!p0 $0x0  }
0x47f: {  	[sflag:s0] =	ssyncadd.s32 @!p0 s1  }
0x480: {  	[bflag:$0x3] =	sbarrier.arrive $0xFFFF  }
0x481: {  	_ =	shalt  }

// kernel: kernel.8.cloned.1.call-start
scs
__scs_entry_jumppad:
0x0: {  	(pc) =	sbr.rel $0x88, $3  }
0x1: {  	(tag) =	ssettag $0x0;
	lr =	simm.s32 $0x1  }
0x2: {  	[smem:$0x3F9F] =	sst lr;
	_ =	strace $0xD0000000  }
0x3: {  	_ = 	snop  }
0x4: {  	_ = 	snop  }
0x5: {  	_ = 	snop  }
0x6: {  	_ = 	snop  }
0x7: {  	_ = 	snop  }
__scs_overlays_trampoline_lowered:
0x8: {  	[smem:$0x3FAE] =	sst s0  }
0x9: {  	[smem:$0x3FAF] =	sst s1  }
0xa: {  	[smem:$0x3FB0] =	sst s2  }
0xb: {  	[smem:$0x3FB1] =	sst s3  }
0xc: {  	[smem:$0x3FB2] =	sst s4  }
0xd: {  	[smem:$0x3FB3] =	sst s5  }
0xe: {  	[smem:$0x3FB4] =	sst s6  }
0xf: {  	[smem:$0x3FB5] =	sst s7  }
0x10: {  	[smem:$0x3FB6] =	sst s8  }
0x11: {  	[smem:$0x3FB7] =	sst s9;
	s0 =	simm.s32 @!p0 $0x0  }
0x12: {  	s1 =	sld [smem:$0x3F9D];
	s0 =	simm.s32 @p0 $0x1  }
0x13: {  	[smem:$0x3FB8] =	sst s0;
	s0 =	simm.s32 @!p1 $0x0  }
0x14: {  	s2 =	sld [smem:$0x3F9C];
	s0 =	simm.s32 @p1 $0x1  }
0x15: {  	[smem:$0x3FB9] =	sst s0;
	s0 =	simm.s32 @!p2 $0x0  }
0x16: {  	s3 =	sld [smem:$0x3FDB];
	s0 =	simm.s32 @p2 $0x1  }
0x17: {  	s4 =	simm.s32 $0x1BF5;
	[smem:$0x3FBB] =	sst s0  }
0x18: {  	s0 =	sld [smem:$0x3F9E];
	_ =	swait.ge [sflag:s4], $0x0  }
0x19: {  	s7 =	sld [smem:$0x3F9F]  }
0x1a: {  	s8 =	sadd.s32 $0xFFFFE003, lr  }
0x1b: {  	s9 =	sadd.s32 $0xFFFFFEF7, lr;
	s5 =	simm.s32 $0xFFFFFFFF;
	p2 =	slt.u32 s8, $0xFFFFF086  }
0x1c: {  	p1 =	slt.u32 s9, $0xF7A;
	s5 =	simm.s32 @!p2 $0x0  }
0x1d: {  	s5 =	simm.s32 @p1 $0x1;
	p0 =	seq.s32 s7, s2  }
0x1e: {  	s7 =	smul.u32 @!p0 $0xF7A, s2;
	p2 =	seq.s32 @!p0 s5, $0x0  }
0x1f: {  	s9 =	smul.u32 $0xF7A, s1;
	s8 =	simm.s32 @!p0 $0x1BF5;
	p2 =	por !p2, p0  }
0x20: {  	[sflag:s8] =	ssyncset.s32 @!p0 $0xFFFFF086;
	s6 =	sadd.s32 @!p0 s3, s7;
	s7 =	simm.s32 @!p0 $0x108  }
0x21: {  	s3 =	sadd.s32 s3, s9;
	s6 =	sadd.s32 @!p0 $0x88, s6;
	s7 =	simm.s32 @p2 $0x1082  }
0x22: {  	[simem:s7], [sflag:s8] =	dma.local @!p0 [hbm:s6], $0xF7A  }
0x23: {  	s9 =	sor.u32 $0xD0000000, s2;
	s6 =	simm.s32 $0x108;
	_ =	swait.ge @!p0 [sflag:s8], $0x0  }
0x24: {  	s3 =	sadd.s32 $0x88, s3;
	s6 =	simm.s32 @!p1 $0x1082;
	[sflag:s4] =	ssyncset.s32 $0xFFFFF086  }
0x25: {  	[simem:s6], [sflag:s4] =	dma.local [hbm:s3], $0xF7A  }
0x26: {  	[smem:$0x3F9F] =	sst s1;
	(tag) =	ssettag s2;
	_ =	strace s9  }
0x27: {  	s1 =	sld [smem:$0x3FAF]  }
0x28: {  	s2 =	sld [smem:$0x3FB0]  }
0x29: {  	s4 =	sld [smem:$0x3FB2]  }
0x2a: {  	p0 =	seq.s32 s5, $0x0;
	s5 =	sld [smem:$0x3FB3]  }
0x2b: {  	s6 =	sld [smem:$0x3FB4]  }
0x2c: {  	s7 =	sld [smem:$0x3FB5]  }
0x2d: {  	s3 =	simm.s32 $0x108;
	s8 =	sld [smem:$0x3FB6]  }
0x2e: {  	s3 =	simm.s32 @!p0 $0x1082;
	s9 =	sld [smem:$0x3FB7]  }
0x2f: {  	lr =	sadd.s32 s0, s3;
	s0 =	sld [smem:$0x3FAE]  }
0x30: {  	s3 =	sld [smem:$0x3FB1]  }
0x31: {  	[smem:$0x3FBA] =	sst s10  }
0x32: {  	s10 =	sld [smem:$0x3FB8];
	_ =	sdelay $0x3  }
0x33: {  	p0 =	seq.s32 s10, $0x1;
	s10 =	sld [smem:$0x3FBA];
	_ =	sdelay $0x3  }
0x34: {  	[smem:$0x3FBA] =	sst s10  }
0x35: {  	s10 =	sld [smem:$0x3FB9];
	_ =	sdelay $0x3  }
0x36: {  	p1 =	seq.s32 s10, $0x1;
	s10 =	sld [smem:$0x3FBA];
	_ =	sdelay $0x3  }
0x37: {  	[smem:$0x3FBA] =	sst s10  }
0x38: {  	s10 =	sld [smem:$0x3FBB]  }
0x39: {  	_ = 	snop;
	(pc) =	sbr.ind lr, $3  }
0x3a: {  	_ = 	snop  }
0x3b: {  	_ = 	snop  }
0x3c: {  	p2 =	seq.s32 s10, $0x1;
	s10 =	sld [smem:$0x3FBA]  }
0x3d: {  	_ =	shalt  }
0x3e: {  	_ =	shalt  }
0x3f: {  	_ =	shalt  }
0x40: {  	_ =	shalt  }
0x41: {  	_ =	shalt  }
0x42: {  	_ =	shalt  }
0x43: {  	_ =	shalt  }
0x44: {  	_ =	shalt  }
0x45: {  	_ =	shalt  }
0x46: {  	_ =	shalt  }
0x47: {  	_ =	shalt  }
0x48: {  	_ =	shalt  }
0x49: {  	_ =	shalt  }
0x4a: {  	_ =	shalt  }
0x4b: {  	_ =	shalt  }
0x4c: {  	_ =	shalt  }
0x4d: {  	_ =	shalt  }
0x4e: {  	_ =	shalt  }
0x4f: {  	_ =	shalt  }
0x50: {  	_ =	shalt  }
0x51: {  	_ =	shalt  }
0x52: {  	_ =	shalt  }
0x53: {  	_ =	shalt  }
0x54: {  	_ =	shalt  }
0x55: {  	_ =	shalt  }
0x56: {  	_ =	shalt  }
0x57: {  	_ =	shalt  }
0x58: {  	_ =	shalt  }
0x59: {  	_ =	shalt  }
0x5a: {  	_ =	shalt  }
0x5b: {  	_ =	shalt  }
0x5c: {  	_ =	shalt  }
0x5d: {  	_ =	shalt  }
0x5e: {  	_ =	shalt  }
0x5f: {  	_ =	shalt  }
0x60: {  	_ =	shalt  }
0x61: {  	_ =	shalt  }
0x62: {  	_ =	shalt  }
0x63: {  	_ =	shalt  }
0x64: {  	_ =	shalt  }
0x65: {  	_ =	shalt  }
0x66: {  	_ =	shalt  }
0x67: {  	_ =	shalt  }
0x68: {  	_ =	shalt  }
0x69: {  	_ =	shalt  }
0x6a: {  	_ =	shalt  }
0x6b: {  	_ =	shalt  }
0x6c: {  	_ =	shalt  }
0x6d: {  	_ =	shalt  }
0x6e: {  	_ =	shalt  }
0x6f: {  	_ =	shalt  }
0x70: {  	_ =	shalt  }
0x71: {  	_ =	shalt  }
0x72: {  	_ =	shalt  }
0x73: {  	_ =	shalt  }
0x74: {  	_ =	shalt  }
0x75: {  	_ =	shalt  }
0x76: {  	_ =	shalt  }
0x77: {  	_ =	shalt  }
0x78: {  	_ =	shalt  }
0x79: {  	_ =	shalt  }
0x7a: {  	_ =	shalt  }
0x7b: {  	_ =	shalt  }
0x7c: {  	_ =	shalt  }
0x7d: {  	_ =	shalt  }
0x7e: {  	_ =	shalt  }
0x7f: {  	_ =	shalt  }
0x80: {  	_ =	shalt  }
0x81: {  	_ =	shalt  }
0x82: {  	_ =	shalt  }
0x83: {  	_ =	shalt  }
0x84: {  	_ =	shalt  }
0x85: {  	_ =	shalt  }
0x86: {  	_ =	shalt  }
0x87: {  	_ =	shalt  }
.Lfunc_end0:
.L_simem_size_0:
called_computation.1_lowered:
.L_overlay_start_0:
0x88: {  	s2 =	sld [smem:$0x3FD9]  }
0x89: {  	s3 =	sld [smem:$0x3FFE];
	_ =	sdelay $0x1  }
0x8a: {  	s1 =	srdreg.scid  }
0x8b: {  	s0 =	sand.u32 $0x1, s1  }
0x8c: {  	s17 =	sshll.u32 s0, $0xA;
	s2 =	sadd.s32 s3, s2  }
0x8d: {  	s2 =	sadd.s32 s2, s17  }
0x8e: {  	[smem:$0x3FC6] =	sst s2  }
0x8f: {  	_ = 	snop  }
0x90: {  	s2 =	sld [smem:$0x3FD0];
	(tm) =	ssettm $0x1  }
0x91: {  	s18 =	sld [smem:$0x3FFB];
	_ =	sdelay $0x3  }
0x92: {  	_ =	strace s18  }
0x93: {  	s3 =	sld [smem:$0x3FFC];
	_ =	sdelay $0x3  }
0x94: {  	_ =	strace s3  }
0x95: {  	s3 =	sld [smem:$0x3FFD];
	_ =	sdelay $0x3  }
0x96: {  	_ =	strace s3  }
0x97: {  	_ =	strace $0x8FFFFFFF  }
0x98: {  	s19 =	sld [smem:$0x3FDB];
	_ =	sdelay $0x1  }
0x99: {  	s4 =	simm.s32 $_scs_section_size  }
0x9a: {  	s5 =	simm.s32 $_size__tile_overlayer_lowered;
	s6 =	simm.s32 $_tile_overlayer_lowered  }
0x9b: {  	s22 =	simm.s32 $0x1BFF;
	s21 =	sshll.u32 s6, $0x1;
	s3 =	sadd.s32 s4, s19  }
0x9c: {  	s7 =	simm.s32 $0x0;
	s20 =	sshll.u32 s5, $0x1;
	s5 =	sadd.s32 s21, s3  }
0x9d: {  	[timem:s7], [sflag:s22] =	dma.local [hbm:s5], s20  }
0x9e: {  	_ =	swait.ge [sflag:s22], s20  }
0x9f: {  	s4 =	ssub.s32 $0x0, s20;
	[sflag:s22] =	ssyncset.done $0x0  }
0xa0: {  	[sflag:s22] =	ssyncadd.s32 s4;
	_ =	sdelay $0x1  }
0xa1: {  	s23 =	simm.s32 $0x1B8B  }
0xa2: {  	_ =	swait.ge [sflag:s23], $0x1  }
0xa3: {  	[sflag:s23] =	ssyncset.done $0x0  }
0xa4: {  	s25 =	simm.s32 $0x1B8E;
	s24 =	sld [smem:$0x3FFE];
	[sflag:s23] =	ssyncadd.s32 $0xFFFFFFFF  }
0xa5: {  	s26 =	simm.s32 $execute0_lowered;
	[smem:$0x3FD2] =	sst s25  }
0xa6: {  	s5 =	sshll.u32 s26, $0x1;
	_ =	strace $0x80000049;
	[dreg:$0x1] =	wrdreg $0xFFFFFFFF  }
0xa7: {  	s28 =	simm.s32 $_size_execute0_lowered;
	s3 =	sadd.s32 s3, s5;
	[dreg:$0x0] =	wrdreg $0x0  }
0xa8: {  	s5 =	sshll.u32 s28, $0x1;
	[dreg:$0x2] =	wrdreg s3  }
0xa9: {  	[dreg:$0x3] =	wrdreg s5  }
0xaa: {  	[dreg:$0x4] =	wrdreg $0xC0  }
0xab: {  	_ =	task [dreg:s7], $0x5FFFF  }
0xac: {  	[dreg:$0x1] =	wrdreg $0xFFFFFFFF  }
0xad: {  	[dreg:$0x0] =	wrdreg $0x60  }
0xae: {  	[dreg:$0x2] =	wrdreg s2  }
0xaf: {  	[dreg:$0x3] =	wrdreg s24  }
0xb0: {  	[dreg:$0x4] =	wrdreg $0x9  }
0xb1: {  	_ =	task.clear_ibuf [dreg:s7], $0x5FFFF;
	_ =	strace $0x90000049  }
0xb2: {  	s29 =	simm.s32 $0x9;
	_ =	strace $0x8000004B  }
0xb3: {  	_ =	swait.ge [sflag:s29], $0x1  }
0xb4: {  	[sflag:s29] =	ssyncadd.s32 $0xFFFFFFFF  }
0xb5: {  	_ =	strace $0x9000004B  }
0xb6: {  	_ =	sfence  }
0xb7: {  	s30 =	sld [smem:$0x0];
	_ =	sdelay $0x2  }
0xb8: {  	s31 =	sshll.u32 s1, $0xD;
	s1 =	sshrl.u32 s1, $0x2  }
0xb9: {  	s3 =	sand.u32 $0x4000, s31;
	s1 =	sadd.s32 s1, s30  }
0xba: {  	s0 =	sor.u32 s3, s0;
	s1 =	sshll.u32 s1, $0x11  }
0xbb: {  	s0 =	sor.u32 s1, s0  }
0xbc: {  	s0 =	sadd.s32 $0x8F2B, s0  }
0xbd: {  	[sflag:s0] =	ssyncadd.remote.s32 $0x1  }
0xbe: {  	_ =	sfence.sel $0xFFFF  }
0xbf: {  	[dreg:$0x0] =	wrdreg $0xFFFFFFFF;
	(pc) =	sbr.abs _section_cstart, $3  }
0xc0: {  	[dreg:$0x1] =	wrdreg $0xFFFFFFFF  }
0xc1: {  	_ =	task.clear_ibuf [dreg:s7], $0x2FFFF;
	_ =	strace $0x9FFFFFFF  }
0xc2: {  	(tm) =	ssettm $0x7FFFFFFF  }
0xc3: {  	_ =	shalt  }
tec
execute0_lowered:
.L_overlay_start_1:
0x0: {  	(tag) =	ssettag $0x1  }
0x1: {  	s0 =	rddreg [dreg:$0x0]  }
0x2: {  	s1 =	rddreg [dreg:$0x1];
	s2 =	simm.s32 $0x0  }
0x3: {  	s6 =	stileid.u32;
	s5 =	srdreg.scid;
	s17 =	simm.s32 $0x80  }
0x4: {  	s18 =	simm.s32 $0x200;
	s19 =	simm.s32 $0x3;
	s20 =	simm.s32 $0x14000  }
0x5: {  	s21 =	simm.s32 $0x1;
	s22 =	simm.s32 $0x0;
	[smem:$0x7FF] =	sst s2  }
0x6: {  	s3 =	sadd.s32 $0x23400, s1;
	s7 =	sshrl.u32 s6, $0x2;
	s6 =	sshll.u32 s6, $0x1  }
0x7: {  	s5 =	sand.u32 $0x1, s5;
	_ =	strace $0x8000004A;
	s4 =	sshll.u32 s7, $0xF  }
0x8: {  	s6 =	sand.u32 $0x6, s6;
	s26 =	ssub.s32 $0x2, s5;
	s8 =	sadd.s32 s4, s1  }
0x9: {  	s4 =	sadd.s32 $0x4B400, s1;
	s9 =	sor.u32 s5, s6;
	s28 =	sshrl.u32 s26, $0x1  }
0xa: {  	s5 =	sshll.u32 s7, $0x7;
	s6 =	smul.u32 $0x830000, s7;
	s7 =	sshll.u32 s7, $0x4  }
0xb: {  	s10 =	sshll.u32 s9, $0x12;
	s1 =	ssub.s32 s26, s28;
	s11 =	sshll.u32 s9, $0x4  }
0xc: {  	s12 =	sshll.u32 s9, $0xC;
	s9 =	sshll.u32 s9, $0xD;
	s10 =	sor.u32 s5, s10  }
0xd: {  	s29 =	sadd.s32 s12, s8;
	s30 =	sor.u32 s9, s6;
	s9 =	sadd.s32 s3, s7  }
0xe: {  	s10 =	sshrl.u32 s10, $0x3;
	s8 =	sadd.s32 $0x2B400, s29;
	s31 =	sshrl.u32 s30, $0x3  }
0xf: {  	s13 =	sadd.s32 $0x2B410, s29;
	s15 =	sadd.s32 $0x2B420, s29;
	s0 =	sadd.s32 s0, s10  }
0x10: {  	s10 =	sor.u32 $0x3, s11;
	s11 =	smax.u32 s1, $0x1;
	s12 =	sadd.s32 s4, s31  }
0x11: {  	[dreg:$0x3] =	wrdreg s0;
	s14 =	sadd.s32 $0x2000, s12;
	s16 =	sadd.s32 $0x4000, s12  }
.LBB2_1:
0x12: {  	s0 =	rddreg [dreg:$0x3]  }
0x13: {  	[tilespmem:s2], [sflag:$0x3] =	stream.strided.gather [hbm4b:s0+s17], $0x10000, s18, s17, $0x38;
	[tilespmem:$0x16000] =	vst v63  }
0x14: {  	_ =	swait.ge [sflag:s19], $0x10000  }
0x15: {  	[sflag:s19] =	ssyncset.done $0x0  }
0x16: {  	[sflag:s19] =	ssyncadd.s32 $0xFFFF0000  }
0x17: {  	[tilespmem:s20], [sflag:$0x3] =	stream.strided.gather [hbm4b:s8+s17], $0x2000, s18, s17, $0x38;
	[tilespmem:$0x16000] =	vst v63  }
0x18: {  	_ =	swait.ge [sflag:s19], $0x2000  }
0x19: {  	[sflag:s19] =	ssyncset.done $0x0  }
0x1a: {  	[sflag:s19] =	ssyncadd.s32 $0xFFFFE000  }
0x1b: {  	[hbm4b:s12+s2] =	stream.linear.scatter [tilespmem:s20], [sflag:$0x3], $0x2000, $0x38;
	[tilespmem:$0x16000] =	vst v63  }
0x1c: {  	_ =	swait.ge [sflag:s19], $0x2000  }
0x1d: {  	[sflag:s19] =	ssyncset.done $0x0  }
0x1e: {  	[sflag:s19] =	ssyncadd.s32 $0xFFFFE000  }
0x1f: {  	[tilespmem:s20], [sflag:$0x3] =	stream.strided.gather [hbm4b:s13+s17], $0x2000, s18, s17, $0x38;
	[tilespmem:$0x16000] =	vst v63  }
0x20: {  	_ =	swait.ge [sflag:s19], $0x2000  }
0x21: {  	[sflag:s19] =	ssyncset.done $0x0  }
0x22: {  	[sflag:s19] =	ssyncadd.s32 $0xFFFFE000  }
0x23: {  	[hbm4b:s14+s2] =	stream.linear.scatter [tilespmem:s20], [sflag:$0x3], $0x2000, $0x38;
	[tilespmem:$0x16000] =	vst v63  }
0x24: {  	_ =	swait.ge [sflag:s19], $0x2000  }
0x25: {  	[sflag:s19] =	ssyncset.done $0x0  }
0x26: {  	[sflag:s19] =	ssyncadd.s32 $0xFFFFE000  }
0x27: {  	[tilespmem:s20], [sflag:$0x3] =	stream.strided.gather [hbm4b:s15+s17], $0x2000, s18, s17, $0x38;
	[tilespmem:$0x16000] =	vst v63  }
0x28: {  	_ =	swait.ge [sflag:s19], $0x2000  }
0x29: {  	[sflag:s19] =	ssyncset.done $0x0  }
0x2a: {  	[sflag:s19] =	ssyncadd.s32 $0xFFFFE000  }
0x2b: {  	[hbm4b:s16+s2] =	stream.linear.scatter [tilespmem:s20], [sflag:$0x3], $0x2000, $0x38;
	[tilespmem:$0x16000] =	vst v63  }
0x2c: {  	_ =	swait.ge [sflag:s19], $0x2000  }
0x2d: {  	[sflag:s19] =	ssyncset.done $0x0  }
0x2e: {  	s1 =	simm.s32 $0x0;
	s0 =	simm.s32 $0x10000;
	[sflag:s19] =	ssyncadd.s32 $0xFFFFE000  }
.LBB2_2:
0x2f: {  	p0 =	sne.s32 s1, $0x7C0  }
.Ltmp0:
0x30: {  	_ = 	snop;
	(pc) =	sbr.rel @p0 .LBB2_2-.Ltmp0, $4  }
0x31: {  	_ = 	snop  }
0x32: {  	s7 =	sadd.s32 s1, s9;
	s23 =	simm.s32 $0x0  }
0x33: {  	[tilespmem:s0], [sflag:$0x3] =	stream.linear.gather [hbm4b:s7+s23], $0x80, $0x38;
	[tilespmem:$0x16000] =	vst v63  }
0x34: {  	s1 =	sadd.s32 $0x40, s1;
	s0 =	sadd.s32 $0x100, s0  }
0x35: {  	s0 =	simm.s32 $0x3;
	p0 =	por $0x0, $0x0  }
.LBB2_4:
0x36: {  	p1 =	seq.s32 s23, $0xF  }
.Ltmp1:
0x37: {  	_ = 	snop;
	(pc) =	sbr.rel @p1 .LBB2_8-.Ltmp1, $4  }
0x38: {  	_ = 	snop  }
0x39: {  	_ =	swait.ge [sflag:s0], $0x1000  }
0x3a: {  	[sflag:s0] =	ssyncset.done $0x0  }
0x3b: {  	s24 =	sadd.s32 $0x1, s23;
	[sflag:s0] =	ssyncadd.s32 $0xFFFFF000  }
0x3c: {  	s0 =	sand.u32 $0x1, s23;
	s1 =	sshll.u32 s24, $0xE  }
0x3d: {  	s0 =	sshll.u32 s0, $0x7;
	s1 =	sor.u32 s5, s1  }
0x3e: {  	s0 =	sxor.u32 $0x80, s0;
	s1 =	sshrl.u32 s1, $0x3  }
0x3f: {  	s0 =	sor.u32 $0x10000, s0;
	s1 =	sadd.s32 s3, s1  }
0x40: {  	s25 =	simm.s32 $0x40;
	s28 =	sadd.s32 $0x0, s1;
	s26 =	sadd.s32 $0x100, s0  }
.LBB2_6:
0x41: {  	[tilespmem:s0], [sflag:$0x2] =	stream.linear.gather [hbm4b:s28+s2], $0x80, $0x38;
	[tilespmem:$0x16000] =	vst v63  }
0x42: {  	s7 =	smov.u32 s25;
	s0 =	smov.u32 s26;
	p1 =	sne.s32 s25, $0x7C0  }
.Ltmp2:
0x43: {  	s25 =	sadd.s32 $0x40, s25;
	(pc) =	sbr.rel @p1 .LBB2_6-.Ltmp2, $2  }
0x44: {  	_ =	sdelay $0x2  }
0x45: {  	s26 =	sadd.s32 $0x100, s26;
	s28 =	sadd.s32 s7, s1  }
0x46: {  	[tilespmem:s0], [sflag:$0x2] =	stream.linear.gather [hbm4b:s28+s2], $0x80, $0x38;
	[tilespmem:$0x16000] =	vst v63  }
.LBB2_8:
0x47: {  	s0 =	simm.s32 $0x1  }
0x48: {  	s26 =	sshll.u32 s23, $0x4;
	s0 =	simm.s32 @!p0 $0x0  }
0x49: {  	s31 =	sshll.u32 s23, $0xC;
	s29 =	simm.s32 $0x0;
	s0 =	sshll.u32 s0, $0x7  }
0x4a: {  	p1 =	por $0x0, $0x0;
	s28 =	sadd.s32 s31, s6;
	s25 =	sor.u32 $0x10040, s0  }
.LBB2_9:
0x4b: {  	s0 =	sadd.s32 s26, s29  }
0x4c: {  	p2 =	slt.u32 s0, $0x2  }
0x4d: {  	s0 =	simm.s32 @!p2 $0x1  }
0x4e: {  	_ =	swait.ge @!p2 [sflag:s0], $0x1000  }
0x4f: {  	[sflag:s0] =	ssyncset.done @!p2 $0x0  }
0x50: {  	[sflag:s0] =	ssyncadd.s32 @!p2 $0xFFFFF000  }
0x51: {  	v1 =	vld [tilespmem:s25+$0x30]  }
0x52: {  	v2 =	vld [tilespmem:s25+$0xFFFFFFD0]  }
0x53: {  	v3 =	vld [tilespmem:s25+$0xFFFFFFE0]  }
0x54: {  	s7 =	sshll.u32 s29, $0xC;
	v4 =	vld [tilespmem:s25+$0xFFFFFFF0]  }
0x55: {  	v0 =	vmov s7;
	v5 =	vld [tilespmem:s25+$0x0]  }
0x56: {  	v6 =	vld [tilespmem:s25+$0x10];
	v1 =	vadd.s32 v0, v1  }
0x57: {  	v2 =	vadd.s32 v0, v2  }
0x58: {  	v3 =	vadd.s32 v0, v3  }
0x59: {  	v9 =	vld [tilespmem:s25+$0x20];
	v4 =	vadd.s32 v0, v4  }
0x5a: {  	v10 =	vld [tilespmem:s25+$0xFFFFFFC0];
	v11 =	vadd.s32 v0, v5  }
0x5b: {  	v6 =	vadd.s32 v0, v6;
	v7 =	vld.idx.msk [tilespmem:v1+s2+$0x0], $0xffff  }
0x5c: {  	v5 =	vld.idx.msk [tilespmem:v2+s2+$0x0], $0xffff  }
0x5d: {  	s0 =	simm.s32 $0x1;
	v8 =	vld.idx.msk [tilespmem:v3+s2+$0x0], $0xffff  }
0x5e: {  	s0 =	simm.s32 @!p1 $0x0;
	v4 =	vld.idx.msk [tilespmem:v4+s2+$0x0], $0xffff  }
0x5f: {  	s1 =	sadd.s32 $0x100, s25;
	s0 =	sshll.u32 s0, $0x7;
	v3 =	vld.idx.msk [tilespmem:v11+s2+$0x0], $0xffff  }
0x60: {  	s30 =	sor.u32 $0x12000, s0;
	s31 =	sor.u32 $0x12040, s0;
	s0 =	simm.s32 $0x0;
	v1 =	vadd.s32 v0, v9;
	v2 =	vadd.s32 v0, v10;
	v6 =	vld.idx.msk [tilespmem:v6+s2+$0x0], $0xffff  }
.LBB2_10:
0x61: {  	v9 =	vld [tilespmem:s1+$0x30];
	s0 =	sadd.s32 $0x80, s0;
	[tilespmem:s31+$0x30] =	vst v7  }
0x62: {  	v7 =	vld [tilespmem:s1+$0xFFFFFFD0];
	p2 =	slt.u32 s0, $0xF80;
	[tilespmem:s31+$0xFFFFFFD0] =	vst v5  }
0x63: {  	v5 =	vld [tilespmem:s1+$0xFFFFFFE0];
	[tilespmem:s31+$0xFFFFFFE0] =	vst v8  }
0x64: {  	v8 =	vld [tilespmem:s1+$0xFFFFFFF0];
	[tilespmem:s31+$0xFFFFFFF0] =	vst v4  }
0x65: {  	v4 =	vld [tilespmem:s1+$0x0];
	[tilespmem:s31+$0x0] =	vst v3  }
0x66: {  	v3 =	vld [tilespmem:s1+$0x10];
	v9 =	vadd.s32 v0, v9;
	[tilespmem:s31+$0x10] =	vst v6  }
0x67: {  	v6 =	vadd.s32 v0, v7;
	v10 =	vld [tilespmem:s1+$0x20]  }
0x68: {  	v11 =	vld [tilespmem:s1+$0xFFFFFFC0];
	v12 =	vadd.s32 v0, v5  }
0x69: {  	v13 =	vadd.s32 v0, v8;
	v14 =	vld.idx.msk [tilespmem:v2+s2+$0x0], $0xffff  }
0x6a: {  	v15 =	vadd.s32 v0, v4;
	v16 =	vld.idx.msk [tilespmem:v1+s2+$0x0], $0xffff  }
0x6b: {  	v17 =	vadd.s32 v0, v3;
	v7 =	vld.idx.msk [tilespmem:v9+s2+$0x0], $0xffff  }
.Ltmp3:
0x6c: {  	v5 =	vld.idx.msk [tilespmem:v6+s2+$0x0], $0xffff;
	v1 =	vadd.s32 v0, v10;
	(pc) =	sbr.rel @p2 .LBB2_10-.Ltmp3, $4  }
0x6d: {  	v2 =	vadd.s32 v0, v11;
	v8 =	vld.idx.msk [tilespmem:v12+s2+$0x0], $0xffff  }
0x6e: {  	v4 =	vld.idx.msk [tilespmem:v13+s2+$0x0], $0xffff  }
0x6f: {  	v3 =	vld.idx.msk [tilespmem:v15+s2+$0x0], $0xffff;
	[tilespmem:s31+$0xFFFFFFC0] =	vst v14  }
0x70: {  	s1 =	sadd.s32 $0x100, s1;
	v6 =	vld.idx.msk [tilespmem:v17+s2+$0x0], $0xffff;
	[tilespmem:s31+$0x20] =	vst v16;
	s31 =	sadd.s32 $0x100, s31  }
0x71: {  	_ =	sdelay $0x2  }
0x72: {  	[tilespmem:s31+$0x30] =	vst v7  }
0x73: {  	[tilespmem:s31+$0xFFFFFFD0] =	vst v5;
	v0 =	vld.idx.msk [tilespmem:v2+s2+$0x0], $0xffff  }
0x74: {  	v1 =	vld.idx.msk [tilespmem:v1+s2+$0x0], $0xffff;
	s0 =	sadd.s32 s29, s10;
	[tilespmem:s31+$0xFFFFFFE0] =	vst v8  }
0x75: {  	s0 =	sshll.u32 s0, $0x10;
	[tilespmem:s31+$0xFFFFFFF0] =	vst v4  }
0x76: {  	s0 =	sadd.s32 s28, s0;
	[tilespmem:s31+$0x0] =	vst v3  }
0x77: {  	s0 =	sshrl.u32 s0, $0x3;
	[tilespmem:s31+$0x10] =	vst v6  }
0x78: {  	s0 =	sadd.s32 s4, s0;
	[tilespmem:s31+$0xFFFFFFC0] =	vst v0  }
0x79: {  	s1 =	simm.s32 $0x10;
	[tilespmem:s31+$0x20] =	vst v1;
	s7 =	sadd.s32 $0x0, s0;
	s31 =	sadd.s32 $0x100, s30  }
.LBB2_12:
0x7a: {  	[hbm4b:s7+s2] =	stream.linear.scatter [tilespmem:s30], [sflag:$0x1], $0x80, $0x38;
	[tilespmem:$0x16000] =	vst v63  }
0x7b: {  	s7 =	smov.u32 s1;
	s30 =	smov.u32 s31;
	p2 =	sne.s32 s1, $0x1F0  }
.Ltmp4:
0x7c: {  	s1 =	sadd.s32 $0x10, s1;
	(pc) =	sbr.rel @p2 .LBB2_12-.Ltmp4, $2  }
0x7d: {  	_ =	sdelay $0x2  }
0x7e: {  	s31 =	sadd.s32 $0x100, s31;
	s7 =	sadd.s32 s7, s0  }
0x7f: {  	s29 =	sadd.s32 $0x1, s29  }
0x80: {  	p2 =	sne.s32 s29, $0x10  }
.Ltmp5:
0x81: {  	_ = 	snop;
	(pc) =	sbr.rel @p2 .LBB2_9-.Ltmp5, $3  }
0x82: {  	_ =	sdelay $0x1  }
0x83: {  	[hbm4b:s7+s2] =	stream.linear.scatter [tilespmem:s30], [sflag:$0x1], $0x80, $0x38;
	[tilespmem:$0x16000] =	vst v63  }
0x84: {  	p1 =	por !p1, !p1  }
0x85: {  	p1 =	sne.s32 s23, $0xF  }
.Ltmp6:
0x86: {  	_ = 	snop;
	(pc) =	sbr.rel @p1 .LBB2_4-.Ltmp6, $2  }
0x87: {  	_ =	sdelay $0x2  }
0x88: {  	p0 =	por !p0, !p0;
	s0 =	simm.s32 $0x2;
	s23 =	smov.u32 s24  }
0x89: {  	s22 =	sadd.s32 $0x1, s22  }
0x8a: {  	_ =	swait.ge [sflag:s21], $0x1000;
	p0 =	sne.s32 s22, s11  }
.Ltmp7:
0x8b: {  	[sflag:s21] =	ssyncset.done $0x0;
	(pc) =	sbr.rel @p0 .LBB2_1-.Ltmp7, $4  }
0x8c: {  	[sflag:s21] =	ssyncadd.s32 $0xFFFFF000  }
0x8d: {  	_ =	swait.ge [sflag:s21], $0x1000  }
0x8e: {  	[sflag:s21] =	ssyncset.done $0x0  }
0x8f: {  	[sflag:s21] =	ssyncadd.s32 $0xFFFFF000  }
0x90: {  	_ =	sfence.sel $0x180000  }
0x91: {  	[bflag:$0x0] =	sbarrier.arrive $0xFFFF  }
0x92: {  	_ =	strace $0x9000004A  }
0x93: {  	s0 =	stileid.u32;
	[bflag:$0x2] =	sbarrier.arrive $0xFFFF  }
0x94: {  	p0 =	sne.s32 s0, $0x0;
	s0 =	rddreg [dreg:$0x2]  }
0x95: {  	s0 =	sadd.s32 @!p0 $0x100000, s0  }
0x96: {  	[sflag:s0] =	ssyncadd.tile.s32 @!p0 $0x1;
	_ =	shalt  }
.Lfunc_end2:
_tile_overlayer_lowered:
.L_overlay_start_2:
0x97: {  	(tag) =	ssettag $0x2  }
0x98: {  	s0 =	rddreg [dreg:$0x0];
	s2 =	stileid.u32  }
0x99: {  	s1 =	rddreg [dreg:$0x1];
	p0 =	sne.s32 s2, $0x0  }
0x9a: {  	s3 =	rddreg [dreg:$0x2];
	[bflag:$0x3] =	sbarrier.arrive $0xFFFF;
	s2 =	simm.s32 @!p0 $0x1C03  }
0x9b: {  	[timem:s3], [sflag:s2] =	dma.local @!p0 [hbm:s0], s1  }
0x9c: {  	s0 =	simm.s32 @!p0 $0x3  }
0x9d: {  	_ =	swait.ge @!p0 [sflag:s0], s1  }
0x9e: {  	s1 =	ssub.s32 @!p0 $0x0, s1;
	[sflag:s0] =	ssyncset.done @!p0 $0x0  }
0x9f: {  	[sflag:s0] =	ssyncadd.s32 @!p0 s1  }
0xa0: {  	[bflag:$0x3] =	sbarrier.arrive $0xFFFF  }
0xa1: {  	_ =	shalt  }

</sc_bundles>
